<compile_context>
chip_gen: v7x
topology: tpu7x:2x2x1
jax: 0.10.2.dev20260603
libtpu: 0.0.44.dev20260713+nightly
codegen_flags: <defaults>
</compile_context>

<pallas_src>
import functools

import jax
import jax.numpy as jnp
from jax import lax
from jax.experimental import pallas as pl
from jax.experimental.pallas import tpu as pltpu
from jax.experimental.pallas import tpu_sc as plsc

EXPERTS = 8
TOPK = 2
TB1 = 256
SB = 256
STEPS = 40


def _route_body(x_ref, wg_ref, bg_ref, ltri_ref, jlt_ref, sel_ref,
                logits_ref, idx_ref, wn_ref, within_ref, counts_ref,
                carry_ref):
    b = pl.program_id(0)
    E = EXPERTS

    @pl.when(b == 0)
    def _():
        carry_ref[...] = jnp.zeros_like(carry_ref)

    x = x_ref[...]
    logits = jax.lax.dot_general(
        x, wg_ref[...],
        dimension_numbers=(((1,), (1,)), ((), ())),
        preferred_element_type=jnp.float32,
    ) + bg_ref[...]
    logits_ref[...] = logits

    la = jnp.reshape(jax.lax.broadcast_in_dim(
        logits, (TB1, E, E), (0, 1)), (TB1, E * E))
    lb = jnp.reshape(jax.lax.broadcast_in_dim(
        logits, (TB1, E, E), (0, 2)), (TB1, E * E))
    beats = jnp.where(la > lb, 1.0,
                      jnp.where(la == lb, jlt_ref[...], 0.0))
    rank = jax.lax.dot_general(
        beats, sel_ref[...],
        dimension_numbers=(((1,), (0,)), ((), ())),
        preferred_element_type=jnp.float32,
    )

    oh0 = (rank == 0.0).astype(jnp.float32)
    oh1 = (rank == 1.0).astype(jnp.float32)
    l0 = jnp.sum(logits * oh0, axis=1, keepdims=True)
    l1 = jnp.sum(logits * oh1, axis=1, keepdims=True)
    w0 = 1.0 / (1.0 + jnp.exp(l1 - l0))
    lane = jax.lax.broadcasted_iota(
        jnp.int32, (TB1, E), 1).astype(jnp.float32)
    i0 = jnp.sum(lane * oh0, axis=1, keepdims=True)
    i1 = jnp.sum(lane * oh1, axis=1, keepdims=True)

    idx_ref[...] = jnp.concatenate([i0, i1], axis=1).astype(jnp.int32)
    wn_ref[...] = jnp.concatenate([w0, 1.0 - w0], axis=1)

    s0 = jnp.sum(oh0, axis=0, keepdims=True)
    p0 = jax.lax.dot_general(
        ltri_ref[...], oh0,
        dimension_numbers=(((1,), (0,)), ((), ())),
        preferred_element_type=jnp.float32,
    ) + carry_ref[...]
    p1 = jax.lax.dot_general(
        ltri_ref[...], oh1,
        dimension_numbers=(((1,), (0,)), ((), ())),
        preferred_element_type=jnp.float32,
    ) + (carry_ref[...] + s0)
    w_in0 = jnp.sum(oh0 * p0, axis=1, keepdims=True)
    w_in1 = jnp.sum(oh1 * p1, axis=1, keepdims=True)
    within_ref[...] = jnp.concatenate(
        [w_in0, w_in1], axis=1).astype(jnp.int32)

    carry_ref[...] += s0 + jnp.sum(oh1, axis=0, keepdims=True)
    counts_ref[...] = carry_ref[...]


def _ragged_mm_body(tbl_ref, hs_ref, we_ref, be_ref, out_ref):
    s = pl.program_id(0)
    e = tbl_ref[1, s]
    r0 = tbl_ref[2, s]
    r1 = tbl_ref[3, s]
    init = tbl_ref[4, s]
    tile = tbl_ref[0, s]

    w_e = jnp.reshape(we_ref[pl.ds(e, 1), :, :], (we_ref.shape[1],
                                                  we_ref.shape[2]))
    b_e = be_ref[pl.ds(e, 1), :]
    y = jax.lax.dot_general(
        hs_ref[...], w_e,
        dimension_numbers=(((1,), (1,)), ((), ())),
        preferred_element_type=jnp.float32,
    ) + b_e
    row = tile * SB + jax.lax.broadcasted_iota(jnp.int32, (SB, 1), 0)
    mask = jnp.logical_and(row >= r0, row < r1)
    contrib = jnp.where(mask, y, 0.0)

    @pl.when(init == 1)
    def _():
        out_ref[...] = contrib

    @pl.when(init != 1)
    def _():
        out_ref[...] += contrib


def _route(h, Wg, bg2, ltri, jlt, sel, T, H, E):
    nb = T // TB1
    return pl.pallas_call(
        _route_body,
        grid=(nb,),
        in_specs=[
            pl.BlockSpec((TB1, H), lambda b: (b, 0)),
            pl.BlockSpec((E, H), lambda b: (0, 0)),
            pl.BlockSpec((1, E), lambda b: (0, 0)),
            pl.BlockSpec((TB1, TB1), lambda b: (0, 0)),
            pl.BlockSpec((1, E * E), lambda b: (0, 0)),
            pl.BlockSpec((E * E, E), lambda b: (0, 0)),
        ],
        out_specs=[
            pl.BlockSpec((TB1, E), lambda b: (b, 0)),
            pl.BlockSpec((TB1, TOPK), lambda b: (b, 0)),
            pl.BlockSpec((TB1, TOPK), lambda b: (b, 0)),
            pl.BlockSpec((TB1, TOPK), lambda b: (b, 0)),
            pl.BlockSpec((1, E), lambda b: (0, 0)),
        ],
        out_shape=[
            jax.ShapeDtypeStruct((T, E), jnp.float32),
            jax.ShapeDtypeStruct((T, TOPK), jnp.int32),
            jax.ShapeDtypeStruct((T, TOPK), jnp.float32),
            jax.ShapeDtypeStruct((T, TOPK), jnp.int32),
            jax.ShapeDtypeStruct((1, E), jnp.float32),
        ],
        scratch_shapes=[pltpu.VMEM((1, E), jnp.float32)],
        compiler_params=pltpu.CompilerParams(
            dimension_semantics=("arbitrary",)),
    )(h, Wg, bg2, ltri, jlt, sel)


def _step_table(off9, A):
    nt = A // SB
    t_ids = jnp.arange(nt, dtype=jnp.int32)[:, None]
    lo = off9[:-1][None, :]
    hi = off9[1:][None, :]
    r0 = jnp.maximum(lo, t_ids * SB)
    r1 = jnp.minimum(hi, (t_ids + 1) * SB)
    active = (r1 > r0).reshape(-1)
    e_f = jnp.broadcast_to(jnp.arange(EXPERTS, dtype=jnp.int32)[None, :],
                           (nt, EXPERTS)).reshape(-1)
    t_f = jnp.broadcast_to(t_ids, (nt, EXPERTS)).reshape(-1)
    r0_f = r0.reshape(-1)
    r1_f = r1.reshape(-1)
    init_f = jnp.logical_and(active, r0_f == t_f * SB).astype(jnp.int32)

    dest = jnp.cumsum(active.astype(jnp.int32)) - active.astype(jnp.int32)
    dest = jnp.where(active, dest, STEPS - 1)
    pad = jnp.array([nt - 1, 0, 0, 0, 0], dtype=jnp.int32)
    vals = jnp.stack([t_f, e_f, r0_f, r1_f, init_f], axis=0)
    vals = jnp.where(active[None, :], vals, pad[:, None])
    tbl = jnp.zeros((5, STEPS), dtype=jnp.int32)
    tbl = tbl.at[0, :].set(nt - 1)
    tbl = tbl.at[:, dest].set(vals)
    return tbl


def _ragged_mm(tbl, hs, We, be, A, H, E):
    grid_spec = pltpu.PrefetchScalarGridSpec(
        num_scalar_prefetch=1,
        grid=(STEPS,),
        in_specs=[
            pl.BlockSpec((SB, H), lambda s, tbl: (tbl[0, s], 0)),
            pl.BlockSpec((E, H, H), lambda s, tbl: (0, 0, 0)),
            pl.BlockSpec((E, H), lambda s, tbl: (0, 0)),
        ],
        out_specs=pl.BlockSpec((SB, H), lambda s, tbl: (tbl[0, s], 0)),
    )
    return pl.pallas_call(
        _ragged_mm_body,
        grid_spec=grid_spec,
        out_shape=jax.ShapeDtypeStruct((A, H), jnp.float32),
        compiler_params=pltpu.CompilerParams(
            dimension_semantics=("arbitrary",)),
    )(tbl, hs, We, be)


_NW = 32
_DCH = 64
_CCH = 32


def _dispatch_sc(h, posA, posB, T, H, A):
    per_t = T // _NW
    nch = per_t // _DCH
    mesh = plsc.VectorSubcoreMesh(core_axis_name="c", subcore_axis_name="s")

    @functools.partial(
        pl.kernel, mesh=mesh,
        out_type=jax.ShapeDtypeStruct((A, H), jnp.float32),
        scratch_types=[
            pltpu.VMEM((_DCH, H), jnp.float32),
            pltpu.VMEM((_DCH, H), jnp.float32),
            pltpu.VMEM((_DCH,), jnp.int32),
            pltpu.VMEM((_DCH,), jnp.int32),
            pltpu.VMEM((_DCH,), jnp.int32),
            pltpu.VMEM((_DCH,), jnp.int32),
            pltpu.SemaphoreType.DMA,
            pltpu.SemaphoreType.DMA,
        ],
    )
    def k(h_hbm, posA_hbm, posB_hbm, hs_hbm,
          buf0, buf1, ia0, ia1, ib0, ib1, sg, ss):
        wid = lax.axis_index("s") * 2 + lax.axis_index("c")
        t0 = wid * per_t
        bufs = (buf0, buf1)
        ias = (ia0, ia1)
        ibs = (ib0, ib1)
        gets = [None] * nch
        gets[0] = pltpu.async_copy(h_hbm.at[pl.ds(t0, _DCH)], bufs[0], sg)
        puts = []
        for c in range(nch):
            base = t0 + c * _DCH
            pltpu.sync_copy(posA_hbm.at[pl.ds(base, _DCH)], ias[c % 2])
            pltpu.sync_copy(posB_hbm.at[pl.ds(base, _DCH)], ibs[c % 2])
            gets[c].wait()
            if c + 1 < nch:
                gets[c + 1] = pltpu.async_copy(
                    h_hbm.at[pl.ds(t0 + (c + 1) * _DCH, _DCH)],
                    bufs[(c + 1) % 2], sg)
            puts.append(pltpu.async_copy(
                bufs[c % 2], hs_hbm.at[ias[c % 2]], ss))
            puts.append(pltpu.async_copy(
                bufs[c % 2], hs_hbm.at[ibs[c % 2]], ss))
        for hdl in puts:
            hdl.wait()

    return k(h, posA, posB)


def _combine_sc(out_sorted, posA, posB, wA, wB, T, H):
    per_t = T // _NW
    nch = per_t // _CCH
    mesh = plsc.VectorSubcoreMesh(core_axis_name="c", subcore_axis_name="s")

    @functools.partial(
        pl.kernel, mesh=mesh,
        out_type=jax.ShapeDtypeStruct((T, H), jnp.float32),
        scratch_types=[
            pltpu.VMEM((_CCH, H), jnp.float32),
            pltpu.VMEM((_CCH, H), jnp.float32),
            pltpu.VMEM((_CCH, H), jnp.float32),
            pltpu.VMEM((_CCH, H), jnp.float32),
            pltpu.VMEM((_CCH,), jnp.int32),
            pltpu.VMEM((_CCH,), jnp.int32),
            pltpu.VMEM((_CCH,), jnp.int32),
            pltpu.VMEM((_CCH,), jnp.int32),
            pltpu.VMEM((_CCH,), jnp.float32),
            pltpu.VMEM((_CCH,), jnp.float32),
            pltpu.SemaphoreType.DMA,
        ],
    )
    def k(os_hbm, posA_hbm, posB_hbm, wA_hbm, wB_hbm, fin_hbm,
          bufa0, bufa1, bufb0, bufb1, ia0, ia1, ib0, ib1, wa_v, wb_v, sg):
        wid = lax.axis_index("s") * 2 + lax.axis_index("c")
        t0 = wid * per_t
        bufas = (bufa0, bufa1)
        bufbs = (bufb0, bufb1)
        ias = (ia0, ia1)
        ibs = (ib0, ib1)
        ga = [None] * nch
        gb = [None] * nch
        pltpu.sync_copy(posA_hbm.at[pl.ds(t0, _CCH)], ia0)
        pltpu.sync_copy(posB_hbm.at[pl.ds(t0, _CCH)], ib0)
        ga[0] = pltpu.async_copy(os_hbm.at[ia0], bufa0, sg)
        gb[0] = pltpu.async_copy(os_hbm.at[ib0], bufb0, sg)
        for c in range(nch):
            if c + 1 < nch:
                nb = t0 + (c + 1) * _CCH
                pltpu.sync_copy(posA_hbm.at[pl.ds(nb, _CCH)],
                                ias[(c + 1) % 2])
                pltpu.sync_copy(posB_hbm.at[pl.ds(nb, _CCH)],
                                ibs[(c + 1) % 2])
                ga[c + 1] = pltpu.async_copy(
                    os_hbm.at[ias[(c + 1) % 2]], bufas[(c + 1) % 2], sg)
                gb[c + 1] = pltpu.async_copy(
                    os_hbm.at[ibs[(c + 1) % 2]], bufbs[(c + 1) % 2], sg)
            pltpu.sync_copy(wA_hbm.at[pl.ds(t0 + c * _CCH, _CCH)], wa_v)
            pltpu.sync_copy(wB_hbm.at[pl.ds(t0 + c * _CCH, _CCH)], wb_v)
            ga[c].wait()
            gb[c].wait()
            a = bufas[c % 2]
            b = bufbs[c % 2]

            def body(r, _):
                wa = wa_v[pl.ds(r, 1)]
                wb = wb_v[pl.ds(r, 1)]
                a[r, :] = a[r, :] * wa + b[r, :] * wb
                return 0

            lax.fori_loop(0, _CCH, body, 0)
            pltpu.sync_copy(a, fin_hbm.at[pl.ds(t0 + c * _CCH, _CCH)])

    return k(out_sorted, posA, posB, wA, wB)


def kernel(x, Wg, bg, We, be):
    B, S, H = x.shape
    h = x.reshape(-1, H)
    T = h.shape[0]
    E = Wg.shape[0]
    A = T * TOPK
    bg2 = bg.reshape(1, E)

    ltri = (jnp.arange(TB1, dtype=jnp.int32)[:, None]
            > jnp.arange(TB1, dtype=jnp.int32)[None, :]).astype(jnp.float32)
    kk = jnp.arange(E * E, dtype=jnp.int32)
    jlt = (kk // E < kk % E).astype(jnp.float32).reshape(1, E * E)
    sel = ((kk % E)[:, None]
           == jnp.arange(E, dtype=jnp.int32)[None, :]).astype(jnp.float32)
    logits, idx, wn, within, counts = _route(
        h, Wg, bg2, ltri, jlt, sel, T, H, E)

    counts_i = counts.reshape(E).astype(jnp.int32)
    off = jnp.concatenate([jnp.zeros((1,), jnp.int32),
                           jnp.cumsum(counts_i)])

    idx_f = idx.reshape(A)
    within_f = within.reshape(A)
    onehot_e = (idx_f[:, None] == jnp.arange(E, dtype=jnp.int32)[None, :])
    pos = within_f + jnp.sum(
        onehot_e.astype(jnp.int32) * off[:-1][None, :], axis=1)
    pos2 = pos.reshape(T, TOPK)
    posA = pos2[:, 0]
    posB = pos2[:, 1]
    hs = _dispatch_sc(h, posA, posB, T, H, A)

    tbl = _step_table(off, A)
    out_sorted = _ragged_mm(tbl, hs, We, be, A, H, E)

    final = _combine_sc(out_sorted, posA, posB, wn[:, 0], wn[:, 1], T, H)

    return final.reshape(B, S, H), logits

# --- scband reference (transcript-rebuilt; emitter-appended) ---
"""Pipeline reference for scband-sparse-moe-12094627905537 (READ-ONLY COPY).

The authoritative reference and input builder live on the scoring server;
editing this copy changes nothing except your own understanding.
"""

import jax, jax.numpy as jnp
import numpy as np

EXPERT_NUM = 8
TOPK = 2
HIDDEN = 768
BATCH = 2
SEQ = 2048


def setup_inputs(seed: int = 0) -> dict:
    key = jax.random.key(seed)
    k1, k2, k3 = jax.random.split(key, 3)
    x = jax.random.normal(k1, (BATCH, SEQ, HIDDEN), dtype=jnp.float32)
    # MoeRouter gate: Linear(hidden_dim -> expert_num)
    Wg = jax.random.normal(k2, (EXPERT_NUM, HIDDEN), dtype=jnp.float32) * 0.02
    bg = jnp.zeros((EXPERT_NUM,), dtype=jnp.float32)
    # BasicExpert(hidden_dim, hidden_dim): one Linear per expert, stacked
    We = jax.random.normal(k3, (EXPERT_NUM, HIDDEN, HIDDEN), dtype=jnp.float32) * 0.02
    be = jnp.zeros((EXPERT_NUM, HIDDEN), dtype=jnp.float32)
    return {"x": x, "Wg": Wg, "bg": bg, "We": We, "be": be}


def reference(x, Wg, bg, We, be):
    B, S, H = x.shape
    h = x.reshape(-1, H)
    T = h.shape[0]
    # router
    router_logits = h @ Wg.T + bg  # [T, E]
    probs = jax.nn.softmax(router_logits, axis=-1)
    w, idx = jax.lax.top_k(probs, TOPK)  # [T, k]
    router_weights = w / jnp.sum(w, axis=-1, keepdims=True)
    # dense combine matrix equivalent to the per-expert mask + index_add loop
    combine = jnp.zeros((T, EXPERT_NUM), dtype=h.dtype)
    combine = combine.at[jnp.arange(T)[:, None], idx].add(router_weights)
    # each expert applied to the tokens routed to it (computed densely,
    # zero combine-weight entries contribute nothing -> same math as torch loop)
    expert_out = jnp.einsum('th,eoh->eto', h, We) + be[:, None, :]  # [E, T, H]
    final = jnp.einsum('te,eto->to', combine, expert_out)  # [T, H]
    final = final.reshape(B, S, H)
    return final, router_logits

if __name__ == "__main__":
    import jax
    _d = setup_inputs()
    print(jax.jit(kernel)(*tuple(_d.values())))

</pallas_src>

<mosaic_0001>
#map = affine_map<(d0, d1) -> (0, 0)>
#map1 = affine_map<(d0, d1) -> (0)>
module attributes {stable_mosaic.version = 14 : i64} {
  func.func @k(%arg0: i32, %arg1: i32, %arg2: memref<4096x768xf32, #tpu.memory_space<hbm>>, %arg3: memref<4096xi32, #tpu.memory_space<hbm>>, %arg4: memref<4096xi32, #tpu.memory_space<hbm>>, %arg5: memref<8192x768xf32, #tpu.memory_space<hbm>>, %arg6: memref<64x768xf32, #tpu.memory_space<vmem>>, %arg7: memref<64x768xf32, #tpu.memory_space<vmem>>, %arg8: memref<64xi32, #tpu.memory_space<vmem>>, %arg9: memref<64xi32, #tpu.memory_space<vmem>>, %arg10: memref<64xi32, #tpu.memory_space<vmem>>, %arg11: memref<64xi32, #tpu.memory_space<vmem>>, %arg12: memref<!tpu.dma_semaphore, #tpu.memory_space<semaphore_mem>>, %arg13: memref<!tpu.dma_semaphore, #tpu.memory_space<semaphore_mem>>) attributes {dimension_semantics = [#tpu.dimension_semantics<core_parallel>, #tpu.dimension_semantics<subcore_parallel>], iteration_bounds = array<i64: 2, 16>, scalar_prefetch = 0 : i64, scratch_operands = 8 : i64, tpu.core_type = #tpu.core_type<sc_vector_subcore>, window_params = [{transform_indices = #map}, {transform_indices = #map1}, {transform_indices = #map1}, {transform_indices = #map}]} {
    %mul3A = arith.constant 2 : i32
    %mul3A_0 = arith.muli %arg1, %mul3A : i32
    %add3A = arith.addi %mul3A_0, %arg0 : i32
    %mul3A_1 = arith.constant 128 : i32
    %mul3A_2 = arith.muli %add3A, %mul3A_1 : i32
    %dma_start3A = arith.constant 0 : i32
    %dma_start3A_3 = tpu.memref_slice %arg2[%mul3A_2, %dma_start3A] : memref<4096x768xf32, #tpu.memory_space<hbm>> -> memref<64x768xf32, #tpu.memory_space<hbm>>
    %dma_start3A_4 = arith.constant 0 : i32
    %dma_start3A_5 = tpu.memref_slice %arg2[%mul3A_2, %dma_start3A_4] : memref<4096x768xf32, #tpu.memory_space<hbm>> -> memref<64x768xf32, #tpu.memory_space<hbm>>
    tpu.enqueue_dma source(%dma_start3A_5 : memref<64x768xf32, #tpu.memory_space<hbm>>) target(%arg6 : memref<64x768xf32, #tpu.memory_space<vmem>>) target_semaphore(%arg12 : memref<!tpu.dma_semaphore, #tpu.memory_space<semaphore_mem>>)
    %add3A_6 = arith.constant 0 : i32
    %add3A_7 = arith.addi %mul3A_2, %add3A_6 : i32
    "tpu.region"() ({
      %run_scoped3A = tpu.sem_alloc : memref<!tpu.dma_semaphore, #tpu.memory_space<semaphore_mem>>
      %dma_start3A_47 = tpu.memref_slice %arg3[%add3A_7] : memref<4096xi32, #tpu.memory_space<hbm>> -> memref<64xi32, #tpu.memory_space<hbm>>
      %dma_start3A_48 = tpu.memref_slice %arg3[%add3A_7] : memref<4096xi32, #tpu.memory_space<hbm>> -> memref<64xi32, #tpu.memory_space<hbm>>
      tpu.enqueue_dma source(%dma_start3A_48 : memref<64xi32, #tpu.memory_space<hbm>>) target(%arg8 : memref<64xi32, #tpu.memory_space<vmem>>) target_semaphore(%run_scoped3A : memref<!tpu.dma_semaphore, #tpu.memory_space<semaphore_mem>>)
      %dma_wait3A_49 = tpu.memref_slice %arg3[%add3A_7] : memref<4096xi32, #tpu.memory_space<hbm>> -> memref<64xi32, #tpu.memory_space<hbm>>
      %dma_wait3A_50 = tpu.memref_slice %arg3[%add3A_7] : memref<4096xi32, #tpu.memory_space<hbm>> -> memref<64xi32, #tpu.memory_space<hbm>>
      tpu.wait_dma2 semaphore(%run_scoped3A : memref<!tpu.dma_semaphore, #tpu.memory_space<semaphore_mem>>) src(%dma_wait3A_50 : memref<64xi32, #tpu.memory_space<hbm>>) dst(%arg8 : memref<64xi32, #tpu.memory_space<vmem>>)
      tpu.yield
    }) : () -> ()
    "tpu.region"() ({
      %run_scoped3A = tpu.sem_alloc : memref<!tpu.dma_semaphore, #tpu.memory_space<semaphore_mem>>
      %dma_start3A_47 = tpu.memref_slice %arg4[%add3A_7] : memref<4096xi32, #tpu.memory_space<hbm>> -> memref<64xi32, #tpu.memory_space<hbm>>
      %dma_start3A_48 = tpu.memref_slice %arg4[%add3A_7] : memref<4096xi32, #tpu.memory_space<hbm>> -> memref<64xi32, #tpu.memory_space<hbm>>
      tpu.enqueue_dma source(%dma_start3A_48 : memref<64xi32, #tpu.memory_space<hbm>>) target(%arg10 : memref<64xi32, #tpu.memory_space<vmem>>) target_semaphore(%run_scoped3A : memref<!tpu.dma_semaphore, #tpu.memory_space<semaphore_mem>>)
      %dma_wait3A_49 = tpu.memref_slice %arg4[%add3A_7] : memref<4096xi32, #tpu.memory_space<hbm>> -> memref<64xi32, #tpu.memory_space<hbm>>
      %dma_wait3A_50 = tpu.memref_slice %arg4[%add3A_7] : memref<4096xi32, #tpu.memory_space<hbm>> -> memref<64xi32, #tpu.memory_space<hbm>>
      tpu.wait_dma2 semaphore(%run_scoped3A : memref<!tpu.dma_semaphore, #tpu.memory_space<semaphore_mem>>) src(%dma_wait3A_50 : memref<64xi32, #tpu.memory_space<hbm>>) dst(%arg10 : memref<64xi32, #tpu.memory_space<vmem>>)
      tpu.yield
    }) : () -> ()
    %dma_wait3A = arith.constant 0 : i32
    %dma_wait3A_8 = tpu.memref_slice %arg2[%mul3A_2, %dma_wait3A] : memref<4096x768xf32, #tpu.memory_space<hbm>> -> memref<64x768xf32, #tpu.memory_space<hbm>>
    %dma_wait3A_9 = arith.constant 0 : i32
    %dma_wait3A_10 = tpu.memref_slice %arg2[%mul3A_2, %dma_wait3A_9] : memref<4096x768xf32, #tpu.memory_space<hbm>> -> memref<64x768xf32, #tpu.memory_space<hbm>>
    tpu.wait_dma2 semaphore(%arg12 : memref<!tpu.dma_semaphore, #tpu.memory_space<semaphore_mem>>) src(%dma_wait3A_10 : memref<64x768xf32, #tpu.memory_space<hbm>>) dst(%arg6 : memref<64x768xf32, #tpu.memory_space<vmem>>)
    %add3A_11 = arith.constant 64 : i32
    %add3A_12 = arith.addi %mul3A_2, %add3A_11 : i32
    %dma_start3A_13 = arith.constant 0 : i32
    %dma_start3A_14 = tpu.memref_slice %arg2[%add3A_12, %dma_start3A_13] : memref<4096x768xf32, #tpu.memory_space<hbm>> -> memref<64x768xf32, #tpu.memory_space<hbm>>
    %dma_start3A_15 = arith.constant 0 : i32
    %dma_start3A_16 = tpu.memref_slice %arg2[%add3A_12, %dma_start3A_15] : memref<4096x768xf32, #tpu.memory_space<hbm>> -> memref<64x768xf32, #tpu.memory_space<hbm>>
    tpu.enqueue_dma source(%dma_start3A_16 : memref<64x768xf32, #tpu.memory_space<hbm>>) target(%arg7 : memref<64x768xf32, #tpu.memory_space<vmem>>) target_semaphore(%arg12 : memref<!tpu.dma_semaphore, #tpu.memory_space<semaphore_mem>>)
    %dma_start3A_17 = arith.constant 0 : i32
    %dma_start3A_18 = arith.constant 0 : i32
    %dma_start3A_19 = tpu.memref_slice %arg5[%dma_start3A_17, %dma_start3A_18] : memref<8192x768xf32, #tpu.memory_space<hbm>> -> memref<8192x768xf32, #tpu.memory_space<hbm>>
    tpu.enqueue_indirect_dma source(%arg6 : memref<64x768xf32, #tpu.memory_space<vmem>>) target(%dma_start3A_19 : memref<8192x768xf32, #tpu.memory_space<hbm>>) offsets(%arg8 : memref<64xi32, #tpu.memory_space<vmem>>) semaphore(%arg13 : memref<!tpu.dma_semaphore, #tpu.memory_space<semaphore_mem>>)
    %dma_start3A_20 = arith.constant 0 : i32
    %dma_start3A_21 = arith.constant 0 : i32
    %dma_start3A_22 = tpu.memref_slice %arg5[%dma_start3A_20, %dma_start3A_21] : memref<8192x768xf32, #tpu.memory_space<hbm>> -> memref<8192x768xf32, #tpu.memory_space<hbm>>
    tpu.enqueue_indirect_dma source(%arg6 : memref<64x768xf32, #tpu.memory_space<vmem>>) target(%dma_start3A_22 : memref<8192x768xf32, #tpu.memory_space<hbm>>) offsets(%arg10 : memref<64xi32, #tpu.memory_space<vmem>>) semaphore(%arg13 : memref<!tpu.dma_semaphore, #tpu.memory_space<semaphore_mem>>)
    %add3A_23 = arith.constant 64 : i32
    %add3A_24 = arith.addi %mul3A_2, %add3A_23 : i32
    "tpu.region"() ({
      %run_scoped3A = tpu.sem_alloc : memref<!tpu.dma_semaphore, #tpu.memory_space<semaphore_mem>>
      %dma_start3A_47 = tpu.memref_slice %arg3[%add3A_24] : memref<4096xi32, #tpu.memory_space<hbm>> -> memref<64xi32, #tpu.memory_space<hbm>>
      %dma_start3A_48 = tpu.memref_slice %arg3[%add3A_24] : memref<4096xi32, #tpu.memory_space<hbm>> -> memref<64xi32, #tpu.memory_space<hbm>>
      tpu.enqueue_dma source(%dma_start3A_48 : memref<64xi32, #tpu.memory_space<hbm>>) target(%arg9 : memref<64xi32, #tpu.memory_space<vmem>>) target_semaphore(%run_scoped3A : memref<!tpu.dma_semaphore, #tpu.memory_space<semaphore_mem>>)
      %dma_wait3A_49 = tpu.memref_slice %arg3[%add3A_24] : memref<4096xi32, #tpu.memory_space<hbm>> -> memref<64xi32, #tpu.memory_space<hbm>>
      %dma_wait3A_50 = tpu.memref_slice %arg3[%add3A_24] : memref<4096xi32, #tpu.memory_space<hbm>> -> memref<64xi32, #tpu.memory_space<hbm>>
      tpu.wait_dma2 semaphore(%run_scoped3A : memref<!tpu.dma_semaphore, #tpu.memory_space<semaphore_mem>>) src(%dma_wait3A_50 : memref<64xi32, #tpu.memory_space<hbm>>) dst(%arg9 : memref<64xi32, #tpu.memory_space<vmem>>)
      tpu.yield
    }) : () -> ()
    "tpu.region"() ({
      %run_scoped3A = tpu.sem_alloc : memref<!tpu.dma_semaphore, #tpu.memory_space<semaphore_mem>>
      %dma_start3A_47 = tpu.memref_slice %arg4[%add3A_24] : memref<4096xi32, #tpu.memory_space<hbm>> -> memref<64xi32, #tpu.memory_space<hbm>>
      %dma_start3A_48 = tpu.memref_slice %arg4[%add3A_24] : memref<4096xi32, #tpu.memory_space<hbm>> -> memref<64xi32, #tpu.memory_space<hbm>>
      tpu.enqueue_dma source(%dma_start3A_48 : memref<64xi32, #tpu.memory_space<hbm>>) target(%arg11 : memref<64xi32, #tpu.memory_space<vmem>>) target_semaphore(%run_scoped3A : memref<!tpu.dma_semaphore, #tpu.memory_space<semaphore_mem>>)
      %dma_wait3A_49 = tpu.memref_slice %arg4[%add3A_24] : memref<4096xi32, #tpu.memory_space<hbm>> -> memref<64xi32, #tpu.memory_space<hbm>>
      %dma_wait3A_50 = tpu.memref_slice %arg4[%add3A_24] : memref<4096xi32, #tpu.memory_space<hbm>> -> memref<64xi32, #tpu.memory_space<hbm>>
      tpu.wait_dma2 semaphore(%run_scoped3A : memref<!tpu.dma_semaphore, #tpu.memory_space<semaphore_mem>>) src(%dma_wait3A_50 : memref<64xi32, #tpu.memory_space<hbm>>) dst(%arg11 : memref<64xi32, #tpu.memory_space<vmem>>)
      tpu.yield
    }) : () -> ()
    %dma_wait3A_25 = arith.constant 0 : i32
    %dma_wait3A_26 = tpu.memref_slice %arg2[%add3A_12, %dma_wait3A_25] : memref<4096x768xf32, #tpu.memory_space<hbm>> -> memref<64x768xf32, #tpu.memory_space<hbm>>
    %dma_wait3A_27 = arith.constant 0 : i32
    %dma_wait3A_28 = tpu.memref_slice %arg2[%add3A_12, %dma_wait3A_27] : memref<4096x768xf32, #tpu.memory_space<hbm>> -> memref<64x768xf32, #tpu.memory_space<hbm>>
    tpu.wait_dma2 semaphore(%arg12 : memref<!tpu.dma_semaphore, #tpu.memory_space<semaphore_mem>>) src(%dma_wait3A_28 : memref<64x768xf32, #tpu.memory_space<hbm>>) dst(%arg7 : memref<64x768xf32, #tpu.memory_space<vmem>>)
    %dma_start3A_29 = arith.constant 0 : i32
    %dma_start3A_30 = arith.constant 0 : i32
    %dma_start3A_31 = tpu.memref_slice %arg5[%dma_start3A_29, %dma_start3A_30] : memref<8192x768xf32, #tpu.memory_space<hbm>> -> memref<8192x768xf32, #tpu.memory_space<hbm>>
    tpu.enqueue_indirect_dma source(%arg7 : memref<64x768xf32, #tpu.memory_space<vmem>>) target(%dma_start3A_31 : memref<8192x768xf32, #tpu.memory_space<hbm>>) offsets(%arg9 : memref<64xi32, #tpu.memory_space<vmem>>) semaphore(%arg13 : memref<!tpu.dma_semaphore, #tpu.memory_space<semaphore_mem>>)
    %dma_start3A_32 = arith.constant 0 : i32
    %dma_start3A_33 = arith.constant 0 : i32
    %dma_start3A_34 = tpu.memref_slice %arg5[%dma_start3A_32, %dma_start3A_33] : memref<8192x768xf32, #tpu.memory_space<hbm>> -> memref<8192x768xf32, #tpu.memory_space<hbm>>
    tpu.enqueue_indirect_dma source(%arg7 : memref<64x768xf32, #tpu.memory_space<vmem>>) target(%dma_start3A_34 : memref<8192x768xf32, #tpu.memory_space<hbm>>) offsets(%arg11 : memref<64xi32, #tpu.memory_space<vmem>>) semaphore(%arg13 : memref<!tpu.dma_semaphore, #tpu.memory_space<semaphore_mem>>)
    %dma_wait3A_35 = arith.constant 0 : i32
    %dma_wait3A_36 = arith.constant 0 : i32
    %dma_wait3A_37 = tpu.memref_slice %arg5[%dma_wait3A_35, %dma_wait3A_36] : memref<8192x768xf32, #tpu.memory_space<hbm>> -> memref<8192x768xf32, #tpu.memory_space<hbm>>
    tpu.wait_indirect_dma semaphore(%arg13 : memref<!tpu.dma_semaphore, #tpu.memory_space<semaphore_mem>>) src(%arg6 : memref<64x768xf32, #tpu.memory_space<vmem>>) dst(%dma_wait3A_37 : memref<8192x768xf32, #tpu.memory_space<hbm>>)
    %dma_wait3A_38 = arith.constant 0 : i32
    %dma_wait3A_39 = arith.constant 0 : i32
    %dma_wait3A_40 = tpu.memref_slice %arg5[%dma_wait3A_38, %dma_wait3A_39] : memref<8192x768xf32, #tpu.memory_space<hbm>> -> memref<8192x768xf32, #tpu.memory_space<hbm>>
    tpu.wait_indirect_dma semaphore(%arg13 : memref<!tpu.dma_semaphore, #tpu.memory_space<semaphore_mem>>) src(%arg6 : memref<64x768xf32, #tpu.memory_space<vmem>>) dst(%dma_wait3A_40 : memref<8192x768xf32, #tpu.memory_space<hbm>>)
    %dma_wait3A_41 = arith.constant 0 : i32
    %dma_wait3A_42 = arith.constant 0 : i32
    %dma_wait3A_43 = tpu.memref_slice %arg5[%dma_wait3A_41, %dma_wait3A_42] : memref<8192x768xf32, #tpu.memory_space<hbm>> -> memref<8192x768xf32, #tpu.memory_space<hbm>>
    tpu.wait_indirect_dma semaphore(%arg13 : memref<!tpu.dma_semaphore, #tpu.memory_space<semaphore_mem>>) src(%arg7 : memref<64x768xf32, #tpu.memory_space<vmem>>) dst(%dma_wait3A_43 : memref<8192x768xf32, #tpu.memory_space<hbm>>)
    %dma_wait3A_44 = arith.constant 0 : i32
    %dma_wait3A_45 = arith.constant 0 : i32
    %dma_wait3A_46 = tpu.memref_slice %arg5[%dma_wait3A_44, %dma_wait3A_45] : memref<8192x768xf32, #tpu.memory_space<hbm>> -> memref<8192x768xf32, #tpu.memory_space<hbm>>
    tpu.wait_indirect_dma semaphore(%arg13 : memref<!tpu.dma_semaphore, #tpu.memory_space<semaphore_mem>>) src(%arg7 : memref<64x768xf32, #tpu.memory_space<vmem>>) dst(%dma_wait3A_46 : memref<8192x768xf32, #tpu.memory_space<hbm>>)
    return
  }
}

#map = affine_map<(d0, d1) -> (0, 0)>
#map1 = affine_map<(d0, d1) -> (0)>
module attributes {stable_mosaic.version = 14 : i64} {
  func.func @k(%arg0: i32, %arg1: i32, %arg2: memref<8192x768xf32, #tpu.memory_space<hbm>>, %arg3: memref<4096xi32, #tpu.memory_space<hbm>>, %arg4: memref<4096xi32, #tpu.memory_space<hbm>>, %arg5: memref<4096xf32, #tpu.memory_space<hbm>>, %arg6: memref<4096xf32, #tpu.memory_space<hbm>>, %arg7: memref<4096x768xf32, #tpu.memory_space<hbm>>, %arg8: memref<32x768xf32, #tpu.memory_space<vmem>>, %arg9: memref<32x768xf32, #tpu.memory_space<vmem>>, %arg10: memref<32x768xf32, #tpu.memory_space<vmem>>, %arg11: memref<32x768xf32, #tpu.memory_space<vmem>>, %arg12: memref<32xi32, #tpu.memory_space<vmem>>, %arg13: memref<32xi32, #tpu.memory_space<vmem>>, %arg14: memref<32xi32, #tpu.memory_space<vmem>>, %arg15: memref<32xi32, #tpu.memory_space<vmem>>, %arg16: memref<32xf32, #tpu.memory_space<vmem>>, %arg17: memref<32xf32, #tpu.memory_space<vmem>>, %arg18: memref<!tpu.dma_semaphore, #tpu.memory_space<semaphore_mem>>) attributes {dimension_semantics = [#tpu.dimension_semantics<core_parallel>, #tpu.dimension_semantics<subcore_parallel>], iteration_bounds = array<i64: 2, 16>, scalar_prefetch = 0 : i64, scratch_operands = 11 : i64, tpu.core_type = #tpu.core_type<sc_vector_subcore>, window_params = [{transform_indices = #map}, {transform_indices = #map1}, {transform_indices = #map1}, {transform_indices = #map1}, {transform_indices = #map1}, {transform_indices = #map}]} {
    %mul3A = arith.constant 2 : i32
    %mul3A_0 = arith.muli %arg1, %mul3A : i32
    %add3A = arith.addi %mul3A_0, %arg0 : i32
    %mul3A_1 = arith.constant 128 : i32
    %mul3A_2 = arith.muli %add3A, %mul3A_1 : i32
    "tpu.region"() ({
      %run_scoped3A = tpu.sem_alloc : memref<!tpu.dma_semaphore, #tpu.memory_space<semaphore_mem>>
      %dma_start3A_106 = tpu.memref_slice %arg3[%mul3A_2] : memref<4096xi32, #tpu.memory_space<hbm>> -> memref<32xi32, #tpu.memory_space<hbm>>
      %dma_start3A_107 = tpu.memref_slice %arg3[%mul3A_2] : memref<4096xi32, #tpu.memory_space<hbm>> -> memref<32xi32, #tpu.memory_space<hbm>>
      tpu.enqueue_dma source(%dma_start3A_107 : memref<32xi32, #tpu.memory_space<hbm>>) target(%arg12 : memref<32xi32, #tpu.memory_space<vmem>>) target_semaphore(%run_scoped3A : memref<!tpu.dma_semaphore, #tpu.memory_space<semaphore_mem>>)
      %dma_wait3A_108 = tpu.memref_slice %arg3[%mul3A_2] : memref<4096xi32, #tpu.memory_space<hbm>> -> memref<32xi32, #tpu.memory_space<hbm>>
      %dma_wait3A_109 = tpu.memref_slice %arg3[%mul3A_2] : memref<4096xi32, #tpu.memory_space<hbm>> -> memref<32xi32, #tpu.memory_space<hbm>>
      tpu.wait_dma2 semaphore(%run_scoped3A : memref<!tpu.dma_semaphore, #tpu.memory_space<semaphore_mem>>) src(%dma_wait3A_109 : memref<32xi32, #tpu.memory_space<hbm>>) dst(%arg12 : memref<32xi32, #tpu.memory_space<vmem>>)
      tpu.yield
    }) : () -> ()
    "tpu.region"() ({
      %run_scoped3A = tpu.sem_alloc : memref<!tpu.dma_semaphore, #tpu.memory_space<semaphore_mem>>
      %dma_start3A_106 = tpu.memref_slice %arg4[%mul3A_2] : memref<4096xi32, #tpu.memory_space<hbm>> -> memref<32xi32, #tpu.memory_space<hbm>>
      %dma_start3A_107 = tpu.memref_slice %arg4[%mul3A_2] : memref<4096xi32, #tpu.memory_space<hbm>> -> memref<32xi32, #tpu.memory_space<hbm>>
      tpu.enqueue_dma source(%dma_start3A_107 : memref<32xi32, #tpu.memory_space<hbm>>) target(%arg14 : memref<32xi32, #tpu.memory_space<vmem>>) target_semaphore(%run_scoped3A : memref<!tpu.dma_semaphore, #tpu.memory_space<semaphore_mem>>)
      %dma_wait3A_108 = tpu.memref_slice %arg4[%mul3A_2] : memref<4096xi32, #tpu.memory_space<hbm>> -> memref<32xi32, #tpu.memory_space<hbm>>
      %dma_wait3A_109 = tpu.memref_slice %arg4[%mul3A_2] : memref<4096xi32, #tpu.memory_space<hbm>> -> memref<32xi32, #tpu.memory_space<hbm>>
      tpu.wait_dma2 semaphore(%run_scoped3A : memref<!tpu.dma_semaphore, #tpu.memory_space<semaphore_mem>>) src(%dma_wait3A_109 : memref<32xi32, #tpu.memory_space<hbm>>) dst(%arg14 : memref<32xi32, #tpu.memory_space<vmem>>)
      tpu.yield
    }) : () -> ()
    %dma_start3A = arith.constant 0 : i32
    %dma_start3A_3 = arith.constant 0 : i32
    %dma_start3A_4 = tpu.memref_slice %arg2[%dma_start3A, %dma_start3A_3] : memref<8192x768xf32, #tpu.memory_space<hbm>> -> memref<8192x768xf32, #tpu.memory_space<hbm>>
    tpu.enqueue_indirect_dma source(%dma_start3A_4 : memref<8192x768xf32, #tpu.memory_space<hbm>>) target(%arg8 : memref<32x768xf32, #tpu.memory_space<vmem>>) offsets(%arg12 : memref<32xi32, #tpu.memory_space<vmem>>) semaphore(%arg18 : memref<!tpu.dma_semaphore, #tpu.memory_space<semaphore_mem>>)
    %dma_start3A_5 = arith.constant 0 : i32
    %dma_start3A_6 = arith.constant 0 : i32
    %dma_start3A_7 = tpu.memref_slice %arg2[%dma_start3A_5, %dma_start3A_6] : memref<8192x768xf32, #tpu.memory_space<hbm>> -> memref<8192x768xf32, #tpu.memory_space<hbm>>
    tpu.enqueue_indirect_dma source(%dma_start3A_7 : memref<8192x768xf32, #tpu.memory_space<hbm>>) target(%arg10 : memref<32x768xf32, #tpu.memory_space<vmem>>) offsets(%arg14 : memref<32xi32, #tpu.memory_space<vmem>>) semaphore(%arg18 : memref<!tpu.dma_semaphore, #tpu.memory_space<semaphore_mem>>)
    %add3A_8 = arith.constant 32 : i32
    %add3A_9 = arith.addi %mul3A_2, %add3A_8 : i32
    "tpu.region"() ({
      %run_scoped3A = tpu.sem_alloc : memref<!tpu.dma_semaphore, #tpu.memory_space<semaphore_mem>>
      %dma_start3A_106 = tpu.memref_slice %arg3[%add3A_9] : memref<4096xi32, #tpu.memory_space<hbm>> -> memref<32xi32, #tpu.memory_space<hbm>>
      %dma_start3A_107 = tpu.memref_slice %arg3[%add3A_9] : memref<4096xi32, #tpu.memory_space<hbm>> -> memref<32xi32, #tpu.memory_space<hbm>>
      tpu.enqueue_dma source(%dma_start3A_107 : memref<32xi32, #tpu.memory_space<hbm>>) target(%arg13 : memref<32xi32, #tpu.memory_space<vmem>>) target_semaphore(%run_scoped3A : memref<!tpu.dma_semaphore, #tpu.memory_space<semaphore_mem>>)
      %dma_wait3A_108 = tpu.memref_slice %arg3[%add3A_9] : memref<4096xi32, #tpu.memory_space<hbm>> -> memref<32xi32, #tpu.memory_space<hbm>>
      %dma_wait3A_109 = tpu.memref_slice %arg3[%add3A_9] : memref<4096xi32, #tpu.memory_space<hbm>> -> memref<32xi32, #tpu.memory_space<hbm>>
      tpu.wait_dma2 semaphore(%run_scoped3A : memref<!tpu.dma_semaphore, #tpu.memory_space<semaphore_mem>>) src(%dma_wait3A_109 : memref<32xi32, #tpu.memory_space<hbm>>) dst(%arg13 : memref<32xi32, #tpu.memory_space<vmem>>)
      tpu.yield
    }) : () -> ()
    "tpu.region"() ({
      %run_scoped3A = tpu.sem_alloc : memref<!tpu.dma_semaphore, #tpu.memory_space<semaphore_mem>>
      %dma_start3A_106 = tpu.memref_slice %arg4[%add3A_9] : memref<4096xi32, #tpu.memory_space<hbm>> -> memref<32xi32, #tpu.memory_space<hbm>>
      %dma_start3A_107 = tpu.memref_slice %arg4[%add3A_9] : memref<4096xi32, #tpu.memory_space<hbm>> -> memref<32xi32, #tpu.memory_space<hbm>>
      tpu.enqueue_dma source(%dma_start3A_107 : memref<32xi32, #tpu.memory_space<hbm>>) target(%arg15 : memref<32xi32, #tpu.memory_space<vmem>>) target_semaphore(%run_scoped3A : memref<!tpu.dma_semaphore, #tpu.memory_space<semaphore_mem>>)
      %dma_wait3A_108 = tpu.memref_slice %arg4[%add3A_9] : memref<4096xi32, #tpu.memory_space<hbm>> -> memref<32xi32, #tpu.memory_space<hbm>>
      %dma_wait3A_109 = tpu.memref_slice %arg4[%add3A_9] : memref<4096xi32, #tpu.memory_space<hbm>> -> memref<32xi32, #tpu.memory_space<hbm>>
      tpu.wait_dma2 semaphore(%run_scoped3A : memref<!tpu.dma_semaphore, #tpu.memory_space<semaphore_mem>>) src(%dma_wait3A_109 : memref<32xi32, #tpu.memory_space<hbm>>) dst(%arg15 : memref<32xi32, #tpu.memory_space<vmem>>)
      tpu.yield
    }) : () -> ()
    %dma_start3A_10 = arith.constant 0 : i32
    %dma_start3A_11 = arith.constant 0 : i32
    %dma_start3A_12 = tpu.memref_slice %arg2[%dma_start3A_10, %dma_start3A_11] : memref<8192x768xf32, #tpu.memory_space<hbm>> -> memref<8192x768xf32, #tpu.memory_space<hbm>>
    tpu.enqueue_indirect_dma source(%dma_start3A_12 : memref<8192x768xf32, #tpu.memory_space<hbm>>) target(%arg9 : memref<32x768xf32, #tpu.memory_space<vmem>>) offsets(%arg13 : memref<32xi32, #tpu.memory_space<vmem>>) semaphore(%arg18 : memref<!tpu.dma_semaphore, #tpu.memory_space<semaphore_mem>>)
    %dma_start3A_13 = arith.constant 0 : i32
    %dma_start3A_14 = arith.constant 0 : i32
    %dma_start3A_15 = tpu.memref_slice %arg2[%dma_start3A_13, %dma_start3A_14] : memref<8192x768xf32, #tpu.memory_space<hbm>> -> memref<8192x768xf32, #tpu.memory_space<hbm>>
    tpu.enqueue_indirect_dma source(%dma_start3A_15 : memref<8192x768xf32, #tpu.memory_space<hbm>>) target(%arg11 : memref<32x768xf32, #tpu.memory_space<vmem>>) offsets(%arg15 : memref<32xi32, #tpu.memory_space<vmem>>) semaphore(%arg18 : memref<!tpu.dma_semaphore, #tpu.memory_space<semaphore_mem>>)
    %add3A_16 = arith.constant 0 : i32
    %add3A_17 = arith.addi %mul3A_2, %add3A_16 : i32
    "tpu.region"() ({
      %run_scoped3A = tpu.sem_alloc : memref<!tpu.dma_semaphore, #tpu.memory_space<semaphore_mem>>
      %dma_start3A_106 = tpu.memref_slice %arg5[%add3A_17] : memref<4096xf32, #tpu.memory_space<hbm>> -> memref<32xf32, #tpu.memory_space<hbm>>
      %dma_start3A_107 = tpu.memref_slice %arg5[%add3A_17] : memref<4096xf32, #tpu.memory_space<hbm>> -> memref<32xf32, #tpu.memory_space<hbm>>
      tpu.enqueue_dma source(%dma_start3A_107 : memref<32xf32, #tpu.memory_space<hbm>>) target(%arg16 : memref<32xf32, #tpu.memory_space<vmem>>) target_semaphore(%run_scoped3A : memref<!tpu.dma_semaphore, #tpu.memory_space<semaphore_mem>>)
      %dma_wait3A_108 = tpu.memref_slice %arg5[%add3A_17] : memref<4096xf32, #tpu.memory_space<hbm>> -> memref<32xf32, #tpu.memory_space<hbm>>
      %dma_wait3A_109 = tpu.memref_slice %arg5[%add3A_17] : memref<4096xf32, #tpu.memory_space<hbm>> -> memref<32xf32, #tpu.memory_space<hbm>>
      tpu.wait_dma2 semaphore(%run_scoped3A : memref<!tpu.dma_semaphore, #tpu.memory_space<semaphore_mem>>) src(%dma_wait3A_109 : memref<32xf32, #tpu.memory_space<hbm>>) dst(%arg16 : memref<32xf32, #tpu.memory_space<vmem>>)
      tpu.yield
    }) : () -> ()
    %add3A_18 = arith.constant 0 : i32
    %add3A_19 = arith.addi %mul3A_2, %add3A_18 : i32
    "tpu.region"() ({
      %run_scoped3A = tpu.sem_alloc : memref<!tpu.dma_semaphore, #tpu.memory_space<semaphore_mem>>
      %dma_start3A_106 = tpu.memref_slice %arg6[%add3A_19] : memref<4096xf32, #tpu.memory_space<hbm>> -> memref<32xf32, #tpu.memory_space<hbm>>
      %dma_start3A_107 = tpu.memref_slice %arg6[%add3A_19] : memref<4096xf32, #tpu.memory_space<hbm>> -> memref<32xf32, #tpu.memory_space<hbm>>
      tpu.enqueue_dma source(%dma_start3A_107 : memref<32xf32, #tpu.memory_space<hbm>>) target(%arg17 : memref<32xf32, #tpu.memory_space<vmem>>) target_semaphore(%run_scoped3A : memref<!tpu.dma_semaphore, #tpu.memory_space<semaphore_mem>>)
      %dma_wait3A_108 = tpu.memref_slice %arg6[%add3A_19] : memref<4096xf32, #tpu.memory_space<hbm>> -> memref<32xf32, #tpu.memory_space<hbm>>
      %dma_wait3A_109 = tpu.memref_slice %arg6[%add3A_19] : memref<4096xf32, #tpu.memory_space<hbm>> -> memref<32xf32, #tpu.memory_space<hbm>>
      tpu.wait_dma2 semaphore(%run_scoped3A : memref<!tpu.dma_semaphore, #tpu.memory_space<semaphore_mem>>) src(%dma_wait3A_109 : memref<32xf32, #tpu.memory_space<hbm>>) dst(%arg17 : memref<32xf32, #tpu.memory_space<vmem>>)
      tpu.yield
    }) : () -> ()
    %dma_wait3A = arith.constant 0 : i32
    %dma_wait3A_20 = arith.constant 0 : i32
    %dma_wait3A_21 = tpu.memref_slice %arg2[%dma_wait3A, %dma_wait3A_20] : memref<8192x768xf32, #tpu.memory_space<hbm>> -> memref<8192x768xf32, #tpu.memory_space<hbm>>
    tpu.wait_indirect_dma semaphore(%arg18 : memref<!tpu.dma_semaphore, #tpu.memory_space<semaphore_mem>>) src(%dma_wait3A_21 : memref<8192x768xf32, #tpu.memory_space<hbm>>) dst(%arg8 : memref<32x768xf32, #tpu.memory_space<vmem>>)
    %dma_wait3A_22 = arith.constant 0 : i32
    %dma_wait3A_23 = arith.constant 0 : i32
    %dma_wait3A_24 = tpu.memref_slice %arg2[%dma_wait3A_22, %dma_wait3A_23] : memref<8192x768xf32, #tpu.memory_space<hbm>> -> memref<8192x768xf32, #tpu.memory_space<hbm>>
    tpu.wait_indirect_dma semaphore(%arg18 : memref<!tpu.dma_semaphore, #tpu.memory_space<semaphore_mem>>) src(%dma_wait3A_24 : memref<8192x768xf32, #tpu.memory_space<hbm>>) dst(%arg10 : memref<32x768xf32, #tpu.memory_space<vmem>>)
    %scan3A = arith.constant 0 : i32
    %scan3A_25 = arith.constant 0 : i32
    %scan3A_26 = arith.constant 32 : i32
    %scan3A_27 = arith.addi %scan3A_25, %scan3A_26 : i32
    %scan3A_28 = arith.constant 1 : i32
    %scan3A_29 = scf.for %scan3A_106 = %scan3A_25 to %scan3A_27 step %scan3A_28 iter_args(%scan3A_107 = %scan3A) -> (i32)  : i32 {
      %get3A = arith.index_cast %scan3A_106 : i32 to index
      %get3A_108 = tpu.vector_load %arg16[%get3A] {strides = array<i32>} : memref<32xf32, #tpu.memory_space<vmem>>, vector<1xf32>,
      %get3A_109 = vector.shape_cast %get3A_108 : vector<1xf32> to vector<1xf32>
      %get3A_110 = arith.index_cast %scan3A_106 : i32 to index
      %get3A_111 = tpu.vector_load %arg17[%get3A_110] {strides = array<i32>} : memref<32xf32, #tpu.memory_space<vmem>>, vector<1xf32>,
      %get3A_112 = vector.shape_cast %get3A_111 : vector<1xf32> to vector<1xf32>
      %get3A_113 = arith.index_cast %scan3A_106 : i32 to index
      %get3A_114 = arith.constant 0 : index
      %get3A_115 = tpu.vector_load %arg8[%get3A_113, %get3A_114] {strides = array<i32>} : memref<32x768xf32, #tpu.memory_space<vmem>>, vector<1x768xf32>,
      %get3A_116 = vector.shape_cast %get3A_115 : vector<1x768xf32> to vector<768xf32>
      %mul3A_117 = vector.broadcast %get3A_109 : vector<1xf32> to vector<768xf32>
      %mul3A_118 = arith.mulf %get3A_116, %mul3A_117 : vector<768xf32>
      %get3A_119 = arith.index_cast %scan3A_106 : i32 to index
      %get3A_120 = arith.constant 0 : index
      %get3A_121 = tpu.vector_load %arg10[%get3A_119, %get3A_120] {strides = array<i32>} : memref<32x768xf32, #tpu.memory_space<vmem>>, vector<1x768xf32>,
      %get3A_122 = vector.shape_cast %get3A_121 : vector<1x768xf32> to vector<768xf32>
      %mul3A_123 = vector.broadcast %get3A_112 : vector<1xf32> to vector<768xf32>
      %mul3A_124 = arith.mulf %get3A_122, %mul3A_123 : vector<768xf32>
      %add3A_125 = arith.addf %mul3A_118, %mul3A_124 : vector<768xf32>
      %swap3A = arith.index_cast %scan3A_106 : i32 to index
      %swap3A_126 = arith.constant 0 : index
      %swap3A_127 = tpu.vector_load %arg8[%swap3A, %swap3A_126] {strides = array<i32>} : memref<32x768xf32, #tpu.memory_space<vmem>>, vector<1x768xf32>,
      %swap3A_128 = vector.shape_cast %swap3A_127 : vector<1x768xf32> to vector<768xf32>
      %swap3A_129 = vector.shape_cast %add3A_125 : vector<768xf32> to vector<1x768xf32>
      tpu.vector_store %arg8[%swap3A, %swap3A_126], %swap3A_129 {strides = array<i32>} : memref<32x768xf32, #tpu.memory_space<vmem>>, vector<1x768xf32>,
      %scan3A_130 = arith.constant 0 : i32
      scf.yield %scan3A_130 : i32
    }
    %scan3A_30 = arith.constant 32 : i32
    %add3A_31 = arith.constant 0 : i32
    %add3A_32 = arith.addi %mul3A_2, %add3A_31 : i32
    "tpu.region"() ({
      %run_scoped3A = tpu.sem_alloc : memref<!tpu.dma_semaphore, #tpu.memory_space<semaphore_mem>>
      %dma_start3A_106 = arith.constant 0 : i32
      %dma_start3A_107 = tpu.memref_slice %arg7[%add3A_32, %dma_start3A_106] : memref<4096x768xf32, #tpu.memory_space<hbm>> -> memref<32x768xf32, #tpu.memory_space<hbm>>
      %dma_start3A_108 = arith.constant 0 : i32
      %dma_start3A_109 = tpu.memref_slice %arg7[%add3A_32, %dma_start3A_108] : memref<4096x768xf32, #tpu.memory_space<hbm>> -> memref<32x768xf32, #tpu.memory_space<hbm>>
      tpu.enqueue_dma source(%arg8 : memref<32x768xf32, #tpu.memory_space<vmem>>) target(%dma_start3A_109 : memref<32x768xf32, #tpu.memory_space<hbm>>) target_semaphore(%run_scoped3A : memref<!tpu.dma_semaphore, #tpu.memory_space<semaphore_mem>>)
      %dma_wait3A_110 = arith.constant 0 : i32
      %dma_wait3A_111 = tpu.memref_slice %arg7[%add3A_32, %dma_wait3A_110] : memref<4096x768xf32, #tpu.memory_space<hbm>> -> memref<32x768xf32, #tpu.memory_space<hbm>>
      %dma_wait3A_112 = arith.constant 0 : i32
      %dma_wait3A_113 = tpu.memref_slice %arg7[%add3A_32, %dma_wait3A_112] : memref<4096x768xf32, #tpu.memory_space<hbm>> -> memref<32x768xf32, #tpu.memory_space<hbm>>
      tpu.wait_dma2 semaphore(%run_scoped3A : memref<!tpu.dma_semaphore, #tpu.memory_space<semaphore_mem>>) src(%arg8 : memref<32x768xf32, #tpu.memory_space<vmem>>) dst(%dma_wait3A_113 : memref<32x768xf32, #tpu.memory_space<hbm>>)
      tpu.yield
    }) : () -> ()
    %add3A_33 = arith.constant 64 : i32
    %add3A_34 = arith.addi %mul3A_2, %add3A_33 : i32
    "tpu.region"() ({
      %run_scoped3A = tpu.sem_alloc : memref<!tpu.dma_semaphore, #tpu.memory_space<semaphore_mem>>
      %dma_start3A_106 = tpu.memref_slice %arg3[%add3A_34] : memref<4096xi32, #tpu.memory_space<hbm>> -> memref<32xi32, #tpu.memory_space<hbm>>
      %dma_start3A_107 = tpu.memref_slice %arg3[%add3A_34] : memref<4096xi32, #tpu.memory_space<hbm>> -> memref<32xi32, #tpu.memory_space<hbm>>
      tpu.enqueue_dma source(%dma_start3A_107 : memref<32xi32, #tpu.memory_space<hbm>>) target(%arg12 : memref<32xi32, #tpu.memory_space<vmem>>) target_semaphore(%run_scoped3A : memref<!tpu.dma_semaphore, #tpu.memory_space<semaphore_mem>>)
      %dma_wait3A_108 = tpu.memref_slice %arg3[%add3A_34] : memref<4096xi32, #tpu.memory_space<hbm>> -> memref<32xi32, #tpu.memory_space<hbm>>
      %dma_wait3A_109 = tpu.memref_slice %arg3[%add3A_34] : memref<4096xi32, #tpu.memory_space<hbm>> -> memref<32xi32, #tpu.memory_space<hbm>>
      tpu.wait_dma2 semaphore(%run_scoped3A : memref<!tpu.dma_semaphore, #tpu.memory_space<semaphore_mem>>) src(%dma_wait3A_109 : memref<32xi32, #tpu.memory_space<hbm>>) dst(%arg12 : memref<32xi32, #tpu.memory_space<vmem>>)
      tpu.yield
    }) : () -> ()
    "tpu.region"() ({
      %run_scoped3A = tpu.sem_alloc : memref<!tpu.dma_semaphore, #tpu.memory_space<semaphore_mem>>
      %dma_start3A_106 = tpu.memref_slice %arg4[%add3A_34] : memref<4096xi32, #tpu.memory_space<hbm>> -> memref<32xi32, #tpu.memory_space<hbm>>
      %dma_start3A_107 = tpu.memref_slice %arg4[%add3A_34] : memref<4096xi32, #tpu.memory_space<hbm>> -> memref<32xi32, #tpu.memory_space<hbm>>
      tpu.enqueue_dma source(%dma_start3A_107 : memref<32xi32, #tpu.memory_space<hbm>>) target(%arg14 : memref<32xi32, #tpu.memory_space<vmem>>) target_semaphore(%run_scoped3A : memref<!tpu.dma_semaphore, #tpu.memory_space<semaphore_mem>>)
      %dma_wait3A_108 = tpu.memref_slice %arg4[%add3A_34] : memref<4096xi32, #tpu.memory_space<hbm>> -> memref<32xi32, #tpu.memory_space<hbm>>
      %dma_wait3A_109 = tpu.memref_slice %arg4[%add3A_34] : memref<4096xi32, #tpu.memory_space<hbm>> -> memref<32xi32, #tpu.memory_space<hbm>>
      tpu.wait_dma2 semaphore(%run_scoped3A : memref<!tpu.dma_semaphore, #tpu.memory_space<semaphore_mem>>) src(%dma_wait3A_109 : memref<32xi32, #tpu.memory_space<hbm>>) dst(%arg14 : memref<32xi32, #tpu.memory_space<vmem>>)
      tpu.yield
    }) : () -> ()
    %dma_start3A_35 = arith.constant 0 : i32
    %dma_start3A_36 = arith.constant 0 : i32
    %dma_start3A_37 = tpu.memref_slice %arg2[%dma_start3A_35, %dma_start3A_36] : memref<8192x768xf32, #tpu.memory_space<hbm>> -> memref<8192x768xf32, #tpu.memory_space<hbm>>
    tpu.enqueue_indirect_dma source(%dma_start3A_37 : memref<8192x768xf32, #tpu.memory_space<hbm>>) target(%arg8 : memref<32x768xf32, #tpu.memory_space<vmem>>) offsets(%arg12 : memref<32xi32, #tpu.memory_space<vmem>>) semaphore(%arg18 : memref<!tpu.dma_semaphore, #tpu.memory_space<semaphore_mem>>)
    %dma_start3A_38 = arith.constant 0 : i32
    %dma_start3A_39 = arith.constant 0 : i32
    %dma_start3A_40 = tpu.memref_slice %arg2[%dma_start3A_38, %dma_start3A_39] : memref<8192x768xf32, #tpu.memory_space<hbm>> -> memref<8192x768xf32, #tpu.memory_space<hbm>>
    tpu.enqueue_indirect_dma source(%dma_start3A_40 : memref<8192x768xf32, #tpu.memory_space<hbm>>) target(%arg10 : memref<32x768xf32, #tpu.memory_space<vmem>>) offsets(%arg14 : memref<32xi32, #tpu.memory_space<vmem>>) semaphore(%arg18 : memref<!tpu.dma_semaphore, #tpu.memory_space<semaphore_mem>>)
    %add3A_41 = arith.constant 32 : i32
    %add3A_42 = arith.addi %mul3A_2, %add3A_41 : i32
    "tpu.region"() ({
      %run_scoped3A = tpu.sem_alloc : memref<!tpu.dma_semaphore, #tpu.memory_space<semaphore_mem>>
      %dma_start3A_106 = tpu.memref_slice %arg5[%add3A_42] : memref<4096xf32, #tpu.memory_space<hbm>> -> memref<32xf32, #tpu.memory_space<hbm>>
      %dma_start3A_107 = tpu.memref_slice %arg5[%add3A_42] : memref<4096xf32, #tpu.memory_space<hbm>> -> memref<32xf32, #tpu.memory_space<hbm>>
      tpu.enqueue_dma source(%dma_start3A_107 : memref<32xf32, #tpu.memory_space<hbm>>) target(%arg16 : memref<32xf32, #tpu.memory_space<vmem>>) target_semaphore(%run_scoped3A : memref<!tpu.dma_semaphore, #tpu.memory_space<semaphore_mem>>)
      %dma_wait3A_108 = tpu.memref_slice %arg5[%add3A_42] : memref<4096xf32, #tpu.memory_space<hbm>> -> memref<32xf32, #tpu.memory_space<hbm>>
      %dma_wait3A_109 = tpu.memref_slice %arg5[%add3A_42] : memref<4096xf32, #tpu.memory_space<hbm>> -> memref<32xf32, #tpu.memory_space<hbm>>
      tpu.wait_dma2 semaphore(%run_scoped3A : memref<!tpu.dma_semaphore, #tpu.memory_space<semaphore_mem>>) src(%dma_wait3A_109 : memref<32xf32, #tpu.memory_space<hbm>>) dst(%arg16 : memref<32xf32, #tpu.memory_space<vmem>>)
      tpu.yield
    }) : () -> ()
    %add3A_43 = arith.constant 32 : i32
    %add3A_44 = arith.addi %mul3A_2, %add3A_43 : i32
    "tpu.region"() ({
      %run_scoped3A = tpu.sem_alloc : memref<!tpu.dma_semaphore, #tpu.memory_space<semaphore_mem>>
      %dma_start3A_106 = tpu.memref_slice %arg6[%add3A_44] : memref<4096xf32, #tpu.memory_space<hbm>> -> memref<32xf32, #tpu.memory_space<hbm>>
      %dma_start3A_107 = tpu.memref_slice %arg6[%add3A_44] : memref<4096xf32, #tpu.memory_space<hbm>> -> memref<32xf32, #tpu.memory_space<hbm>>
      tpu.enqueue_dma source(%dma_start3A_107 : memref<32xf32, #tpu.memory_space<hbm>>) target(%arg17 : memref<32xf32, #tpu.memory_space<vmem>>) target_semaphore(%run_scoped3A : memref<!tpu.dma_semaphore, #tpu.memory_space<semaphore_mem>>)
      %dma_wait3A_108 = tpu.memref_slice %arg6[%add3A_44] : memref<4096xf32, #tpu.memory_space<hbm>> -> memref<32xf32, #tpu.memory_space<hbm>>
      %dma_wait3A_109 = tpu.memref_slice %arg6[%add3A_44] : memref<4096xf32, #tpu.memory_space<hbm>> -> memref<32xf32, #tpu.memory_space<hbm>>
      tpu.wait_dma2 semaphore(%run_scoped3A : memref<!tpu.dma_semaphore, #tpu.memory_space<semaphore_mem>>) src(%dma_wait3A_109 : memref<32xf32, #tpu.memory_space<hbm>>) dst(%arg17 : memref<32xf32, #tpu.memory_space<vmem>>)
      tpu.yield
    }) : () -> ()
    %dma_wait3A_45 = arith.constant 0 : i32
    %dma_wait3A_46 = arith.constant 0 : i32
    %dma_wait3A_47 = tpu.memref_slice %arg2[%dma_wait3A_45, %dma_wait3A_46] : memref<8192x768xf32, #tpu.memory_space<hbm>> -> memref<8192x768xf32, #tpu.memory_space<hbm>>
    tpu.wait_indirect_dma semaphore(%arg18 : memref<!tpu.dma_semaphore, #tpu.memory_space<semaphore_mem>>) src(%dma_wait3A_47 : memref<8192x768xf32, #tpu.memory_space<hbm>>) dst(%arg9 : memref<32x768xf32, #tpu.memory_space<vmem>>)
    %dma_wait3A_48 = arith.constant 0 : i32
    %dma_wait3A_49 = arith.constant 0 : i32
    %dma_wait3A_50 = tpu.memref_slice %arg2[%dma_wait3A_48, %dma_wait3A_49] : memref<8192x768xf32, #tpu.memory_space<hbm>> -> memref<8192x768xf32, #tpu.memory_space<hbm>>
    tpu.wait_indirect_dma semaphore(%arg18 : memref<!tpu.dma_semaphore, #tpu.memory_space<semaphore_mem>>) src(%dma_wait3A_50 : memref<8192x768xf32, #tpu.memory_space<hbm>>) dst(%arg11 : memref<32x768xf32, #tpu.memory_space<vmem>>)
    %scan3A_51 = arith.constant 0 : i32
    %scan3A_52 = arith.constant 0 : i32
    %scan3A_53 = arith.constant 32 : i32
    %scan3A_54 = arith.addi %scan3A_52, %scan3A_53 : i32
    %scan3A_55 = arith.constant 1 : i32
    %scan3A_56 = scf.for %scan3A_106 = %scan3A_52 to %scan3A_54 step %scan3A_55 iter_args(%scan3A_107 = %scan3A_51) -> (i32)  : i32 {
      %get3A = arith.index_cast %scan3A_106 : i32 to index
      %get3A_108 = tpu.vector_load %arg16[%get3A] {strides = array<i32>} : memref<32xf32, #tpu.memory_space<vmem>>, vector<1xf32>,
      %get3A_109 = vector.shape_cast %get3A_108 : vector<1xf32> to vector<1xf32>
      %get3A_110 = arith.index_cast %scan3A_106 : i32 to index
      %get3A_111 = tpu.vector_load %arg17[%get3A_110] {strides = array<i32>} : memref<32xf32, #tpu.memory_space<vmem>>, vector<1xf32>,
      %get3A_112 = vector.shape_cast %get3A_111 : vector<1xf32> to vector<1xf32>
      %get3A_113 = arith.index_cast %scan3A_106 : i32 to index
      %get3A_114 = arith.constant 0 : index
      %get3A_115 = tpu.vector_load %arg9[%get3A_113, %get3A_114] {strides = array<i32>} : memref<32x768xf32, #tpu.memory_space<vmem>>, vector<1x768xf32>,
      %get3A_116 = vector.shape_cast %get3A_115 : vector<1x768xf32> to vector<768xf32>
      %mul3A_117 = vector.broadcast %get3A_109 : vector<1xf32> to vector<768xf32>
      %mul3A_118 = arith.mulf %get3A_116, %mul3A_117 : vector<768xf32>
      %get3A_119 = arith.index_cast %scan3A_106 : i32 to index
      %get3A_120 = arith.constant 0 : index
      %get3A_121 = tpu.vector_load %arg11[%get3A_119, %get3A_120] {strides = array<i32>} : memref<32x768xf32, #tpu.memory_space<vmem>>, vector<1x768xf32>,
      %get3A_122 = vector.shape_cast %get3A_121 : vector<1x768xf32> to vector<768xf32>
      %mul3A_123 = vector.broadcast %get3A_112 : vector<1xf32> to vector<768xf32>
      %mul3A_124 = arith.mulf %get3A_122, %mul3A_123 : vector<768xf32>
      %add3A_125 = arith.addf %mul3A_118, %mul3A_124 : vector<768xf32>
      %swap3A = arith.index_cast %scan3A_106 : i32 to index
      %swap3A_126 = arith.constant 0 : index
      %swap3A_127 = tpu.vector_load %arg9[%swap3A, %swap3A_126] {strides = array<i32>} : memref<32x768xf32, #tpu.memory_space<vmem>>, vector<1x768xf32>,
      %swap3A_128 = vector.shape_cast %swap3A_127 : vector<1x768xf32> to vector<768xf32>
      %swap3A_129 = vector.shape_cast %add3A_125 : vector<768xf32> to vector<1x768xf32>
      tpu.vector_store %arg9[%swap3A, %swap3A_126], %swap3A_129 {strides = array<i32>} : memref<32x768xf32, #tpu.memory_space<vmem>>, vector<1x768xf32>,
      %scan3A_130 = arith.constant 0 : i32
      scf.yield %scan3A_130 : i32
    }
    %scan3A_57 = arith.constant 32 : i32
    %add3A_58 = arith.constant 32 : i32
    %add3A_59 = arith.addi %mul3A_2, %add3A_58 : i32
    "tpu.region"() ({
      %run_scoped3A = tpu.sem_alloc : memref<!tpu.dma_semaphore, #tpu.memory_space<semaphore_mem>>
      %dma_start3A_106 = arith.constant 0 : i32
      %dma_start3A_107 = tpu.memref_slice %arg7[%add3A_59, %dma_start3A_106] : memref<4096x768xf32, #tpu.memory_space<hbm>> -> memref<32x768xf32, #tpu.memory_space<hbm>>
      %dma_start3A_108 = arith.constant 0 : i32
      %dma_start3A_109 = tpu.memref_slice %arg7[%add3A_59, %dma_start3A_108] : memref<4096x768xf32, #tpu.memory_space<hbm>> -> memref<32x768xf32, #tpu.memory_space<hbm>>
      tpu.enqueue_dma source(%arg9 : memref<32x768xf32, #tpu.memory_space<vmem>>) target(%dma_start3A_109 : memref<32x768xf32, #tpu.memory_space<hbm>>) target_semaphore(%run_scoped3A : memref<!tpu.dma_semaphore, #tpu.memory_space<semaphore_mem>>)
      %dma_wait3A_110 = arith.constant 0 : i32
      %dma_wait3A_111 = tpu.memref_slice %arg7[%add3A_59, %dma_wait3A_110] : memref<4096x768xf32, #tpu.memory_space<hbm>> -> memref<32x768xf32, #tpu.memory_space<hbm>>
      %dma_wait3A_112 = arith.constant 0 : i32
      %dma_wait3A_113 = tpu.memref_slice %arg7[%add3A_59, %dma_wait3A_112] : memref<4096x768xf32, #tpu.memory_space<hbm>> -> memref<32x768xf32, #tpu.memory_space<hbm>>
      tpu.wait_dma2 semaphore(%run_scoped3A : memref<!tpu.dma_semaphore, #tpu.memory_space<semaphore_mem>>) src(%arg9 : memref<32x768xf32, #tpu.memory_space<vmem>>) dst(%dma_wait3A_113 : memref<32x768xf32, #tpu.memory_space<hbm>>)
      tpu.yield
    }) : () -> ()
    %add3A_60 = arith.constant 96 : i32
    %add3A_61 = arith.addi %mul3A_2, %add3A_60 : i32
    "tpu.region"() ({
      %run_scoped3A = tpu.sem_alloc : memref<!tpu.dma_semaphore, #tpu.memory_space<semaphore_mem>>
      %dma_start3A_106 = tpu.memref_slice %arg3[%add3A_61] : memref<4096xi32, #tpu.memory_space<hbm>> -> memref<32xi32, #tpu.memory_space<hbm>>
      %dma_start3A_107 = tpu.memref_slice %arg3[%add3A_61] : memref<4096xi32, #tpu.memory_space<hbm>> -> memref<32xi32, #tpu.memory_space<hbm>>
      tpu.enqueue_dma source(%dma_start3A_107 : memref<32xi32, #tpu.memory_space<hbm>>) target(%arg13 : memref<32xi32, #tpu.memory_space<vmem>>) target_semaphore(%run_scoped3A : memref<!tpu.dma_semaphore, #tpu.memory_space<semaphore_mem>>)
      %dma_wait3A_108 = tpu.memref_slice %arg3[%add3A_61] : memref<4096xi32, #tpu.memory_space<hbm>> -> memref<32xi32, #tpu.memory_space<hbm>>
      %dma_wait3A_109 = tpu.memref_slice %arg3[%add3A_61] : memref<4096xi32, #tpu.memory_space<hbm>> -> memref<32xi32, #tpu.memory_space<hbm>>
      tpu.wait_dma2 semaphore(%run_scoped3A : memref<!tpu.dma_semaphore, #tpu.memory_space<semaphore_mem>>) src(%dma_wait3A_109 : memref<32xi32, #tpu.memory_space<hbm>>) dst(%arg13 : memref<32xi32, #tpu.memory_space<vmem>>)
      tpu.yield
    }) : () -> ()
    "tpu.region"() ({
      %run_scoped3A = tpu.sem_alloc : memref<!tpu.dma_semaphore, #tpu.memory_space<semaphore_mem>>
      %dma_start3A_106 = tpu.memref_slice %arg4[%add3A_61] : memref<4096xi32, #tpu.memory_space<hbm>> -> memref<32xi32, #tpu.memory_space<hbm>>
      %dma_start3A_107 = tpu.memref_slice %arg4[%add3A_61] : memref<4096xi32, #tpu.memory_space<hbm>> -> memref<32xi32, #tpu.memory_space<hbm>>
      tpu.enqueue_dma source(%dma_start3A_107 : memref<32xi32, #tpu.memory_space<hbm>>) target(%arg15 : memref<32xi32, #tpu.memory_space<vmem>>) target_semaphore(%run_scoped3A : memref<!tpu.dma_semaphore, #tpu.memory_space<semaphore_mem>>)
      %dma_wait3A_108 = tpu.memref_slice %arg4[%add3A_61] : memref<4096xi32, #tpu.memory_space<hbm>> -> memref<32xi32, #tpu.memory_space<hbm>>
      %dma_wait3A_109 = tpu.memref_slice %arg4[%add3A_61] : memref<4096xi32, #tpu.memory_space<hbm>> -> memref<32xi32, #tpu.memory_space<hbm>>
      tpu.wait_dma2 semaphore(%run_scoped3A : memref<!tpu.dma_semaphore, #tpu.memory_space<semaphore_mem>>) src(%dma_wait3A_109 : memref<32xi32, #tpu.memory_space<hbm>>) dst(%arg15 : memref<32xi32, #tpu.memory_space<vmem>>)
      tpu.yield
    }) : () -> ()
    %dma_start3A_62 = arith.constant 0 : i32
    %dma_start3A_63 = arith.constant 0 : i32
    %dma_start3A_64 = tpu.memref_slice %arg2[%dma_start3A_62, %dma_start3A_63] : memref<8192x768xf32, #tpu.memory_space<hbm>> -> memref<8192x768xf32, #tpu.memory_space<hbm>>
    tpu.enqueue_indirect_dma source(%dma_start3A_64 : memref<8192x768xf32, #tpu.memory_space<hbm>>) target(%arg9 : memref<32x768xf32, #tpu.memory_space<vmem>>) offsets(%arg13 : memref<32xi32, #tpu.memory_space<vmem>>) semaphore(%arg18 : memref<!tpu.dma_semaphore, #tpu.memory_space<semaphore_mem>>)
    %dma_start3A_65 = arith.constant 0 : i32
    %dma_start3A_66 = arith.constant 0 : i32
    %dma_start3A_67 = tpu.memref_slice %arg2[%dma_start3A_65, %dma_start3A_66] : memref<8192x768xf32, #tpu.memory_space<hbm>> -> memref<8192x768xf32, #tpu.memory_space<hbm>>
    tpu.enqueue_indirect_dma source(%dma_start3A_67 : memref<8192x768xf32, #tpu.memory_space<hbm>>) target(%arg11 : memref<32x768xf32, #tpu.memory_space<vmem>>) offsets(%arg15 : memref<32xi32, #tpu.memory_space<vmem>>) semaphore(%arg18 : memref<!tpu.dma_semaphore, #tpu.memory_space<semaphore_mem>>)
    %add3A_68 = arith.constant 64 : i32
    %add3A_69 = arith.addi %mul3A_2, %add3A_68 : i32
    "tpu.region"() ({
      %run_scoped3A = tpu.sem_alloc : memref<!tpu.dma_semaphore, #tpu.memory_space<semaphore_mem>>
      %dma_start3A_106 = tpu.memref_slice %arg5[%add3A_69] : memref<4096xf32, #tpu.memory_space<hbm>> -> memref<32xf32, #tpu.memory_space<hbm>>
      %dma_start3A_107 = tpu.memref_slice %arg5[%add3A_69] : memref<4096xf32, #tpu.memory_space<hbm>> -> memref<32xf32, #tpu.memory_space<hbm>>
      tpu.enqueue_dma source(%dma_start3A_107 : memref<32xf32, #tpu.memory_space<hbm>>) target(%arg16 : memref<32xf32, #tpu.memory_space<vmem>>) target_semaphore(%run_scoped3A : memref<!tpu.dma_semaphore, #tpu.memory_space<semaphore_mem>>)
      %dma_wait3A_108 = tpu.memref_slice %arg5[%add3A_69] : memref<4096xf32, #tpu.memory_space<hbm>> -> memref<32xf32, #tpu.memory_space<hbm>>
      %dma_wait3A_109 = tpu.memref_slice %arg5[%add3A_69] : memref<4096xf32, #tpu.memory_space<hbm>> -> memref<32xf32, #tpu.memory_space<hbm>>
      tpu.wait_dma2 semaphore(%run_scoped3A : memref<!tpu.dma_semaphore, #tpu.memory_space<semaphore_mem>>) src(%dma_wait3A_109 : memref<32xf32, #tpu.memory_space<hbm>>) dst(%arg16 : memref<32xf32, #tpu.memory_space<vmem>>)
      tpu.yield
    }) : () -> ()
    %add3A_70 = arith.constant 64 : i32
    %add3A_71 = arith.addi %mul3A_2, %add3A_70 : i32
    "tpu.region"() ({
      %run_scoped3A = tpu.sem_alloc : memref<!tpu.dma_semaphore, #tpu.memory_space<semaphore_mem>>
      %dma_start3A_106 = tpu.memref_slice %arg6[%add3A_71] : memref<4096xf32, #tpu.memory_space<hbm>> -> memref<32xf32, #tpu.memory_space<hbm>>
      %dma_start3A_107 = tpu.memref_slice %arg6[%add3A_71] : memref<4096xf32, #tpu.memory_space<hbm>> -> memref<32xf32, #tpu.memory_space<hbm>>
      tpu.enqueue_dma source(%dma_start3A_107 : memref<32xf32, #tpu.memory_space<hbm>>) target(%arg17 : memref<32xf32, #tpu.memory_space<vmem>>) target_semaphore(%run_scoped3A : memref<!tpu.dma_semaphore, #tpu.memory_space<semaphore_mem>>)
      %dma_wait3A_108 = tpu.memref_slice %arg6[%add3A_71] : memref<4096xf32, #tpu.memory_space<hbm>> -> memref<32xf32, #tpu.memory_space<hbm>>
      %dma_wait3A_109 = tpu.memref_slice %arg6[%add3A_71] : memref<4096xf32, #tpu.memory_space<hbm>> -> memref<32xf32, #tpu.memory_space<hbm>>
      tpu.wait_dma2 semaphore(%run_scoped3A : memref<!tpu.dma_semaphore, #tpu.memory_space<semaphore_mem>>) src(%dma_wait3A_109 : memref<32xf32, #tpu.memory_space<hbm>>) dst(%arg17 : memref<32xf32, #tpu.memory_space<vmem>>)
      tpu.yield
    }) : () -> ()
    %dma_wait3A_72 = arith.constant 0 : i32
    %dma_wait3A_73 = arith.constant 0 : i32
    %dma_wait3A_74 = tpu.memref_slice %arg2[%dma_wait3A_72, %dma_wait3A_73] : memref<8192x768xf32, #tpu.memory_space<hbm>> -> memref<8192x768xf32, #tpu.memory_space<hbm>>
    tpu.wait_indirect_dma semaphore(%arg18 : memref<!tpu.dma_semaphore, #tpu.memory_space<semaphore_mem>>) src(%dma_wait3A_74 : memref<8192x768xf32, #tpu.memory_space<hbm>>) dst(%arg8 : memref<32x768xf32, #tpu.memory_space<vmem>>)
    %dma_wait3A_75 = arith.constant 0 : i32
    %dma_wait3A_76 = arith.constant 0 : i32
    %dma_wait3A_77 = tpu.memref_slice %arg2[%dma_wait3A_75, %dma_wait3A_76] : memref<8192x768xf32, #tpu.memory_space<hbm>> -> memref<8192x768xf32, #tpu.memory_space<hbm>>
    tpu.wait_indirect_dma semaphore(%arg18 : memref<!tpu.dma_semaphore, #tpu.memory_space<semaphore_mem>>) src(%dma_wait3A_77 : memref<8192x768xf32, #tpu.memory_space<hbm>>) dst(%arg10 : memref<32x768xf32, #tpu.memory_space<vmem>>)
    %scan3A_78 = arith.constant 0 : i32
    %scan3A_79 = arith.constant 0 : i32
    %scan3A_80 = arith.constant 32 : i32
    %scan3A_81 = arith.addi %scan3A_79, %scan3A_80 : i32
    %scan3A_82 = arith.constant 1 : i32
    %scan3A_83 = scf.for %scan3A_106 = %scan3A_79 to %scan3A_81 step %scan3A_82 iter_args(%scan3A_107 = %scan3A_78) -> (i32)  : i32 {
      %get3A = arith.index_cast %scan3A_106 : i32 to index
      %get3A_108 = tpu.vector_load %arg16[%get3A] {strides = array<i32>} : memref<32xf32, #tpu.memory_space<vmem>>, vector<1xf32>,
      %get3A_109 = vector.shape_cast %get3A_108 : vector<1xf32> to vector<1xf32>
      %get3A_110 = arith.index_cast %scan3A_106 : i32 to index
      %get3A_111 = tpu.vector_load %arg17[%get3A_110] {strides = array<i32>} : memref<32xf32, #tpu.memory_space<vmem>>, vector<1xf32>,
      %get3A_112 = vector.shape_cast %get3A_111 : vector<1xf32> to vector<1xf32>
      %get3A_113 = arith.index_cast %scan3A_106 : i32 to index
      %get3A_114 = arith.constant 0 : index
      %get3A_115 = tpu.vector_load %arg8[%get3A_113, %get3A_114] {strides = array<i32>} : memref<32x768xf32, #tpu.memory_space<vmem>>, vector<1x768xf32>,
      %get3A_116 = vector.shape_cast %get3A_115 : vector<1x768xf32> to vector<768xf32>
      %mul3A_117 = vector.broadcast %get3A_109 : vector<1xf32> to vector<768xf32>
      %mul3A_118 = arith.mulf %get3A_116, %mul3A_117 : vector<768xf32>
      %get3A_119 = arith.index_cast %scan3A_106 : i32 to index
      %get3A_120 = arith.constant 0 : index
      %get3A_121 = tpu.vector_load %arg10[%get3A_119, %get3A_120] {strides = array<i32>} : memref<32x768xf32, #tpu.memory_space<vmem>>, vector<1x768xf32>,
      %get3A_122 = vector.shape_cast %get3A_121 : vector<1x768xf32> to vector<768xf32>
      %mul3A_123 = vector.broadcast %get3A_112 : vector<1xf32> to vector<768xf32>
      %mul3A_124 = arith.mulf %get3A_122, %mul3A_123 : vector<768xf32>
      %add3A_125 = arith.addf %mul3A_118, %mul3A_124 : vector<768xf32>
      %swap3A = arith.index_cast %scan3A_106 : i32 to index
      %swap3A_126 = arith.constant 0 : index
      %swap3A_127 = tpu.vector_load %arg8[%swap3A, %swap3A_126] {strides = array<i32>} : memref<32x768xf32, #tpu.memory_space<vmem>>, vector<1x768xf32>,
      %swap3A_128 = vector.shape_cast %swap3A_127 : vector<1x768xf32> to vector<768xf32>
      %swap3A_129 = vector.shape_cast %add3A_125 : vector<768xf32> to vector<1x768xf32>
      tpu.vector_store %arg8[%swap3A, %swap3A_126], %swap3A_129 {strides = array<i32>} : memref<32x768xf32, #tpu.memory_space<vmem>>, vector<1x768xf32>,
      %scan3A_130 = arith.constant 0 : i32
      scf.yield %scan3A_130 : i32
    }
    %scan3A_84 = arith.constant 32 : i32
    %add3A_85 = arith.constant 64 : i32
    %add3A_86 = arith.addi %mul3A_2, %add3A_85 : i32
    "tpu.region"() ({
      %run_scoped3A = tpu.sem_alloc : memref<!tpu.dma_semaphore, #tpu.memory_space<semaphore_mem>>
      %dma_start3A_106 = arith.constant 0 : i32
      %dma_start3A_107 = tpu.memref_slice %arg7[%add3A_86, %dma_start3A_106] : memref<4096x768xf32, #tpu.memory_space<hbm>> -> memref<32x768xf32, #tpu.memory_space<hbm>>
      %dma_start3A_108 = arith.constant 0 : i32
      %dma_start3A_109 = tpu.memref_slice %arg7[%add3A_86, %dma_start3A_108] : memref<4096x768xf32, #tpu.memory_space<hbm>> -> memref<32x768xf32, #tpu.memory_space<hbm>>
      tpu.enqueue_dma source(%arg8 : memref<32x768xf32, #tpu.memory_space<vmem>>) target(%dma_start3A_109 : memref<32x768xf32, #tpu.memory_space<hbm>>) target_semaphore(%run_scoped3A : memref<!tpu.dma_semaphore, #tpu.memory_space<semaphore_mem>>)
      %dma_wait3A_110 = arith.constant 0 : i32
      %dma_wait3A_111 = tpu.memref_slice %arg7[%add3A_86, %dma_wait3A_110] : memref<4096x768xf32, #tpu.memory_space<hbm>> -> memref<32x768xf32, #tpu.memory_space<hbm>>
      %dma_wait3A_112 = arith.constant 0 : i32
      %dma_wait3A_113 = tpu.memref_slice %arg7[%add3A_86, %dma_wait3A_112] : memref<4096x768xf32, #tpu.memory_space<hbm>> -> memref<32x768xf32, #tpu.memory_space<hbm>>
      tpu.wait_dma2 semaphore(%run_scoped3A : memref<!tpu.dma_semaphore, #tpu.memory_space<semaphore_mem>>) src(%arg8 : memref<32x768xf32, #tpu.memory_space<vmem>>) dst(%dma_wait3A_113 : memref<32x768xf32, #tpu.memory_space<hbm>>)
      tpu.yield
    }) : () -> ()
    %add3A_87 = arith.constant 96 : i32
    %add3A_88 = arith.addi %mul3A_2, %add3A_87 : i32
    "tpu.region"() ({
      %run_scoped3A = tpu.sem_alloc : memref<!tpu.dma_semaphore, #tpu.memory_space<semaphore_mem>>
      %dma_start3A_106 = tpu.memref_slice %arg5[%add3A_88] : memref<4096xf32, #tpu.memory_space<hbm>> -> memref<32xf32, #tpu.memory_space<hbm>>
      %dma_start3A_107 = tpu.memref_slice %arg5[%add3A_88] : memref<4096xf32, #tpu.memory_space<hbm>> -> memref<32xf32, #tpu.memory_space<hbm>>
      tpu.enqueue_dma source(%dma_start3A_107 : memref<32xf32, #tpu.memory_space<hbm>>) target(%arg16 : memref<32xf32, #tpu.memory_space<vmem>>) target_semaphore(%run_scoped3A : memref<!tpu.dma_semaphore, #tpu.memory_space<semaphore_mem>>)
      %dma_wait3A_108 = tpu.memref_slice %arg5[%add3A_88] : memref<4096xf32, #tpu.memory_space<hbm>> -> memref<32xf32, #tpu.memory_space<hbm>>
      %dma_wait3A_109 = tpu.memref_slice %arg5[%add3A_88] : memref<4096xf32, #tpu.memory_space<hbm>> -> memref<32xf32, #tpu.memory_space<hbm>>
      tpu.wait_dma2 semaphore(%run_scoped3A : memref<!tpu.dma_semaphore, #tpu.memory_space<semaphore_mem>>) src(%dma_wait3A_109 : memref<32xf32, #tpu.memory_space<hbm>>) dst(%arg16 : memref<32xf32, #tpu.memory_space<vmem>>)
      tpu.yield
    }) : () -> ()
    %add3A_89 = arith.constant 96 : i32
    %add3A_90 = arith.addi %mul3A_2, %add3A_89 : i32
    "tpu.region"() ({
      %run_scoped3A = tpu.sem_alloc : memref<!tpu.dma_semaphore, #tpu.memory_space<semaphore_mem>>
      %dma_start3A_106 = tpu.memref_slice %arg6[%add3A_90] : memref<4096xf32, #tpu.memory_space<hbm>> -> memref<32xf32, #tpu.memory_space<hbm>>
      %dma_start3A_107 = tpu.memref_slice %arg6[%add3A_90] : memref<4096xf32, #tpu.memory_space<hbm>> -> memref<32xf32, #tpu.memory_space<hbm>>
      tpu.enqueue_dma source(%dma_start3A_107 : memref<32xf32, #tpu.memory_space<hbm>>) target(%arg17 : memref<32xf32, #tpu.memory_space<vmem>>) target_semaphore(%run_scoped3A : memref<!tpu.dma_semaphore, #tpu.memory_space<semaphore_mem>>)
      %dma_wait3A_108 = tpu.memref_slice %arg6[%add3A_90] : memref<4096xf32, #tpu.memory_space<hbm>> -> memref<32xf32, #tpu.memory_space<hbm>>
      %dma_wait3A_109 = tpu.memref_slice %arg6[%add3A_90] : memref<4096xf32, #tpu.memory_space<hbm>> -> memref<32xf32, #tpu.memory_space<hbm>>
      tpu.wait_dma2 semaphore(%run_scoped3A : memref<!tpu.dma_semaphore, #tpu.memory_space<semaphore_mem>>) src(%dma_wait3A_109 : memref<32xf32, #tpu.memory_space<hbm>>) dst(%arg17 : memref<32xf32, #tpu.memory_space<vmem>>)
      tpu.yield
    }) : () -> ()
    %dma_wait3A_91 = arith.constant 0 : i32
    %dma_wait3A_92 = arith.constant 0 : i32
    %dma_wait3A_93 = tpu.memref_slice %arg2[%dma_wait3A_91, %dma_wait3A_92] : memref<8192x768xf32, #tpu.memory_space<hbm>> -> memref<8192x768xf32, #tpu.memory_space<hbm>>
    tpu.wait_indirect_dma semaphore(%arg18 : memref<!tpu.dma_semaphore, #tpu.memory_space<semaphore_mem>>) src(%dma_wait3A_93 : memref<8192x768xf32, #tpu.memory_space<hbm>>) dst(%arg9 : memref<32x768xf32, #tpu.memory_space<vmem>>)
    %dma_wait3A_94 = arith.constant 0 : i32
    %dma_wait3A_95 = arith.constant 0 : i32
    %dma_wait3A_96 = tpu.memref_slice %arg2[%dma_wait3A_94, %dma_wait3A_95] : memref<8192x768xf32, #tpu.memory_space<hbm>> -> memref<8192x768xf32, #tpu.memory_space<hbm>>
    tpu.wait_indirect_dma semaphore(%arg18 : memref<!tpu.dma_semaphore, #tpu.memory_space<semaphore_mem>>) src(%dma_wait3A_96 : memref<8192x768xf32, #tpu.memory_space<hbm>>) dst(%arg11 : memref<32x768xf32, #tpu.memory_space<vmem>>)
    %scan3A_97 = arith.constant 0 : i32
    %scan3A_98 = arith.constant 0 : i32
    %scan3A_99 = arith.constant 32 : i32
    %scan3A_100 = arith.addi %scan3A_98, %scan3A_99 : i32
    %scan3A_101 = arith.constant 1 : i32
    %scan3A_102 = scf.for %scan3A_106 = %scan3A_98 to %scan3A_100 step %scan3A_101 iter_args(%scan3A_107 = %scan3A_97) -> (i32)  : i32 {
      %get3A = arith.index_cast %scan3A_106 : i32 to index
      %get3A_108 = tpu.vector_load %arg16[%get3A] {strides = array<i32>} : memref<32xf32, #tpu.memory_space<vmem>>, vector<1xf32>,
      %get3A_109 = vector.shape_cast %get3A_108 : vector<1xf32> to vector<1xf32>
      %get3A_110 = arith.index_cast %scan3A_106 : i32 to index
      %get3A_111 = tpu.vector_load %arg17[%get3A_110] {strides = array<i32>} : memref<32xf32, #tpu.memory_space<vmem>>, vector<1xf32>,
      %get3A_112 = vector.shape_cast %get3A_111 : vector<1xf32> to vector<1xf32>
      %get3A_113 = arith.index_cast %scan3A_106 : i32 to index
      %get3A_114 = arith.constant 0 : index
      %get3A_115 = tpu.vector_load %arg9[%get3A_113, %get3A_114] {strides = array<i32>} : memref<32x768xf32, #tpu.memory_space<vmem>>, vector<1x768xf32>,
      %get3A_116 = vector.shape_cast %get3A_115 : vector<1x768xf32> to vector<768xf32>
      %mul3A_117 = vector.broadcast %get3A_109 : vector<1xf32> to vector<768xf32>
      %mul3A_118 = arith.mulf %get3A_116, %mul3A_117 : vector<768xf32>
      %get3A_119 = arith.index_cast %scan3A_106 : i32 to index
      %get3A_120 = arith.constant 0 : index
      %get3A_121 = tpu.vector_load %arg11[%get3A_119, %get3A_120] {strides = array<i32>} : memref<32x768xf32, #tpu.memory_space<vmem>>, vector<1x768xf32>,
      %get3A_122 = vector.shape_cast %get3A_121 : vector<1x768xf32> to vector<768xf32>
      %mul3A_123 = vector.broadcast %get3A_112 : vector<1xf32> to vector<768xf32>
      %mul3A_124 = arith.mulf %get3A_122, %mul3A_123 : vector<768xf32>
      %add3A_125 = arith.addf %mul3A_118, %mul3A_124 : vector<768xf32>
      %swap3A = arith.index_cast %scan3A_106 : i32 to index
      %swap3A_126 = arith.constant 0 : index
      %swap3A_127 = tpu.vector_load %arg9[%swap3A, %swap3A_126] {strides = array<i32>} : memref<32x768xf32, #tpu.memory_space<vmem>>, vector<1x768xf32>,
      %swap3A_128 = vector.shape_cast %swap3A_127 : vector<1x768xf32> to vector<768xf32>
      %swap3A_129 = vector.shape_cast %add3A_125 : vector<768xf32> to vector<1x768xf32>
      tpu.vector_store %arg9[%swap3A, %swap3A_126], %swap3A_129 {strides = array<i32>} : memref<32x768xf32, #tpu.memory_space<vmem>>, vector<1x768xf32>,
      %scan3A_130 = arith.constant 0 : i32
      scf.yield %scan3A_130 : i32
    }
    %scan3A_103 = arith.constant 32 : i32
    %add3A_104 = arith.constant 96 : i32
    %add3A_105 = arith.addi %mul3A_2, %add3A_104 : i32
    "tpu.region"() ({
      %run_scoped3A = tpu.sem_alloc : memref<!tpu.dma_semaphore, #tpu.memory_space<semaphore_mem>>
      %dma_start3A_106 = arith.constant 0 : i32
      %dma_start3A_107 = tpu.memref_slice %arg7[%add3A_105, %dma_start3A_106] : memref<4096x768xf32, #tpu.memory_space<hbm>> -> memref<32x768xf32, #tpu.memory_space<hbm>>
      %dma_start3A_108 = arith.constant 0 : i32
      %dma_start3A_109 = tpu.memref_slice %arg7[%add3A_105, %dma_start3A_108] : memref<4096x768xf32, #tpu.memory_space<hbm>> -> memref<32x768xf32, #tpu.memory_space<hbm>>
      tpu.enqueue_dma source(%arg9 : memref<32x768xf32, #tpu.memory_space<vmem>>) target(%dma_start3A_109 : memref<32x768xf32, #tpu.memory_space<hbm>>) target_semaphore(%run_scoped3A : memref<!tpu.dma_semaphore, #tpu.memory_space<semaphore_mem>>)
      %dma_wait3A_110 = arith.constant 0 : i32
      %dma_wait3A_111 = tpu.memref_slice %arg7[%add3A_105, %dma_wait3A_110] : memref<4096x768xf32, #tpu.memory_space<hbm>> -> memref<32x768xf32, #tpu.memory_space<hbm>>
      %dma_wait3A_112 = arith.constant 0 : i32
      %dma_wait3A_113 = tpu.memref_slice %arg7[%add3A_105, %dma_wait3A_112] : memref<4096x768xf32, #tpu.memory_space<hbm>> -> memref<32x768xf32, #tpu.memory_space<hbm>>
      tpu.wait_dma2 semaphore(%run_scoped3A : memref<!tpu.dma_semaphore, #tpu.memory_space<semaphore_mem>>) src(%arg9 : memref<32x768xf32, #tpu.memory_space<vmem>>) dst(%dma_wait3A_113 : memref<32x768xf32, #tpu.memory_space<hbm>>)
      tpu.yield
    }) : () -> ()
    return
  }
}

module attributes {stable_mosaic.version = 14 : i64} {
  func.func @_route_body(%arg0: i32, %arg1: memref<256x768xf32, #tpu.memory_space<vmem>>, %arg2: memref<8x768xf32, #tpu.memory_space<vmem>>, %arg3: memref<1x8xf32, #tpu.memory_space<vmem>>, %arg4: memref<256x256xf32, #tpu.memory_space<vmem>>, %arg5: memref<1x64xf32, #tpu.memory_space<vmem>>, %arg6: memref<64x8xf32, #tpu.memory_space<vmem>>, %arg7: memref<256x8xf32, #tpu.memory_space<vmem>>, %arg8: memref<256x2xi32, #tpu.memory_space<vmem>>, %arg9: memref<256x2xf32, #tpu.memory_space<vmem>>, %arg10: memref<256x2xi32, #tpu.memory_space<vmem>>, %arg11: memref<1x8xf32, #tpu.memory_space<vmem>>, %arg12: memref<1x8xf32, #tpu.memory_space<vmem>>) attributes {dimension_semantics = [#tpu.dimension_semantics<arbitrary>], iteration_bounds = array<i64: 16>, scalar_prefetch = 0 : i64, scratch_operands = 1 : i64, tpu.core_type = #tpu.core_type<tc>, window_params = [{transform_indices = @transform_0, window_bounds = array<i64: 256, 768>}, {pipeline_mode = #tpu.pipeline_mode<synchronous>, transform_indices = @transform_1, window_bounds = array<i64: 8, 768>}, {pipeline_mode = #tpu.pipeline_mode<synchronous>, transform_indices = @transform_2, window_bounds = array<i64: 1, 8>}, {pipeline_mode = #tpu.pipeline_mode<synchronous>, transform_indices = @transform_3, window_bounds = array<i64: 256, 256>}, {pipeline_mode = #tpu.pipeline_mode<synchronous>, transform_indices = @transform_4, window_bounds = array<i64: 1, 64>}, {pipeline_mode = #tpu.pipeline_mode<synchronous>, transform_indices = @transform_5, window_bounds = array<i64: 64, 8>}, {transform_indices = @transform_6, window_bounds = array<i64: 256, 8>}, {transform_indices = @transform_7, window_bounds = array<i64: 256, 2>}, {transform_indices = @transform_8, window_bounds = array<i64: 256, 2>}, {transform_indices = @transform_9, window_bounds = array<i64: 256, 2>}, {pipeline_mode = #tpu.pipeline_mode<synchronous>, transform_indices = @transform_10, window_bounds = array<i64: 1, 8>}]} {
    %eq3A = arith.constant 0 : i32
    %eq3A_0 = arith.cmpi eq, %arg0, %eq3A : i32
    %convert_element_type3A = arith.extui %eq3A_0 : i1 to i32
    %cond3A = arith.constant 0 : i32
    %cond3A_1 = arith.cmpi ne, %convert_element_type3A, %cond3A : i32
    scf.if %cond3A_1 {
      %broadcast_in_dim3A_128 = arith.constant 0.000000e+00 : f32
      %broadcast_in_dim3A_129 = vector.broadcast %broadcast_in_dim3A_128 : f32 to vector<1x8xf32>
      %swap3A_130 = arith.constant 0 : index
      %swap3A_131 = arith.constant 0 : index
      %swap3A_132 = vector.load %arg12[%swap3A_130, %swap3A_131] : memref<1x8xf32, #tpu.memory_space<vmem>>, vector<1x8xf32>
      tpu.vector_store %arg12[%swap3A_130, %swap3A_131], %broadcast_in_dim3A_129 {strides = array<i32>} : memref<1x8xf32, #tpu.memory_space<vmem>>, vector<1x8xf32>,
    } else {
    }
    %get3A = arith.constant 0 : index
    %get3A_2 = arith.constant 0 : index
    %get3A_3 = vector.load %arg1[%get3A, %get3A_2] : memref<256x768xf32, #tpu.memory_space<vmem>>, vector<256x768xf32>
    %get3A_4 = arith.constant 0 : index
    %get3A_5 = arith.constant 0 : index
    %get3A_6 = vector.load %arg2[%get3A_4, %get3A_5] : memref<8x768xf32, #tpu.memory_space<vmem>>, vector<8x768xf32>
    %dot_general3A = arith.constant dense<0.000000e+00> : vector<256x8xf32>
    %dot_general3A_7 = tpu.matmul %get3A_3, %get3A_6, %dot_general3A {dimension_numbers = #tpu.dot_dimension_numbers<[1], [1], [0], [0], [0, 0, 1, 0], [], []>, transpose_lhs_hint = false} : vector<256x768xf32>, vector<8x768xf32>, vector<256x8xf32> -> vector<256x8xf32>
    %get3A_8 = arith.constant 0 : index
    %get3A_9 = arith.constant 0 : index
    %get3A_10 = vector.load %arg3[%get3A_8, %get3A_9] : memref<1x8xf32, #tpu.memory_space<vmem>>, vector<1x8xf32>
    %add3A = vector.broadcast %get3A_10 : vector<1x8xf32> to vector<256x8xf32>
    %add3A_11 = arith.addf %dot_general3A_7, %add3A : vector<256x8xf32>
    %swap3A = arith.constant 0 : index
    %swap3A_12 = arith.constant 0 : index
    %swap3A_13 = vector.load %arg7[%swap3A, %swap3A_12] : memref<256x8xf32, #tpu.memory_space<vmem>>, vector<256x8xf32>
    tpu.vector_store %arg7[%swap3A, %swap3A_12], %add3A_11 {strides = array<i32>} : memref<256x8xf32, #tpu.memory_space<vmem>>, vector<256x8xf32>,
    %broadcast_in_dim3A = vector.shape_cast %add3A_11 : vector<256x8xf32> to vector<256x8x1xf32>
    %broadcast_in_dim3A_14 = vector.broadcast %broadcast_in_dim3A : vector<256x8x1xf32> to vector<256x8x8xf32>
    %reshape3A = vector.shape_cast %broadcast_in_dim3A_14 : vector<256x8x8xf32> to vector<256x64xf32>
    %broadcast_in_dim3A_15 = vector.shape_cast %add3A_11 : vector<256x8xf32> to vector<256x1x8xf32>
    %broadcast_in_dim3A_16 = vector.broadcast %broadcast_in_dim3A_15 : vector<256x1x8xf32> to vector<256x8x8xf32>
    %reshape3A_17 = vector.shape_cast %broadcast_in_dim3A_16 : vector<256x8x8xf32> to vector<256x64xf32>
    %gt3A = arith.cmpf ogt, %reshape3A, %reshape3A_17 : vector<256x64xf32>
    %eq3A_18 = arith.cmpf oeq, %reshape3A, %reshape3A_17 : vector<256x64xf32>
    %get3A_19 = arith.constant 0 : index
    %get3A_20 = arith.constant 0 : index
    %get3A_21 = vector.load %arg5[%get3A_19, %get3A_20] : memref<1x64xf32, #tpu.memory_space<vmem>>, vector<1x64xf32>
    %jit3A = arith.constant 0.000000e+00 : f32
    %broadcast_in_dim3A_22 = vector.shape_cast %get3A_21 : vector<1x64xf32> to vector<1x64xf32>
    %broadcast_in_dim3A_23 = vector.broadcast %broadcast_in_dim3A_22 : vector<1x64xf32> to vector<256x64xf32>
    %broadcast_in_dim3A_24 = vector.broadcast %jit3A : f32 to vector<256x64xf32>
    %select_n3A = arith.select %eq3A_18, %broadcast_in_dim3A_23, %broadcast_in_dim3A_24 : vector<256x64xi1>, vector<256x64xf32>
    %jit3A_25 = arith.constant 1.000000e+00 : f32
    %broadcast_in_dim3A_26 = vector.broadcast %jit3A_25 : f32 to vector<256x64xf32>
    %select_n3A_27 = arith.select %gt3A, %broadcast_in_dim3A_26, %select_n3A : vector<256x64xi1>, vector<256x64xf32>
    %get3A_28 = arith.constant 0 : index
    %get3A_29 = arith.constant 0 : index
    %get3A_30 = vector.load %arg6[%get3A_28, %get3A_29] : memref<64x8xf32, #tpu.memory_space<vmem>>, vector<64x8xf32>
    %dot_general3A_31 = arith.constant dense<0.000000e+00> : vector<256x8xf32>
    %dot_general3A_32 = tpu.matmul %select_n3A_27, %get3A_30, %dot_general3A_31 {dimension_numbers = #tpu.dot_dimension_numbers<[1], [0], [0], [1], [0, 0, 1, 1], [], []>, transpose_lhs_hint = false} : vector<256x64xf32>, vector<64x8xf32>, vector<256x8xf32> -> vector<256x8xf32>
    %eq3A_33 = arith.constant 0.000000e+00 : f32
    %eq3A_34 = vector.broadcast %eq3A_33 : f32 to vector<256x8xf32>
    %eq3A_35 = arith.cmpf oeq, %dot_general3A_32, %eq3A_34 : vector<256x8xf32>
    %convert_element_type3A_36 = arith.extui %eq3A_35 : vector<256x8xi1> to vector<256x8xi32>
    %convert_element_type3A_37 = arith.sitofp %convert_element_type3A_36 : vector<256x8xi32> to vector<256x8xf32>
    %eq3A_38 = arith.constant 1.000000e+00 : f32
    %eq3A_39 = vector.broadcast %eq3A_38 : f32 to vector<256x8xf32>
    %eq3A_40 = arith.cmpf oeq, %dot_general3A_32, %eq3A_39 : vector<256x8xf32>
    %convert_element_type3A_41 = arith.extui %eq3A_40 : vector<256x8xi1> to vector<256x8xi32>
    %convert_element_type3A_42 = arith.sitofp %convert_element_type3A_41 : vector<256x8xi32> to vector<256x8xf32>
    %mul3A = arith.mulf %add3A_11, %convert_element_type3A_37 : vector<256x8xf32>
    %reduce_sum3A = arith.constant dense<0.000000e+00> : vector<256xf32>
    %reduce_sum3A_43 = vector.multi_reduction <add>, %mul3A, %reduce_sum3A [1] : vector<256x8xf32> to vector<256xf32>
    %broadcast_in_dim3A_44 = vector.shape_cast %reduce_sum3A_43 : vector<256xf32> to vector<256x1xf32>
    %mul3A_45 = arith.mulf %add3A_11, %convert_element_type3A_42 : vector<256x8xf32>
    %reduce_sum3A_46 = arith.constant dense<0.000000e+00> : vector<256xf32>
    %reduce_sum3A_47 = vector.multi_reduction <add>, %mul3A_45, %reduce_sum3A_46 [1] : vector<256x8xf32> to vector<256xf32>
    %broadcast_in_dim3A_48 = vector.shape_cast %reduce_sum3A_47 : vector<256xf32> to vector<256x1xf32>
    %sub3A = arith.subf %broadcast_in_dim3A_48, %broadcast_in_dim3A_44 : vector<256x1xf32>
    %exp3A = math.exp %sub3A : vector<256x1xf32>
    %add3A_49 = arith.constant 1.000000e+00 : f32
    %add3A_50 = vector.broadcast %add3A_49 : f32 to vector<256x1xf32>
    %add3A_51 = arith.addf %add3A_50, %exp3A : vector<256x1xf32>
    %div3A = arith.constant 1.000000e+00 : f32
    %div3A_52 = vector.broadcast %div3A : f32 to vector<256x1xf32>
    %div3A_53 = arith.divf %div3A_52, %add3A_51 : vector<256x1xf32>
    %iota3A = tpu.iota {dimensions = array<i32: 1>} : vector<256x8xi32>
    %convert_element_type3A_54 = arith.sitofp %iota3A : vector<256x8xi32> to vector<256x8xf32>
    %mul3A_55 = arith.mulf %convert_element_type3A_54, %convert_element_type3A_37 : vector<256x8xf32>
    %reduce_sum3A_56 = arith.constant dense<0.000000e+00> : vector<256xf32>
    %reduce_sum3A_57 = vector.multi_reduction <add>, %mul3A_55, %reduce_sum3A_56 [1] : vector<256x8xf32> to vector<256xf32>
    %broadcast_in_dim3A_58 = vector.shape_cast %reduce_sum3A_57 : vector<256xf32> to vector<256x1xf32>
    %mul3A_59 = arith.mulf %convert_element_type3A_54, %convert_element_type3A_42 : vector<256x8xf32>
    %reduce_sum3A_60 = arith.constant dense<0.000000e+00> : vector<256xf32>
    %reduce_sum3A_61 = vector.multi_reduction <add>, %mul3A_59, %reduce_sum3A_60 [1] : vector<256x8xf32> to vector<256xf32>
    %broadcast_in_dim3A_62 = vector.shape_cast %reduce_sum3A_61 : vector<256xf32> to vector<256x1xf32>
    %concatenate3A = tpu.concatenate %broadcast_in_dim3A_58, %broadcast_in_dim3A_62 in 1 : vector<256x1xf32>, vector<256x1xf32> -> vector<256x2xf32>
    %convert_element_type3A_63 = arith.fptosi %concatenate3A : vector<256x2xf32> to vector<256x2xi32>
    %swap3A_64 = arith.constant 0 : index
    %swap3A_65 = arith.constant 0 : index
    %swap3A_66 = vector.load %arg8[%swap3A_64, %swap3A_65] : memref<256x2xi32, #tpu.memory_space<vmem>>, vector<256x2xi32>
    tpu.vector_store %arg8[%swap3A_64, %swap3A_65], %convert_element_type3A_63 {strides = array<i32>} : memref<256x2xi32, #tpu.memory_space<vmem>>, vector<256x2xi32>,
    %sub3A_67 = arith.constant 1.000000e+00 : f32
    %sub3A_68 = vector.broadcast %sub3A_67 : f32 to vector<256x1xf32>
    %sub3A_69 = arith.subf %sub3A_68, %div3A_53 : vector<256x1xf32>
    %concatenate3A_70 = tpu.concatenate %div3A_53, %sub3A_69 in 1 : vector<256x1xf32>, vector<256x1xf32> -> vector<256x2xf32>
    %swap3A_71 = arith.constant 0 : index
    %swap3A_72 = arith.constant 0 : index
    %swap3A_73 = vector.load %arg9[%swap3A_71, %swap3A_72] : memref<256x2xf32, #tpu.memory_space<vmem>>, vector<256x2xf32>
    tpu.vector_store %arg9[%swap3A_71, %swap3A_72], %concatenate3A_70 {strides = array<i32>} : memref<256x2xf32, #tpu.memory_space<vmem>>, vector<256x2xf32>,
    %reduce_sum3A_74 = arith.constant dense<0.000000e+00> : vector<8xf32>
    %reduce_sum3A_75 = vector.multi_reduction <add>, %convert_element_type3A_37, %reduce_sum3A_74 [0] : vector<256x8xf32> to vector<8xf32>
    %broadcast_in_dim3A_76 = vector.shape_cast %reduce_sum3A_75 : vector<8xf32> to vector<1x8xf32>
    %get3A_77 = arith.constant 0 : index
    %get3A_78 = arith.constant 0 : index
    %get3A_79 = vector.load %arg4[%get3A_77, %get3A_78] : memref<256x256xf32, #tpu.memory_space<vmem>>, vector<256x256xf32>
    %dot_general3A_80 = arith.constant dense<0.000000e+00> : vector<256x8xf32>
    %dot_general3A_81 = tpu.matmul %get3A_79, %convert_element_type3A_37, %dot_general3A_80 {dimension_numbers = #tpu.dot_dimension_numbers<[1], [0], [0], [1], [0, 0, 1, 1], [], []>, transpose_lhs_hint = false} : vector<256x256xf32>, vector<256x8xf32>, vector<256x8xf32> -> vector<256x8xf32>
    %get3A_82 = arith.constant 0 : index
    %get3A_83 = arith.constant 0 : index
    %get3A_84 = vector.load %arg12[%get3A_82, %get3A_83] : memref<1x8xf32, #tpu.memory_space<vmem>>, vector<1x8xf32>
    %add3A_85 = vector.broadcast %get3A_84 : vector<1x8xf32> to vector<256x8xf32>
    %add3A_86 = arith.addf %dot_general3A_81, %add3A_85 : vector<256x8xf32>
    %get3A_87 = arith.constant 0 : index
    %get3A_88 = arith.constant 0 : index
    %get3A_89 = vector.load %arg4[%get3A_87, %get3A_88] : memref<256x256xf32, #tpu.memory_space<vmem>>, vector<256x256xf32>
    %dot_general3A_90 = arith.constant dense<0.000000e+00> : vector<256x8xf32>
    %dot_general3A_91 = tpu.matmul %get3A_89, %convert_element_type3A_42, %dot_general3A_90 {dimension_numbers = #tpu.dot_dimension_numbers<[1], [0], [0], [1], [0, 0, 1, 1], [], []>, transpose_lhs_hint = false} : vector<256x256xf32>, vector<256x8xf32>, vector<256x8xf32> -> vector<256x8xf32>
    %get3A_92 = arith.constant 0 : index
    %get3A_93 = arith.constant 0 : index
    %get3A_94 = vector.load %arg12[%get3A_92, %get3A_93] : memref<1x8xf32, #tpu.memory_space<vmem>>, vector<1x8xf32>
    %add3A_95 = arith.addf %get3A_94, %broadcast_in_dim3A_76 : vector<1x8xf32>
    %add3A_96 = vector.broadcast %add3A_95 : vector<1x8xf32> to vector<256x8xf32>
    %add3A_97 = arith.addf %dot_general3A_91, %add3A_96 : vector<256x8xf32>
    %mul3A_98 = arith.mulf %convert_element_type3A_37, %add3A_86 : vector<256x8xf32>
    %reduce_sum3A_99 = arith.constant dense<0.000000e+00> : vector<256xf32>
    %reduce_sum3A_100 = vector.multi_reduction <add>, %mul3A_98, %reduce_sum3A_99 [1] : vector<256x8xf32> to vector<256xf32>
    %broadcast_in_dim3A_101 = vector.shape_cast %reduce_sum3A_100 : vector<256xf32> to vector<256x1xf32>
    %mul3A_102 = arith.mulf %convert_element_type3A_42, %add3A_97 : vector<256x8xf32>
    %reduce_sum3A_103 = arith.constant dense<0.000000e+00> : vector<256xf32>
    %reduce_sum3A_104 = vector.multi_reduction <add>, %mul3A_102, %reduce_sum3A_103 [1] : vector<256x8xf32> to vector<256xf32>
    %broadcast_in_dim3A_105 = vector.shape_cast %reduce_sum3A_104 : vector<256xf32> to vector<256x1xf32>
    %concatenate3A_106 = tpu.concatenate %broadcast_in_dim3A_101, %broadcast_in_dim3A_105 in 1 : vector<256x1xf32>, vector<256x1xf32> -> vector<256x2xf32>
    %convert_element_type3A_107 = arith.fptosi %concatenate3A_106 : vector<256x2xf32> to vector<256x2xi32>
    %swap3A_108 = arith.constant 0 : index
    %swap3A_109 = arith.constant 0 : index
    %swap3A_110 = vector.load %arg10[%swap3A_108, %swap3A_109] : memref<256x2xi32, #tpu.memory_space<vmem>>, vector<256x2xi32>
    tpu.vector_store %arg10[%swap3A_108, %swap3A_109], %convert_element_type3A_107 {strides = array<i32>} : memref<256x2xi32, #tpu.memory_space<vmem>>, vector<256x2xi32>,
    %get3A_111 = arith.constant 0 : index
    %get3A_112 = arith.constant 0 : index
    %get3A_113 = vector.load %arg12[%get3A_111, %get3A_112] : memref<1x8xf32, #tpu.memory_space<vmem>>, vector<1x8xf32>
    %reduce_sum3A_114 = arith.constant dense<0.000000e+00> : vector<8xf32>
    %reduce_sum3A_115 = vector.multi_reduction <add>, %convert_element_type3A_42, %reduce_sum3A_114 [0] : vector<256x8xf32> to vector<8xf32>
    %broadcast_in_dim3A_116 = vector.shape_cast %reduce_sum3A_115 : vector<8xf32> to vector<1x8xf32>
    %add3A_117 = arith.addf %broadcast_in_dim3A_76, %broadcast_in_dim3A_116 : vector<1x8xf32>
    %add3A_118 = arith.addf %get3A_113, %add3A_117 : vector<1x8xf32>
    %swap3A_119 = arith.constant 0 : index
    %swap3A_120 = arith.constant 0 : index
    %swap3A_121 = vector.load %arg12[%swap3A_119, %swap3A_120] : memref<1x8xf32, #tpu.memory_space<vmem>>, vector<1x8xf32>
    tpu.vector_store %arg12[%swap3A_119, %swap3A_120], %add3A_118 {strides = array<i32>} : memref<1x8xf32, #tpu.memory_space<vmem>>, vector<1x8xf32>,
    %get3A_122 = arith.constant 0 : index
    %get3A_123 = arith.constant 0 : index
    %get3A_124 = vector.load %arg12[%get3A_122, %get3A_123] : memref<1x8xf32, #tpu.memory_space<vmem>>, vector<1x8xf32>
    %swap3A_125 = arith.constant 0 : index
    %swap3A_126 = arith.constant 0 : index
    %swap3A_127 = vector.load %arg11[%swap3A_125, %swap3A_126] : memref<1x8xf32, #tpu.memory_space<vmem>>, vector<1x8xf32>
    tpu.vector_store %arg11[%swap3A_125, %swap3A_126], %get3A_124 {strides = array<i32>} : memref<1x8xf32, #tpu.memory_space<vmem>>, vector<1x8xf32>,
    return
  }
  func.func @transform_0(%arg0: i32) -> (i32, i32) {
    %c0_i32 = arith.constant 0 : i32
    %c0_i32_0 = arith.constant 0 : i32
    return %arg0, %c0_i32 : i32, i32
  }
  func.func @transform_1(%arg0: i32) -> (i32, i32) {
    %c0_i32 = arith.constant 0 : i32
    %c0_i32_0 = arith.constant 0 : i32
    %c0_i32_1 = arith.constant 0 : i32
    return %c0_i32, %c0_i32_0 : i32, i32
  }
  func.func @transform_2(%arg0: i32) -> (i32, i32) {
    %c0_i32 = arith.constant 0 : i32
    %c0_i32_0 = arith.constant 0 : i32
    %c0_i32_1 = arith.constant 0 : i32
    return %c0_i32, %c0_i32_0 : i32, i32
  }
  func.func @transform_3(%arg0: i32) -> (i32, i32) {
    %c0_i32 = arith.constant 0 : i32
    %c0_i32_0 = arith.constant 0 : i32
    %c0_i32_1 = arith.constant 0 : i32
    return %c0_i32, %c0_i32_0 : i32, i32
  }
  func.func @transform_4(%arg0: i32) -> (i32, i32) {
    %c0_i32 = arith.constant 0 : i32
    %c0_i32_0 = arith.constant 0 : i32
    %c0_i32_1 = arith.constant 0 : i32
    return %c0_i32, %c0_i32_0 : i32, i32
  }
  func.func @transform_5(%arg0: i32) -> (i32, i32) {
    %c0_i32 = arith.constant 0 : i32
    %c0_i32_0 = arith.constant 0 : i32
    %c0_i32_1 = arith.constant 0 : i32
    return %c0_i32, %c0_i32_0 : i32, i32
  }
  func.func @transform_6(%arg0: i32) -> (i32, i32) {
    %c0_i32 = arith.constant 0 : i32
    %c0_i32_0 = arith.constant 0 : i32
    return %arg0, %c0_i32 : i32, i32
  }
  func.func @transform_7(%arg0: i32) -> (i32, i32) {
    %c0_i32 = arith.constant 0 : i32
    %c0_i32_0 = arith.constant 0 : i32
    return %arg0, %c0_i32 : i32, i32
  }
  func.func @transform_8(%arg0: i32) -> (i32, i32) {
    %c0_i32 = arith.constant 0 : i32
    %c0_i32_0 = arith.constant 0 : i32
    return %arg0, %c0_i32 : i32, i32
  }
  func.func @transform_9(%arg0: i32) -> (i32, i32) {
    %c0_i32 = arith.constant 0 : i32
    %c0_i32_0 = arith.constant 0 : i32
    return %arg0, %c0_i32 : i32, i32
  }
  func.func @transform_10(%arg0: i32) -> (i32, i32) {
    %c0_i32 = arith.constant 0 : i32
    %c0_i32_0 = arith.constant 0 : i32
    %c0_i32_1 = arith.constant 0 : i32
    return %c0_i32, %c0_i32_0 : i32, i32
  }
}

module attributes {stable_mosaic.version = 14 : i64} {
  func.func @_ragged_mm_body(%arg0: i32, %arg1: memref<5x40xi32, #tpu.memory_space<smem>>, %arg2: memref<256x768xf32, #tpu.memory_space<vmem>>, %arg3: memref<8x768x768xf32, #tpu.memory_space<vmem>>, %arg4: memref<8x768xf32, #tpu.memory_space<vmem>>, %arg5: memref<256x768xf32, #tpu.memory_space<vmem>>) attributes {dimension_semantics = [#tpu.dimension_semantics<arbitrary>], iteration_bounds = array<i64: 40>, scalar_prefetch = 1 : i64, scratch_operands = 0 : i64, tpu.core_type = #tpu.core_type<tc>, window_params = [{transform_indices = @transform_0, window_bounds = array<i64: 256, 768>}, {pipeline_mode = #tpu.pipeline_mode<synchronous>, transform_indices = @transform_1, window_bounds = array<i64: 8, 768, 768>}, {pipeline_mode = #tpu.pipeline_mode<synchronous>, transform_indices = @transform_2, window_bounds = array<i64: 8, 768>}, {transform_indices = @transform_3, window_bounds = array<i64: 256, 768>}]} {
    %get3A = arith.constant 1 : index
    %get3A_0 = arith.index_cast %arg0 : i32 to index
    %get3A_1 = memref.load %arg1[%get3A, %get3A_0] : memref<5x40xi32, #tpu.memory_space<smem>>
    %get3A_2 = arith.constant 2 : index
    %get3A_3 = arith.index_cast %arg0 : i32 to index
    %get3A_4 = memref.load %arg1[%get3A_2, %get3A_3] : memref<5x40xi32, #tpu.memory_space<smem>>
    %get3A_5 = arith.constant 3 : index
    %get3A_6 = arith.index_cast %arg0 : i32 to index
    %get3A_7 = memref.load %arg1[%get3A_5, %get3A_6] : memref<5x40xi32, #tpu.memory_space<smem>>
    %get3A_8 = arith.constant 4 : index
    %get3A_9 = arith.index_cast %arg0 : i32 to index
    %get3A_10 = memref.load %arg1[%get3A_8, %get3A_9] : memref<5x40xi32, #tpu.memory_space<smem>>
    %get3A_11 = arith.constant 0 : index
    %get3A_12 = arith.index_cast %arg0 : i32 to index
    %get3A_13 = memref.load %arg1[%get3A_11, %get3A_12] : memref<5x40xi32, #tpu.memory_space<smem>>
    %get3A_14 = arith.index_cast %get3A_1 : i32 to index
    %get3A_15 = arith.constant 0 : index
    %get3A_16 = arith.constant 0 : index
    %get3A_17 = vector.load %arg3[%get3A_14, %get3A_15, %get3A_16] : memref<8x768x768xf32, #tpu.memory_space<vmem>>, vector<1x768x768xf32>
    %reshape3A = vector.shape_cast %get3A_17 : vector<1x768x768xf32> to vector<768x768xf32>
    %get3A_18 = arith.index_cast %get3A_1 : i32 to index
    %get3A_19 = arith.constant 0 : index
    %get3A_20 = vector.load %arg4[%get3A_18, %get3A_19] : memref<8x768xf32, #tpu.memory_space<vmem>>, vector<1x768xf32>
    %get3A_21 = arith.constant 0 : index
    %get3A_22 = arith.constant 0 : index
    %get3A_23 = vector.load %arg2[%get3A_21, %get3A_22] : memref<256x768xf32, #tpu.memory_space<vmem>>, vector<256x768xf32>
    %dot_general3A = arith.constant dense<0.000000e+00> : vector<256x768xf32>
    %dot_general3A_24 = tpu.matmul %get3A_23, %reshape3A, %dot_general3A {dimension_numbers = #tpu.dot_dimension_numbers<[1], [1], [0], [0], [0, 0, 1, 0], [], []>, transpose_lhs_hint = false} : vector<256x768xf32>, vector<768x768xf32>, vector<256x768xf32> -> vector<256x768xf32>
    %add3A = vector.broadcast %get3A_20 : vector<1x768xf32> to vector<256x768xf32>
    %add3A_25 = arith.addf %dot_general3A_24, %add3A : vector<256x768xf32>
    %mul3A = arith.constant 256 : i32
    %mul3A_26 = arith.muli %get3A_13, %mul3A : i32
    %iota3A = tpu.iota {dimensions = array<i32: 0>} : vector<256x1xi32>
    %add3A_27 = vector.broadcast %mul3A_26 : i32 to vector<256x1xi32>
    %add3A_28 = arith.addi %add3A_27, %iota3A : vector<256x1xi32>
    %ge3A = vector.broadcast %get3A_4 : i32 to vector<256x1xi32>
    %ge3A_29 = arith.cmpi sge, %add3A_28, %ge3A : vector<256x1xi32>
    %lt3A = vector.broadcast %get3A_7 : i32 to vector<256x1xi32>
    %lt3A_30 = arith.cmpi slt, %add3A_28, %lt3A : vector<256x1xi32>
    %and3A = arith.andi %ge3A_29, %lt3A_30 : vector<256x1xi1>
    %jit3A = arith.constant 0.000000e+00 : f32
    %broadcast_in_dim3A = vector.shape_cast %and3A : vector<256x1xi1> to vector<256x1xi1>
    %broadcast_in_dim3A_31 = vector.broadcast %broadcast_in_dim3A : vector<256x1xi1> to vector<256x768xi1>
    %broadcast_in_dim3A_32 = vector.broadcast %jit3A : f32 to vector<256x768xf32>
    %select_n3A = arith.select %broadcast_in_dim3A_31, %add3A_25, %broadcast_in_dim3A_32 : vector<256x768xi1>, vector<256x768xf32>
    %eq3A = arith.constant 1 : i32
    %eq3A_33 = arith.cmpi eq, %get3A_10, %eq3A : i32
    %convert_element_type3A = arith.extui %eq3A_33 : i1 to i32
    %cond3A = arith.constant 0 : i32
    %cond3A_34 = arith.cmpi ne, %convert_element_type3A, %cond3A : i32
    scf.if %cond3A_34 {
      %swap3A = arith.constant 0 : index
      %swap3A_39 = arith.constant 0 : index
      %swap3A_40 = vector.load %arg5[%swap3A, %swap3A_39] : memref<256x768xf32, #tpu.memory_space<vmem>>, vector<256x768xf32>
      tpu.vector_store %arg5[%swap3A, %swap3A_39], %select_n3A {strides = array<i32>} : memref<256x768xf32, #tpu.memory_space<vmem>>, vector<256x768xf32>,
    } else {
    }
    %ne3A = arith.constant 1 : i32
    %ne3A_35 = arith.cmpi ne, %get3A_10, %ne3A : i32
    %convert_element_type3A_36 = arith.extui %ne3A_35 : i1 to i32
    %cond3A_37 = arith.constant 0 : i32
    %cond3A_38 = arith.cmpi ne, %convert_element_type3A_36, %cond3A_37 : i32
    scf.if %cond3A_38 {
      %get3A_39 = arith.constant 0 : index
      %get3A_40 = arith.constant 0 : index
      %get3A_41 = vector.load %arg5[%get3A_39, %get3A_40] : memref<256x768xf32, #tpu.memory_space<vmem>>, vector<256x768xf32>
      %add3A_42 = arith.addf %get3A_41, %select_n3A : vector<256x768xf32>
      %swap3A = arith.constant 0 : index
      %swap3A_43 = arith.constant 0 : index
      %swap3A_44 = vector.load %arg5[%swap3A, %swap3A_43] : memref<256x768xf32, #tpu.memory_space<vmem>>, vector<256x768xf32>
      tpu.vector_store %arg5[%swap3A, %swap3A_43], %add3A_42 {strides = array<i32>} : memref<256x768xf32, #tpu.memory_space<vmem>>, vector<256x768xf32>,
    } else {
    }
    return
  }
  func.func @transform_0(%arg0: i32, %arg1: memref<5x40xi32, #tpu.memory_space<smem>>) -> (i32, i32) {
    %get3A = arith.constant 0 : index
    %get3A_0 = arith.index_cast %arg0 : i32 to index
    %get3A_1 = memref.load %arg1[%get3A, %get3A_0] : memref<5x40xi32, #tpu.memory_space<smem>>
    %c0_i32 = arith.constant 0 : i32
    %c0_i32_2 = arith.constant 0 : i32
    return %get3A_1, %c0_i32 : i32, i32
  }
  func.func @transform_1(%arg0: i32, %arg1: memref<5x40xi32, #tpu.memory_space<smem>>) -> (i32, i32, i32) {
    %c0_i32 = arith.constant 0 : i32
    %c0_i32_0 = arith.constant 0 : i32
    %c0_i32_1 = arith.constant 0 : i32
    %c0_i32_2 = arith.constant 0 : i32
    return %c0_i32, %c0_i32_0, %c0_i32_1 : i32, i32, i32
  }
  func.func @transform_2(%arg0: i32, %arg1: memref<5x40xi32, #tpu.memory_space<smem>>) -> (i32, i32) {
    %c0_i32 = arith.constant 0 : i32
    %c0_i32_0 = arith.constant 0 : i32
    %c0_i32_1 = arith.constant 0 : i32
    return %c0_i32, %c0_i32_0 : i32, i32
  }
  func.func @transform_3(%arg0: i32, %arg1: memref<5x40xi32, #tpu.memory_space<smem>>) -> (i32, i32) {
    %get3A = arith.constant 0 : index
    %get3A_0 = arith.index_cast %arg0 : i32 to index
    %get3A_1 = memref.load %arg1[%get3A, %get3A_0] : memref<5x40xi32, #tpu.memory_space<smem>>
    %c0_i32 = arith.constant 0 : i32
    %c0_i32_2 = arith.constant 0 : i32
    return %get3A_1, %c0_i32 : i32, i32
  }
}

</mosaic_0001>

<sc_bundles>
// kernel: kernel.6.cloned.1.call-start
scs
__scs_entry_jumppad:
0x0: {  	(pc) =	sbr.rel $0x88, $3  }
0x1: {  	(tag) =	ssettag $0x0;
	lr =	simm.s32 $0x1  }
0x2: {  	[smem:$0x3F9C] =	sst lr;
	_ =	strace $0xD0000000  }
0x3: {  	_ = 	snop  }
0x4: {  	_ = 	snop  }
0x5: {  	_ = 	snop  }
0x6: {  	_ = 	snop  }
0x7: {  	_ = 	snop  }
__scs_overlays_trampoline_lowered:
0x8: {  	[smem:$0x3FAB] =	sst s0  }
0x9: {  	[smem:$0x3FAC] =	sst s1  }
0xa: {  	[smem:$0x3FAD] =	sst s2  }
0xb: {  	[smem:$0x3FAE] =	sst s3  }
0xc: {  	[smem:$0x3FAF] =	sst s4  }
0xd: {  	[smem:$0x3FB0] =	sst s5  }
0xe: {  	[smem:$0x3FB1] =	sst s6  }
0xf: {  	[smem:$0x3FB2] =	sst s7  }
0x10: {  	[smem:$0x3FB3] =	sst s8  }
0x11: {  	[smem:$0x3FB4] =	sst s9;
	s0 =	simm.s32 @!p0 $0x0  }
0x12: {  	s1 =	sld [smem:$0x3F9A];
	s0 =	simm.s32 @p0 $0x1  }
0x13: {  	[smem:$0x3FB5] =	sst s0;
	s0 =	simm.s32 @!p1 $0x0  }
0x14: {  	s2 =	sld [smem:$0x3F99];
	s0 =	simm.s32 @p1 $0x1  }
0x15: {  	[smem:$0x3FB6] =	sst s0;
	s0 =	simm.s32 @!p2 $0x0  }
0x16: {  	s3 =	sld [smem:$0x3FDB];
	s0 =	simm.s32 @p2 $0x1  }
0x17: {  	s4 =	simm.s32 $0x1BF5;
	[smem:$0x3FB8] =	sst s0  }
0x18: {  	s0 =	sld [smem:$0x3F9B];
	_ =	swait.ge [sflag:s4], $0x0  }
0x19: {  	s7 =	sld [smem:$0x3F9C]  }
0x1a: {  	s8 =	sadd.s32 $0xFFFFE003, lr  }
0x1b: {  	s9 =	sadd.s32 $0xFFFFFEF7, lr;
	s5 =	simm.s32 $0xFFFFFFFF;
	p2 =	slt.u32 s8, $0xFFFFF086  }
0x1c: {  	p1 =	slt.u32 s9, $0xF7A;
	s5 =	simm.s32 @!p2 $0x0  }
0x1d: {  	s5 =	simm.s32 @p1 $0x1;
	p0 =	seq.s32 s7, s2  }
0x1e: {  	s7 =	smul.u32 @!p0 $0xF7A, s2;
	p2 =	seq.s32 @!p0 s5, $0x0  }
0x1f: {  	s9 =	smul.u32 $0xF7A, s1;
	s8 =	simm.s32 @!p0 $0x1BF5;
	p2 =	por !p2, p0  }
0x20: {  	[sflag:s8] =	ssyncset.s32 @!p0 $0xFFFFF086;
	s6 =	sadd.s32 @!p0 s3, s7;
	s7 =	simm.s32 @!p0 $0x108  }
0x21: {  	s3 =	sadd.s32 s3, s9;
	s6 =	sadd.s32 @!p0 $0x88, s6;
	s7 =	simm.s32 @p2 $0x1082  }
0x22: {  	[simem:s7], [sflag:s8] =	dma.local @!p0 [hbm:s6], $0xF7A  }
0x23: {  	s9 =	sor.u32 $0xD0000000, s2;
	s6 =	simm.s32 $0x108;
	_ =	swait.ge @!p0 [sflag:s8], $0x0  }
0x24: {  	s3 =	sadd.s32 $0x88, s3;
	s6 =	simm.s32 @!p1 $0x1082;
	[sflag:s4] =	ssyncset.s32 $0xFFFFF086  }
0x25: {  	[simem:s6], [sflag:s4] =	dma.local [hbm:s3], $0xF7A  }
0x26: {  	[smem:$0x3F9C] =	sst s1;
	(tag) =	ssettag s2;
	_ =	strace s9  }
0x27: {  	s1 =	sld [smem:$0x3FAC]  }
0x28: {  	s2 =	sld [smem:$0x3FAD]  }
0x29: {  	s4 =	sld [smem:$0x3FAF]  }
0x2a: {  	p0 =	seq.s32 s5, $0x0;
	s5 =	sld [smem:$0x3FB0]  }
0x2b: {  	s6 =	sld [smem:$0x3FB1]  }
0x2c: {  	s7 =	sld [smem:$0x3FB2]  }
0x2d: {  	s3 =	simm.s32 $0x108;
	s8 =	sld [smem:$0x3FB3]  }
0x2e: {  	s3 =	simm.s32 @!p0 $0x1082;
	s9 =	sld [smem:$0x3FB4]  }
0x2f: {  	lr =	sadd.s32 s0, s3;
	s0 =	sld [smem:$0x3FAB]  }
0x30: {  	s3 =	sld [smem:$0x3FAE]  }
0x31: {  	[smem:$0x3FB7] =	sst s10  }
0x32: {  	s10 =	sld [smem:$0x3FB5];
	_ =	sdelay $0x3  }
0x33: {  	p0 =	seq.s32 s10, $0x1;
	s10 =	sld [smem:$0x3FB7];
	_ =	sdelay $0x3  }
0x34: {  	[smem:$0x3FB7] =	sst s10  }
0x35: {  	s10 =	sld [smem:$0x3FB6];
	_ =	sdelay $0x3  }
0x36: {  	p1 =	seq.s32 s10, $0x1;
	s10 =	sld [smem:$0x3FB7];
	_ =	sdelay $0x3  }
0x37: {  	[smem:$0x3FB7] =	sst s10  }
0x38: {  	s10 =	sld [smem:$0x3FB8]  }
0x39: {  	_ = 	snop;
	(pc) =	sbr.ind lr, $3  }
0x3a: {  	_ = 	snop  }
0x3b: {  	_ = 	snop  }
0x3c: {  	p2 =	seq.s32 s10, $0x1;
	s10 =	sld [smem:$0x3FB7]  }
0x3d: {  	_ =	shalt  }
0x3e: {  	_ =	shalt  }
0x3f: {  	_ =	shalt  }
0x40: {  	_ =	shalt  }
0x41: {  	_ =	shalt  }
0x42: {  	_ =	shalt  }
0x43: {  	_ =	shalt  }
0x44: {  	_ =	shalt  }
0x45: {  	_ =	shalt  }
0x46: {  	_ =	shalt  }
0x47: {  	_ =	shalt  }
0x48: {  	_ =	shalt  }
0x49: {  	_ =	shalt  }
0x4a: {  	_ =	shalt  }
0x4b: {  	_ =	shalt  }
0x4c: {  	_ =	shalt  }
0x4d: {  	_ =	shalt  }
0x4e: {  	_ =	shalt  }
0x4f: {  	_ =	shalt  }
0x50: {  	_ =	shalt  }
0x51: {  	_ =	shalt  }
0x52: {  	_ =	shalt  }
0x53: {  	_ =	shalt  }
0x54: {  	_ =	shalt  }
0x55: {  	_ =	shalt  }
0x56: {  	_ =	shalt  }
0x57: {  	_ =	shalt  }
0x58: {  	_ =	shalt  }
0x59: {  	_ =	shalt  }
0x5a: {  	_ =	shalt  }
0x5b: {  	_ =	shalt  }
0x5c: {  	_ =	shalt  }
0x5d: {  	_ =	shalt  }
0x5e: {  	_ =	shalt  }
0x5f: {  	_ =	shalt  }
0x60: {  	_ =	shalt  }
0x61: {  	_ =	shalt  }
0x62: {  	_ =	shalt  }
0x63: {  	_ =	shalt  }
0x64: {  	_ =	shalt  }
0x65: {  	_ =	shalt  }
0x66: {  	_ =	shalt  }
0x67: {  	_ =	shalt  }
0x68: {  	_ =	shalt  }
0x69: {  	_ =	shalt  }
0x6a: {  	_ =	shalt  }
0x6b: {  	_ =	shalt  }
0x6c: {  	_ =	shalt  }
0x6d: {  	_ =	shalt  }
0x6e: {  	_ =	shalt  }
0x6f: {  	_ =	shalt  }
0x70: {  	_ =	shalt  }
0x71: {  	_ =	shalt  }
0x72: {  	_ =	shalt  }
0x73: {  	_ =	shalt  }
0x74: {  	_ =	shalt  }
0x75: {  	_ =	shalt  }
0x76: {  	_ =	shalt  }
0x77: {  	_ =	shalt  }
0x78: {  	_ =	shalt  }
0x79: {  	_ =	shalt  }
0x7a: {  	_ =	shalt  }
0x7b: {  	_ =	shalt  }
0x7c: {  	_ =	shalt  }
0x7d: {  	_ =	shalt  }
0x7e: {  	_ =	shalt  }
0x7f: {  	_ =	shalt  }
0x80: {  	_ =	shalt  }
0x81: {  	_ =	shalt  }
0x82: {  	_ =	shalt  }
0x83: {  	_ =	shalt  }
0x84: {  	_ =	shalt  }
0x85: {  	_ =	shalt  }
0x86: {  	_ =	shalt  }
0x87: {  	_ =	shalt  }
.Lfunc_end0:
.L_simem_size_0:
called_computation_lowered:
.L_overlay_start_0:
0x88: {  	s2 =	sld [smem:$0x3FD9]  }
0x89: {  	s3 =	sld [smem:$0x3FFE];
	_ =	sdelay $0x1  }
0x8a: {  	s1 =	srdreg.scid  }
0x8b: {  	s0 =	sand.u32 $0x1, s1  }
0x8c: {  	s17 =	sshll.u32 s0, $0xA;
	s2 =	sadd.s32 s3, s2  }
0x8d: {  	s2 =	sadd.s32 s2, s17  }
0x8e: {  	[smem:$0x3FC3] =	sst s2  }
0x8f: {  	_ = 	snop  }
0x90: {  	s2 =	sld [smem:$0x3FC9];
	(tm) =	ssettm $0x1  }
0x91: {  	s18 =	sld [smem:$0x3FFB];
	_ =	sdelay $0x3  }
0x92: {  	_ =	strace s18  }
0x93: {  	s3 =	sld [smem:$0x3FFC];
	_ =	sdelay $0x3  }
0x94: {  	_ =	strace s3  }
0x95: {  	s3 =	sld [smem:$0x3FFD];
	_ =	sdelay $0x3  }
0x96: {  	_ =	strace s3  }
0x97: {  	_ =	strace $0x8FFFFFFF  }
0x98: {  	s19 =	sld [smem:$0x3FDB];
	_ =	sdelay $0x1  }
0x99: {  	s4 =	simm.s32 $_scs_section_size  }
0x9a: {  	s5 =	simm.s32 $_size__tile_overlayer_lowered;
	s6 =	simm.s32 $_tile_overlayer_lowered  }
0x9b: {  	s22 =	simm.s32 $0x1BFF;
	s21 =	sshll.u32 s6, $0x1;
	s3 =	sadd.s32 s4, s19  }
0x9c: {  	s7 =	simm.s32 $0x0;
	s20 =	sshll.u32 s5, $0x1;
	s5 =	sadd.s32 s21, s3  }
0x9d: {  	[timem:s7], [sflag:s22] =	dma.local [hbm:s5], s20  }
0x9e: {  	_ =	swait.ge [sflag:s22], s20  }
0x9f: {  	s4 =	ssub.s32 $0x0, s20;
	[sflag:s22] =	ssyncset.done $0x0  }
0xa0: {  	[sflag:s22] =	ssyncadd.s32 s4;
	_ =	sdelay $0x1  }
0xa1: {  	s23 =	simm.s32 $0x1B8B  }
0xa2: {  	_ =	swait.ge [sflag:s23], $0x1  }
0xa3: {  	[sflag:s23] =	ssyncset.done $0x0  }
0xa4: {  	s25 =	simm.s32 $0x1B8E;
	s24 =	sld [smem:$0x3FFE];
	[sflag:s23] =	ssyncadd.s32 $0xFFFFFFFF  }
0xa5: {  	s26 =	simm.s32 $execute0_lowered;
	[smem:$0x3FD2] =	sst s25  }
0xa6: {  	s5 =	sshll.u32 s26, $0x1;
	_ =	strace $0x80000046;
	[dreg:$0x1] =	wrdreg $0xFFFFFFFF  }
0xa7: {  	s28 =	simm.s32 $_size_execute0_lowered;
	s3 =	sadd.s32 s3, s5;
	[dreg:$0x0] =	wrdreg $0x0  }
0xa8: {  	s5 =	sshll.u32 s28, $0x1;
	[dreg:$0x2] =	wrdreg s3  }
0xa9: {  	[dreg:$0x3] =	wrdreg s5  }
0xaa: {  	[dreg:$0x4] =	wrdreg $0xC0  }
0xab: {  	_ =	task [dreg:s7], $0x5FFFF  }
0xac: {  	[dreg:$0x1] =	wrdreg $0xFFFFFFFF  }
0xad: {  	[dreg:$0x0] =	wrdreg $0x60  }
0xae: {  	[dreg:$0x2] =	wrdreg s2  }
0xaf: {  	[dreg:$0x3] =	wrdreg s24  }
0xb0: {  	[dreg:$0x4] =	wrdreg $0x9  }
0xb1: {  	_ =	task.clear_ibuf [dreg:s7], $0x5FFFF;
	_ =	strace $0x90000046  }
0xb2: {  	s29 =	simm.s32 $0x9;
	_ =	strace $0x80000048  }
0xb3: {  	_ =	swait.ge [sflag:s29], $0x1  }
0xb4: {  	[sflag:s29] =	ssyncadd.s32 $0xFFFFFFFF  }
0xb5: {  	_ =	strace $0x90000048  }
0xb6: {  	_ =	sfence  }
0xb7: {  	s30 =	sld [smem:$0x0];
	_ =	sdelay $0x2  }
0xb8: {  	s31 =	sshll.u32 s1, $0xD;
	s1 =	sshrl.u32 s1, $0x2  }
0xb9: {  	s3 =	sand.u32 $0x4000, s31;
	s1 =	sadd.s32 s1, s30  }
0xba: {  	s0 =	sor.u32 s3, s0;
	s1 =	sshll.u32 s1, $0x11  }
0xbb: {  	s0 =	sor.u32 s1, s0  }
0xbc: {  	s0 =	sadd.s32 $0x8F2B, s0  }
0xbd: {  	[sflag:s0] =	ssyncadd.remote.s32 $0x1  }
0xbe: {  	_ =	sfence.sel $0xFFFF  }
0xbf: {  	[dreg:$0x0] =	wrdreg $0xFFFFFFFF;
	(pc) =	sbr.abs _section_cstart, $3  }
0xc0: {  	[dreg:$0x1] =	wrdreg $0xFFFFFFFF  }
0xc1: {  	_ =	task.clear_ibuf [dreg:s7], $0x2FFFF;
	_ =	strace $0x9FFFFFFF  }
0xc2: {  	(tm) =	ssettm $0x7FFFFFFF  }
0xc3: {  	_ =	shalt  }
tec
execute0_lowered:
.L_overlay_start_1:
0x0: {  	(tag) =	ssettag $0x1  }
0x1: {  	s0 =	srdreg.scid;
	s1 =	rddreg [dreg:$0x0]  }
0x2: {  	s2 =	stileid.u32;
	s6 =	rddreg [dreg:$0x1];
	s28 =	simm.s32 $0x18000  }
0x3: {  	s29 =	simm.s32 $0x18100;
	s3 =	sshll.u32 s2, $0x5;
	s2 =	simm.s32 $0x0  }
0x4: {  	s30 =	simm.s32 $0x18080;
	s31 =	simm.s32 $0x18180;
	[smem:$0x7FF] =	sst s2  }
0x5: {  	s0 =	sand.u32 $0x1, s0;
	_ =	strace $0x80000047;
	[dreg:$0x9] =	wrdreg s28  }
0x6: {  	s7 =	sadd.s32 $0x200, s6;
	s4 =	sshll.u32 s0, $0x4;
	[dreg:$0xa] =	wrdreg s29  }
0x7: {  	s0 =	ssub.s32 $0x2, s0;
	s4 =	sor.u32 s4, s3;
	[dreg:$0xb] =	wrdreg s30  }
0x8: {  	s3 =	sadd.s32 $0x400, s6;
	s10 =	sshrl.u32 s0, $0x1;
	[dreg:$0xc] =	wrdreg s31  }
0x9: {  	s5 =	smul.u32 $0x300, s4;
	s8 =	sor.u32 $0x8, s4;
	s24 =	sadd.s32 s7, s4  }
0xa: {  	s4 =	sadd.s32 s6, s4;
	s0 =	ssub.s32 s0, s10;
	[dreg:$0x4] =	wrdreg s24  }
0xb: {  	s10 =	simm.s32 $0x2;
	[dreg:$0x5] =	wrdreg s4;
	s25 =	sadd.s32 s7, s8  }
0xc: {  	s9 =	smul.u32 $0x300, s8;
	s26 =	sadd.s32 s6, s8;
	[dreg:$0x7] =	wrdreg s25  }
0xd: {  	v2 =	vlaneseq.u32;
	s4 =	sadd.s32 $0x500, s6;
	s5 =	sadd.s32 s1, s5;
	[dreg:$0x8] =	wrdreg s26  }
0xe: {  	vm0 =	vmmov $0xffff;
	v1 =	vshrl.u32 v2, $0x3;
	s8 =	simm.s32 $0x3;
	[dreg:$0x3] =	wrdreg s5;
	s1 =	sadd.s32 s1, s9  }
0xf: {  	v0 =	vand.u32 $0x7, v2;
	v2 =	vor.u32 $0x8, v2;
	v1 =	vmul.u32 $0x8, v1;
	s5 =	sadd.s32 $0x600, s6;
	s6 =	smax.u32 s0, $0x1;
	[dreg:$0x6] =	wrdreg s1  }
.LBB2_1:
0x10: {  	s11 =	rddreg [dreg:$0x3]  }
0x11: {  	s12 =	rddreg [dreg:$0x4]  }
0x12: {  	[tilespmem:s2], [sflag:$0x1] =	stream.linear.gather [hbm4b:s11+s2], $0xC000, $0x38;
	[tilespmem:$0x18200] =	vst v63  }
0x13: {  	s13 =	rddreg [dreg:$0x9]  }
0x14: {  	[tilespmem:s13], [sflag:$0x3] =	stream.linear.gather [hbm4b:s12+s2], $0x40, $0x38;
	[tilespmem:$0x18200] =	vst v63  }
0x15: {  	_ =	swait.ge [sflag:s8], $0x40  }
0x16: {  	s24 =	rddreg [dreg:$0x5];
	[sflag:s8] =	ssyncset.done $0x0  }
0x17: {  	s25 =	rddreg [dreg:$0xa];
	[sflag:s8] =	ssyncadd.s32 $0xFFFFFFC0  }
0x18: {  	[tilespmem:s25], [sflag:$0x3] =	stream.linear.gather [hbm4b:s24+s2], $0x40, $0x38;
	[tilespmem:$0x18200] =	vst v63  }
0x19: {  	_ =	swait.ge [sflag:s8], $0x40  }
0x1a: {  	[sflag:s8] =	ssyncset.done $0x0  }
0x1b: {  	s7 =	simm.s32 $0x1;
	[sflag:s8] =	ssyncadd.s32 $0xFFFFFFC0  }
0x1c: {  	_ =	swait.ge [sflag:s7], $0xC000  }
0x1d: {  	[sflag:s7] =	ssyncset.done $0x0  }
0x1e: {  	s0 =	simm.s32 $0xC000;
	s26 =	rddreg [dreg:$0x6];
	[sflag:s7] =	ssyncadd.s32 $0xFFFF4000  }
0x1f: {  	[tilespmem:s0], [sflag:$0x1] =	stream.linear.gather [hbm4b:s26+s2], $0xC000, $0x38;
	[tilespmem:$0x18200] =	vst v63  }
0x20: {  	v3 =	vld [tilespmem:$0x18000];
	_ =	sdelay $0x4  }
0x21: {  	v4 =	vshrl.u32 v3, $0x3  }
0x22: {  	v4 =	vmul.u32 $0x30, v4  }
0x23: {  	v3 =	vand.u32 $0x7, v3  }
0x24: {  	v3 =	vor.u32 v3, v4  }
0x25: {  	v4 =	vperm.xlane v3, v0;
	_ =	sdelay $0x1  }
0x26: {  	v4 =	vadd.s32 v1, v4;
	_ =	sdelay $0x3  }
0x27: {  	v3 =	vperm.xlane v3, v2  }
0x28: {  	[hbm4b:s3+s2] =	stream.indirect_vreg.scatter [tilespmem:s2], [sflag:$0x2], $0x80, v4, vm0, $0xb8;
	[tilespmem:$0x18200] =	vst v63  }
0x29: {  	s11 =	simm.s32 $0x800;
	v3 =	vadd.s32 v1, v3  }
0x2a: {  	[hbm4b:s4+s2] =	stream.indirect_vreg.scatter [tilespmem:s11], [sflag:$0x2], $0x80, v4, vm0, $0xb8;
	[tilespmem:$0x18200] =	vst v63  }
0x2b: {  	s12 =	simm.s32 $0x1000  }
0x2c: {  	[hbm4b:s5+s2] =	stream.indirect_vreg.scatter [tilespmem:s12], [sflag:$0x2], $0x80, v4, vm0, $0xb8;
	[tilespmem:$0x18200] =	vst v63  }
0x2d: {  	s13 =	simm.s32 $0x1800  }
0x2e: {  	[hbm4b:s3+s2] =	stream.indirect_vreg.scatter [tilespmem:s13], [sflag:$0x2], $0x80, v3, vm0, $0xb8;
	[tilespmem:$0x18200] =	vst v63  }
0x2f: {  	s14 =	simm.s32 $0x2000  }
0x30: {  	[hbm4b:s4+s2] =	stream.indirect_vreg.scatter [tilespmem:s14], [sflag:$0x2], $0x80, v3, vm0, $0xb8;
	[tilespmem:$0x18200] =	vst v63  }
0x31: {  	s15 =	simm.s32 $0x2800  }
0x32: {  	[hbm4b:s5+s2] =	stream.indirect_vreg.scatter [tilespmem:s15], [sflag:$0x2], $0x80, v3, vm0, $0xb8;
	[tilespmem:$0x18200] =	vst v63  }
0x33: {  	v3 =	vld [tilespmem:$0x18010];
	_ =	sdelay $0x4  }
0x34: {  	v49 =	vshrl.u32 v3, $0x3  }
0x35: {  	v4 =	vmul.u32 $0x30, v49  }
0x36: {  	v3 =	vand.u32 $0x7, v3  }
0x37: {  	v3 =	vor.u32 v3, v4  }
0x38: {  	v4 =	vperm.xlane v3, v0;
	_ =	sdelay $0x1  }
0x39: {  	v4 =	vadd.s32 v1, v4;
	_ =	sdelay $0x3  }
0x3a: {  	s16 =	simm.s32 $0x3000;
	v3 =	vperm.xlane v3, v2  }
0x3b: {  	[hbm4b:s3+s2] =	stream.indirect_vreg.scatter [tilespmem:s16], [sflag:$0x2], $0x80, v4, vm0, $0xb8;
	[tilespmem:$0x18200] =	vst v63  }
0x3c: {  	s17 =	simm.s32 $0x3800;
	v3 =	vadd.s32 v1, v3  }
0x3d: {  	[hbm4b:s4+s2] =	stream.indirect_vreg.scatter [tilespmem:s17], [sflag:$0x2], $0x80, v4, vm0, $0xb8;
	[tilespmem:$0x18200] =	vst v63  }
0x3e: {  	s18 =	simm.s32 $0x4000  }
0x3f: {  	[hbm4b:s5+s2] =	stream.indirect_vreg.scatter [tilespmem:s18], [sflag:$0x2], $0x80, v4, vm0, $0xb8;
	[tilespmem:$0x18200] =	vst v63  }
0x40: {  	s19 =	simm.s32 $0x4800  }
0x41: {  	[hbm4b:s3+s2] =	stream.indirect_vreg.scatter [tilespmem:s19], [sflag:$0x2], $0x80, v3, vm0, $0xb8;
	[tilespmem:$0x18200] =	vst v63  }
0x42: {  	s20 =	simm.s32 $0x5000  }
0x43: {  	[hbm4b:s4+s2] =	stream.indirect_vreg.scatter [tilespmem:s20], [sflag:$0x2], $0x80, v3, vm0, $0xb8;
	[tilespmem:$0x18200] =	vst v63  }
0x44: {  	s21 =	simm.s32 $0x5800  }
0x45: {  	[hbm4b:s5+s2] =	stream.indirect_vreg.scatter [tilespmem:s21], [sflag:$0x2], $0x80, v3, vm0, $0xb8;
	[tilespmem:$0x18200] =	vst v63  }
0x46: {  	v3 =	vld [tilespmem:$0x18020];
	_ =	sdelay $0x4  }
0x47: {  	v50 =	vshrl.u32 v3, $0x3  }
0x48: {  	v4 =	vmul.u32 $0x30, v50  }
0x49: {  	v3 =	vand.u32 $0x7, v3  }
0x4a: {  	v3 =	vor.u32 v3, v4  }
0x4b: {  	v4 =	vperm.xlane v3, v0;
	_ =	sdelay $0x1  }
0x4c: {  	v4 =	vadd.s32 v1, v4;
	_ =	sdelay $0x3  }
0x4d: {  	s22 =	simm.s32 $0x6000;
	v3 =	vperm.xlane v3, v2  }
0x4e: {  	[hbm4b:s3+s2] =	stream.indirect_vreg.scatter [tilespmem:s22], [sflag:$0x2], $0x80, v4, vm0, $0xb8;
	[tilespmem:$0x18200] =	vst v63  }
0x4f: {  	s23 =	simm.s32 $0x6800;
	v3 =	vadd.s32 v1, v3  }
0x50: {  	[hbm4b:s4+s2] =	stream.indirect_vreg.scatter [tilespmem:s23], [sflag:$0x2], $0x80, v4, vm0, $0xb8;
	[tilespmem:$0x18200] =	vst v63  }
0x51: {  	s24 =	simm.s32 $0x7000  }
0x52: {  	[hbm4b:s5+s2] =	stream.indirect_vreg.scatter [tilespmem:s24], [sflag:$0x2], $0x80, v4, vm0, $0xb8;
	[tilespmem:$0x18200] =	vst v63  }
0x53: {  	s25 =	simm.s32 $0x7800  }
0x54: {  	[hbm4b:s3+s2] =	stream.indirect_vreg.scatter [tilespmem:s25], [sflag:$0x2], $0x80, v3, vm0, $0xb8;
	[tilespmem:$0x18200] =	vst v63  }
0x55: {  	s26 =	simm.s32 $0x8000  }
0x56: {  	[hbm4b:s4+s2] =	stream.indirect_vreg.scatter [tilespmem:s26], [sflag:$0x2], $0x80, v3, vm0, $0xb8;
	[tilespmem:$0x18200] =	vst v63  }
0x57: {  	s28 =	simm.s32 $0x8800  }
0x58: {  	[hbm4b:s5+s2] =	stream.indirect_vreg.scatter [tilespmem:s28], [sflag:$0x2], $0x80, v3, vm0, $0xb8;
	[tilespmem:$0x18200] =	vst v63  }
0x59: {  	v3 =	vld [tilespmem:$0x18030];
	_ =	sdelay $0x4  }
0x5a: {  	v51 =	vshrl.u32 v3, $0x3  }
0x5b: {  	v4 =	vmul.u32 $0x30, v51  }
0x5c: {  	v3 =	vand.u32 $0x7, v3  }
0x5d: {  	v3 =	vor.u32 v3, v4  }
0x5e: {  	v4 =	vperm.xlane v3, v0;
	_ =	sdelay $0x1  }
0x5f: {  	v4 =	vadd.s32 v1, v4;
	_ =	sdelay $0x3  }
0x60: {  	s29 =	simm.s32 $0x9000;
	v3 =	vperm.xlane v3, v2  }
0x61: {  	[hbm4b:s3+s2] =	stream.indirect_vreg.scatter [tilespmem:s29], [sflag:$0x2], $0x80, v4, vm0, $0xb8;
	[tilespmem:$0x18200] =	vst v63  }
0x62: {  	s30 =	simm.s32 $0x9800;
	v3 =	vadd.s32 v1, v3  }
0x63: {  	[hbm4b:s4+s2] =	stream.indirect_vreg.scatter [tilespmem:s30], [sflag:$0x2], $0x80, v4, vm0, $0xb8;
	[tilespmem:$0x18200] =	vst v63  }
0x64: {  	s31 =	simm.s32 $0xA000  }
0x65: {  	[hbm4b:s5+s2] =	stream.indirect_vreg.scatter [tilespmem:s31], [sflag:$0x2], $0x80, v4, vm0, $0xb8;
	[tilespmem:$0x18200] =	vst v63  }
0x66: {  	s1 =	simm.s32 $0xA800  }
0x67: {  	[hbm4b:s3+s2] =	stream.indirect_vreg.scatter [tilespmem:s1], [sflag:$0x2], $0x80, v3, vm0, $0xb8;
	[tilespmem:$0x18200] =	vst v63  }
0x68: {  	s0 =	simm.s32 $0xB000  }
0x69: {  	[hbm4b:s4+s2] =	stream.indirect_vreg.scatter [tilespmem:s0], [sflag:$0x2], $0x80, v3, vm0, $0xb8;
	[tilespmem:$0x18200] =	vst v63  }
0x6a: {  	s9 =	simm.s32 $0xB800  }
0x6b: {  	[hbm4b:s5+s2] =	stream.indirect_vreg.scatter [tilespmem:s9], [sflag:$0x2], $0x80, v3, vm0, $0xb8;
	[tilespmem:$0x18200] =	vst v63  }
0x6c: {  	v3 =	vld [tilespmem:$0x18100];
	_ =	sdelay $0x4  }
0x6d: {  	v52 =	vshrl.u32 v3, $0x3  }
0x6e: {  	v4 =	vmul.u32 $0x30, v52  }
0x6f: {  	v3 =	vand.u32 $0x7, v3  }
0x70: {  	v3 =	vor.u32 v3, v4  }
0x71: {  	v4 =	vperm.xlane v3, v0;
	_ =	sdelay $0x1  }
0x72: {  	v4 =	vadd.s32 v1, v4;
	_ =	sdelay $0x3  }
0x73: {  	v3 =	vperm.xlane v3, v2  }
0x74: {  	[hbm4b:s3+s2] =	stream.indirect_vreg.scatter [tilespmem:s2], [sflag:$0x2], $0x80, v4, vm0, $0xb8;
	[tilespmem:$0x18200] =	vst v63  }
0x75: {  	v3 =	vadd.s32 v1, v3  }
0x76: {  	[hbm4b:s4+s2] =	stream.indirect_vreg.scatter [tilespmem:s11], [sflag:$0x2], $0x80, v4, vm0, $0xb8;
	[tilespmem:$0x18200] =	vst v63  }
0x77: {  	_ = 	snop  }
0x78: {  	[hbm4b:s5+s2] =	stream.indirect_vreg.scatter [tilespmem:s12], [sflag:$0x2], $0x80, v4, vm0, $0xb8;
	[tilespmem:$0x18200] =	vst v63  }
0x79: {  	_ = 	snop  }
0x7a: {  	[hbm4b:s3+s2] =	stream.indirect_vreg.scatter [tilespmem:s13], [sflag:$0x2], $0x80, v3, vm0, $0xb8;
	[tilespmem:$0x18200] =	vst v63  }
0x7b: {  	_ = 	snop  }
0x7c: {  	[hbm4b:s4+s2] =	stream.indirect_vreg.scatter [tilespmem:s14], [sflag:$0x2], $0x80, v3, vm0, $0xb8;
	[tilespmem:$0x18200] =	vst v63  }
0x7d: {  	_ = 	snop  }
0x7e: {  	[hbm4b:s5+s2] =	stream.indirect_vreg.scatter [tilespmem:s15], [sflag:$0x2], $0x80, v3, vm0, $0xb8;
	[tilespmem:$0x18200] =	vst v63  }
0x7f: {  	v3 =	vld [tilespmem:$0x18110];
	_ =	sdelay $0x4  }
0x80: {  	v53 =	vshrl.u32 v3, $0x3  }
0x81: {  	v4 =	vmul.u32 $0x30, v53  }
0x82: {  	v3 =	vand.u32 $0x7, v3  }
0x83: {  	v3 =	vor.u32 v3, v4  }
0x84: {  	v4 =	vperm.xlane v3, v0;
	_ =	sdelay $0x1  }
0x85: {  	v4 =	vadd.s32 v1, v4;
	_ =	sdelay $0x3  }
0x86: {  	v3 =	vperm.xlane v3, v2  }
0x87: {  	[hbm4b:s3+s2] =	stream.indirect_vreg.scatter [tilespmem:s16], [sflag:$0x2], $0x80, v4, vm0, $0xb8;
	[tilespmem:$0x18200] =	vst v63  }
0x88: {  	v3 =	vadd.s32 v1, v3  }
0x89: {  	[hbm4b:s4+s2] =	stream.indirect_vreg.scatter [tilespmem:s17], [sflag:$0x2], $0x80, v4, vm0, $0xb8;
	[tilespmem:$0x18200] =	vst v63  }
0x8a: {  	_ = 	snop  }
0x8b: {  	[hbm4b:s5+s2] =	stream.indirect_vreg.scatter [tilespmem:s18], [sflag:$0x2], $0x80, v4, vm0, $0xb8;
	[tilespmem:$0x18200] =	vst v63  }
0x8c: {  	_ = 	snop  }
0x8d: {  	[hbm4b:s3+s2] =	stream.indirect_vreg.scatter [tilespmem:s19], [sflag:$0x2], $0x80, v3, vm0, $0xb8;
	[tilespmem:$0x18200] =	vst v63  }
0x8e: {  	_ = 	snop  }
0x8f: {  	[hbm4b:s4+s2] =	stream.indirect_vreg.scatter [tilespmem:s20], [sflag:$0x2], $0x80, v3, vm0, $0xb8;
	[tilespmem:$0x18200] =	vst v63  }
0x90: {  	_ = 	snop  }
0x91: {  	[hbm4b:s5+s2] =	stream.indirect_vreg.scatter [tilespmem:s21], [sflag:$0x2], $0x80, v3, vm0, $0xb8;
	[tilespmem:$0x18200] =	vst v63  }
0x92: {  	v3 =	vld [tilespmem:$0x18120];
	_ =	sdelay $0x4  }
0x93: {  	v54 =	vshrl.u32 v3, $0x3  }
0x94: {  	v4 =	vmul.u32 $0x30, v54  }
0x95: {  	v3 =	vand.u32 $0x7, v3  }
0x96: {  	v3 =	vor.u32 v3, v4  }
0x97: {  	v4 =	vperm.xlane v3, v0;
	_ =	sdelay $0x1  }
0x98: {  	v4 =	vadd.s32 v1, v4;
	_ =	sdelay $0x3  }
0x99: {  	v3 =	vperm.xlane v3, v2  }
0x9a: {  	[hbm4b:s3+s2] =	stream.indirect_vreg.scatter [tilespmem:s22], [sflag:$0x2], $0x80, v4, vm0, $0xb8;
	[tilespmem:$0x18200] =	vst v63  }
0x9b: {  	v3 =	vadd.s32 v1, v3  }
0x9c: {  	[hbm4b:s4+s2] =	stream.indirect_vreg.scatter [tilespmem:s23], [sflag:$0x2], $0x80, v4, vm0, $0xb8;
	[tilespmem:$0x18200] =	vst v63  }
0x9d: {  	_ = 	snop  }
0x9e: {  	[hbm4b:s5+s2] =	stream.indirect_vreg.scatter [tilespmem:s24], [sflag:$0x2], $0x80, v4, vm0, $0xb8;
	[tilespmem:$0x18200] =	vst v63  }
0x9f: {  	_ = 	snop  }
0xa0: {  	[hbm4b:s3+s2] =	stream.indirect_vreg.scatter [tilespmem:s25], [sflag:$0x2], $0x80, v3, vm0, $0xb8;
	[tilespmem:$0x18200] =	vst v63  }
0xa1: {  	_ = 	snop  }
0xa2: {  	[hbm4b:s4+s2] =	stream.indirect_vreg.scatter [tilespmem:s26], [sflag:$0x2], $0x80, v3, vm0, $0xb8;
	[tilespmem:$0x18200] =	vst v63  }
0xa3: {  	_ = 	snop  }
0xa4: {  	[hbm4b:s5+s2] =	stream.indirect_vreg.scatter [tilespmem:s28], [sflag:$0x2], $0x80, v3, vm0, $0xb8;
	[tilespmem:$0x18200] =	vst v63  }
0xa5: {  	v3 =	vld [tilespmem:$0x18130];
	_ =	sdelay $0x4  }
0xa6: {  	v55 =	vshrl.u32 v3, $0x3  }
0xa7: {  	v4 =	vmul.u32 $0x30, v55  }
0xa8: {  	v3 =	vand.u32 $0x7, v3  }
0xa9: {  	v3 =	vor.u32 v3, v4  }
0xaa: {  	v4 =	vperm.xlane v3, v0;
	_ =	sdelay $0x1  }
0xab: {  	v4 =	vadd.s32 v1, v4;
	_ =	sdelay $0x3  }
0xac: {  	v3 =	vperm.xlane v3, v2  }
0xad: {  	[hbm4b:s3+s2] =	stream.indirect_vreg.scatter [tilespmem:s29], [sflag:$0x2], $0x80, v4, vm0, $0xb8;
	[tilespmem:$0x18200] =	vst v63  }
0xae: {  	v3 =	vadd.s32 v1, v3  }
0xaf: {  	[hbm4b:s4+s2] =	stream.indirect_vreg.scatter [tilespmem:s30], [sflag:$0x2], $0x80, v4, vm0, $0xb8;
	[tilespmem:$0x18200] =	vst v63  }
0xb0: {  	_ = 	snop  }
0xb1: {  	[hbm4b:s5+s2] =	stream.indirect_vreg.scatter [tilespmem:s31], [sflag:$0x2], $0x80, v4, vm0, $0xb8;
	[tilespmem:$0x18200] =	vst v63  }
0xb2: {  	_ = 	snop  }
0xb3: {  	[hbm4b:s3+s2] =	stream.indirect_vreg.scatter [tilespmem:s1], [sflag:$0x2], $0x80, v3, vm0, $0xb8;
	[tilespmem:$0x18200] =	vst v63  }
0xb4: {  	_ = 	snop  }
0xb5: {  	[hbm4b:s4+s2] =	stream.indirect_vreg.scatter [tilespmem:s0], [sflag:$0x2], $0x80, v3, vm0, $0xb8;
	[tilespmem:$0x18200] =	vst v63  }
0xb6: {  	s28 =	rddreg [dreg:$0x7]  }
0xb7: {  	[hbm4b:s5+s2] =	stream.indirect_vreg.scatter [tilespmem:s9], [sflag:$0x2], $0x80, v3, vm0, $0xb8;
	[tilespmem:$0x18200] =	vst v63  }
0xb8: {  	s29 =	rddreg [dreg:$0xb]  }
0xb9: {  	[tilespmem:s29], [sflag:$0x3] =	stream.linear.gather [hbm4b:s28+s2], $0x40, $0x38;
	[tilespmem:$0x18200] =	vst v63  }
0xba: {  	_ =	swait.ge [sflag:s8], $0x40  }
0xbb: {  	s30 =	rddreg [dreg:$0x8];
	[sflag:s8] =	ssyncset.done $0x0  }
0xbc: {  	s31 =	rddreg [dreg:$0xc];
	[sflag:s8] =	ssyncadd.s32 $0xFFFFFFC0  }
0xbd: {  	[tilespmem:s31], [sflag:$0x3] =	stream.linear.gather [hbm4b:s30+s2], $0x40, $0x38;
	[tilespmem:$0x18200] =	vst v63  }
0xbe: {  	_ =	swait.ge [sflag:s8], $0x40  }
0xbf: {  	[sflag:s8] =	ssyncset.done $0x0  }
0xc0: {  	[sflag:s8] =	ssyncadd.s32 $0xFFFFFFC0  }
0xc1: {  	_ =	swait.ge [sflag:s7], $0xC000  }
0xc2: {  	[sflag:s7] =	ssyncset.done $0x0  }
0xc3: {  	[sflag:s7] =	ssyncadd.s32 $0xFFFF4000  }
0xc4: {  	v3 =	vld [tilespmem:$0x18080];
	_ =	sdelay $0x4  }
0xc5: {  	v56 =	vshrl.u32 v3, $0x3  }
0xc6: {  	v4 =	vmul.u32 $0x30, v56  }
0xc7: {  	v3 =	vand.u32 $0x7, v3  }
0xc8: {  	v3 =	vor.u32 v3, v4  }
0xc9: {  	v4 =	vperm.xlane v3, v0;
	_ =	sdelay $0x1  }
0xca: {  	v4 =	vadd.s32 v1, v4;
	_ =	sdelay $0x3  }
0xcb: {  	s31 =	simm.s32 $0xC000;
	v3 =	vperm.xlane v3, v2  }
0xcc: {  	[hbm4b:s3+s2] =	stream.indirect_vreg.scatter [tilespmem:s31], [sflag:$0x2], $0x80, v4, vm0, $0xb8;
	[tilespmem:$0x18200] =	vst v63  }
0xcd: {  	s0 =	simm.s32 $0xC800;
	v3 =	vadd.s32 v1, v3  }
0xce: {  	[hbm4b:s4+s2] =	stream.indirect_vreg.scatter [tilespmem:s0], [sflag:$0x2], $0x80, v4, vm0, $0xb8;
	[tilespmem:$0x18200] =	vst v63  }
0xcf: {  	s1 =	simm.s32 $0xD000  }
0xd0: {  	[hbm4b:s5+s2] =	stream.indirect_vreg.scatter [tilespmem:s1], [sflag:$0x2], $0x80, v4, vm0, $0xb8;
	[tilespmem:$0x18200] =	vst v63  }
0xd1: {  	s7 =	simm.s32 $0xD800  }
0xd2: {  	[hbm4b:s3+s2] =	stream.indirect_vreg.scatter [tilespmem:s7], [sflag:$0x2], $0x80, v3, vm0, $0xb8;
	[tilespmem:$0x18200] =	vst v63  }
0xd3: {  	s9 =	simm.s32 $0xE000  }
0xd4: {  	[hbm4b:s4+s2] =	stream.indirect_vreg.scatter [tilespmem:s9], [sflag:$0x2], $0x80, v3, vm0, $0xb8;
	[tilespmem:$0x18200] =	vst v63  }
0xd5: {  	s11 =	simm.s32 $0xE800  }
0xd6: {  	[hbm4b:s5+s2] =	stream.indirect_vreg.scatter [tilespmem:s11], [sflag:$0x2], $0x80, v3, vm0, $0xb8;
	[tilespmem:$0x18200] =	vst v63  }
0xd7: {  	v3 =	vld [tilespmem:$0x18090];
	_ =	sdelay $0x4  }
0xd8: {  	v57 =	vshrl.u32 v3, $0x3  }
0xd9: {  	v4 =	vmul.u32 $0x30, v57  }
0xda: {  	v3 =	vand.u32 $0x7, v3  }
0xdb: {  	v3 =	vor.u32 v3, v4  }
0xdc: {  	v4 =	vperm.xlane v3, v0;
	_ =	sdelay $0x1  }
0xdd: {  	v4 =	vadd.s32 v1, v4;
	_ =	sdelay $0x3  }
0xde: {  	s12 =	simm.s32 $0xF000;
	v3 =	vperm.xlane v3, v2  }
0xdf: {  	[hbm4b:s3+s2] =	stream.indirect_vreg.scatter [tilespmem:s12], [sflag:$0x2], $0x80, v4, vm0, $0xb8;
	[tilespmem:$0x18200] =	vst v63  }
0xe0: {  	s13 =	simm.s32 $0xF800;
	v3 =	vadd.s32 v1, v3  }
0xe1: {  	[hbm4b:s4+s2] =	stream.indirect_vreg.scatter [tilespmem:s13], [sflag:$0x2], $0x80, v4, vm0, $0xb8;
	[tilespmem:$0x18200] =	vst v63  }
0xe2: {  	s14 =	simm.s32 $0x10000  }
0xe3: {  	[hbm4b:s5+s2] =	stream.indirect_vreg.scatter [tilespmem:s14], [sflag:$0x2], $0x80, v4, vm0, $0xb8;
	[tilespmem:$0x18200] =	vst v63  }
0xe4: {  	s15 =	simm.s32 $0x10800  }
0xe5: {  	[hbm4b:s3+s2] =	stream.indirect_vreg.scatter [tilespmem:s15], [sflag:$0x2], $0x80, v3, vm0, $0xb8;
	[tilespmem:$0x18200] =	vst v63  }
0xe6: {  	s16 =	simm.s32 $0x11000  }
0xe7: {  	[hbm4b:s4+s2] =	stream.indirect_vreg.scatter [tilespmem:s16], [sflag:$0x2], $0x80, v3, vm0, $0xb8;
	[tilespmem:$0x18200] =	vst v63  }
0xe8: {  	s17 =	simm.s32 $0x11800  }
0xe9: {  	[hbm4b:s5+s2] =	stream.indirect_vreg.scatter [tilespmem:s17], [sflag:$0x2], $0x80, v3, vm0, $0xb8;
	[tilespmem:$0x18200] =	vst v63  }
0xea: {  	v3 =	vld [tilespmem:$0x180A0];
	_ =	sdelay $0x4  }
0xeb: {  	v58 =	vshrl.u32 v3, $0x3  }
0xec: {  	v4 =	vmul.u32 $0x30, v58  }
0xed: {  	v3 =	vand.u32 $0x7, v3  }
0xee: {  	v3 =	vor.u32 v3, v4  }
0xef: {  	v4 =	vperm.xlane v3, v0;
	_ =	sdelay $0x1  }
0xf0: {  	v4 =	vadd.s32 v1, v4;
	_ =	sdelay $0x3  }
0xf1: {  	s18 =	simm.s32 $0x12000;
	v3 =	vperm.xlane v3, v2  }
0xf2: {  	[hbm4b:s3+s2] =	stream.indirect_vreg.scatter [tilespmem:s18], [sflag:$0x2], $0x80, v4, vm0, $0xb8;
	[tilespmem:$0x18200] =	vst v63  }
0xf3: {  	s19 =	simm.s32 $0x12800;
	v3 =	vadd.s32 v1, v3  }
0xf4: {  	[hbm4b:s4+s2] =	stream.indirect_vreg.scatter [tilespmem:s19], [sflag:$0x2], $0x80, v4, vm0, $0xb8;
	[tilespmem:$0x18200] =	vst v63  }
0xf5: {  	s20 =	simm.s32 $0x13000  }
0xf6: {  	[hbm4b:s5+s2] =	stream.indirect_vreg.scatter [tilespmem:s20], [sflag:$0x2], $0x80, v4, vm0, $0xb8;
	[tilespmem:$0x18200] =	vst v63  }
0xf7: {  	s21 =	simm.s32 $0x13800  }
0xf8: {  	[hbm4b:s3+s2] =	stream.indirect_vreg.scatter [tilespmem:s21], [sflag:$0x2], $0x80, v3, vm0, $0xb8;
	[tilespmem:$0x18200] =	vst v63  }
0xf9: {  	s22 =	simm.s32 $0x14000  }
0xfa: {  	[hbm4b:s4+s2] =	stream.indirect_vreg.scatter [tilespmem:s22], [sflag:$0x2], $0x80, v3, vm0, $0xb8;
	[tilespmem:$0x18200] =	vst v63  }
0xfb: {  	s23 =	simm.s32 $0x14800  }
0xfc: {  	[hbm4b:s5+s2] =	stream.indirect_vreg.scatter [tilespmem:s23], [sflag:$0x2], $0x80, v3, vm0, $0xb8;
	[tilespmem:$0x18200] =	vst v63  }
0xfd: {  	v3 =	vld [tilespmem:$0x180B0];
	_ =	sdelay $0x4  }
0xfe: {  	v59 =	vshrl.u32 v3, $0x3  }
0xff: {  	v4 =	vmul.u32 $0x30, v59  }
0x100: {  	v3 =	vand.u32 $0x7, v3  }
0x101: {  	v3 =	vor.u32 v3, v4  }
0x102: {  	v4 =	vperm.xlane v3, v0;
	_ =	sdelay $0x1  }
0x103: {  	v4 =	vadd.s32 v1, v4;
	_ =	sdelay $0x3  }
0x104: {  	s24 =	simm.s32 $0x15000;
	v3 =	vperm.xlane v3, v2  }
0x105: {  	[hbm4b:s3+s2] =	stream.indirect_vreg.scatter [tilespmem:s24], [sflag:$0x2], $0x80, v4, vm0, $0xb8;
	[tilespmem:$0x18200] =	vst v63  }
0x106: {  	s25 =	simm.s32 $0x15800;
	v3 =	vadd.s32 v1, v3  }
0x107: {  	[hbm4b:s4+s2] =	stream.indirect_vreg.scatter [tilespmem:s25], [sflag:$0x2], $0x80, v4, vm0, $0xb8;
	[tilespmem:$0x18200] =	vst v63  }
0x108: {  	s26 =	simm.s32 $0x16000  }
0x109: {  	[hbm4b:s5+s2] =	stream.indirect_vreg.scatter [tilespmem:s26], [sflag:$0x2], $0x80, v4, vm0, $0xb8;
	[tilespmem:$0x18200] =	vst v63  }
0x10a: {  	s28 =	simm.s32 $0x16800  }
0x10b: {  	[hbm4b:s3+s2] =	stream.indirect_vreg.scatter [tilespmem:s28], [sflag:$0x2], $0x80, v3, vm0, $0xb8;
	[tilespmem:$0x18200] =	vst v63  }
0x10c: {  	s29 =	simm.s32 $0x17000  }
0x10d: {  	[hbm4b:s4+s2] =	stream.indirect_vreg.scatter [tilespmem:s29], [sflag:$0x2], $0x80, v3, vm0, $0xb8;
	[tilespmem:$0x18200] =	vst v63  }
0x10e: {  	s30 =	simm.s32 $0x17800  }
0x10f: {  	[hbm4b:s5+s2] =	stream.indirect_vreg.scatter [tilespmem:s30], [sflag:$0x2], $0x80, v3, vm0, $0xb8;
	[tilespmem:$0x18200] =	vst v63  }
0x110: {  	v3 =	vld [tilespmem:$0x18180];
	_ =	sdelay $0x4  }
0x111: {  	v60 =	vshrl.u32 v3, $0x3  }
0x112: {  	v4 =	vmul.u32 $0x30, v60  }
0x113: {  	v3 =	vand.u32 $0x7, v3  }
0x114: {  	v3 =	vor.u32 v3, v4  }
0x115: {  	v4 =	vperm.xlane v3, v0;
	_ =	sdelay $0x1  }
0x116: {  	v4 =	vadd.s32 v1, v4;
	_ =	sdelay $0x3  }
0x117: {  	v3 =	vperm.xlane v3, v2  }
0x118: {  	[hbm4b:s3+s2] =	stream.indirect_vreg.scatter [tilespmem:s31], [sflag:$0x2], $0x80, v4, vm0, $0xb8;
	[tilespmem:$0x18200] =	vst v63  }
0x119: {  	v3 =	vadd.s32 v1, v3  }
0x11a: {  	[hbm4b:s4+s2] =	stream.indirect_vreg.scatter [tilespmem:s0], [sflag:$0x2], $0x80, v4, vm0, $0xb8;
	[tilespmem:$0x18200] =	vst v63  }
0x11b: {  	_ = 	snop  }
0x11c: {  	[hbm4b:s5+s2] =	stream.indirect_vreg.scatter [tilespmem:s1], [sflag:$0x2], $0x80, v4, vm0, $0xb8;
	[tilespmem:$0x18200] =	vst v63  }
0x11d: {  	_ = 	snop  }
0x11e: {  	[hbm4b:s3+s2] =	stream.indirect_vreg.scatter [tilespmem:s7], [sflag:$0x2], $0x80, v3, vm0, $0xb8;
	[tilespmem:$0x18200] =	vst v63  }
0x11f: {  	_ = 	snop  }
0x120: {  	[hbm4b:s4+s2] =	stream.indirect_vreg.scatter [tilespmem:s9], [sflag:$0x2], $0x80, v3, vm0, $0xb8;
	[tilespmem:$0x18200] =	vst v63  }
0x121: {  	_ = 	snop  }
0x122: {  	[hbm4b:s5+s2] =	stream.indirect_vreg.scatter [tilespmem:s11], [sflag:$0x2], $0x80, v3, vm0, $0xb8;
	[tilespmem:$0x18200] =	vst v63  }
0x123: {  	v3 =	vld [tilespmem:$0x18190];
	_ =	sdelay $0x4  }
0x124: {  	v61 =	vshrl.u32 v3, $0x3  }
0x125: {  	v4 =	vmul.u32 $0x30, v61  }
0x126: {  	v3 =	vand.u32 $0x7, v3  }
0x127: {  	v3 =	vor.u32 v3, v4  }
0x128: {  	v4 =	vperm.xlane v3, v0;
	_ =	sdelay $0x1  }
0x129: {  	v4 =	vadd.s32 v1, v4;
	_ =	sdelay $0x3  }
0x12a: {  	v3 =	vperm.xlane v3, v2  }
0x12b: {  	[hbm4b:s3+s2] =	stream.indirect_vreg.scatter [tilespmem:s12], [sflag:$0x2], $0x80, v4, vm0, $0xb8;
	[tilespmem:$0x18200] =	vst v63  }
0x12c: {  	v3 =	vadd.s32 v1, v3  }
0x12d: {  	[hbm4b:s4+s2] =	stream.indirect_vreg.scatter [tilespmem:s13], [sflag:$0x2], $0x80, v4, vm0, $0xb8;
	[tilespmem:$0x18200] =	vst v63  }
0x12e: {  	_ = 	snop  }
0x12f: {  	[hbm4b:s5+s2] =	stream.indirect_vreg.scatter [tilespmem:s14], [sflag:$0x2], $0x80, v4, vm0, $0xb8;
	[tilespmem:$0x18200] =	vst v63  }
0x130: {  	_ = 	snop  }
0x131: {  	[hbm4b:s3+s2] =	stream.indirect_vreg.scatter [tilespmem:s15], [sflag:$0x2], $0x80, v3, vm0, $0xb8;
	[tilespmem:$0x18200] =	vst v63  }
0x132: {  	_ = 	snop  }
0x133: {  	[hbm4b:s4+s2] =	stream.indirect_vreg.scatter [tilespmem:s16], [sflag:$0x2], $0x80, v3, vm0, $0xb8;
	[tilespmem:$0x18200] =	vst v63  }
0x134: {  	_ = 	snop  }
0x135: {  	[hbm4b:s5+s2] =	stream.indirect_vreg.scatter [tilespmem:s17], [sflag:$0x2], $0x80, v3, vm0, $0xb8;
	[tilespmem:$0x18200] =	vst v63  }
0x136: {  	v3 =	vld [tilespmem:$0x181A0];
	_ =	sdelay $0x4  }
0x137: {  	v62 =	vshrl.u32 v3, $0x3  }
0x138: {  	v4 =	vmul.u32 $0x30, v62  }
0x139: {  	v3 =	vand.u32 $0x7, v3  }
0x13a: {  	v3 =	vor.u32 v3, v4  }
0x13b: {  	v4 =	vperm.xlane v3, v0;
	_ =	sdelay $0x1  }
0x13c: {  	v4 =	vadd.s32 v1, v4;
	_ =	sdelay $0x3  }
0x13d: {  	v3 =	vperm.xlane v3, v2  }
0x13e: {  	[hbm4b:s3+s2] =	stream.indirect_vreg.scatter [tilespmem:s18], [sflag:$0x2], $0x80, v4, vm0, $0xb8;
	[tilespmem:$0x18200] =	vst v63  }
0x13f: {  	v3 =	vadd.s32 v1, v3  }
0x140: {  	[hbm4b:s4+s2] =	stream.indirect_vreg.scatter [tilespmem:s19], [sflag:$0x2], $0x80, v4, vm0, $0xb8;
	[tilespmem:$0x18200] =	vst v63  }
0x141: {  	_ = 	snop  }
0x142: {  	[hbm4b:s5+s2] =	stream.indirect_vreg.scatter [tilespmem:s20], [sflag:$0x2], $0x80, v4, vm0, $0xb8;
	[tilespmem:$0x18200] =	vst v63  }
0x143: {  	_ = 	snop  }
0x144: {  	[hbm4b:s3+s2] =	stream.indirect_vreg.scatter [tilespmem:s21], [sflag:$0x2], $0x80, v3, vm0, $0xb8;
	[tilespmem:$0x18200] =	vst v63  }
0x145: {  	_ = 	snop  }
0x146: {  	[hbm4b:s4+s2] =	stream.indirect_vreg.scatter [tilespmem:s22], [sflag:$0x2], $0x80, v3, vm0, $0xb8;
	[tilespmem:$0x18200] =	vst v63  }
0x147: {  	_ = 	snop  }
0x148: {  	[hbm4b:s5+s2] =	stream.indirect_vreg.scatter [tilespmem:s23], [sflag:$0x2], $0x80, v3, vm0, $0xb8;
	[tilespmem:$0x18200] =	vst v63  }
0x149: {  	v3 =	vld [tilespmem:$0x181B0];
	_ =	sdelay $0x4  }
0x14a: {  	v63 =	vshrl.u32 v3, $0x3  }
0x14b: {  	v4 =	vmul.u32 $0x30, v63  }
0x14c: {  	v3 =	vand.u32 $0x7, v3  }
0x14d: {  	v3 =	vor.u32 v3, v4  }
0x14e: {  	v4 =	vperm.xlane v3, v0;
	_ =	sdelay $0x1  }
0x14f: {  	v4 =	vadd.s32 v1, v4;
	_ =	sdelay $0x3  }
0x150: {  	v3 =	vperm.xlane v3, v2  }
0x151: {  	[hbm4b:s3+s2] =	stream.indirect_vreg.scatter [tilespmem:s24], [sflag:$0x2], $0x80, v4, vm0, $0xb8;
	[tilespmem:$0x18200] =	vst v63  }
0x152: {  	v3 =	vadd.s32 v1, v3  }
0x153: {  	[hbm4b:s4+s2] =	stream.indirect_vreg.scatter [tilespmem:s25], [sflag:$0x2], $0x80, v4, vm0, $0xb8;
	[tilespmem:$0x18200] =	vst v63  }
0x154: {  	_ = 	snop  }
0x155: {  	[hbm4b:s5+s2] =	stream.indirect_vreg.scatter [tilespmem:s26], [sflag:$0x2], $0x80, v4, vm0, $0xb8;
	[tilespmem:$0x18200] =	vst v63  }
0x156: {  	_ = 	snop  }
0x157: {  	[hbm4b:s3+s2] =	stream.indirect_vreg.scatter [tilespmem:s28], [sflag:$0x2], $0x80, v3, vm0, $0xb8;
	[tilespmem:$0x18200] =	vst v63  }
0x158: {  	_ = 	snop  }
0x159: {  	[hbm4b:s4+s2] =	stream.indirect_vreg.scatter [tilespmem:s29], [sflag:$0x2], $0x80, v3, vm0, $0xb8;
	[tilespmem:$0x18200] =	vst v63  }
0x15a: {  	_ = 	snop  }
0x15b: {  	[hbm4b:s5+s2] =	stream.indirect_vreg.scatter [tilespmem:s30], [sflag:$0x2], $0x80, v3, vm0, $0xb8;
	[tilespmem:$0x18200] =	vst v63  }
0x15c: {  	_ =	swait.ge [sflag:s10], $0xC000  }
0x15d: {  	[sflag:s10] =	ssyncset.done $0x0  }
0x15e: {  	[sflag:s10] =	ssyncadd.s32 $0xFFFF4000  }
0x15f: {  	_ =	swait.ge [sflag:s10], $0xC000  }
0x160: {  	[sflag:s10] =	ssyncset.done $0x0  }
0x161: {  	[sflag:s10] =	ssyncadd.s32 $0xFFFF4000  }
0x162: {  	p0 =	sne.s32 s6, $0x1;
	_ =	swait.ge [sflag:s10], $0xC000  }
.Ltmp0:
0x163: {  	[sflag:s10] =	ssyncset.done $0x0;
	(pc) =	sbr.rel @p0 .LBB2_1-.Ltmp0, $4  }
0x164: {  	[sflag:s10] =	ssyncadd.s32 $0xFFFF4000  }
0x165: {  	_ =	swait.ge [sflag:s10], $0xC000  }
0x166: {  	[sflag:s10] =	ssyncset.done $0x0  }
0x167: {  	s6 =	sadd.s32 $0xFFFFFFFF, s6;
	[sflag:s10] =	ssyncadd.s32 $0xFFFF4000  }
0x168: {  	_ =	sfence.sel $0x180000  }
0x169: {  	[bflag:$0x0] =	sbarrier.arrive $0xFFFF  }
0x16a: {  	_ =	strace $0x90000047  }
0x16b: {  	s0 =	stileid.u32;
	[bflag:$0x2] =	sbarrier.arrive $0xFFFF  }
0x16c: {  	p0 =	sne.s32 s0, $0x0;
	s0 =	rddreg [dreg:$0x2]  }
0x16d: {  	s0 =	sadd.s32 @!p0 $0x100000, s0  }
0x16e: {  	[sflag:s0] =	ssyncadd.tile.s32 @!p0 $0x1;
	_ =	shalt  }
.Lfunc_end2:
_tile_overlayer_lowered:
.L_overlay_start_2:
0x16f: {  	(tag) =	ssettag $0x2  }
0x170: {  	s0 =	rddreg [dreg:$0x0];
	s2 =	stileid.u32  }
0x171: {  	s1 =	rddreg [dreg:$0x1];
	p0 =	sne.s32 s2, $0x0  }
0x172: {  	s3 =	rddreg [dreg:$0x2];
	[bflag:$0x3] =	sbarrier.arrive $0xFFFF;
	s2 =	simm.s32 @!p0 $0x1C03  }
0x173: {  	[timem:s3], [sflag:s2] =	dma.local @!p0 [hbm:s0], s1  }
0x174: {  	s0 =	simm.s32 @!p0 $0x3  }
0x175: {  	_ =	swait.ge @!p0 [sflag:s0], s1  }
0x176: {  	s1 =	ssub.s32 @!p0 $0x0, s1;
	[sflag:s0] =	ssyncset.done @!p0 $0x0  }
0x177: {  	[sflag:s0] =	ssyncadd.s32 @!p0 s1  }
0x178: {  	[bflag:$0x3] =	sbarrier.arrive $0xFFFF  }
0x179: {  	_ =	shalt  }

// kernel: kernel.9.cloned.1.call-start
scs
__scs_entry_jumppad:
0x0: {  	(pc) =	sbr.rel $0x88, $3  }
0x1: {  	(tag) =	ssettag $0x0;
	lr =	simm.s32 $0x1  }
0x2: {  	[smem:$0x3F9C] =	sst lr;
	_ =	strace $0xD0000000  }
0x3: {  	_ = 	snop  }
0x4: {  	_ = 	snop  }
0x5: {  	_ = 	snop  }
0x6: {  	_ = 	snop  }
0x7: {  	_ = 	snop  }
__scs_overlays_trampoline_lowered:
0x8: {  	[smem:$0x3FAB] =	sst s0  }
0x9: {  	[smem:$0x3FAC] =	sst s1  }
0xa: {  	[smem:$0x3FAD] =	sst s2  }
0xb: {  	[smem:$0x3FAE] =	sst s3  }
0xc: {  	[smem:$0x3FAF] =	sst s4  }
0xd: {  	[smem:$0x3FB0] =	sst s5  }
0xe: {  	[smem:$0x3FB1] =	sst s6  }
0xf: {  	[smem:$0x3FB2] =	sst s7  }
0x10: {  	[smem:$0x3FB3] =	sst s8  }
0x11: {  	[smem:$0x3FB4] =	sst s9;
	s0 =	simm.s32 @!p0 $0x0  }
0x12: {  	s1 =	sld [smem:$0x3F9A];
	s0 =	simm.s32 @p0 $0x1  }
0x13: {  	[smem:$0x3FB5] =	sst s0;
	s0 =	simm.s32 @!p1 $0x0  }
0x14: {  	s2 =	sld [smem:$0x3F99];
	s0 =	simm.s32 @p1 $0x1  }
0x15: {  	[smem:$0x3FB6] =	sst s0;
	s0 =	simm.s32 @!p2 $0x0  }
0x16: {  	s3 =	sld [smem:$0x3FDB];
	s0 =	simm.s32 @p2 $0x1  }
0x17: {  	s4 =	simm.s32 $0x1BF5;
	[smem:$0x3FB8] =	sst s0  }
0x18: {  	s0 =	sld [smem:$0x3F9B];
	_ =	swait.ge [sflag:s4], $0x0  }
0x19: {  	s7 =	sld [smem:$0x3F9C]  }
0x1a: {  	s8 =	sadd.s32 $0xFFFFE003, lr  }
0x1b: {  	s9 =	sadd.s32 $0xFFFFFEF7, lr;
	s5 =	simm.s32 $0xFFFFFFFF;
	p2 =	slt.u32 s8, $0xFFFFF086  }
0x1c: {  	p1 =	slt.u32 s9, $0xF7A;
	s5 =	simm.s32 @!p2 $0x0  }
0x1d: {  	s5 =	simm.s32 @p1 $0x1;
	p0 =	seq.s32 s7, s2  }
0x1e: {  	s7 =	smul.u32 @!p0 $0xF7A, s2;
	p2 =	seq.s32 @!p0 s5, $0x0  }
0x1f: {  	s9 =	smul.u32 $0xF7A, s1;
	s8 =	simm.s32 @!p0 $0x1BF5;
	p2 =	por !p2, p0  }
0x20: {  	[sflag:s8] =	ssyncset.s32 @!p0 $0xFFFFF086;
	s6 =	sadd.s32 @!p0 s3, s7;
	s7 =	simm.s32 @!p0 $0x108  }
0x21: {  	s3 =	sadd.s32 s3, s9;
	s6 =	sadd.s32 @!p0 $0x88, s6;
	s7 =	simm.s32 @p2 $0x1082  }
0x22: {  	[simem:s7], [sflag:s8] =	dma.local @!p0 [hbm:s6], $0xF7A  }
0x23: {  	s9 =	sor.u32 $0xD0000000, s2;
	s6 =	simm.s32 $0x108;
	_ =	swait.ge @!p0 [sflag:s8], $0x0  }
0x24: {  	s3 =	sadd.s32 $0x88, s3;
	s6 =	simm.s32 @!p1 $0x1082;
	[sflag:s4] =	ssyncset.s32 $0xFFFFF086  }
0x25: {  	[simem:s6], [sflag:s4] =	dma.local [hbm:s3], $0xF7A  }
0x26: {  	[smem:$0x3F9C] =	sst s1;
	(tag) =	ssettag s2;
	_ =	strace s9  }
0x27: {  	s1 =	sld [smem:$0x3FAC]  }
0x28: {  	s2 =	sld [smem:$0x3FAD]  }
0x29: {  	s4 =	sld [smem:$0x3FAF]  }
0x2a: {  	p0 =	seq.s32 s5, $0x0;
	s5 =	sld [smem:$0x3FB0]  }
0x2b: {  	s6 =	sld [smem:$0x3FB1]  }
0x2c: {  	s7 =	sld [smem:$0x3FB2]  }
0x2d: {  	s3 =	simm.s32 $0x108;
	s8 =	sld [smem:$0x3FB3]  }
0x2e: {  	s3 =	simm.s32 @!p0 $0x1082;
	s9 =	sld [smem:$0x3FB4]  }
0x2f: {  	lr =	sadd.s32 s0, s3;
	s0 =	sld [smem:$0x3FAB]  }
0x30: {  	s3 =	sld [smem:$0x3FAE]  }
0x31: {  	[smem:$0x3FB7] =	sst s10  }
0x32: {  	s10 =	sld [smem:$0x3FB5];
	_ =	sdelay $0x3  }
0x33: {  	p0 =	seq.s32 s10, $0x1;
	s10 =	sld [smem:$0x3FB7];
	_ =	sdelay $0x3  }
0x34: {  	[smem:$0x3FB7] =	sst s10  }
0x35: {  	s10 =	sld [smem:$0x3FB6];
	_ =	sdelay $0x3  }
0x36: {  	p1 =	seq.s32 s10, $0x1;
	s10 =	sld [smem:$0x3FB7];
	_ =	sdelay $0x3  }
0x37: {  	[smem:$0x3FB7] =	sst s10  }
0x38: {  	s10 =	sld [smem:$0x3FB8]  }
0x39: {  	_ = 	snop;
	(pc) =	sbr.ind lr, $3  }
0x3a: {  	_ = 	snop  }
0x3b: {  	_ = 	snop  }
0x3c: {  	p2 =	seq.s32 s10, $0x1;
	s10 =	sld [smem:$0x3FB7]  }
0x3d: {  	_ =	shalt  }
0x3e: {  	_ =	shalt  }
0x3f: {  	_ =	shalt  }
0x40: {  	_ =	shalt  }
0x41: {  	_ =	shalt  }
0x42: {  	_ =	shalt  }
0x43: {  	_ =	shalt  }
0x44: {  	_ =	shalt  }
0x45: {  	_ =	shalt  }
0x46: {  	_ =	shalt  }
0x47: {  	_ =	shalt  }
0x48: {  	_ =	shalt  }
0x49: {  	_ =	shalt  }
0x4a: {  	_ =	shalt  }
0x4b: {  	_ =	shalt  }
0x4c: {  	_ =	shalt  }
0x4d: {  	_ =	shalt  }
0x4e: {  	_ =	shalt  }
0x4f: {  	_ =	shalt  }
0x50: {  	_ =	shalt  }
0x51: {  	_ =	shalt  }
0x52: {  	_ =	shalt  }
0x53: {  	_ =	shalt  }
0x54: {  	_ =	shalt  }
0x55: {  	_ =	shalt  }
0x56: {  	_ =	shalt  }
0x57: {  	_ =	shalt  }
0x58: {  	_ =	shalt  }
0x59: {  	_ =	shalt  }
0x5a: {  	_ =	shalt  }
0x5b: {  	_ =	shalt  }
0x5c: {  	_ =	shalt  }
0x5d: {  	_ =	shalt  }
0x5e: {  	_ =	shalt  }
0x5f: {  	_ =	shalt  }
0x60: {  	_ =	shalt  }
0x61: {  	_ =	shalt  }
0x62: {  	_ =	shalt  }
0x63: {  	_ =	shalt  }
0x64: {  	_ =	shalt  }
0x65: {  	_ =	shalt  }
0x66: {  	_ =	shalt  }
0x67: {  	_ =	shalt  }
0x68: {  	_ =	shalt  }
0x69: {  	_ =	shalt  }
0x6a: {  	_ =	shalt  }
0x6b: {  	_ =	shalt  }
0x6c: {  	_ =	shalt  }
0x6d: {  	_ =	shalt  }
0x6e: {  	_ =	shalt  }
0x6f: {  	_ =	shalt  }
0x70: {  	_ =	shalt  }
0x71: {  	_ =	shalt  }
0x72: {  	_ =	shalt  }
0x73: {  	_ =	shalt  }
0x74: {  	_ =	shalt  }
0x75: {  	_ =	shalt  }
0x76: {  	_ =	shalt  }
0x77: {  	_ =	shalt  }
0x78: {  	_ =	shalt  }
0x79: {  	_ =	shalt  }
0x7a: {  	_ =	shalt  }
0x7b: {  	_ =	shalt  }
0x7c: {  	_ =	shalt  }
0x7d: {  	_ =	shalt  }
0x7e: {  	_ =	shalt  }
0x7f: {  	_ =	shalt  }
0x80: {  	_ =	shalt  }
0x81: {  	_ =	shalt  }
0x82: {  	_ =	shalt  }
0x83: {  	_ =	shalt  }
0x84: {  	_ =	shalt  }
0x85: {  	_ =	shalt  }
0x86: {  	_ =	shalt  }
0x87: {  	_ =	shalt  }
.Lfunc_end0:
.L_simem_size_0:
called_computation.1_lowered:
.L_overlay_start_0:
0x88: {  	s2 =	sld [smem:$0x3FD9]  }
0x89: {  	s3 =	sld [smem:$0x3FFE];
	_ =	sdelay $0x1  }
0x8a: {  	s1 =	srdreg.scid  }
0x8b: {  	s0 =	sand.u32 $0x1, s1  }
0x8c: {  	s14 =	sshll.u32 s0, $0xA;
	s2 =	sadd.s32 s3, s2  }
0x8d: {  	s2 =	sadd.s32 s2, s14  }
0x8e: {  	[smem:$0x3FC3] =	sst s2  }
0x8f: {  	_ = 	snop  }
0x90: {  	s2 =	sld [smem:$0x3FD0];
	_ =	sdelay $0x2  }
0x91: {  	s15 =	simm.s32 $0xA;
	s4 =	simm.s32 $0x10  }
0x92: {  	[smem:s4], [sflag:s15] =	dma.local [hbm:s2], $0x1  }
0x93: {  	_ =	swait.eq [sflag:s15], $0x1  }
0x94: {  	[sflag:s15] =	ssyncset.done $0x0  }
0x95: {  	[sflag:s15] =	ssyncadd.s32 $0xFFFFFFFF  }
0x96: {  	s16 =	sld [smem:$0x10];
	(tm) =	ssettm $0x1  }
0x97: {  	s17 =	sld [smem:$0x3FFB];
	_ =	sdelay $0x3  }
0x98: {  	_ =	strace s17  }
0x99: {  	s3 =	sld [smem:$0x3FFC];
	_ =	sdelay $0x3  }
0x9a: {  	_ =	strace s3  }
0x9b: {  	s3 =	sld [smem:$0x3FFD];
	_ =	sdelay $0x3  }
0x9c: {  	_ =	strace s3  }
0x9d: {  	_ =	strace $0x8FFFFFFF  }
0x9e: {  	s18 =	sld [smem:$0x3FDB];
	_ =	sdelay $0x1  }
0x9f: {  	s19 =	simm.s32 $_scs_section_size  }
0xa0: {  	s5 =	simm.s32 $_size__tile_overlayer_lowered;
	s6 =	simm.s32 $_tile_overlayer_lowered  }
0xa1: {  	s22 =	simm.s32 $0x1BFF;
	s21 =	sshll.u32 s6, $0x1;
	s3 =	sadd.s32 s19, s18  }
0xa2: {  	s7 =	simm.s32 $0x0;
	s20 =	sshll.u32 s5, $0x1;
	s5 =	sadd.s32 s21, s3  }
0xa3: {  	[timem:s7], [sflag:s22] =	dma.local [hbm:s5], s20  }
0xa4: {  	_ =	swait.ge [sflag:s22], s20  }
0xa5: {  	s4 =	ssub.s32 $0x0, s20;
	[sflag:s22] =	ssyncset.done $0x0  }
0xa6: {  	[sflag:s22] =	ssyncadd.s32 s4;
	_ =	sdelay $0x1  }
0xa7: {  	s23 =	simm.s32 $0x1B8B  }
0xa8: {  	_ =	swait.ge [sflag:s23], $0x1  }
0xa9: {  	[sflag:s23] =	ssyncset.done $0x0  }
0xaa: {  	s25 =	simm.s32 $0x1B8E;
	s24 =	sld [smem:$0x3FFE];
	[sflag:s23] =	ssyncadd.s32 $0xFFFFFFFF  }
0xab: {  	s26 =	simm.s32 $execute0_lowered;
	[smem:$0x3FD2] =	sst s25  }
0xac: {  	s5 =	sshll.u32 s26, $0x1;
	_ =	strace $0x80000049;
	[dreg:$0x1] =	wrdreg $0xFFFFFFFF  }
0xad: {  	s28 =	simm.s32 $_size_execute0_lowered;
	s3 =	sadd.s32 s3, s5;
	[dreg:$0x0] =	wrdreg $0x0  }
0xae: {  	s5 =	sshll.u32 s28, $0x1;
	[dreg:$0x2] =	wrdreg s3  }
0xaf: {  	[dreg:$0x3] =	wrdreg s5  }
0xb0: {  	[dreg:$0x4] =	wrdreg $0xC0  }
0xb1: {  	_ =	task [dreg:s7], $0x5FFFF  }
0xb2: {  	[dreg:$0x1] =	wrdreg $0xFFFFFFFF  }
0xb3: {  	[dreg:$0x0] =	wrdreg $0x60  }
0xb4: {  	[dreg:$0x2] =	wrdreg s24  }
0xb5: {  	[dreg:$0x3] =	wrdreg s16  }
0xb6: {  	[dreg:$0x4] =	wrdreg $0x9  }
0xb7: {  	_ =	task.clear_ibuf [dreg:s7], $0x5FFFF;
	_ =	strace $0x90000049  }
0xb8: {  	s29 =	simm.s32 $0x9;
	_ =	strace $0x8000004B  }
0xb9: {  	_ =	swait.ge [sflag:s29], $0x1  }
0xba: {  	[sflag:s29] =	ssyncadd.s32 $0xFFFFFFFF  }
0xbb: {  	_ =	strace $0x9000004B  }
0xbc: {  	_ =	sfence  }
0xbd: {  	s30 =	sld [smem:$0x0];
	_ =	sdelay $0x2  }
0xbe: {  	s31 =	sshll.u32 s1, $0xD;
	s1 =	sshrl.u32 s1, $0x2  }
0xbf: {  	s3 =	sand.u32 $0x4000, s31;
	s1 =	sadd.s32 s1, s30  }
0xc0: {  	s0 =	sor.u32 s3, s0;
	s1 =	sshll.u32 s1, $0x11  }
0xc1: {  	s0 =	sor.u32 s1, s0  }
0xc2: {  	s0 =	sadd.s32 $0x8F2B, s0  }
0xc3: {  	[sflag:s0] =	ssyncadd.remote.s32 $0x1  }
0xc4: {  	_ =	sfence.sel $0xFFFF  }
0xc5: {  	[dreg:$0x0] =	wrdreg $0xFFFFFFFF;
	(pc) =	sbr.abs _section_cstart, $3  }
0xc6: {  	[dreg:$0x1] =	wrdreg $0xFFFFFFFF  }
0xc7: {  	_ =	task.clear_ibuf [dreg:s7], $0x2FFFF;
	_ =	strace $0x9FFFFFFF  }
0xc8: {  	(tm) =	ssettm $0x7FFFFFFF  }
0xc9: {  	_ =	shalt  }
tec
execute0_lowered:
.L_overlay_start_1:
0x0: {  	(tag) =	ssettag $0x1  }
0x1: {  	s0 =	rddreg [dreg:$0x0]  }
0x2: {  	s2 =	rddreg [dreg:$0x1]  }
0x3: {  	s1 =	simm.s32 $0x0;
	s4 =	srdreg.scid;
	s9 =	stileid.u32  }
0x4: {  	s29 =	simm.s32 $0x2;
	s31 =	simm.s32 $0x6000;
	[smem:$0x7FF] =	sst s1  }
0x5: {  	s3 =	sadd.s32 $0xC0800, s0;
	s5 =	sadd.s32 $0x200, s0;
	s4 =	sand.u32 $0x1, s4  }
0x6: {  	s6 =	sadd.s32 $0xC0600, s0;
	s9 =	sshll.u32 s9, $0x5;
	s7 =	ssub.s32 $0x2, s4  }
0x7: {  	s10 =	sadd.s32 $0xC0400, s0;
	s4 =	sshll.u32 s4, $0x4;
	s8 =	sshrl.u32 s7, $0x1  }
0x8: {  	_ =	strace $0x8000004A;
	s4 =	sor.u32 s4, s9;
	s7 =	ssub.s32 s7, s8  }
0x9: {  	s18 =	sadd.s32 s5, s4;
	s19 =	sadd.s32 s0, s4;
	s20 =	sor.u32 $0x4, s4  }
0xa: {  	s23 =	smul.u32 $0x300, s4;
	s11 =	sadd.s32 s6, s4;
	[dreg:$0x3] =	wrdreg s18  }
0xb: {  	s24 =	sadd.s32 s10, s4;
	s25 =	sor.u32 $0x8, s4;
	[dreg:$0x4] =	wrdreg s19  }
0xc: {  	s4 =	sor.u32 $0xC, s4;
	s8 =	simm.s32 $0x17800;
	[dreg:$0x7] =	wrdreg s11  }
0xd: {  	s21 =	sadd.s32 s5, s20;
	s22 =	sadd.s32 s0, s20;
	[dreg:$0x8] =	wrdreg s24  }
0xe: {  	s26 =	sadd.s32 s5, s25;
	s28 =	smul.u32 $0x300, s20;
	s12 =	sadd.s32 s0, s25  }
0xf: {  	s17 =	smul.u32 $0x300, s25;
	s13 =	sadd.s32 s6, s20;
	s14 =	sadd.s32 s10, s20  }
0x10: {  	s30 =	smul.u32 $0x300, s4;
	s16 =	sadd.s32 s5, s4;
	[dreg:$0x5] =	wrdreg s21  }
0x11: {  	s19 =	sadd.s32 s6, s25;
	s20 =	sadd.s32 s10, s25;
	[dreg:$0x6] =	wrdreg s22  }
0x12: {  	s24 =	sadd.s32 $0xC0900, s0;
	s25 =	sadd.s32 $0xC0A00, s0;
	[dreg:$0xa] =	wrdreg s26  }
0x13: {  	s9 =	sadd.s32 s2, s23;
	[dreg:$0xb] =	wrdreg s12;
	s21 =	sadd.s32 s6, s4  }
0x14: {  	s22 =	sadd.s32 s10, s4;
	s23 =	sadd.s32 s0, s4;
	s26 =	smax.u32 s7, $0x1  }
0x15: {  	v2 =	vlaneseq.u32;
	s6 =	simm.s32 $0x16000;
	s7 =	simm.s32 $0x16800;
	s4 =	simm.s32 $0x1  }
0x16: {  	vm0 =	vmmov $0xffff;
	v3 =	vimm.s32 $0x0;
	v1 =	vshrl.u32 v2, $0x3;
	[dreg:$0x9] =	wrdreg s9;
	s15 =	sadd.s32 s2, s28;
	s17 =	sadd.s32 s2, s17  }
0x17: {  	v0 =	vand.u32 $0x7, v2;
	v2 =	vor.u32 $0x8, v2;
	v1 =	vmul.u32 $0x8, v1;
	s18 =	sadd.s32 s2, s30;
	s2 =	simm.s32 $0x17000;
	s9 =	simm.s32 $0x0  }
.LBB2_1:
0x18: {  	s0 =	rddreg [dreg:$0x3];
	s5 =	simm.s32 $0x18000  }
0x19: {  	[tilespmem:s5], [sflag:$0x2] =	stream.linear.gather [hbm4b:s0+s1], $0x20, $0x38;
	[tilespmem:$0x18300] =	vst v63  }
0x1a: {  	_ =	swait.ge [sflag:s29], $0x20  }
0x1b: {  	[sflag:s29] =	ssyncset.done $0x0  }
0x1c: {  	s11 =	simm.s32 $0x18100;
	s10 =	rddreg [dreg:$0x4];
	[sflag:s29] =	ssyncadd.s32 $0xFFFFFFE0  }
0x1d: {  	[tilespmem:s11], [sflag:$0x2] =	stream.linear.gather [hbm4b:s10+s1], $0x20, $0x38;
	[tilespmem:$0x18300] =	vst v63  }
0x1e: {  	_ =	swait.ge [sflag:s29], $0x20  }
0x1f: {  	[sflag:s29] =	ssyncset.done $0x0  }
0x20: {  	[sflag:s29] =	ssyncadd.s32 $0xFFFFFFE0  }
0x21: {  	v4 =	vld [tilespmem:$0x18000];
	_ =	sdelay $0x4  }
0x22: {  	v5 =	vshrl.u32 v4, $0x3  }
0x23: {  	v5 =	vmul.u32 $0x30, v5  }
0x24: {  	v4 =	vand.u32 $0x7, v4  }
0x25: {  	v4 =	vor.u32 v4, v5  }
0x26: {  	v5 =	vperm.xlane v4, v0;
	_ =	sdelay $0x1  }
0x27: {  	v5 =	vadd.s32 v1, v5;
	_ =	sdelay $0x3  }
0x28: {  	v4 =	vperm.xlane v4, v2  }
0x29: {  	[tilespmem:s1], [sflag:$0x1] =	stream.indirect_vreg.gather [hbm4b:s3+s1], $0x80, v5, vm0, $0xb8;
	[tilespmem:$0x18300] =	vst v63  }
0x2a: {  	s12 =	simm.s32 $0x800;
	v4 =	vadd.s32 v1, v4  }
0x2b: {  	[tilespmem:s12], [sflag:$0x1] =	stream.indirect_vreg.gather [hbm4b:s24+s1], $0x80, v5, vm0, $0xb8;
	[tilespmem:$0x18300] =	vst v63  }
0x2c: {  	s5 =	simm.s32 $0x1000  }
0x2d: {  	[tilespmem:s5], [sflag:$0x1] =	stream.indirect_vreg.gather [hbm4b:s25+s1], $0x80, v5, vm0, $0xb8;
	[tilespmem:$0x18300] =	vst v63  }
0x2e: {  	s10 =	simm.s32 $0x1800  }
0x2f: {  	[tilespmem:s10], [sflag:$0x1] =	stream.indirect_vreg.gather [hbm4b:s3+s1], $0x80, v4, vm0, $0xb8;
	[tilespmem:$0x18300] =	vst v63  }
0x30: {  	s11 =	simm.s32 $0x2000  }
0x31: {  	[tilespmem:s11], [sflag:$0x1] =	stream.indirect_vreg.gather [hbm4b:s24+s1], $0x80, v4, vm0, $0xb8;
	[tilespmem:$0x18300] =	vst v63  }
0x32: {  	s12 =	simm.s32 $0x2800  }
0x33: {  	[tilespmem:s12], [sflag:$0x1] =	stream.indirect_vreg.gather [hbm4b:s25+s1], $0x80, v4, vm0, $0xb8;
	[tilespmem:$0x18300] =	vst v63  }
0x34: {  	v4 =	vld [tilespmem:$0x18010];
	_ =	sdelay $0x4  }
0x35: {  	v5 =	vshrl.u32 v4, $0x3  }
0x36: {  	v5 =	vmul.u32 $0x30, v5  }
0x37: {  	v4 =	vand.u32 $0x7, v4  }
0x38: {  	v4 =	vor.u32 v4, v5  }
0x39: {  	v5 =	vperm.xlane v4, v0;
	_ =	sdelay $0x1  }
0x3a: {  	v5 =	vadd.s32 v1, v5;
	_ =	sdelay $0x3  }
0x3b: {  	s5 =	simm.s32 $0x3000;
	v4 =	vperm.xlane v4, v2  }
0x3c: {  	[tilespmem:s5], [sflag:$0x1] =	stream.indirect_vreg.gather [hbm4b:s3+s1], $0x80, v5, vm0, $0xb8;
	[tilespmem:$0x18300] =	vst v63  }
0x3d: {  	s10 =	simm.s32 $0x3800;
	v4 =	vadd.s32 v1, v4  }
0x3e: {  	[tilespmem:s10], [sflag:$0x1] =	stream.indirect_vreg.gather [hbm4b:s24+s1], $0x80, v5, vm0, $0xb8;
	[tilespmem:$0x18300] =	vst v63  }
0x3f: {  	s11 =	simm.s32 $0x4000  }
0x40: {  	[tilespmem:s11], [sflag:$0x1] =	stream.indirect_vreg.gather [hbm4b:s25+s1], $0x80, v5, vm0, $0xb8;
	[tilespmem:$0x18300] =	vst v63  }
0x41: {  	s12 =	simm.s32 $0x4800  }
0x42: {  	[tilespmem:s12], [sflag:$0x1] =	stream.indirect_vreg.gather [hbm4b:s3+s1], $0x80, v4, vm0, $0xb8;
	[tilespmem:$0x18300] =	vst v63  }
0x43: {  	s5 =	simm.s32 $0x5000  }
0x44: {  	[tilespmem:s5], [sflag:$0x1] =	stream.indirect_vreg.gather [hbm4b:s24+s1], $0x80, v4, vm0, $0xb8;
	[tilespmem:$0x18300] =	vst v63  }
0x45: {  	s10 =	simm.s32 $0x5800  }
0x46: {  	[tilespmem:s10], [sflag:$0x1] =	stream.indirect_vreg.gather [hbm4b:s25+s1], $0x80, v4, vm0, $0xb8;
	[tilespmem:$0x18300] =	vst v63  }
0x47: {  	v4 =	vld [tilespmem:$0x18100];
	_ =	sdelay $0x4  }
0x48: {  	v5 =	vshrl.u32 v4, $0x3  }
0x49: {  	v5 =	vmul.u32 $0x30, v5  }
0x4a: {  	v4 =	vand.u32 $0x7, v4  }
0x4b: {  	v4 =	vor.u32 v4, v5  }
0x4c: {  	v5 =	vperm.xlane v4, v0;
	_ =	sdelay $0x1  }
0x4d: {  	v5 =	vadd.s32 v1, v5;
	_ =	sdelay $0x3  }
0x4e: {  	s11 =	simm.s32 $0xC000;
	v4 =	vperm.xlane v4, v2  }
0x4f: {  	[tilespmem:s11], [sflag:$0x1] =	stream.indirect_vreg.gather [hbm4b:s3+s1], $0x80, v5, vm0, $0xb8;
	[tilespmem:$0x18300] =	vst v63  }
0x50: {  	s12 =	simm.s32 $0xC800;
	v4 =	vadd.s32 v1, v4  }
0x51: {  	[tilespmem:s12], [sflag:$0x1] =	stream.indirect_vreg.gather [hbm4b:s24+s1], $0x80, v5, vm0, $0xb8;
	[tilespmem:$0x18300] =	vst v63  }
0x52: {  	s5 =	simm.s32 $0xD000  }
0x53: {  	[tilespmem:s5], [sflag:$0x1] =	stream.indirect_vreg.gather [hbm4b:s25+s1], $0x80, v5, vm0, $0xb8;
	[tilespmem:$0x18300] =	vst v63  }
0x54: {  	s10 =	simm.s32 $0xD800  }
0x55: {  	[tilespmem:s10], [sflag:$0x1] =	stream.indirect_vreg.gather [hbm4b:s3+s1], $0x80, v4, vm0, $0xb8;
	[tilespmem:$0x18300] =	vst v63  }
0x56: {  	s11 =	simm.s32 $0xE000  }
0x57: {  	[tilespmem:s11], [sflag:$0x1] =	stream.indirect_vreg.gather [hbm4b:s24+s1], $0x80, v4, vm0, $0xb8;
	[tilespmem:$0x18300] =	vst v63  }
0x58: {  	s12 =	simm.s32 $0xE800  }
0x59: {  	[tilespmem:s12], [sflag:$0x1] =	stream.indirect_vreg.gather [hbm4b:s25+s1], $0x80, v4, vm0, $0xb8;
	[tilespmem:$0x18300] =	vst v63  }
0x5a: {  	v4 =	vld [tilespmem:$0x18110];
	_ =	sdelay $0x4  }
0x5b: {  	v5 =	vshrl.u32 v4, $0x3  }
0x5c: {  	v5 =	vmul.u32 $0x30, v5  }
0x5d: {  	v4 =	vand.u32 $0x7, v4  }
0x5e: {  	v4 =	vor.u32 v4, v5  }
0x5f: {  	v5 =	vperm.xlane v4, v0;
	_ =	sdelay $0x1  }
0x60: {  	v5 =	vadd.s32 v1, v5;
	_ =	sdelay $0x3  }
0x61: {  	s5 =	simm.s32 $0xF000;
	v4 =	vperm.xlane v4, v2  }
0x62: {  	[tilespmem:s5], [sflag:$0x1] =	stream.indirect_vreg.gather [hbm4b:s3+s1], $0x80, v5, vm0, $0xb8;
	[tilespmem:$0x18300] =	vst v63  }
0x63: {  	s10 =	simm.s32 $0xF800;
	v4 =	vadd.s32 v1, v4  }
0x64: {  	[tilespmem:s10], [sflag:$0x1] =	stream.indirect_vreg.gather [hbm4b:s24+s1], $0x80, v5, vm0, $0xb8;
	[tilespmem:$0x18300] =	vst v63  }
0x65: {  	s11 =	simm.s32 $0x10000  }
0x66: {  	[tilespmem:s11], [sflag:$0x1] =	stream.indirect_vreg.gather [hbm4b:s25+s1], $0x80, v5, vm0, $0xb8;
	[tilespmem:$0x18300] =	vst v63  }
0x67: {  	s12 =	simm.s32 $0x10800  }
0x68: {  	[tilespmem:s12], [sflag:$0x1] =	stream.indirect_vreg.gather [hbm4b:s3+s1], $0x80, v4, vm0, $0xb8;
	[tilespmem:$0x18300] =	vst v63  }
0x69: {  	s5 =	simm.s32 $0x11000  }
0x6a: {  	[tilespmem:s5], [sflag:$0x1] =	stream.indirect_vreg.gather [hbm4b:s24+s1], $0x80, v4, vm0, $0xb8;
	[tilespmem:$0x18300] =	vst v63  }
0x6b: {  	s10 =	simm.s32 $0x11800  }
0x6c: {  	[tilespmem:s10], [sflag:$0x1] =	stream.indirect_vreg.gather [hbm4b:s25+s1], $0x80, v4, vm0, $0xb8;
	[tilespmem:$0x18300] =	vst v63  }
0x6d: {  	s11 =	rddreg [dreg:$0x5];
	s12 =	simm.s32 $0x18080  }
0x6e: {  	[tilespmem:s12], [sflag:$0x2] =	stream.linear.gather [hbm4b:s11+s1], $0x20, $0x38;
	[tilespmem:$0x18300] =	vst v63  }
0x6f: {  	_ =	swait.ge [sflag:s29], $0x20  }
0x70: {  	[sflag:s29] =	ssyncset.done $0x0  }
0x71: {  	s11 =	simm.s32 $0x18180;
	s10 =	rddreg [dreg:$0x6];
	[sflag:s29] =	ssyncadd.s32 $0xFFFFFFE0  }
0x72: {  	[tilespmem:s11], [sflag:$0x2] =	stream.linear.gather [hbm4b:s10+s1], $0x20, $0x38;
	[tilespmem:$0x18300] =	vst v63  }
0x73: {  	_ =	swait.ge [sflag:s29], $0x20  }
0x74: {  	[sflag:s29] =	ssyncset.done $0x0  }
0x75: {  	[sflag:s29] =	ssyncadd.s32 $0xFFFFFFE0  }
0x76: {  	v4 =	vld [tilespmem:$0x18080];
	_ =	sdelay $0x4  }
0x77: {  	v5 =	vshrl.u32 v4, $0x3  }
0x78: {  	v5 =	vmul.u32 $0x30, v5  }
0x79: {  	v4 =	vand.u32 $0x7, v4  }
0x7a: {  	v4 =	vor.u32 v4, v5  }
0x7b: {  	v5 =	vperm.xlane v4, v0;
	_ =	sdelay $0x1  }
0x7c: {  	v5 =	vadd.s32 v1, v5;
	_ =	sdelay $0x3  }
0x7d: {  	v4 =	vperm.xlane v4, v2  }
0x7e: {  	[tilespmem:s31], [sflag:$0x1] =	stream.indirect_vreg.gather [hbm4b:s3+s1], $0x80, v5, vm0, $0xb8;
	[tilespmem:$0x18300] =	vst v63  }
0x7f: {  	s12 =	simm.s32 $0x6800;
	v4 =	vadd.s32 v1, v4  }
0x80: {  	[tilespmem:s12], [sflag:$0x1] =	stream.indirect_vreg.gather [hbm4b:s24+s1], $0x80, v5, vm0, $0xb8;
	[tilespmem:$0x18300] =	vst v63  }
0x81: {  	s5 =	simm.s32 $0x7000  }
0x82: {  	[tilespmem:s5], [sflag:$0x1] =	stream.indirect_vreg.gather [hbm4b:s25+s1], $0x80, v5, vm0, $0xb8;
	[tilespmem:$0x18300] =	vst v63  }
0x83: {  	s10 =	simm.s32 $0x7800  }
0x84: {  	[tilespmem:s10], [sflag:$0x1] =	stream.indirect_vreg.gather [hbm4b:s3+s1], $0x80, v4, vm0, $0xb8;
	[tilespmem:$0x18300] =	vst v63  }
0x85: {  	s11 =	simm.s32 $0x8000  }
0x86: {  	[tilespmem:s11], [sflag:$0x1] =	stream.indirect_vreg.gather [hbm4b:s24+s1], $0x80, v4, vm0, $0xb8;
	[tilespmem:$0x18300] =	vst v63  }
0x87: {  	s12 =	simm.s32 $0x8800  }
0x88: {  	[tilespmem:s12], [sflag:$0x1] =	stream.indirect_vreg.gather [hbm4b:s25+s1], $0x80, v4, vm0, $0xb8;
	[tilespmem:$0x18300] =	vst v63  }
0x89: {  	v4 =	vld [tilespmem:$0x18090];
	_ =	sdelay $0x4  }
0x8a: {  	v5 =	vshrl.u32 v4, $0x3  }
0x8b: {  	v5 =	vmul.u32 $0x30, v5  }
0x8c: {  	v4 =	vand.u32 $0x7, v4  }
0x8d: {  	v4 =	vor.u32 v4, v5  }
0x8e: {  	v5 =	vperm.xlane v4, v0;
	_ =	sdelay $0x1  }
0x8f: {  	v5 =	vadd.s32 v1, v5;
	_ =	sdelay $0x3  }
0x90: {  	s5 =	simm.s32 $0x9000;
	v4 =	vperm.xlane v4, v2  }
0x91: {  	[tilespmem:s5], [sflag:$0x1] =	stream.indirect_vreg.gather [hbm4b:s3+s1], $0x80, v5, vm0, $0xb8;
	[tilespmem:$0x18300] =	vst v63  }
0x92: {  	s10 =	simm.s32 $0x9800;
	v4 =	vadd.s32 v1, v4  }
0x93: {  	[tilespmem:s10], [sflag:$0x1] =	stream.indirect_vreg.gather [hbm4b:s24+s1], $0x80, v5, vm0, $0xb8;
	[tilespmem:$0x18300] =	vst v63  }
0x94: {  	s11 =	simm.s32 $0xA000  }
0x95: {  	[tilespmem:s11], [sflag:$0x1] =	stream.indirect_vreg.gather [hbm4b:s25+s1], $0x80, v5, vm0, $0xb8;
	[tilespmem:$0x18300] =	vst v63  }
0x96: {  	s12 =	simm.s32 $0xA800  }
0x97: {  	[tilespmem:s12], [sflag:$0x1] =	stream.indirect_vreg.gather [hbm4b:s3+s1], $0x80, v4, vm0, $0xb8;
	[tilespmem:$0x18300] =	vst v63  }
0x98: {  	s5 =	simm.s32 $0xB000  }
0x99: {  	[tilespmem:s5], [sflag:$0x1] =	stream.indirect_vreg.gather [hbm4b:s24+s1], $0x80, v4, vm0, $0xb8;
	[tilespmem:$0x18300] =	vst v63  }
0x9a: {  	s10 =	simm.s32 $0xB800  }
0x9b: {  	[tilespmem:s10], [sflag:$0x1] =	stream.indirect_vreg.gather [hbm4b:s25+s1], $0x80, v4, vm0, $0xb8;
	[tilespmem:$0x18300] =	vst v63  }
0x9c: {  	v4 =	vld [tilespmem:$0x18180];
	_ =	sdelay $0x4  }
0x9d: {  	v5 =	vshrl.u32 v4, $0x3  }
0x9e: {  	v5 =	vmul.u32 $0x30, v5  }
0x9f: {  	v4 =	vand.u32 $0x7, v4  }
0xa0: {  	v4 =	vor.u32 v4, v5  }
0xa1: {  	v5 =	vperm.xlane v4, v0;
	_ =	sdelay $0x1  }
0xa2: {  	v5 =	vadd.s32 v1, v5;
	_ =	sdelay $0x3  }
0xa3: {  	s11 =	simm.s32 $0x12000;
	v4 =	vperm.xlane v4, v2  }
0xa4: {  	[tilespmem:s11], [sflag:$0x1] =	stream.indirect_vreg.gather [hbm4b:s3+s1], $0x80, v5, vm0, $0xb8;
	[tilespmem:$0x18300] =	vst v63  }
0xa5: {  	s12 =	simm.s32 $0x12800;
	v4 =	vadd.s32 v1, v4  }
0xa6: {  	[tilespmem:s12], [sflag:$0x1] =	stream.indirect_vreg.gather [hbm4b:s24+s1], $0x80, v5, vm0, $0xb8;
	[tilespmem:$0x18300] =	vst v63  }
0xa7: {  	s5 =	simm.s32 $0x13000  }
0xa8: {  	[tilespmem:s5], [sflag:$0x1] =	stream.indirect_vreg.gather [hbm4b:s25+s1], $0x80, v5, vm0, $0xb8;
	[tilespmem:$0x18300] =	vst v63  }
0xa9: {  	s10 =	simm.s32 $0x13800  }
0xaa: {  	[tilespmem:s10], [sflag:$0x1] =	stream.indirect_vreg.gather [hbm4b:s3+s1], $0x80, v4, vm0, $0xb8;
	[tilespmem:$0x18300] =	vst v63  }
0xab: {  	s11 =	simm.s32 $0x14000  }
0xac: {  	[tilespmem:s11], [sflag:$0x1] =	stream.indirect_vreg.gather [hbm4b:s24+s1], $0x80, v4, vm0, $0xb8;
	[tilespmem:$0x18300] =	vst v63  }
0xad: {  	s12 =	simm.s32 $0x14800  }
0xae: {  	[tilespmem:s12], [sflag:$0x1] =	stream.indirect_vreg.gather [hbm4b:s25+s1], $0x80, v4, vm0, $0xb8;
	[tilespmem:$0x18300] =	vst v63  }
0xaf: {  	v4 =	vld [tilespmem:$0x18190];
	_ =	sdelay $0x4  }
0xb0: {  	v5 =	vshrl.u32 v4, $0x3  }
0xb1: {  	v5 =	vmul.u32 $0x30, v5  }
0xb2: {  	v4 =	vand.u32 $0x7, v4  }
0xb3: {  	v4 =	vor.u32 v4, v5  }
0xb4: {  	v5 =	vperm.xlane v4, v0;
	_ =	sdelay $0x1  }
0xb5: {  	v5 =	vadd.s32 v1, v5;
	_ =	sdelay $0x3  }
0xb6: {  	s5 =	simm.s32 $0x15000;
	v4 =	vperm.xlane v4, v2  }
0xb7: {  	[tilespmem:s5], [sflag:$0x1] =	stream.indirect_vreg.gather [hbm4b:s3+s1], $0x80, v5, vm0, $0xb8;
	[tilespmem:$0x18300] =	vst v63  }
0xb8: {  	s10 =	simm.s32 $0x15800;
	v4 =	vadd.s32 v1, v4  }
0xb9: {  	[tilespmem:s10], [sflag:$0x1] =	stream.indirect_vreg.gather [hbm4b:s24+s1], $0x80, v5, vm0, $0xb8;
	[tilespmem:$0x18300] =	vst v63  }
0xba: {  	_ = 	snop  }
0xbb: {  	[tilespmem:s6], [sflag:$0x1] =	stream.indirect_vreg.gather [hbm4b:s25+s1], $0x80, v5, vm0, $0xb8;
	[tilespmem:$0x18300] =	vst v63  }
0xbc: {  	_ = 	snop  }
0xbd: {  	[tilespmem:s7], [sflag:$0x1] =	stream.indirect_vreg.gather [hbm4b:s3+s1], $0x80, v4, vm0, $0xb8;
	[tilespmem:$0x18300] =	vst v63  }
0xbe: {  	_ = 	snop  }
0xbf: {  	[tilespmem:s2], [sflag:$0x1] =	stream.indirect_vreg.gather [hbm4b:s24+s1], $0x80, v4, vm0, $0xb8;
	[tilespmem:$0x18300] =	vst v63  }
0xc0: {  	_ = 	snop  }
0xc1: {  	[tilespmem:s8], [sflag:$0x1] =	stream.indirect_vreg.gather [hbm4b:s25+s1], $0x80, v4, vm0, $0xb8;
	[tilespmem:$0x18300] =	vst v63  }
0xc2: {  	s11 =	rddreg [dreg:$0x7];
	s5 =	simm.s32 $0x18200  }
0xc3: {  	[tilespmem:s5], [sflag:$0x2] =	stream.linear.gather [hbm4b:s11+s1], $0x20, $0x38;
	[tilespmem:$0x18300] =	vst v63  }
0xc4: {  	_ =	swait.ge [sflag:s29], $0x20  }
0xc5: {  	[sflag:s29] =	ssyncset.done $0x0  }
0xc6: {  	s28 =	simm.s32 $0x18280;
	s12 =	rddreg [dreg:$0x8];
	[sflag:s29] =	ssyncadd.s32 $0xFFFFFFE0  }
0xc7: {  	[tilespmem:s28], [sflag:$0x2] =	stream.linear.gather [hbm4b:s12+s1], $0x20, $0x38;
	[tilespmem:$0x18300] =	vst v63  }
0xc8: {  	_ =	swait.ge [sflag:s29], $0x20  }
0xc9: {  	[sflag:s29] =	ssyncset.done $0x0  }
0xca: {  	[sflag:s29] =	ssyncadd.s32 $0xFFFFFFE0  }
0xcb: {  	_ =	swait.ge [sflag:s4], $0x6000  }
0xcc: {  	[sflag:s4] =	ssyncset.done $0x0  }
0xcd: {  	s10 =	simm.s32 $0x0;
	[sflag:s4] =	ssyncadd.s32 $0xFFFFA000  }
0xce: {  	s10 =	smul.u32 $0x1800, s10;
	_ =	swait.ge [sflag:s4], $0x6000  }
0xcf: {  	s11 =	sand.u32 $0x380, s1;
	[sflag:s4] =	ssyncset.done $0x0  }
0xd0: {  	s11 =	sor.u32 s11, s10;
	[sflag:s4] =	ssyncadd.s32 $0xFFFFA000  }
0xd1: {  	v14 =	vld [tilespmem:s11+$0x10]  }
0xd2: {  	v19 =	vld [tilespmem:s11+$0x20]  }
0xd3: {  	v20 =	vld [tilespmem:s11+$0x30]  }
0xd4: {  	v21 =	vld [tilespmem:s11+$0x40]  }
0xd5: {  	v18 =	vld [tilespmem:s11+$0x50]  }
0xd6: {  	v13 =	vld [tilespmem:s11+$0x60]  }
0xd7: {  	v4 =	vld [tilespmem:s11+$0x70]  }
0xd8: {  	v7 =	vld [tilespmem:s11+$0x400]  }
0xd9: {  	v12 =	vld [tilespmem:s11+$0x410]  }
0xda: {  	v6 =	vld [tilespmem:s11+$0x420]  }
0xdb: {  	v5 =	vld [tilespmem:s11+$0x430]  }
0xdc: {  	v11 =	vld [tilespmem:s11+$0x440]  }
0xdd: {  	v8 =	vld [tilespmem:s11+$0x450]  }
0xde: {  	v9 =	vld [tilespmem:s11+$0x460]  }
0xdf: {  	v10 =	vld [tilespmem:s11+$0x470]  }
0xe0: {  	v22 =	vld [tilespmem:s11+$0x800]  }
0xe1: {  	v24 =	vld [tilespmem:s11+$0x810]  }
0xe2: {  	v26 =	vld [tilespmem:s11+$0x820]  }
0xe3: {  	v28 =	vld [tilespmem:s11+$0x830]  }
0xe4: {  	v30 =	vld [tilespmem:s11+$0x840]  }
0xe5: {  	v31 =	vld [tilespmem:s11+$0x850]  }
0xe6: {  	v32 =	vld [tilespmem:s11+$0x860]  }
0xe7: {  	v33 =	vld [tilespmem:s11+$0x870]  }
0xe8: {  	v34 =	vld [tilespmem:s11+$0xC00]  }
0xe9: {  	v35 =	vld [tilespmem:s11+$0xC10]  }
0xea: {  	v36 =	vld [tilespmem:s11+$0xC20]  }
0xeb: {  	v37 =	vld [tilespmem:s11+$0xC30]  }
0xec: {  	v38 =	vld [tilespmem:s11+$0xC40]  }
0xed: {  	v39 =	vld [tilespmem:s11+$0xC50]  }
0xee: {  	v40 =	vld [tilespmem:s11+$0xC60]  }
0xef: {  	v41 =	vld [tilespmem:s11+$0xC70]  }
0xf0: {  	v42 =	vld [tilespmem:s11+$0x1000]  }
0xf1: {  	v43 =	vld [tilespmem:s11+$0x1010]  }
0xf2: {  	v44 =	vld [tilespmem:s11+$0x1020]  }
0xf3: {  	v45 =	vld [tilespmem:s11+$0x1030]  }
0xf4: {  	v46 =	vld [tilespmem:s11+$0x1040]  }
0xf5: {  	v47 =	vld [tilespmem:s11+$0x1050]  }
0xf6: {  	v48 =	vld [tilespmem:s11+$0x1060]  }
0xf7: {  	v49 =	vld [tilespmem:s11+$0x1070]  }
0xf8: {  	v50 =	vld [tilespmem:s11+$0x1400]  }
0xf9: {  	v51 =	vld [tilespmem:s11+$0x1410]  }
0xfa: {  	v15 =	vld [tilespmem:s11+$0xC000]  }
0xfb: {  	v23 =	vld [tilespmem:s11+$0xC010]  }
0xfc: {  	v25 =	vld [tilespmem:s11+$0xC020]  }
0xfd: {  	v27 =	vld [tilespmem:s11+$0xC030]  }
0xfe: {  	v29 =	vld [tilespmem:s11+$0xC040]  }
0xff: {  	v52 =	vld [tilespmem:s11+$0xD420]  }
0x100: {  	v16 =	vld.msk [tilespmem:s5+$0x0], $0x1  }
0x101: {  	v17 =	vld.msk [tilespmem:s28+$0x0], $0x1  }
0x102: {  	v53 =	vld [tilespmem:s11+$0xD430]  }
0x103: {  	v54 =	vld [tilespmem:s11+$0x1430]  }
0x104: {  	v55 =	vld [tilespmem:s11+$0x1420]  }
0x105: {  	v56 =	vld [tilespmem:s11+$0xD410]  }
0x106: {  	v57 =	vld [tilespmem:s11+$0xD400];
	v16 =	vperm.xlane v16, v3  }
0x107: {  	v58 =	vld [tilespmem:s11+$0xD070];
	v17 =	vperm.xlane v17, v3  }
0x108: {  	v60 =	vld [tilespmem:s11+$0xD050];
	v54 =	vmul.f32 v16, v54  }
0x109: {  	v61 =	vld [tilespmem:s11+$0xD040];
	v53 =	vmul.f32 v17, v53;
	v55 =	vmul.f32 v16, v55  }
0x10a: {  	v59 =	vld [tilespmem:s11+$0xD060];
	v52 =	vmul.f32 v17, v52;
	v51 =	vmul.f32 v16, v51  }
0x10b: {  	v62 =	vld [tilespmem:s11+$0xD030];
	v56 =	vmul.f32 v17, v56;
	v50 =	vmul.f32 v16, v50  }
0x10c: {  	v63 =	vld [tilespmem:s11+$0xD020];
	v57 =	vmul.f32 v17, v57;
	v47 =	vmul.f32 v16, v47  }
0x10d: {  	v60 =	vmul.f32 v17, v60;
	v46 =	vmul.f32 v16, v46;
	v53 =	vadd.f32 v53, v54;
	v54 =	vld [tilespmem:s11+$0xD010]  }
0x10e: {  	v61 =	vmul.f32 v17, v61;
	v45 =	vmul.f32 v16, v45;
	v52 =	vadd.f32 v52, v55;
	v55 =	vld [tilespmem:s11+$0xD000]  }
0x10f: {  	v51 =	vadd.f32 v56, v51;
	v50 =	vadd.f32 v57, v50;
	v57 =	vmul.f32 v17, v59;
	v59 =	vld [tilespmem:s11+$0xCC10];
	[tilespmem:s11+$0x1430] =	vst v53  }
0x110: {  	v62 =	vmul.f32 v17, v62;
	v44 =	vmul.f32 v16, v44;
	v47 =	vadd.f32 v60, v47;
	v60 =	vld [tilespmem:s11+$0xCC00];
	[tilespmem:s11+$0x1420] =	vst v52  }
0x111: {  	v63 =	vmul.f32 v17, v63;
	v21 =	vmul.f32 v16, v21;
	v46 =	vadd.f32 v61, v46;
	v61 =	vld [tilespmem:s11+$0xC870];
	[tilespmem:s11+$0x1410] =	vst v51  }
0x112: {  	v29 =	vmul.f32 v17, v29;
	v20 =	vmul.f32 v16, v20;
	v45 =	vadd.f32 v62, v45;
	v62 =	vld [tilespmem:s11+$0xC860];
	[tilespmem:s11+$0x1400] =	vst v50  }
0x113: {  	v27 =	vmul.f32 v17, v27;
	v14 =	vmul.f32 v16, v14;
	v44 =	vadd.f32 v63, v44;
	v63 =	vld [tilespmem:s11+$0xC850];
	[tilespmem:s11+$0x1050] =	vst v47  }
0x114: {  	v23 =	vmul.f32 v17, v23;
	v56 =	vmul.f32 v17, v58;
	v58 =	vld [tilespmem:s11+$0xC460];
	[tilespmem:s11+$0x1040] =	vst v46  }
0x115: {  	v19 =	vmul.f32 v16, v19;
	v25 =	vmul.f32 v17, v25;
	v21 =	vadd.f32 v29, v21;
	v29 =	vld [tilespmem:s11+$0x1460];
	[tilespmem:s11+$0x1030] =	vst v45  }
0x116: {  	v20 =	vadd.f32 v27, v20;
	v14 =	vadd.f32 v23, v14;
	v23 =	vld [tilespmem:s11+$0x1470];
	[tilespmem:s11+$0x1020] =	vst v44  }
0x117: {  	v49 =	vmul.f32 v16, v49;
	v19 =	vadd.f32 v25, v19;
	v53 =	vld [tilespmem:s11+$0xCC70];
	[tilespmem:s11+$0x40] =	vst v21  }
0x118: {  	v48 =	vmul.f32 v16, v48;
	v52 =	vld [tilespmem:s11+$0xCC60];
	[tilespmem:s11+$0x30] =	vst v20  }
0x119: {  	v43 =	vmul.f32 v16, v43;
	v49 =	vadd.f32 v56, v49;
	v51 =	vld [tilespmem:s11+$0xCC50];
	[tilespmem:s11+$0x20] =	vst v19;
	v54 =	vmul.f32 v17, v54  }
0x11a: {  	v42 =	vmul.f32 v16, v42;
	v48 =	vadd.f32 v57, v48;
	v50 =	vld [tilespmem:s11+$0xCC40];
	[tilespmem:s11+$0x10] =	vst v14;
	v55 =	vmul.f32 v17, v55  }
0x11b: {  	v35 =	vmul.f32 v16, v35;
	v56 =	vld [tilespmem:s11+$0xC810];
	[tilespmem:s11+$0x1070] =	vst v49;
	v47 =	vmul.f32 v17, v59;
	v43 =	vadd.f32 v54, v43  }
0x11c: {  	v34 =	vmul.f32 v16, v34;
	v57 =	vld [tilespmem:s11+$0xC800];
	[tilespmem:s11+$0x1060] =	vst v48;
	v46 =	vmul.f32 v17, v60;
	v42 =	vadd.f32 v55, v42  }
0x11d: {  	v33 =	vmul.f32 v16, v33;
	v21 =	vld [tilespmem:s11+$0xD470];
	v45 =	vmul.f32 v17, v61;
	v35 =	vadd.f32 v47, v35;
	[tilespmem:s11+$0x1010] =	vst v43  }
0x11e: {  	v32 =	vmul.f32 v16, v32;
	v19 =	vld [tilespmem:s11+$0xC410];
	v44 =	vmul.f32 v17, v62;
	v34 =	vadd.f32 v46, v34;
	[tilespmem:s11+$0x1000] =	vst v42  }
0x11f: {  	v41 =	vmul.f32 v16, v41;
	v49 =	vld [tilespmem:s11+$0xCC30];
	v53 =	vmul.f32 v17, v53;
	v33 =	vadd.f32 v45, v33;
	[tilespmem:s11+$0xC10] =	vst v35  }
0x120: {  	v39 =	vmul.f32 v16, v39;
	v51 =	vmul.f32 v17, v51;
	v54 =	vld [tilespmem:s11+$0xC830];
	v32 =	vadd.f32 v44, v32;
	[tilespmem:s11+$0xC00] =	vst v34  }
0x121: {  	v40 =	vmul.f32 v16, v40;
	v52 =	vmul.f32 v17, v52;
	v41 =	vadd.f32 v53, v41;
	v53 =	vld [tilespmem:s11+$0xC840];
	[tilespmem:s11+$0x870] =	vst v33  }
0x122: {  	v38 =	vmul.f32 v16, v38;
	v50 =	vmul.f32 v17, v50;
	v55 =	vld [tilespmem:s11+$0xC820];
	v39 =	vadd.f32 v51, v39;
	[tilespmem:s11+$0x860] =	vst v32  }
0x123: {  	v31 =	vmul.f32 v16, v31;
	v48 =	vld [tilespmem:s11+$0xCC20];
	v40 =	vadd.f32 v52, v40;
	v43 =	vmul.f32 v17, v63;
	[tilespmem:s11+$0xC70] =	vst v41  }
0x124: {  	v24 =	vmul.f32 v16, v24;
	v59 =	vld [tilespmem:s11+$0xC440];
	v38 =	vadd.f32 v50, v38;
	[tilespmem:s11+$0xC50] =	vst v39;
	v39 =	vmul.f32 v17, v56  }
0x125: {  	v28 =	vmul.f32 v16, v28;
	v62 =	vld [tilespmem:s11+$0xC070];
	[tilespmem:s11+$0xC60] =	vst v40;
	v31 =	vadd.f32 v43, v31;
	v41 =	vmul.f32 v17, v54  }
0x126: {  	v30 =	vmul.f32 v16, v30;
	v63 =	vld [tilespmem:s11+$0xC060];
	[tilespmem:s11+$0xC40] =	vst v38;
	v24 =	vadd.f32 v39, v24;
	v42 =	vmul.f32 v17, v53  }
0x127: {  	v26 =	vmul.f32 v16, v26;
	v40 =	vmul.f32 v17, v55;
	[tilespmem:s11+$0x850] =	vst v31;
	v31 =	vld [tilespmem:s11+$0xC050];
	v28 =	vadd.f32 v41, v28  }
0x128: {  	v22 =	vmul.f32 v16, v22;
	v38 =	vmul.f32 v17, v57;
	[tilespmem:s11+$0x810] =	vst v24;
	v24 =	vld [tilespmem:s11+$0x1450];
	v30 =	vadd.f32 v42, v30  }
0x129: {  	v12 =	vmul.f32 v16, v12;
	v19 =	vmul.f32 v17, v19;
	v26 =	vadd.f32 v40, v26;
	[tilespmem:s11+$0x830] =	vst v28;
	v28 =	vld [tilespmem:s11+$0x1440]  }
0x12a: {  	v37 =	vmul.f32 v16, v37;
	v49 =	vmul.f32 v17, v49;
	v22 =	vadd.f32 v38, v22;
	[tilespmem:s11+$0x840] =	vst v30;
	v30 =	vld [tilespmem:s11+$0xD440]  }
0x12b: {  	v36 =	vmul.f32 v16, v36;
	v48 =	vmul.f32 v17, v48;
	v12 =	vadd.f32 v19, v12;
	[tilespmem:s11+$0x820] =	vst v26;
	v26 =	vld [tilespmem:s11+$0xD450]  }
0x12c: {  	v18 =	vmul.f32 v16, v18;
	v37 =	vadd.f32 v49, v37;
	[tilespmem:s11+$0x800] =	vst v22;
	v22 =	vld [tilespmem:s11+$0xD460];
	v27 =	vmul.f32 v17, v31  }
0x12d: {  	v13 =	vmul.f32 v16, v13;
	v60 =	vld [tilespmem:s11+$0xC430];
	v36 =	vadd.f32 v48, v36;
	[tilespmem:s11+$0x410] =	vst v12;
	v20 =	vmul.f32 v17, v63  }
0x12e: {  	s10 =	simm.s32 $0x0;
	v14 =	vmul.f32 v16, v4;
	v61 =	vld [tilespmem:s11+$0xC420];
	[tilespmem:s11+$0xC30] =	vst v37;
	v18 =	vadd.f32 v27, v18;
	v27 =	vmul.f32 v17, v62  }
0x12f: {  	s12 =	smul.u32 $0x1800, s10;
	s5 =	simm.s32 $0x80;
	v19 =	vld [tilespmem:s11+$0x0];
	[tilespmem:s11+$0xC20] =	vst v36;
	v13 =	vadd.f32 v20, v13;
	v25 =	vmul.f32 v16, v28;
	v28 =	vmul.f32 v17, v30  }
0x130: {  	s30 =	sand.u32 $0x380, s5;
	v24 =	vmul.f32 v16, v24;
	v26 =	vmul.f32 v17, v26;
	[tilespmem:s11+$0x50] =	vst v18;
	v18 =	vld [tilespmem:s11+$0xC400];
	v14 =	vadd.f32 v27, v14  }
0x131: {  	s10 =	sor.u32 s30, s12;
	v20 =	vmul.f32 v16, v29;
	[tilespmem:s11+$0x60] =	vst v13;
	v13 =	vld [tilespmem:s11+$0xC450];
	v22 =	vmul.f32 v17, v22;
	v25 =	vadd.f32 v28, v25  }
0x132: {  	v23 =	vmul.f32 v16, v23;
	v21 =	vmul.f32 v17, v21;
	v4 =	vld [tilespmem:s10+$0x10];
	v24 =	vadd.f32 v26, v24;
	[tilespmem:s11+$0x70] =	vst v14  }
0x133: {  	v20 =	vadd.f32 v22, v20;
	v26 =	vmul.f32 v17, v60;
	v14 =	vld [tilespmem:s11+$0xC470];
	[tilespmem:s11+$0x1440] =	vst v25;
	v25 =	vmul.f32 v16, v5  }
0x134: {  	v21 =	vadd.f32 v21, v23;
	v22 =	vmul.f32 v16, v6;
	v5 =	vld [tilespmem:s10+$0x20];
	[tilespmem:s11+$0x1450] =	vst v24;
	v24 =	vmul.f32 v17, v61  }
0x135: {  	v18 =	vmul.f32 v17, v18;
	v25 =	vadd.f32 v26, v25;
	v6 =	vld [tilespmem:s10+$0x30];
	[tilespmem:s11+$0x1460] =	vst v20;
	v20 =	vmul.f32 v16, v7  }
0x136: {  	v11 =	vmul.f32 v16, v11;
	v23 =	vmul.f32 v17, v59;
	v22 =	vadd.f32 v24, v22;
	v7 =	vld [tilespmem:s10+$0x40];
	[tilespmem:s11+$0x1470] =	vst v21  }
0x137: {  	v13 =	vmul.f32 v17, v13;
	v21 =	vmul.f32 v16, v8;
	[tilespmem:s11+$0x430] =	vst v25;
	v18 =	vadd.f32 v18, v20;
	v8 =	vld [tilespmem:s10+$0x50]  }
0x138: {  	v23 =	vadd.f32 v23, v11;
	v20 =	vmul.f32 v16, v9;
	v9 =	vld [tilespmem:s10+$0x60];
	[tilespmem:s11+$0x420] =	vst v22;
	v22 =	vmul.f32 v17, v58  }
0x139: {  	v10 =	vmul.f32 v16, v10;
	v14 =	vmul.f32 v17, v14;
	v11 =	vld [tilespmem:s10+$0x70];
	v13 =	vadd.f32 v13, v21;
	[tilespmem:s11+$0x400] =	vst v18  }
0x13a: {  	[tilespmem:s11+$0x440] =	vst v23;
	v18 =	vadd.f32 v22, v20;
	v12 =	vld [tilespmem:s10+$0x400]  }
0x13b: {  	v10 =	vadd.f32 v14, v10;
	[tilespmem:s11+$0x450] =	vst v13;
	v13 =	vld [tilespmem:s10+$0x410]  }
0x13c: {  	v14 =	vld [tilespmem:s10+$0x420];
	[tilespmem:s11+$0x460] =	vst v18  }
0x13d: {  	[tilespmem:s11+$0x470] =	vst v10;
	v10 =	vmul.f32 v16, v19;
	v16 =	vld [tilespmem:s10+$0x430]  }
0x13e: {  	v18 =	vld [tilespmem:s10+$0x440]  }
0x13f: {  	v20 =	vld [tilespmem:s10+$0x450]  }
0x140: {  	v15 =	vmul.f32 v17, v15;
	v22 =	vld [tilespmem:s10+$0x460]  }
0x141: {  	v23 =	vld [tilespmem:s10+$0x470]  }
0x142: {  	v10 =	vadd.f32 v15, v10;
	v28 =	vld [tilespmem:s10+$0x840]  }
0x143: {  	v38 =	vld [tilespmem:s10+$0xC40]  }
0x144: {  	[tilespmem:s11+$0x0] =	vst v10;
	v46 =	vld [tilespmem:s10+$0x1040]  }
0x145: {  	v24 =	vld [tilespmem:s10+$0x800]  }
0x146: {  	v25 =	vld [tilespmem:s10+$0x810]  }
0x147: {  	v26 =	vld [tilespmem:s10+$0x820]  }
0x148: {  	v27 =	vld [tilespmem:s10+$0x830]  }
0x149: {  	v29 =	vld [tilespmem:s10+$0x850]  }
0x14a: {  	v30 =	vld [tilespmem:s10+$0x860]  }
0x14b: {  	v31 =	vld [tilespmem:s10+$0x870]  }
0x14c: {  	v32 =	vld [tilespmem:s10+$0xC00]  }
0x14d: {  	v33 =	vld [tilespmem:s10+$0xC10]  }
0x14e: {  	v34 =	vld [tilespmem:s10+$0xC20]  }
0x14f: {  	v37 =	vld [tilespmem:s10+$0xC30]  }
0x150: {  	v39 =	vld [tilespmem:s10+$0xC50]  }
0x151: {  	v40 =	vld [tilespmem:s10+$0xC60]  }
0x152: {  	v41 =	vld [tilespmem:s10+$0xC70]  }
0x153: {  	v42 =	vld [tilespmem:s10+$0x1000]  }
0x154: {  	v43 =	vld [tilespmem:s10+$0x1010]  }
0x155: {  	v44 =	vld [tilespmem:s10+$0x1020]  }
0x156: {  	v45 =	vld [tilespmem:s10+$0x1030]  }
0x157: {  	v47 =	vld [tilespmem:s10+$0x1050]  }
0x158: {  	v48 =	vld [tilespmem:s10+$0x1060]  }
0x159: {  	v49 =	vld [tilespmem:s10+$0x1070]  }
0x15a: {  	v50 =	vld [tilespmem:s10+$0x1400]  }
0x15b: {  	v51 =	vld [tilespmem:s10+$0x1410]  }
0x15c: {  	v10 =	vld [tilespmem:s10+$0xC000]  }
0x15d: {  	v15 =	vld [tilespmem:s10+$0xC010]  }
0x15e: {  	v17 =	vld [tilespmem:s10+$0xC020]  }
0x15f: {  	v19 =	vld [tilespmem:s10+$0xC030]  }
0x160: {  	v21 =	vld [tilespmem:s10+$0xC040]  }
0x161: {  	s30 =	simm.s32 $0x2;
	s11 =	simm.s32 $0x18201;
	v52 =	vld [tilespmem:s10+$0xD420]  }
.LBB2_2:
0x162: {  	p0 =	sne.s32 s30, $0x1F;
	v35 =	vld.msk [tilespmem:s11+$0x0], $0x1;
	s28 =	sadd.s32 $0x1, s28  }
0x163: {  	v36 =	vld.msk [tilespmem:s28+$0x0], $0x1  }
0x164: {  	v53 =	vld [tilespmem:s10+$0xD430]  }
0x165: {  	v54 =	vld [tilespmem:s10+$0x1430]  }
0x166: {  	v55 =	vld [tilespmem:s10+$0x1420]  }
0x167: {  	v56 =	vld [tilespmem:s10+$0xD410]  }
0x168: {  	v35 =	vperm.xlane v35, v3;
	v57 =	vld [tilespmem:s10+$0xD400];
	v36 =	vperm.xlane v36, v3  }
0x169: {  	v58 =	vld [tilespmem:s10+$0xD070]  }
0x16a: {  	v54 =	vmul.f32 v35, v54;
	v59 =	vld [tilespmem:s10+$0xD060];
	v53 =	vmul.f32 v36, v53  }
0x16b: {  	v52 =	vmul.f32 v36, v52;
	v55 =	vmul.f32 v35, v55;
	v60 =	vld [tilespmem:s10+$0xD050]  }
0x16c: {  	v51 =	vmul.f32 v35, v51;
	v61 =	vld [tilespmem:s10+$0xD040];
	v56 =	vmul.f32 v36, v56;
	v53 =	vadd.f32 v53, v54  }
0x16d: {  	v50 =	vmul.f32 v35, v50;
	v54 =	vld [tilespmem:s10+$0xD030];
	v57 =	vmul.f32 v36, v57;
	v52 =	vadd.f32 v52, v55  }
0x16e: {  	v49 =	vmul.f32 v35, v49;
	v55 =	vld [tilespmem:s10+$0xD020];
	v58 =	vmul.f32 v36, v58;
	v51 =	vadd.f32 v56, v51;
	[tilespmem:s10+$0x1430] =	vst v53  }
0x16f: {  	v48 =	vmul.f32 v35, v48;
	v53 =	vld [tilespmem:s10+$0xD010];
	v56 =	vmul.f32 v36, v59;
	v50 =	vadd.f32 v57, v50;
	[tilespmem:s10+$0x1420] =	vst v52  }
0x170: {  	v47 =	vmul.f32 v35, v47;
	v52 =	vld [tilespmem:s10+$0xD000];
	v57 =	vmul.f32 v36, v60;
	v49 =	vadd.f32 v58, v49;
	[tilespmem:s10+$0x1410] =	vst v51  }
0x171: {  	v46 =	vmul.f32 v35, v46;
	v51 =	vld [tilespmem:s10+$0xCC70];
	v58 =	vmul.f32 v36, v61;
	v48 =	vadd.f32 v56, v48;
	[tilespmem:s10+$0x1400] =	vst v50  }
0x172: {  	v45 =	vmul.f32 v35, v45;
	v50 =	vld [tilespmem:s10+$0xCC60];
	v54 =	vmul.f32 v36, v54;
	v47 =	vadd.f32 v57, v47;
	[tilespmem:s10+$0x1070] =	vst v49  }
0x173: {  	v44 =	vmul.f32 v35, v44;
	v49 =	vld [tilespmem:s10+$0xCC50];
	v55 =	vmul.f32 v36, v55;
	v46 =	vadd.f32 v58, v46;
	[tilespmem:s10+$0x1060] =	vst v48  }
0x174: {  	v43 =	vmul.f32 v35, v43;
	v48 =	vld [tilespmem:s10+$0xCC40];
	v53 =	vmul.f32 v36, v53;
	v45 =	vadd.f32 v54, v45;
	[tilespmem:s10+$0x1050] =	vst v47  }
0x175: {  	v42 =	vmul.f32 v35, v42;
	v47 =	vld [tilespmem:s10+$0xCC30];
	v52 =	vmul.f32 v36, v52;
	v44 =	vadd.f32 v55, v44;
	[tilespmem:s10+$0x1040] =	vst v46  }
0x176: {  	v41 =	vmul.f32 v35, v41;
	v46 =	vld [tilespmem:s10+$0xCC20];
	v51 =	vmul.f32 v36, v51;
	v43 =	vadd.f32 v53, v43;
	[tilespmem:s10+$0x1030] =	vst v45  }
0x177: {  	v40 =	vmul.f32 v35, v40;
	v45 =	vld [tilespmem:s10+$0xCC10];
	v50 =	vmul.f32 v36, v50;
	v42 =	vadd.f32 v52, v42;
	[tilespmem:s10+$0x1020] =	vst v44  }
0x178: {  	v39 =	vmul.f32 v35, v39;
	v44 =	vld [tilespmem:s10+$0xCC00];
	v49 =	vmul.f32 v36, v49;
	v41 =	vadd.f32 v51, v41;
	[tilespmem:s10+$0x1010] =	vst v43  }
0x179: {  	v38 =	vmul.f32 v35, v38;
	v43 =	vld [tilespmem:s10+$0xC870];
	v48 =	vmul.f32 v36, v48;
	v40 =	vadd.f32 v50, v40;
	[tilespmem:s10+$0x1000] =	vst v42  }
0x17a: {  	v37 =	vmul.f32 v35, v37;
	v42 =	vld [tilespmem:s10+$0xC860];
	v47 =	vmul.f32 v36, v47;
	v39 =	vadd.f32 v49, v39;
	[tilespmem:s10+$0xC70] =	vst v41  }
0x17b: {  	v34 =	vmul.f32 v35, v34;
	v41 =	vld [tilespmem:s10+$0xC850];
	v46 =	vmul.f32 v36, v46;
	v38 =	vadd.f32 v48, v38;
	[tilespmem:s10+$0xC60] =	vst v40  }
0x17c: {  	v33 =	vmul.f32 v35, v33;
	v40 =	vld [tilespmem:s10+$0xC840];
	v45 =	vmul.f32 v36, v45;
	v37 =	vadd.f32 v47, v37;
	[tilespmem:s10+$0xC50] =	vst v39  }
0x17d: {  	v32 =	vmul.f32 v35, v32;
	v39 =	vld [tilespmem:s10+$0xC830];
	v44 =	vmul.f32 v36, v44;
	v34 =	vadd.f32 v46, v34;
	[tilespmem:s10+$0xC40] =	vst v38  }
0x17e: {  	v31 =	vmul.f32 v35, v31;
	v38 =	vld [tilespmem:s10+$0xC820];
	v43 =	vmul.f32 v36, v43;
	v33 =	vadd.f32 v45, v33;
	[tilespmem:s10+$0xC30] =	vst v37  }
0x17f: {  	v30 =	vmul.f32 v35, v30;
	v37 =	vld [tilespmem:s10+$0xC810];
	v42 =	vmul.f32 v36, v42;
	v32 =	vadd.f32 v44, v32;
	[tilespmem:s10+$0xC20] =	vst v34  }
0x180: {  	v29 =	vmul.f32 v35, v29;
	v34 =	vld [tilespmem:s10+$0xC800];
	v41 =	vmul.f32 v36, v41;
	v31 =	vadd.f32 v43, v31;
	[tilespmem:s10+$0xC10] =	vst v33  }
0x181: {  	v28 =	vmul.f32 v35, v28;
	v33 =	vld [tilespmem:s10+$0xC470];
	v40 =	vmul.f32 v36, v40;
	v30 =	vadd.f32 v42, v30;
	[tilespmem:s10+$0xC00] =	vst v32  }
0x182: {  	v27 =	vmul.f32 v35, v27;
	v32 =	vld [tilespmem:s10+$0xC460];
	v39 =	vmul.f32 v36, v39;
	v29 =	vadd.f32 v41, v29;
	[tilespmem:s10+$0x870] =	vst v31  }
0x183: {  	v26 =	vmul.f32 v35, v26;
	v31 =	vld [tilespmem:s10+$0xC450];
	v38 =	vmul.f32 v36, v38;
	v28 =	vadd.f32 v40, v28;
	[tilespmem:s10+$0x860] =	vst v30  }
0x184: {  	v25 =	vmul.f32 v35, v25;
	v30 =	vld [tilespmem:s10+$0xC440];
	v37 =	vmul.f32 v36, v37;
	v27 =	vadd.f32 v39, v27;
	[tilespmem:s10+$0x850] =	vst v29  }
0x185: {  	v24 =	vmul.f32 v35, v24;
	v29 =	vld [tilespmem:s10+$0xC430];
	v34 =	vmul.f32 v36, v34;
	v26 =	vadd.f32 v38, v26;
	[tilespmem:s10+$0x840] =	vst v28  }
0x186: {  	v23 =	vmul.f32 v35, v23;
	v28 =	vld [tilespmem:s10+$0xC420];
	v33 =	vmul.f32 v36, v33;
	v25 =	vadd.f32 v37, v25;
	[tilespmem:s10+$0x830] =	vst v27  }
0x187: {  	v22 =	vmul.f32 v35, v22;
	v27 =	vld [tilespmem:s10+$0xC410];
	v32 =	vmul.f32 v36, v32;
	v24 =	vadd.f32 v34, v24;
	[tilespmem:s10+$0x820] =	vst v26  }
0x188: {  	v20 =	vmul.f32 v35, v20;
	v26 =	vld [tilespmem:s10+$0xC400];
	v31 =	vmul.f32 v36, v31;
	v23 =	vadd.f32 v33, v23;
	[tilespmem:s10+$0x810] =	vst v25  }
0x189: {  	v18 =	vmul.f32 v35, v18;
	v25 =	vld [tilespmem:s10+$0xC070];
	v30 =	vmul.f32 v36, v30;
	v22 =	vadd.f32 v32, v22;
	[tilespmem:s10+$0x800] =	vst v24  }
0x18a: {  	v16 =	vmul.f32 v35, v16;
	v24 =	vld [tilespmem:s10+$0xC060];
	v29 =	vmul.f32 v36, v29;
	v20 =	vadd.f32 v31, v20;
	[tilespmem:s10+$0x470] =	vst v23  }
0x18b: {  	v14 =	vmul.f32 v35, v14;
	v23 =	vld [tilespmem:s10+$0xC050];
	v28 =	vmul.f32 v36, v28;
	v18 =	vadd.f32 v30, v18;
	[tilespmem:s10+$0x460] =	vst v22  }
0x18c: {  	v13 =	vmul.f32 v35, v13;
	v22 =	vld [tilespmem:s10+$0xD440];
	v27 =	vmul.f32 v36, v27;
	v16 =	vadd.f32 v29, v16;
	[tilespmem:s10+$0x450] =	vst v20  }
0x18d: {  	v12 =	vmul.f32 v35, v12;
	v20 =	vld [tilespmem:s10+$0xD450];
	v26 =	vmul.f32 v36, v26;
	v14 =	vadd.f32 v28, v14;
	[tilespmem:s10+$0x440] =	vst v18  }
0x18e: {  	v11 =	vmul.f32 v35, v11;
	v18 =	vld [tilespmem:s10+$0xD460];
	v25 =	vmul.f32 v36, v25;
	v13 =	vadd.f32 v27, v13;
	[tilespmem:s10+$0x430] =	vst v16  }
0x18f: {  	v9 =	vmul.f32 v35, v9;
	v16 =	vld [tilespmem:s10+$0xD470];
	v24 =	vmul.f32 v36, v24;
	v12 =	vadd.f32 v26, v12;
	[tilespmem:s10+$0x420] =	vst v14  }
0x190: {  	v8 =	vmul.f32 v35, v8;
	v14 =	vld [tilespmem:s10+$0x1440];
	v23 =	vmul.f32 v36, v23;
	v11 =	vadd.f32 v25, v11;
	[tilespmem:s10+$0x410] =	vst v13  }
0x191: {  	v7 =	vmul.f32 v35, v7;
	v21 =	vmul.f32 v36, v21;
	v13 =	vld [tilespmem:s10+$0x1450];
	v9 =	vadd.f32 v24, v9;
	[tilespmem:s10+$0x400] =	vst v12  }
0x192: {  	v6 =	vmul.f32 v35, v6;
	v19 =	vmul.f32 v36, v19;
	v12 =	vld [tilespmem:s10+$0x1460];
	v8 =	vadd.f32 v23, v8;
	[tilespmem:s10+$0x70] =	vst v11  }
0x193: {  	v5 =	vmul.f32 v35, v5;
	v17 =	vmul.f32 v36, v17;
	v7 =	vadd.f32 v21, v7;
	v11 =	vld [tilespmem:s10+$0x1470];
	[tilespmem:s10+$0x60] =	vst v9  }
0x194: {  	v4 =	vmul.f32 v35, v4;
	v15 =	vmul.f32 v36, v15;
	v6 =	vadd.f32 v19, v6;
	v9 =	vld [tilespmem:s10+$0x0];
	[tilespmem:s10+$0x50] =	vst v8  }
0x195: {  	s0 =	sshrl.u32 s30, $0x3;
	v5 =	vadd.f32 v17, v5;
	v8 =	vmul.f32 v35, v14;
	v14 =	vmul.f32 v36, v22;
	[tilespmem:s10+$0x40] =	vst v7  }
0x196: {  	s5 =	sadd.s32 $0x80, s5;
	s0 =	smul.u32 $0x1800, s0;
	v4 =	vadd.f32 v15, v4;
	v7 =	vmul.f32 v35, v13;
	v13 =	vmul.f32 v36, v20;
	[tilespmem:s10+$0x30] =	vst v6  }
0x197: {  	s12 =	sand.u32 $0x380, s5;
	v6 =	vmul.f32 v35, v12;
	v12 =	vmul.f32 v36, v18;
	v8 =	vadd.f32 v14, v8;
	[tilespmem:s10+$0x20] =	vst v5  }
0x198: {  	s0 =	sor.u32 s12, s0;
	v14 =	vmul.f32 v36, v16;
	v11 =	vmul.f32 v35, v11;
	v7 =	vadd.f32 v13, v7;
	[tilespmem:s10+$0x10] =	vst v4  }
0x199: {  	v10 =	vmul.f32 v36, v10;
	v4 =	vld [tilespmem:s0+$0x10];
	v9 =	vmul.f32 v35, v9;
	v12 =	vadd.f32 v12, v6;
	[tilespmem:s10+$0x1440] =	vst v8  }
0x19a: {  	v5 =	vld [tilespmem:s0+$0x20];
	v8 =	vadd.f32 v14, v11;
	[tilespmem:s10+$0x1450] =	vst v7  }
0x19b: {  	v6 =	vld [tilespmem:s0+$0x30];
	v9 =	vadd.f32 v10, v9;
	[tilespmem:s10+$0x1460] =	vst v12  }
0x19c: {  	v7 =	vld [tilespmem:s0+$0x40];
	[tilespmem:s10+$0x1470] =	vst v8  }
0x19d: {  	v8 =	vld [tilespmem:s0+$0x50];
	[tilespmem:s10+$0x0] =	vst v9;
	s10 =	smov.u32 s0  }
0x19e: {  	v9 =	vld [tilespmem:s10+$0x60]  }
0x19f: {  	v11 =	vld [tilespmem:s10+$0x70]  }
0x1a0: {  	v12 =	vld [tilespmem:s10+$0x400]  }
0x1a1: {  	v13 =	vld [tilespmem:s10+$0x410]  }
0x1a2: {  	v14 =	vld [tilespmem:s10+$0x420]  }
0x1a3: {  	v16 =	vld [tilespmem:s10+$0x430]  }
0x1a4: {  	v18 =	vld [tilespmem:s10+$0x440]  }
0x1a5: {  	v20 =	vld [tilespmem:s10+$0x450]  }
0x1a6: {  	v22 =	vld [tilespmem:s10+$0x460]  }
0x1a7: {  	v23 =	vld [tilespmem:s10+$0x470]  }
0x1a8: {  	v24 =	vld [tilespmem:s10+$0x800]  }
0x1a9: {  	v25 =	vld [tilespmem:s10+$0x810]  }
0x1aa: {  	v26 =	vld [tilespmem:s10+$0x820]  }
0x1ab: {  	v27 =	vld [tilespmem:s10+$0x830]  }
0x1ac: {  	v28 =	vld [tilespmem:s10+$0x840]  }
0x1ad: {  	v29 =	vld [tilespmem:s10+$0x850]  }
0x1ae: {  	v30 =	vld [tilespmem:s10+$0x860]  }
0x1af: {  	v31 =	vld [tilespmem:s10+$0x870]  }
0x1b0: {  	v32 =	vld [tilespmem:s10+$0xC00]  }
0x1b1: {  	v33 =	vld [tilespmem:s10+$0xC10]  }
0x1b2: {  	v34 =	vld [tilespmem:s10+$0xC20]  }
0x1b3: {  	v37 =	vld [tilespmem:s10+$0xC30]  }
0x1b4: {  	v38 =	vld [tilespmem:s10+$0xC40]  }
0x1b5: {  	v39 =	vld [tilespmem:s10+$0xC50]  }
0x1b6: {  	v40 =	vld [tilespmem:s10+$0xC60]  }
0x1b7: {  	v41 =	vld [tilespmem:s10+$0xC70]  }
0x1b8: {  	v42 =	vld [tilespmem:s10+$0x1000]  }
0x1b9: {  	v43 =	vld [tilespmem:s10+$0x1010]  }
0x1ba: {  	v44 =	vld [tilespmem:s10+$0x1020]  }
0x1bb: {  	v45 =	vld [tilespmem:s10+$0x1030]  }
0x1bc: {  	v46 =	vld [tilespmem:s10+$0x1040]  }
0x1bd: {  	v47 =	vld [tilespmem:s10+$0x1050]  }
0x1be: {  	v48 =	vld [tilespmem:s10+$0x1060]  }
0x1bf: {  	v49 =	vld [tilespmem:s10+$0x1070]  }
0x1c0: {  	v50 =	vld [tilespmem:s10+$0x1400]  }
0x1c1: {  	v51 =	vld [tilespmem:s10+$0x1410]  }
0x1c2: {  	v10 =	vld [tilespmem:s10+$0xC000]  }
.Ltmp0:
0x1c3: {  	v15 =	vld [tilespmem:s10+$0xC010];
	(pc) =	sbr.rel @p0 .LBB2_2-.Ltmp0, $4  }
0x1c4: {  	v17 =	vld [tilespmem:s10+$0xC020]  }
0x1c5: {  	v19 =	vld [tilespmem:s10+$0xC030]  }
0x1c6: {  	v21 =	vld [tilespmem:s10+$0xC040]  }
0x1c7: {  	s30 =	sadd.s32 $0x1, s30;
	s11 =	sadd.s32 $0x1, s11;
	v52 =	vld [tilespmem:s10+$0xD420]  }
0x1c8: {  	v35 =	vld.msk [tilespmem:s11+$0x0], $0x1  }
0x1c9: {  	s0 =	sadd.s32 $0x1, s28;
	v54 =	vld [tilespmem:s10+$0x1430]  }
0x1ca: {  	v36 =	vld.msk [tilespmem:s0+$0x0], $0x1  }
0x1cb: {  	v55 =	vld [tilespmem:s10+$0x1420]  }
0x1cc: {  	v53 =	vld [tilespmem:s10+$0xD430]  }
0x1cd: {  	v56 =	vld [tilespmem:s10+$0xD410]  }
0x1ce: {  	v57 =	vld [tilespmem:s10+$0xD400];
	v35 =	vperm.xlane v35, v3  }
0x1cf: {  	v58 =	vld [tilespmem:s10+$0xD070];
	v36 =	vperm.xlane v36, v3  }
0x1d0: {  	v60 =	vld [tilespmem:s10+$0xD050];
	v54 =	vmul.f32 v35, v54;
	v55 =	vmul.f32 v35, v55  }
0x1d1: {  	v59 =	vld [tilespmem:s10+$0xD060];
	v51 =	vmul.f32 v35, v51;
	v53 =	vmul.f32 v36, v53  }
0x1d2: {  	v50 =	vmul.f32 v35, v50;
	v52 =	vmul.f32 v36, v52  }
0x1d3: {  	v61 =	vld [tilespmem:s10+$0xD040];
	v49 =	vmul.f32 v35, v49;
	v56 =	vmul.f32 v36, v56;
	v53 =	vadd.f32 v53, v54  }
0x1d4: {  	v62 =	vld [tilespmem:s10+$0xD020];
	v48 =	vmul.f32 v35, v48;
	v63 =	vmul.f32 v36, v57;
	v52 =	vadd.f32 v52, v55  }
0x1d5: {  	v47 =	vmul.f32 v35, v47;
	v60 =	vmul.f32 v36, v60;
	v57 =	vld [tilespmem:s10+$0xCC30];
	v51 =	vadd.f32 v56, v51;
	[tilespmem:s10+$0x1430] =	vst v53  }
0x1d6: {  	v54 =	vld [tilespmem:s10+$0xD030];
	v56 =	vmul.f32 v36, v58;
	v50 =	vadd.f32 v63, v50;
	v63 =	vmul.f32 v36, v59;
	[tilespmem:s10+$0x1420] =	vst v52  }
0x1d7: {  	v46 =	vmul.f32 v35, v46;
	v47 =	vadd.f32 v60, v47;
	v59 =	vld [tilespmem:s10+$0xCC20];
	[tilespmem:s10+$0x1410] =	vst v51  }
0x1d8: {  	v53 =	vld [tilespmem:s10+$0xD010];
	v49 =	vadd.f32 v56, v49;
	[tilespmem:s10+$0x1400] =	vst v50;
	v48 =	vadd.f32 v63, v48;
	v63 =	vmul.f32 v36, v61  }
0x1d9: {  	v44 =	vmul.f32 v35, v44;
	v58 =	vmul.f32 v36, v62;
	v52 =	vld [tilespmem:s10+$0xD000];
	[tilespmem:s10+$0x1050] =	vst v47  }
0x1da: {  	v37 =	vmul.f32 v35, v37;
	v51 =	vld [tilespmem:s10+$0xCC70];
	v47 =	vmul.f32 v36, v57;
	[tilespmem:s10+$0x1070] =	vst v49;
	v46 =	vadd.f32 v63, v46  }
0x1db: {  	v45 =	vmul.f32 v35, v45;
	v50 =	vld [tilespmem:s10+$0xCC60];
	v44 =	vadd.f32 v58, v44;
	[tilespmem:s10+$0x1060] =	vst v48;
	v54 =	vmul.f32 v36, v54  }
0x1dc: {  	v34 =	vmul.f32 v35, v34;
	v61 =	vld [tilespmem:s10+$0xCC00];
	v37 =	vadd.f32 v47, v37;
	[tilespmem:s10+$0x1040] =	vst v46;
	v46 =	vmul.f32 v36, v59  }
0x1dd: {  	v43 =	vmul.f32 v35, v43;
	v56 =	vld [tilespmem:s10+$0xC810];
	[tilespmem:s10+$0x1020] =	vst v44;
	v45 =	vadd.f32 v54, v45;
	v53 =	vmul.f32 v36, v53  }
0x1de: {  	v42 =	vmul.f32 v35, v42;
	v49 =	vld [tilespmem:s10+$0xCC50];
	v52 =	vmul.f32 v36, v52;
	[tilespmem:s10+$0xC30] =	vst v37;
	v34 =	vadd.f32 v46, v34  }
0x1df: {  	v41 =	vmul.f32 v35, v41;
	v48 =	vld [tilespmem:s10+$0xCC40];
	v51 =	vmul.f32 v36, v51;
	[tilespmem:s10+$0x1030] =	vst v45;
	v43 =	vadd.f32 v53, v43  }
0x1e0: {  	v40 =	vmul.f32 v35, v40;
	v60 =	vld [tilespmem:s10+$0xCC10];
	v50 =	vmul.f32 v36, v50;
	v42 =	vadd.f32 v52, v42;
	[tilespmem:s10+$0xC20] =	vst v34  }
0x1e1: {  	v32 =	vmul.f32 v35, v32;
	v57 =	vld [tilespmem:s10+$0xC800];
	v44 =	vmul.f32 v36, v61;
	v41 =	vadd.f32 v51, v41;
	[tilespmem:s10+$0x1010] =	vst v43  }
0x1e2: {  	v25 =	vmul.f32 v35, v25;
	v62 =	vld [tilespmem:s10+$0xC870];
	v37 =	vmul.f32 v36, v56;
	v40 =	vadd.f32 v50, v40;
	[tilespmem:s10+$0x1000] =	vst v42  }
0x1e3: {  	v39 =	vmul.f32 v35, v39;
	v63 =	vld [tilespmem:s10+$0xC860];
	v49 =	vmul.f32 v36, v49;
	v32 =	vadd.f32 v44, v32;
	[tilespmem:s10+$0xC70] =	vst v41  }
0x1e4: {  	v38 =	vmul.f32 v35, v38;
	v52 =	vld [tilespmem:s10+$0xC850];
	v48 =	vmul.f32 v36, v48;
	v25 =	vadd.f32 v37, v25;
	[tilespmem:s10+$0xC60] =	vst v40  }
0x1e5: {  	v33 =	vmul.f32 v35, v33;
	v54 =	vld [tilespmem:s10+$0xC830];
	v45 =	vmul.f32 v36, v60;
	v39 =	vadd.f32 v49, v39;
	[tilespmem:s10+$0xC00] =	vst v32  }
0x1e6: {  	v24 =	vmul.f32 v35, v24;
	v53 =	vld [tilespmem:s10+$0xC840];
	v34 =	vmul.f32 v36, v57;
	v38 =	vadd.f32 v48, v38;
	[tilespmem:s10+$0x810] =	vst v25  }
0x1e7: {  	v31 =	vmul.f32 v35, v31;
	v59 =	vld [tilespmem:s10+$0xC460];
	v33 =	vadd.f32 v45, v33;
	v43 =	vmul.f32 v36, v62;
	[tilespmem:s10+$0xC50] =	vst v39  }
0x1e8: {  	v30 =	vmul.f32 v35, v30;
	v55 =	vld [tilespmem:s10+$0xC820];
	v42 =	vmul.f32 v36, v63;
	v24 =	vadd.f32 v34, v24;
	[tilespmem:s10+$0xC40] =	vst v38  }
0x1e9: {  	v29 =	vmul.f32 v35, v29;
	v58 =	vld [tilespmem:s10+$0xC470];
	[tilespmem:s10+$0xC10] =	vst v33;
	v31 =	vadd.f32 v43, v31;
	v41 =	vmul.f32 v36, v52  }
0x1ea: {  	v27 =	vmul.f32 v35, v27;
	v30 =	vadd.f32 v42, v30;
	v39 =	vmul.f32 v36, v54;
	[tilespmem:s10+$0x800] =	vst v24;
	v24 =	vld [tilespmem:s10+$0xC060]  }
0x1eb: {  	v28 =	vmul.f32 v35, v28;
	v40 =	vmul.f32 v36, v53;
	[tilespmem:s10+$0x870] =	vst v31;
	v31 =	vld [tilespmem:s10+$0xC450];
	v29 =	vadd.f32 v41, v29  }
0x1ec: {  	v22 =	vmul.f32 v35, v22;
	v32 =	vmul.f32 v36, v59;
	[tilespmem:s10+$0x860] =	vst v30;
	v30 =	vld [tilespmem:s10+$0xC440];
	v27 =	vadd.f32 v39, v27  }
0x1ed: {  	v26 =	vmul.f32 v35, v26;
	v38 =	vmul.f32 v36, v55;
	v28 =	vadd.f32 v40, v28;
	[tilespmem:s10+$0x850] =	vst v29;
	v29 =	vld [tilespmem:s10+$0xC430]  }
0x1ee: {  	v23 =	vmul.f32 v35, v23;
	v33 =	vmul.f32 v36, v58;
	v22 =	vadd.f32 v32, v22;
	[tilespmem:s10+$0x830] =	vst v27;
	v27 =	vld [tilespmem:s10+$0xC410]  }
0x1ef: {  	v9 =	vmul.f32 v35, v9;
	v26 =	vadd.f32 v38, v26;
	[tilespmem:s10+$0x840] =	vst v28;
	v28 =	vld [tilespmem:s10+$0xC420];
	v24 =	vmul.f32 v36, v24  }
0x1f0: {  	v20 =	vmul.f32 v35, v20;
	v23 =	vadd.f32 v33, v23;
	[tilespmem:s10+$0x460] =	vst v22;
	v31 =	vmul.f32 v36, v31  }
0x1f1: {  	v18 =	vmul.f32 v35, v18;
	[tilespmem:s10+$0x820] =	vst v26;
	v26 =	vld [tilespmem:s10+$0xC400];
	v30 =	vmul.f32 v36, v30;
	v9 =	vadd.f32 v24, v9  }
0x1f2: {  	v16 =	vmul.f32 v35, v16;
	v25 =	vld [tilespmem:s10+$0xC070];
	[tilespmem:s10+$0x470] =	vst v23;
	v20 =	vadd.f32 v31, v20;
	v29 =	vmul.f32 v36, v29  }
0x1f3: {  	v13 =	vmul.f32 v35, v13;
	v22 =	vld [tilespmem:s10+$0xD440];
	v18 =	vadd.f32 v30, v18;
	v27 =	vmul.f32 v36, v27;
	[tilespmem:s10+$0x60] =	vst v9  }
0x1f4: {  	v14 =	vmul.f32 v35, v14;
	v23 =	vld [tilespmem:s10+$0xC050];
	v28 =	vmul.f32 v36, v28;
	[tilespmem:s10+$0x450] =	vst v20;
	v16 =	vadd.f32 v29, v16  }
0x1f5: {  	v12 =	vmul.f32 v35, v12;
	v11 =	vmul.f32 v35, v11;
	v9 =	vld [tilespmem:s10+$0x0];
	[tilespmem:s10+$0x440] =	vst v18;
	v13 =	vadd.f32 v27, v13  }
0x1f6: {  	v8 =	vmul.f32 v35, v8;
	v20 =	vld [tilespmem:s10+$0xD450];
	v14 =	vadd.f32 v28, v14;
	[tilespmem:s10+$0x430] =	vst v16;
	v16 =	vmul.f32 v36, v26  }
0x1f7: {  	v7 =	vmul.f32 v35, v7;
	v21 =	vmul.f32 v36, v21;
	v18 =	vld [tilespmem:s10+$0xD460];
	[tilespmem:s10+$0x410] =	vst v13  }
0x1f8: {  	v5 =	vmul.f32 v35, v5;
	v13 =	vld [tilespmem:s10+$0x1450];
	[tilespmem:s10+$0x420] =	vst v14;
	v14 =	vmul.f32 v36, v25;
	v12 =	vadd.f32 v16, v12  }
0x1f9: {  	v4 =	vmul.f32 v35, v4;
	v15 =	vmul.f32 v36, v15;
	v7 =	vadd.f32 v21, v7;
	v26 =	vld [tilespmem:s10+$0xD470]  }
0x1fa: {  	v17 =	vmul.f32 v36, v17;
	v16 =	vld [tilespmem:s10+$0x1440];
	v11 =	vadd.f32 v14, v11;
	[tilespmem:s10+$0x400] =	vst v12;
	v12 =	vmul.f32 v36, v23  }
0x1fb: {  	v6 =	vmul.f32 v35, v6;
	v4 =	vadd.f32 v15, v4;
	[tilespmem:s10+$0x40] =	vst v7;
	v14 =	vld [tilespmem:s10+$0x1460]  }
0x1fc: {  	v5 =	vadd.f32 v17, v5;
	[tilespmem:s10+$0x70] =	vst v11;
	v11 =	vmul.f32 v36, v19;
	v8 =	vadd.f32 v12, v8;
	v12 =	vld [tilespmem:s10+$0x1470]  }
0x1fd: {  	[tilespmem:s10+$0x10] =	vst v4;
	v4 =	vmul.f32 v35, v9;
	v9 =	vmul.f32 v36, v10  }
0x1fe: {  	[tilespmem:s10+$0x20] =	vst v5;
	v7 =	vmul.f32 v35, v13;
	v13 =	vmul.f32 v36, v20;
	v6 =	vadd.f32 v11, v6  }
0x1ff: {  	v4 =	vadd.f32 v9, v4;
	v11 =	vmul.f32 v36, v22;
	[tilespmem:s10+$0x50] =	vst v8;
	v8 =	vmul.f32 v35, v16  }
0x200: {  	v7 =	vadd.f32 v13, v7;
	[tilespmem:s10+$0x30] =	vst v6;
	v6 =	vmul.f32 v35, v14;
	v14 =	vmul.f32 v36, v18  }
0x201: {  	[tilespmem:s10+$0x0] =	vst v4;
	v8 =	vadd.f32 v11, v8;
	v11 =	vmul.f32 v36, v26;
	v5 =	vmul.f32 v35, v12  }
0x202: {  	[tilespmem:s10+$0x1450] =	vst v7;
	v6 =	vadd.f32 v14, v6  }
0x203: {  	[tilespmem:s10+$0x1440] =	vst v8;
	v5 =	vadd.f32 v11, v5  }
0x204: {  	[tilespmem:s10+$0x1460] =	vst v6  }
0x205: {  	s5 =	simm.s32 $0x0;
	[tilespmem:s10+$0x1470] =	vst v5;
	s10 =	rddreg [dreg:$0x9]  }
0x206: {  	[hbm4b:s10+s5] =	stream.linear.scatter [tilespmem:s5], [sflag:$0x2], $0x6000, $0x38;
	[tilespmem:$0x18300] =	vst v63  }
0x207: {  	_ =	swait.ge [sflag:s29], $0x6000  }
0x208: {  	[sflag:s29] =	ssyncset.done $0x0  }
0x209: {  	s12 =	simm.s32 $0x18000;
	s11 =	rddreg [dreg:$0xa];
	[sflag:s29] =	ssyncadd.s32 $0xFFFFA000  }
0x20a: {  	[tilespmem:s12], [sflag:$0x2] =	stream.linear.gather [hbm4b:s11+s5], $0x20, $0x38;
	[tilespmem:$0x18300] =	vst v63  }
0x20b: {  	_ =	swait.ge [sflag:s29], $0x20  }
0x20c: {  	[sflag:s29] =	ssyncset.done $0x0  }
0x20d: {  	s12 =	simm.s32 $0x18100;
	s11 =	rddreg [dreg:$0xb];
	[sflag:s29] =	ssyncadd.s32 $0xFFFFFFE0  }
0x20e: {  	[tilespmem:s12], [sflag:$0x2] =	stream.linear.gather [hbm4b:s11+s5], $0x20, $0x38;
	[tilespmem:$0x18300] =	vst v63  }
0x20f: {  	_ =	swait.ge [sflag:s29], $0x20  }
0x210: {  	[sflag:s29] =	ssyncset.done $0x0  }
0x211: {  	[sflag:s29] =	ssyncadd.s32 $0xFFFFFFE0  }
0x212: {  	v4 =	vld [tilespmem:$0x18000];
	_ =	sdelay $0x4  }
0x213: {  	v5 =	vshrl.u32 v4, $0x3  }
0x214: {  	v5 =	vmul.u32 $0x30, v5  }
0x215: {  	v4 =	vand.u32 $0x7, v4  }
0x216: {  	v4 =	vor.u32 v4, v5  }
0x217: {  	v5 =	vperm.xlane v4, v0;
	_ =	sdelay $0x1  }
0x218: {  	v5 =	vadd.s32 v1, v5;
	_ =	sdelay $0x3  }
0x219: {  	v4 =	vperm.xlane v4, v2  }
0x21a: {  	[tilespmem:s5], [sflag:$0x1] =	stream.indirect_vreg.gather [hbm4b:s3+s5], $0x80, v5, vm0, $0xb8;
	[tilespmem:$0x18300] =	vst v63  }
0x21b: {  	s10 =	simm.s32 $0x800;
	v4 =	vadd.s32 v1, v4  }
0x21c: {  	[tilespmem:s10], [sflag:$0x1] =	stream.indirect_vreg.gather [hbm4b:s24+s5], $0x80, v5, vm0, $0xb8;
	[tilespmem:$0x18300] =	vst v63  }
0x21d: {  	s11 =	simm.s32 $0x1000  }
0x21e: {  	[tilespmem:s11], [sflag:$0x1] =	stream.indirect_vreg.gather [hbm4b:s25+s5], $0x80, v5, vm0, $0xb8;
	[tilespmem:$0x18300] =	vst v63  }
0x21f: {  	s12 =	simm.s32 $0x1800  }
0x220: {  	[tilespmem:s12], [sflag:$0x1] =	stream.indirect_vreg.gather [hbm4b:s3+s5], $0x80, v4, vm0, $0xb8;
	[tilespmem:$0x18300] =	vst v63  }
0x221: {  	s10 =	simm.s32 $0x2000  }
0x222: {  	[tilespmem:s10], [sflag:$0x1] =	stream.indirect_vreg.gather [hbm4b:s24+s5], $0x80, v4, vm0, $0xb8;
	[tilespmem:$0x18300] =	vst v63  }
0x223: {  	s11 =	simm.s32 $0x2800  }
0x224: {  	[tilespmem:s11], [sflag:$0x1] =	stream.indirect_vreg.gather [hbm4b:s25+s5], $0x80, v4, vm0, $0xb8;
	[tilespmem:$0x18300] =	vst v63  }
0x225: {  	v4 =	vld [tilespmem:$0x18010];
	_ =	sdelay $0x4  }
0x226: {  	v5 =	vshrl.u32 v4, $0x3  }
0x227: {  	v5 =	vmul.u32 $0x30, v5  }
0x228: {  	v4 =	vand.u32 $0x7, v4  }
0x229: {  	v4 =	vor.u32 v4, v5  }
0x22a: {  	v5 =	vperm.xlane v4, v0;
	_ =	sdelay $0x1  }
0x22b: {  	v5 =	vadd.s32 v1, v5;
	_ =	sdelay $0x3  }
0x22c: {  	s12 =	simm.s32 $0x3000;
	v4 =	vperm.xlane v4, v2  }
0x22d: {  	[tilespmem:s12], [sflag:$0x1] =	stream.indirect_vreg.gather [hbm4b:s3+s5], $0x80, v5, vm0, $0xb8;
	[tilespmem:$0x18300] =	vst v63  }
0x22e: {  	s10 =	simm.s32 $0x3800;
	v4 =	vadd.s32 v1, v4  }
0x22f: {  	[tilespmem:s10], [sflag:$0x1] =	stream.indirect_vreg.gather [hbm4b:s24+s5], $0x80, v5, vm0, $0xb8;
	[tilespmem:$0x18300] =	vst v63  }
0x230: {  	s11 =	simm.s32 $0x4000  }
0x231: {  	[tilespmem:s11], [sflag:$0x1] =	stream.indirect_vreg.gather [hbm4b:s25+s5], $0x80, v5, vm0, $0xb8;
	[tilespmem:$0x18300] =	vst v63  }
0x232: {  	s12 =	simm.s32 $0x4800  }
0x233: {  	[tilespmem:s12], [sflag:$0x1] =	stream.indirect_vreg.gather [hbm4b:s3+s5], $0x80, v4, vm0, $0xb8;
	[tilespmem:$0x18300] =	vst v63  }
0x234: {  	s10 =	simm.s32 $0x5000  }
0x235: {  	[tilespmem:s10], [sflag:$0x1] =	stream.indirect_vreg.gather [hbm4b:s24+s5], $0x80, v4, vm0, $0xb8;
	[tilespmem:$0x18300] =	vst v63  }
0x236: {  	s11 =	simm.s32 $0x5800  }
0x237: {  	[tilespmem:s11], [sflag:$0x1] =	stream.indirect_vreg.gather [hbm4b:s25+s5], $0x80, v4, vm0, $0xb8;
	[tilespmem:$0x18300] =	vst v63  }
0x238: {  	v4 =	vld [tilespmem:$0x18100];
	_ =	sdelay $0x4  }
0x239: {  	v5 =	vshrl.u32 v4, $0x3  }
0x23a: {  	v5 =	vmul.u32 $0x30, v5  }
0x23b: {  	v4 =	vand.u32 $0x7, v4  }
0x23c: {  	v4 =	vor.u32 v4, v5  }
0x23d: {  	v5 =	vperm.xlane v4, v0;
	_ =	sdelay $0x1  }
0x23e: {  	v5 =	vadd.s32 v1, v5;
	_ =	sdelay $0x3  }
0x23f: {  	s12 =	simm.s32 $0xC000;
	v4 =	vperm.xlane v4, v2  }
0x240: {  	[tilespmem:s12], [sflag:$0x1] =	stream.indirect_vreg.gather [hbm4b:s3+s5], $0x80, v5, vm0, $0xb8;
	[tilespmem:$0x18300] =	vst v63  }
0x241: {  	s10 =	simm.s32 $0xC800;
	v4 =	vadd.s32 v1, v4  }
0x242: {  	[tilespmem:s10], [sflag:$0x1] =	stream.indirect_vreg.gather [hbm4b:s24+s5], $0x80, v5, vm0, $0xb8;
	[tilespmem:$0x18300] =	vst v63  }
0x243: {  	s11 =	simm.s32 $0xD000  }
0x244: {  	[tilespmem:s11], [sflag:$0x1] =	stream.indirect_vreg.gather [hbm4b:s25+s5], $0x80, v5, vm0, $0xb8;
	[tilespmem:$0x18300] =	vst v63  }
0x245: {  	s12 =	simm.s32 $0xD800  }
0x246: {  	[tilespmem:s12], [sflag:$0x1] =	stream.indirect_vreg.gather [hbm4b:s3+s5], $0x80, v4, vm0, $0xb8;
	[tilespmem:$0x18300] =	vst v63  }
0x247: {  	s10 =	simm.s32 $0xE000  }
0x248: {  	[tilespmem:s10], [sflag:$0x1] =	stream.indirect_vreg.gather [hbm4b:s24+s5], $0x80, v4, vm0, $0xb8;
	[tilespmem:$0x18300] =	vst v63  }
0x249: {  	s11 =	simm.s32 $0xE800  }
0x24a: {  	[tilespmem:s11], [sflag:$0x1] =	stream.indirect_vreg.gather [hbm4b:s25+s5], $0x80, v4, vm0, $0xb8;
	[tilespmem:$0x18300] =	vst v63  }
0x24b: {  	v4 =	vld [tilespmem:$0x18110];
	_ =	sdelay $0x4  }
0x24c: {  	v5 =	vshrl.u32 v4, $0x3  }
0x24d: {  	v5 =	vmul.u32 $0x30, v5  }
0x24e: {  	v4 =	vand.u32 $0x7, v4  }
0x24f: {  	v4 =	vor.u32 v4, v5  }
0x250: {  	v5 =	vperm.xlane v4, v0;
	_ =	sdelay $0x1  }
0x251: {  	v5 =	vadd.s32 v1, v5;
	_ =	sdelay $0x3  }
0x252: {  	s12 =	simm.s32 $0xF000;
	v4 =	vperm.xlane v4, v2  }
0x253: {  	[tilespmem:s12], [sflag:$0x1] =	stream.indirect_vreg.gather [hbm4b:s3+s5], $0x80, v5, vm0, $0xb8;
	[tilespmem:$0x18300] =	vst v63  }
0x254: {  	s10 =	simm.s32 $0xF800;
	v4 =	vadd.s32 v1, v4  }
0x255: {  	[tilespmem:s10], [sflag:$0x1] =	stream.indirect_vreg.gather [hbm4b:s24+s5], $0x80, v5, vm0, $0xb8;
	[tilespmem:$0x18300] =	vst v63  }
0x256: {  	s11 =	simm.s32 $0x10000  }
0x257: {  	[tilespmem:s11], [sflag:$0x1] =	stream.indirect_vreg.gather [hbm4b:s25+s5], $0x80, v5, vm0, $0xb8;
	[tilespmem:$0x18300] =	vst v63  }
0x258: {  	s12 =	simm.s32 $0x10800  }
0x259: {  	[tilespmem:s12], [sflag:$0x1] =	stream.indirect_vreg.gather [hbm4b:s3+s5], $0x80, v4, vm0, $0xb8;
	[tilespmem:$0x18300] =	vst v63  }
0x25a: {  	s10 =	simm.s32 $0x11000  }
0x25b: {  	[tilespmem:s10], [sflag:$0x1] =	stream.indirect_vreg.gather [hbm4b:s24+s5], $0x80, v4, vm0, $0xb8;
	[tilespmem:$0x18300] =	vst v63  }
0x25c: {  	s11 =	simm.s32 $0x11800  }
0x25d: {  	[tilespmem:s11], [sflag:$0x1] =	stream.indirect_vreg.gather [hbm4b:s25+s5], $0x80, v4, vm0, $0xb8;
	[tilespmem:$0x18300] =	vst v63  }
0x25e: {  	s10 =	simm.s32 $0x18200  }
0x25f: {  	[tilespmem:s10], [sflag:$0x2] =	stream.linear.gather [hbm4b:s13+s5], $0x20, $0x38;
	[tilespmem:$0x18300] =	vst v63  }
0x260: {  	_ =	swait.ge [sflag:s29], $0x20  }
0x261: {  	[sflag:s29] =	ssyncset.done $0x0  }
0x262: {  	s28 =	simm.s32 $0x18280;
	[sflag:s29] =	ssyncadd.s32 $0xFFFFFFE0  }
0x263: {  	[tilespmem:s28], [sflag:$0x2] =	stream.linear.gather [hbm4b:s14+s5], $0x20, $0x38;
	[tilespmem:$0x18300] =	vst v63  }
0x264: {  	_ =	swait.ge [sflag:s29], $0x20  }
0x265: {  	[sflag:s29] =	ssyncset.done $0x0  }
0x266: {  	[sflag:s29] =	ssyncadd.s32 $0xFFFFFFE0  }
0x267: {  	_ =	swait.ge [sflag:s4], $0x6000  }
0x268: {  	[sflag:s4] =	ssyncset.done $0x0  }
0x269: {  	s12 =	simm.s32 $0x0;
	[sflag:s4] =	ssyncadd.s32 $0xFFFFA000  }
0x26a: {  	s0 =	smul.u32 $0x1800, s12;
	_ =	swait.ge [sflag:s4], $0x6000  }
0x26b: {  	s5 =	sand.u32 $0x380, s5;
	[sflag:s4] =	ssyncset.done $0x0  }
0x26c: {  	s11 =	sor.u32 s5, s0;
	[sflag:s4] =	ssyncadd.s32 $0xFFFFA000  }
0x26d: {  	v14 =	vld [tilespmem:s11+$0x6010]  }
0x26e: {  	v19 =	vld [tilespmem:s11+$0x6020]  }
0x26f: {  	v20 =	vld [tilespmem:s11+$0x6030]  }
0x270: {  	v21 =	vld [tilespmem:s11+$0x6040]  }
0x271: {  	v18 =	vld [tilespmem:s11+$0x6050]  }
0x272: {  	v13 =	vld [tilespmem:s11+$0x6060]  }
0x273: {  	v4 =	vld [tilespmem:s11+$0x6070]  }
0x274: {  	v7 =	vld [tilespmem:s11+$0x6400]  }
0x275: {  	v12 =	vld [tilespmem:s11+$0x6410]  }
0x276: {  	v6 =	vld [tilespmem:s11+$0x6420]  }
0x277: {  	v5 =	vld [tilespmem:s11+$0x6430]  }
0x278: {  	v11 =	vld [tilespmem:s11+$0x6440]  }
0x279: {  	v8 =	vld [tilespmem:s11+$0x6450]  }
0x27a: {  	v9 =	vld [tilespmem:s11+$0x6460]  }
0x27b: {  	v10 =	vld [tilespmem:s11+$0x6470]  }
0x27c: {  	v22 =	vld [tilespmem:s11+$0x6800]  }
0x27d: {  	v24 =	vld [tilespmem:s11+$0x6810]  }
0x27e: {  	v26 =	vld [tilespmem:s11+$0x6820]  }
0x27f: {  	v28 =	vld [tilespmem:s11+$0x6830]  }
0x280: {  	v30 =	vld [tilespmem:s11+$0x6840]  }
0x281: {  	v31 =	vld [tilespmem:s11+$0x6850]  }
0x282: {  	v32 =	vld [tilespmem:s11+$0x6860]  }
0x283: {  	v33 =	vld [tilespmem:s11+$0x6870]  }
0x284: {  	v34 =	vld [tilespmem:s11+$0x6C00]  }
0x285: {  	v35 =	vld [tilespmem:s11+$0x6C10]  }
0x286: {  	v36 =	vld [tilespmem:s11+$0x6C20]  }
0x287: {  	v37 =	vld [tilespmem:s11+$0x6C30]  }
0x288: {  	v38 =	vld [tilespmem:s11+$0x6C40]  }
0x289: {  	v39 =	vld [tilespmem:s11+$0x6C50]  }
0x28a: {  	v40 =	vld [tilespmem:s11+$0x6C60]  }
0x28b: {  	v41 =	vld [tilespmem:s11+$0x6C70]  }
0x28c: {  	v42 =	vld [tilespmem:s11+$0x7000]  }
0x28d: {  	v43 =	vld [tilespmem:s11+$0x7010]  }
0x28e: {  	v44 =	vld [tilespmem:s11+$0x7020]  }
0x28f: {  	v45 =	vld [tilespmem:s11+$0x7030]  }
0x290: {  	v46 =	vld [tilespmem:s11+$0x7040]  }
0x291: {  	v47 =	vld [tilespmem:s11+$0x7050]  }
0x292: {  	v48 =	vld [tilespmem:s11+$0x7060]  }
0x293: {  	v49 =	vld [tilespmem:s11+$0x7070]  }
0x294: {  	v50 =	vld [tilespmem:s11+$0x7400]  }
0x295: {  	v51 =	vld [tilespmem:s11+$0x7410]  }
0x296: {  	v15 =	vld [tilespmem:s11+$0x12000]  }
0x297: {  	v23 =	vld [tilespmem:s11+$0x12010]  }
0x298: {  	v25 =	vld [tilespmem:s11+$0x12020]  }
0x299: {  	v27 =	vld [tilespmem:s11+$0x12030]  }
0x29a: {  	v29 =	vld [tilespmem:s11+$0x12040]  }
0x29b: {  	v52 =	vld [tilespmem:s11+$0x13420]  }
0x29c: {  	v16 =	vld.msk [tilespmem:s10+$0x0], $0x1  }
0x29d: {  	v17 =	vld.msk [tilespmem:s28+$0x0], $0x1  }
0x29e: {  	v53 =	vld [tilespmem:s11+$0x13430]  }
0x29f: {  	v54 =	vld [tilespmem:s11+$0x7430]  }
0x2a0: {  	v55 =	vld [tilespmem:s11+$0x7420]  }
0x2a1: {  	v56 =	vld [tilespmem:s11+$0x13410]  }
0x2a2: {  	v57 =	vld [tilespmem:s11+$0x13400];
	v16 =	vperm.xlane v16, v3  }
0x2a3: {  	v58 =	vld [tilespmem:s11+$0x13070];
	v17 =	vperm.xlane v17, v3  }
0x2a4: {  	v60 =	vld [tilespmem:s11+$0x13050];
	v54 =	vmul.f32 v16, v54  }
0x2a5: {  	v61 =	vld [tilespmem:s11+$0x13040];
	v53 =	vmul.f32 v17, v53;
	v55 =	vmul.f32 v16, v55  }
0x2a6: {  	v59 =	vld [tilespmem:s11+$0x13060];
	v52 =	vmul.f32 v17, v52;
	v51 =	vmul.f32 v16, v51  }
0x2a7: {  	v62 =	vld [tilespmem:s11+$0x13030];
	v56 =	vmul.f32 v17, v56;
	v50 =	vmul.f32 v16, v50  }
0x2a8: {  	v63 =	vld [tilespmem:s11+$0x13020];
	v57 =	vmul.f32 v17, v57;
	v47 =	vmul.f32 v16, v47  }
0x2a9: {  	v60 =	vmul.f32 v17, v60;
	v46 =	vmul.f32 v16, v46;
	v53 =	vadd.f32 v53, v54;
	v54 =	vld [tilespmem:s11+$0x13010]  }
0x2aa: {  	v61 =	vmul.f32 v17, v61;
	v45 =	vmul.f32 v16, v45;
	v52 =	vadd.f32 v52, v55;
	v55 =	vld [tilespmem:s11+$0x13000]  }
0x2ab: {  	v51 =	vadd.f32 v56, v51;
	v50 =	vadd.f32 v57, v50;
	v57 =	vmul.f32 v17, v59;
	v59 =	vld [tilespmem:s11+$0x12C10];
	[tilespmem:s11+$0x7430] =	vst v53  }
0x2ac: {  	v62 =	vmul.f32 v17, v62;
	v44 =	vmul.f32 v16, v44;
	v47 =	vadd.f32 v60, v47;
	v60 =	vld [tilespmem:s11+$0x12C00];
	[tilespmem:s11+$0x7420] =	vst v52  }
0x2ad: {  	v63 =	vmul.f32 v17, v63;
	v21 =	vmul.f32 v16, v21;
	v46 =	vadd.f32 v61, v46;
	v61 =	vld [tilespmem:s11+$0x12870];
	[tilespmem:s11+$0x7410] =	vst v51  }
0x2ae: {  	v29 =	vmul.f32 v17, v29;
	v20 =	vmul.f32 v16, v20;
	v45 =	vadd.f32 v62, v45;
	v62 =	vld [tilespmem:s11+$0x12860];
	[tilespmem:s11+$0x7400] =	vst v50  }
0x2af: {  	v27 =	vmul.f32 v17, v27;
	v14 =	vmul.f32 v16, v14;
	v44 =	vadd.f32 v63, v44;
	v63 =	vld [tilespmem:s11+$0x12850];
	[tilespmem:s11+$0x7050] =	vst v47  }
0x2b0: {  	v23 =	vmul.f32 v17, v23;
	v56 =	vmul.f32 v17, v58;
	v58 =	vld [tilespmem:s11+$0x12460];
	[tilespmem:s11+$0x7040] =	vst v46  }
0x2b1: {  	v19 =	vmul.f32 v16, v19;
	v25 =	vmul.f32 v17, v25;
	v21 =	vadd.f32 v29, v21;
	v29 =	vld [tilespmem:s11+$0x7460];
	[tilespmem:s11+$0x7030] =	vst v45  }
0x2b2: {  	v20 =	vadd.f32 v27, v20;
	v14 =	vadd.f32 v23, v14;
	v23 =	vld [tilespmem:s11+$0x7470];
	[tilespmem:s11+$0x7020] =	vst v44  }
0x2b3: {  	v49 =	vmul.f32 v16, v49;
	v19 =	vadd.f32 v25, v19;
	v53 =	vld [tilespmem:s11+$0x12C70];
	[tilespmem:s11+$0x6040] =	vst v21  }
0x2b4: {  	v48 =	vmul.f32 v16, v48;
	v52 =	vld [tilespmem:s11+$0x12C60];
	[tilespmem:s11+$0x6030] =	vst v20  }
0x2b5: {  	v43 =	vmul.f32 v16, v43;
	v49 =	vadd.f32 v56, v49;
	v51 =	vld [tilespmem:s11+$0x12C50];
	[tilespmem:s11+$0x6020] =	vst v19;
	v54 =	vmul.f32 v17, v54  }
0x2b6: {  	v42 =	vmul.f32 v16, v42;
	v48 =	vadd.f32 v57, v48;
	v50 =	vld [tilespmem:s11+$0x12C40];
	[tilespmem:s11+$0x6010] =	vst v14;
	v55 =	vmul.f32 v17, v55  }
0x2b7: {  	v35 =	vmul.f32 v16, v35;
	v56 =	vld [tilespmem:s11+$0x12810];
	[tilespmem:s11+$0x7070] =	vst v49;
	v47 =	vmul.f32 v17, v59;
	v43 =	vadd.f32 v54, v43  }
0x2b8: {  	v34 =	vmul.f32 v16, v34;
	v57 =	vld [tilespmem:s11+$0x12800];
	[tilespmem:s11+$0x7060] =	vst v48;
	v46 =	vmul.f32 v17, v60;
	v42 =	vadd.f32 v55, v42  }
0x2b9: {  	v33 =	vmul.f32 v16, v33;
	v21 =	vld [tilespmem:s11+$0x13470];
	v45 =	vmul.f32 v17, v61;
	v35 =	vadd.f32 v47, v35;
	[tilespmem:s11+$0x7010] =	vst v43  }
0x2ba: {  	v32 =	vmul.f32 v16, v32;
	v19 =	vld [tilespmem:s11+$0x12410];
	v44 =	vmul.f32 v17, v62;
	v34 =	vadd.f32 v46, v34;
	[tilespmem:s11+$0x7000] =	vst v42  }
0x2bb: {  	v41 =	vmul.f32 v16, v41;
	v49 =	vld [tilespmem:s11+$0x12C30];
	v53 =	vmul.f32 v17, v53;
	v33 =	vadd.f32 v45, v33;
	[tilespmem:s11+$0x6C10] =	vst v35  }
0x2bc: {  	v39 =	vmul.f32 v16, v39;
	v51 =	vmul.f32 v17, v51;
	v54 =	vld [tilespmem:s11+$0x12830];
	v32 =	vadd.f32 v44, v32;
	[tilespmem:s11+$0x6C00] =	vst v34  }
0x2bd: {  	v40 =	vmul.f32 v16, v40;
	v52 =	vmul.f32 v17, v52;
	v41 =	vadd.f32 v53, v41;
	v53 =	vld [tilespmem:s11+$0x12840];
	[tilespmem:s11+$0x6870] =	vst v33  }
0x2be: {  	v38 =	vmul.f32 v16, v38;
	v50 =	vmul.f32 v17, v50;
	v55 =	vld [tilespmem:s11+$0x12820];
	v39 =	vadd.f32 v51, v39;
	[tilespmem:s11+$0x6860] =	vst v32  }
0x2bf: {  	v31 =	vmul.f32 v16, v31;
	v48 =	vld [tilespmem:s11+$0x12C20];
	v40 =	vadd.f32 v52, v40;
	v43 =	vmul.f32 v17, v63;
	[tilespmem:s11+$0x6C70] =	vst v41  }
0x2c0: {  	v24 =	vmul.f32 v16, v24;
	v59 =	vld [tilespmem:s11+$0x12440];
	v38 =	vadd.f32 v50, v38;
	[tilespmem:s11+$0x6C50] =	vst v39;
	v39 =	vmul.f32 v17, v56  }
0x2c1: {  	v28 =	vmul.f32 v16, v28;
	v62 =	vld [tilespmem:s11+$0x12070];
	[tilespmem:s11+$0x6C60] =	vst v40;
	v31 =	vadd.f32 v43, v31;
	v41 =	vmul.f32 v17, v54  }
0x2c2: {  	v30 =	vmul.f32 v16, v30;
	v63 =	vld [tilespmem:s11+$0x12060];
	[tilespmem:s11+$0x6C40] =	vst v38;
	v24 =	vadd.f32 v39, v24;
	v42 =	vmul.f32 v17, v53  }
0x2c3: {  	v26 =	vmul.f32 v16, v26;
	v40 =	vmul.f32 v17, v55;
	[tilespmem:s11+$0x6850] =	vst v31;
	v31 =	vld [tilespmem:s11+$0x12050];
	v28 =	vadd.f32 v41, v28  }
0x2c4: {  	v22 =	vmul.f32 v16, v22;
	v38 =	vmul.f32 v17, v57;
	[tilespmem:s11+$0x6810] =	vst v24;
	v24 =	vld [tilespmem:s11+$0x7450];
	v30 =	vadd.f32 v42, v30  }
0x2c5: {  	v12 =	vmul.f32 v16, v12;
	v19 =	vmul.f32 v17, v19;
	v26 =	vadd.f32 v40, v26;
	[tilespmem:s11+$0x6830] =	vst v28;
	v28 =	vld [tilespmem:s11+$0x7440]  }
0x2c6: {  	v37 =	vmul.f32 v16, v37;
	v49 =	vmul.f32 v17, v49;
	v22 =	vadd.f32 v38, v22;
	[tilespmem:s11+$0x6840] =	vst v30;
	v30 =	vld [tilespmem:s11+$0x13440]  }
0x2c7: {  	v36 =	vmul.f32 v16, v36;
	v48 =	vmul.f32 v17, v48;
	v12 =	vadd.f32 v19, v12;
	[tilespmem:s11+$0x6820] =	vst v26;
	v26 =	vld [tilespmem:s11+$0x13450]  }
0x2c8: {  	v18 =	vmul.f32 v16, v18;
	v37 =	vadd.f32 v49, v37;
	[tilespmem:s11+$0x6800] =	vst v22;
	v22 =	vld [tilespmem:s11+$0x13460];
	v27 =	vmul.f32 v17, v31  }
0x2c9: {  	v13 =	vmul.f32 v16, v13;
	v60 =	vld [tilespmem:s11+$0x12430];
	v36 =	vadd.f32 v48, v36;
	[tilespmem:s11+$0x6410] =	vst v12;
	v20 =	vmul.f32 v17, v63  }
0x2ca: {  	s10 =	simm.s32 $0x0;
	v14 =	vmul.f32 v16, v4;
	v61 =	vld [tilespmem:s11+$0x12420];
	[tilespmem:s11+$0x6C30] =	vst v37;
	v18 =	vadd.f32 v27, v18;
	v27 =	vmul.f32 v17, v62  }
0x2cb: {  	s5 =	simm.s32 $0x80;
	s0 =	smul.u32 $0x1800, s10;
	v19 =	vld [tilespmem:s11+$0x6000];
	[tilespmem:s11+$0x6C20] =	vst v36;
	v13 =	vadd.f32 v20, v13;
	v25 =	vmul.f32 v16, v28;
	v28 =	vmul.f32 v17, v30  }
0x2cc: {  	s12 =	sand.u32 $0x380, s5;
	v24 =	vmul.f32 v16, v24;
	v26 =	vmul.f32 v17, v26;
	[tilespmem:s11+$0x6050] =	vst v18;
	v18 =	vld [tilespmem:s11+$0x12400];
	v14 =	vadd.f32 v27, v14  }
0x2cd: {  	s10 =	sor.u32 s12, s0;
	v20 =	vmul.f32 v16, v29;
	[tilespmem:s11+$0x6060] =	vst v13;
	v13 =	vld [tilespmem:s11+$0x12450];
	v22 =	vmul.f32 v17, v22;
	v25 =	vadd.f32 v28, v25  }
0x2ce: {  	v23 =	vmul.f32 v16, v23;
	v21 =	vmul.f32 v17, v21;
	v4 =	vld [tilespmem:s10+$0x6010];
	v24 =	vadd.f32 v26, v24;
	[tilespmem:s11+$0x6070] =	vst v14  }
0x2cf: {  	v20 =	vadd.f32 v22, v20;
	v26 =	vmul.f32 v17, v60;
	v14 =	vld [tilespmem:s11+$0x12470];
	[tilespmem:s11+$0x7440] =	vst v25;
	v25 =	vmul.f32 v16, v5  }
0x2d0: {  	v21 =	vadd.f32 v21, v23;
	v22 =	vmul.f32 v16, v6;
	v5 =	vld [tilespmem:s10+$0x6020];
	[tilespmem:s11+$0x7450] =	vst v24;
	v24 =	vmul.f32 v17, v61  }
0x2d1: {  	v18 =	vmul.f32 v17, v18;
	v25 =	vadd.f32 v26, v25;
	v6 =	vld [tilespmem:s10+$0x6030];
	[tilespmem:s11+$0x7460] =	vst v20;
	v20 =	vmul.f32 v16, v7  }
0x2d2: {  	v11 =	vmul.f32 v16, v11;
	v23 =	vmul.f32 v17, v59;
	v22 =	vadd.f32 v24, v22;
	v7 =	vld [tilespmem:s10+$0x6040];
	[tilespmem:s11+$0x7470] =	vst v21  }
0x2d3: {  	v13 =	vmul.f32 v17, v13;
	v21 =	vmul.f32 v16, v8;
	[tilespmem:s11+$0x6430] =	vst v25;
	v18 =	vadd.f32 v18, v20;
	v8 =	vld [tilespmem:s10+$0x6050]  }
0x2d4: {  	v23 =	vadd.f32 v23, v11;
	v20 =	vmul.f32 v16, v9;
	v9 =	vld [tilespmem:s10+$0x6060];
	[tilespmem:s11+$0x6420] =	vst v22;
	v22 =	vmul.f32 v17, v58  }
0x2d5: {  	v10 =	vmul.f32 v16, v10;
	v14 =	vmul.f32 v17, v14;
	v11 =	vld [tilespmem:s10+$0x6070];
	v13 =	vadd.f32 v13, v21;
	[tilespmem:s11+$0x6400] =	vst v18  }
0x2d6: {  	[tilespmem:s11+$0x6440] =	vst v23;
	v18 =	vadd.f32 v22, v20;
	v12 =	vld [tilespmem:s10+$0x6400]  }
0x2d7: {  	v10 =	vadd.f32 v14, v10;
	[tilespmem:s11+$0x6450] =	vst v13;
	v13 =	vld [tilespmem:s10+$0x6410]  }
0x2d8: {  	v14 =	vld [tilespmem:s10+$0x6420];
	[tilespmem:s11+$0x6460] =	vst v18  }
0x2d9: {  	[tilespmem:s11+$0x6470] =	vst v10;
	v10 =	vmul.f32 v16, v19;
	v16 =	vld [tilespmem:s10+$0x6430]  }
0x2da: {  	v18 =	vld [tilespmem:s10+$0x6440]  }
0x2db: {  	v20 =	vld [tilespmem:s10+$0x6450]  }
0x2dc: {  	v15 =	vmul.f32 v17, v15;
	v22 =	vld [tilespmem:s10+$0x6460]  }
0x2dd: {  	v23 =	vld [tilespmem:s10+$0x6470]  }
0x2de: {  	v10 =	vadd.f32 v15, v10;
	v28 =	vld [tilespmem:s10+$0x6840]  }
0x2df: {  	v38 =	vld [tilespmem:s10+$0x6C40]  }
0x2e0: {  	[tilespmem:s11+$0x6000] =	vst v10;
	v46 =	vld [tilespmem:s10+$0x7040]  }
0x2e1: {  	v24 =	vld [tilespmem:s10+$0x6800]  }
0x2e2: {  	v25 =	vld [tilespmem:s10+$0x6810]  }
0x2e3: {  	v26 =	vld [tilespmem:s10+$0x6820]  }
0x2e4: {  	v27 =	vld [tilespmem:s10+$0x6830]  }
0x2e5: {  	v29 =	vld [tilespmem:s10+$0x6850]  }
0x2e6: {  	v30 =	vld [tilespmem:s10+$0x6860]  }
0x2e7: {  	v31 =	vld [tilespmem:s10+$0x6870]  }
0x2e8: {  	v32 =	vld [tilespmem:s10+$0x6C00]  }
0x2e9: {  	v33 =	vld [tilespmem:s10+$0x6C10]  }
0x2ea: {  	v34 =	vld [tilespmem:s10+$0x6C20]  }
0x2eb: {  	v37 =	vld [tilespmem:s10+$0x6C30]  }
0x2ec: {  	v39 =	vld [tilespmem:s10+$0x6C50]  }
0x2ed: {  	v40 =	vld [tilespmem:s10+$0x6C60]  }
0x2ee: {  	v41 =	vld [tilespmem:s10+$0x6C70]  }
0x2ef: {  	v42 =	vld [tilespmem:s10+$0x7000]  }
0x2f0: {  	v43 =	vld [tilespmem:s10+$0x7010]  }
0x2f1: {  	v44 =	vld [tilespmem:s10+$0x7020]  }
0x2f2: {  	v45 =	vld [tilespmem:s10+$0x7030]  }
0x2f3: {  	v47 =	vld [tilespmem:s10+$0x7050]  }
0x2f4: {  	v48 =	vld [tilespmem:s10+$0x7060]  }
0x2f5: {  	v49 =	vld [tilespmem:s10+$0x7070]  }
0x2f6: {  	v50 =	vld [tilespmem:s10+$0x7400]  }
0x2f7: {  	v51 =	vld [tilespmem:s10+$0x7410]  }
0x2f8: {  	v10 =	vld [tilespmem:s10+$0x12000]  }
0x2f9: {  	v15 =	vld [tilespmem:s10+$0x12010]  }
0x2fa: {  	v17 =	vld [tilespmem:s10+$0x12020]  }
0x2fb: {  	v19 =	vld [tilespmem:s10+$0x12030]  }
0x2fc: {  	v21 =	vld [tilespmem:s10+$0x12040]  }
0x2fd: {  	s30 =	simm.s32 $0x2;
	s11 =	simm.s32 $0x18201;
	v52 =	vld [tilespmem:s10+$0x13420]  }
.LBB2_4:
0x2fe: {  	p0 =	sne.s32 s30, $0x1F;
	v35 =	vld.msk [tilespmem:s11+$0x0], $0x1;
	s28 =	sadd.s32 $0x1, s28  }
0x2ff: {  	v36 =	vld.msk [tilespmem:s28+$0x0], $0x1  }
0x300: {  	v53 =	vld [tilespmem:s10+$0x13430]  }
0x301: {  	v54 =	vld [tilespmem:s10+$0x7430]  }
0x302: {  	v55 =	vld [tilespmem:s10+$0x7420]  }
0x303: {  	v56 =	vld [tilespmem:s10+$0x13410]  }
0x304: {  	v35 =	vperm.xlane v35, v3;
	v57 =	vld [tilespmem:s10+$0x13400];
	v36 =	vperm.xlane v36, v3  }
0x305: {  	v58 =	vld [tilespmem:s10+$0x13070]  }
0x306: {  	v54 =	vmul.f32 v35, v54;
	v59 =	vld [tilespmem:s10+$0x13060];
	v53 =	vmul.f32 v36, v53  }
0x307: {  	v52 =	vmul.f32 v36, v52;
	v55 =	vmul.f32 v35, v55;
	v60 =	vld [tilespmem:s10+$0x13050]  }
0x308: {  	v51 =	vmul.f32 v35, v51;
	v61 =	vld [tilespmem:s10+$0x13040];
	v56 =	vmul.f32 v36, v56;
	v53 =	vadd.f32 v53, v54  }
0x309: {  	v50 =	vmul.f32 v35, v50;
	v54 =	vld [tilespmem:s10+$0x13030];
	v57 =	vmul.f32 v36, v57;
	v52 =	vadd.f32 v52, v55  }
0x30a: {  	v49 =	vmul.f32 v35, v49;
	v55 =	vld [tilespmem:s10+$0x13020];
	v58 =	vmul.f32 v36, v58;
	v51 =	vadd.f32 v56, v51;
	[tilespmem:s10+$0x7430] =	vst v53  }
0x30b: {  	v48 =	vmul.f32 v35, v48;
	v53 =	vld [tilespmem:s10+$0x13010];
	v56 =	vmul.f32 v36, v59;
	v50 =	vadd.f32 v57, v50;
	[tilespmem:s10+$0x7420] =	vst v52  }
0x30c: {  	v47 =	vmul.f32 v35, v47;
	v52 =	vld [tilespmem:s10+$0x13000];
	v57 =	vmul.f32 v36, v60;
	v49 =	vadd.f32 v58, v49;
	[tilespmem:s10+$0x7410] =	vst v51  }
0x30d: {  	v46 =	vmul.f32 v35, v46;
	v51 =	vld [tilespmem:s10+$0x12C70];
	v58 =	vmul.f32 v36, v61;
	v48 =	vadd.f32 v56, v48;
	[tilespmem:s10+$0x7400] =	vst v50  }
0x30e: {  	v45 =	vmul.f32 v35, v45;
	v50 =	vld [tilespmem:s10+$0x12C60];
	v54 =	vmul.f32 v36, v54;
	v47 =	vadd.f32 v57, v47;
	[tilespmem:s10+$0x7070] =	vst v49  }
0x30f: {  	v44 =	vmul.f32 v35, v44;
	v49 =	vld [tilespmem:s10+$0x12C50];
	v55 =	vmul.f32 v36, v55;
	v46 =	vadd.f32 v58, v46;
	[tilespmem:s10+$0x7060] =	vst v48  }
0x310: {  	v43 =	vmul.f32 v35, v43;
	v48 =	vld [tilespmem:s10+$0x12C40];
	v53 =	vmul.f32 v36, v53;
	v45 =	vadd.f32 v54, v45;
	[tilespmem:s10+$0x7050] =	vst v47  }
0x311: {  	v42 =	vmul.f32 v35, v42;
	v47 =	vld [tilespmem:s10+$0x12C30];
	v52 =	vmul.f32 v36, v52;
	v44 =	vadd.f32 v55, v44;
	[tilespmem:s10+$0x7040] =	vst v46  }
0x312: {  	v41 =	vmul.f32 v35, v41;
	v46 =	vld [tilespmem:s10+$0x12C20];
	v51 =	vmul.f32 v36, v51;
	v43 =	vadd.f32 v53, v43;
	[tilespmem:s10+$0x7030] =	vst v45  }
0x313: {  	v40 =	vmul.f32 v35, v40;
	v45 =	vld [tilespmem:s10+$0x12C10];
	v50 =	vmul.f32 v36, v50;
	v42 =	vadd.f32 v52, v42;
	[tilespmem:s10+$0x7020] =	vst v44  }
0x314: {  	v39 =	vmul.f32 v35, v39;
	v44 =	vld [tilespmem:s10+$0x12C00];
	v49 =	vmul.f32 v36, v49;
	v41 =	vadd.f32 v51, v41;
	[tilespmem:s10+$0x7010] =	vst v43  }
0x315: {  	v38 =	vmul.f32 v35, v38;
	v43 =	vld [tilespmem:s10+$0x12870];
	v48 =	vmul.f32 v36, v48;
	v40 =	vadd.f32 v50, v40;
	[tilespmem:s10+$0x7000] =	vst v42  }
0x316: {  	v37 =	vmul.f32 v35, v37;
	v42 =	vld [tilespmem:s10+$0x12860];
	v47 =	vmul.f32 v36, v47;
	v39 =	vadd.f32 v49, v39;
	[tilespmem:s10+$0x6C70] =	vst v41  }
0x317: {  	v34 =	vmul.f32 v35, v34;
	v41 =	vld [tilespmem:s10+$0x12850];
	v46 =	vmul.f32 v36, v46;
	v38 =	vadd.f32 v48, v38;
	[tilespmem:s10+$0x6C60] =	vst v40  }
0x318: {  	v33 =	vmul.f32 v35, v33;
	v40 =	vld [tilespmem:s10+$0x12840];
	v45 =	vmul.f32 v36, v45;
	v37 =	vadd.f32 v47, v37;
	[tilespmem:s10+$0x6C50] =	vst v39  }
0x319: {  	v32 =	vmul.f32 v35, v32;
	v39 =	vld [tilespmem:s10+$0x12830];
	v44 =	vmul.f32 v36, v44;
	v34 =	vadd.f32 v46, v34;
	[tilespmem:s10+$0x6C40] =	vst v38  }
0x31a: {  	v31 =	vmul.f32 v35, v31;
	v38 =	vld [tilespmem:s10+$0x12820];
	v43 =	vmul.f32 v36, v43;
	v33 =	vadd.f32 v45, v33;
	[tilespmem:s10+$0x6C30] =	vst v37  }
0x31b: {  	v30 =	vmul.f32 v35, v30;
	v37 =	vld [tilespmem:s10+$0x12810];
	v42 =	vmul.f32 v36, v42;
	v32 =	vadd.f32 v44, v32;
	[tilespmem:s10+$0x6C20] =	vst v34  }
0x31c: {  	v29 =	vmul.f32 v35, v29;
	v34 =	vld [tilespmem:s10+$0x12800];
	v41 =	vmul.f32 v36, v41;
	v31 =	vadd.f32 v43, v31;
	[tilespmem:s10+$0x6C10] =	vst v33  }
0x31d: {  	v28 =	vmul.f32 v35, v28;
	v33 =	vld [tilespmem:s10+$0x12470];
	v40 =	vmul.f32 v36, v40;
	v30 =	vadd.f32 v42, v30;
	[tilespmem:s10+$0x6C00] =	vst v32  }
0x31e: {  	v27 =	vmul.f32 v35, v27;
	v32 =	vld [tilespmem:s10+$0x12460];
	v39 =	vmul.f32 v36, v39;
	v29 =	vadd.f32 v41, v29;
	[tilespmem:s10+$0x6870] =	vst v31  }
0x31f: {  	v26 =	vmul.f32 v35, v26;
	v31 =	vld [tilespmem:s10+$0x12450];
	v38 =	vmul.f32 v36, v38;
	v28 =	vadd.f32 v40, v28;
	[tilespmem:s10+$0x6860] =	vst v30  }
0x320: {  	v25 =	vmul.f32 v35, v25;
	v30 =	vld [tilespmem:s10+$0x12440];
	v37 =	vmul.f32 v36, v37;
	v27 =	vadd.f32 v39, v27;
	[tilespmem:s10+$0x6850] =	vst v29  }
0x321: {  	v24 =	vmul.f32 v35, v24;
	v29 =	vld [tilespmem:s10+$0x12430];
	v34 =	vmul.f32 v36, v34;
	v26 =	vadd.f32 v38, v26;
	[tilespmem:s10+$0x6840] =	vst v28  }
0x322: {  	v23 =	vmul.f32 v35, v23;
	v28 =	vld [tilespmem:s10+$0x12420];
	v33 =	vmul.f32 v36, v33;
	v25 =	vadd.f32 v37, v25;
	[tilespmem:s10+$0x6830] =	vst v27  }
0x323: {  	v22 =	vmul.f32 v35, v22;
	v27 =	vld [tilespmem:s10+$0x12410];
	v32 =	vmul.f32 v36, v32;
	v24 =	vadd.f32 v34, v24;
	[tilespmem:s10+$0x6820] =	vst v26  }
0x324: {  	v20 =	vmul.f32 v35, v20;
	v26 =	vld [tilespmem:s10+$0x12400];
	v31 =	vmul.f32 v36, v31;
	v23 =	vadd.f32 v33, v23;
	[tilespmem:s10+$0x6810] =	vst v25  }
0x325: {  	v18 =	vmul.f32 v35, v18;
	v25 =	vld [tilespmem:s10+$0x12070];
	v30 =	vmul.f32 v36, v30;
	v22 =	vadd.f32 v32, v22;
	[tilespmem:s10+$0x6800] =	vst v24  }
0x326: {  	v16 =	vmul.f32 v35, v16;
	v24 =	vld [tilespmem:s10+$0x12060];
	v29 =	vmul.f32 v36, v29;
	v20 =	vadd.f32 v31, v20;
	[tilespmem:s10+$0x6470] =	vst v23  }
0x327: {  	v14 =	vmul.f32 v35, v14;
	v23 =	vld [tilespmem:s10+$0x12050];
	v28 =	vmul.f32 v36, v28;
	v18 =	vadd.f32 v30, v18;
	[tilespmem:s10+$0x6460] =	vst v22  }
0x328: {  	v13 =	vmul.f32 v35, v13;
	v22 =	vld [tilespmem:s10+$0x13440];
	v27 =	vmul.f32 v36, v27;
	v16 =	vadd.f32 v29, v16;
	[tilespmem:s10+$0x6450] =	vst v20  }
0x329: {  	v12 =	vmul.f32 v35, v12;
	v20 =	vld [tilespmem:s10+$0x13450];
	v26 =	vmul.f32 v36, v26;
	v14 =	vadd.f32 v28, v14;
	[tilespmem:s10+$0x6440] =	vst v18  }
0x32a: {  	v11 =	vmul.f32 v35, v11;
	v18 =	vld [tilespmem:s10+$0x13460];
	v25 =	vmul.f32 v36, v25;
	v13 =	vadd.f32 v27, v13;
	[tilespmem:s10+$0x6430] =	vst v16  }
0x32b: {  	v9 =	vmul.f32 v35, v9;
	v16 =	vld [tilespmem:s10+$0x13470];
	v24 =	vmul.f32 v36, v24;
	v12 =	vadd.f32 v26, v12;
	[tilespmem:s10+$0x6420] =	vst v14  }
0x32c: {  	v8 =	vmul.f32 v35, v8;
	v14 =	vld [tilespmem:s10+$0x7440];
	v23 =	vmul.f32 v36, v23;
	v11 =	vadd.f32 v25, v11;
	[tilespmem:s10+$0x6410] =	vst v13  }
0x32d: {  	v7 =	vmul.f32 v35, v7;
	v21 =	vmul.f32 v36, v21;
	v13 =	vld [tilespmem:s10+$0x7450];
	v9 =	vadd.f32 v24, v9;
	[tilespmem:s10+$0x6400] =	vst v12  }
0x32e: {  	v6 =	vmul.f32 v35, v6;
	v19 =	vmul.f32 v36, v19;
	v12 =	vld [tilespmem:s10+$0x7460];
	v8 =	vadd.f32 v23, v8;
	[tilespmem:s10+$0x6070] =	vst v11  }
0x32f: {  	v5 =	vmul.f32 v35, v5;
	v17 =	vmul.f32 v36, v17;
	v7 =	vadd.f32 v21, v7;
	v11 =	vld [tilespmem:s10+$0x7470];
	[tilespmem:s10+$0x6060] =	vst v9  }
0x330: {  	v4 =	vmul.f32 v35, v4;
	v15 =	vmul.f32 v36, v15;
	v6 =	vadd.f32 v19, v6;
	v9 =	vld [tilespmem:s10+$0x6000];
	[tilespmem:s10+$0x6050] =	vst v8  }
0x331: {  	s0 =	sshrl.u32 s30, $0x3;
	v5 =	vadd.f32 v17, v5;
	v8 =	vmul.f32 v35, v14;
	v14 =	vmul.f32 v36, v22;
	[tilespmem:s10+$0x6040] =	vst v7  }
0x332: {  	s5 =	sadd.s32 $0x80, s5;
	s0 =	smul.u32 $0x1800, s0;
	v4 =	vadd.f32 v15, v4;
	v7 =	vmul.f32 v35, v13;
	v13 =	vmul.f32 v36, v20;
	[tilespmem:s10+$0x6030] =	vst v6  }
0x333: {  	s12 =	sand.u32 $0x380, s5;
	v6 =	vmul.f32 v35, v12;
	v12 =	vmul.f32 v36, v18;
	v8 =	vadd.f32 v14, v8;
	[tilespmem:s10+$0x6020] =	vst v5  }
0x334: {  	s0 =	sor.u32 s12, s0;
	v14 =	vmul.f32 v36, v16;
	v11 =	vmul.f32 v35, v11;
	v7 =	vadd.f32 v13, v7;
	[tilespmem:s10+$0x6010] =	vst v4  }
0x335: {  	v10 =	vmul.f32 v36, v10;
	v4 =	vld [tilespmem:s0+$0x6010];
	v9 =	vmul.f32 v35, v9;
	v12 =	vadd.f32 v12, v6;
	[tilespmem:s10+$0x7440] =	vst v8  }
0x336: {  	v5 =	vld [tilespmem:s0+$0x6020];
	v8 =	vadd.f32 v14, v11;
	[tilespmem:s10+$0x7450] =	vst v7  }
0x337: {  	v6 =	vld [tilespmem:s0+$0x6030];
	v9 =	vadd.f32 v10, v9;
	[tilespmem:s10+$0x7460] =	vst v12  }
0x338: {  	v7 =	vld [tilespmem:s0+$0x6040];
	[tilespmem:s10+$0x7470] =	vst v8  }
0x339: {  	v8 =	vld [tilespmem:s0+$0x6050];
	[tilespmem:s10+$0x6000] =	vst v9;
	s10 =	smov.u32 s0  }
0x33a: {  	v9 =	vld [tilespmem:s10+$0x6060]  }
0x33b: {  	v11 =	vld [tilespmem:s10+$0x6070]  }
0x33c: {  	v12 =	vld [tilespmem:s10+$0x6400]  }
0x33d: {  	v13 =	vld [tilespmem:s10+$0x6410]  }
0x33e: {  	v14 =	vld [tilespmem:s10+$0x6420]  }
0x33f: {  	v16 =	vld [tilespmem:s10+$0x6430]  }
0x340: {  	v18 =	vld [tilespmem:s10+$0x6440]  }
0x341: {  	v20 =	vld [tilespmem:s10+$0x6450]  }
0x342: {  	v22 =	vld [tilespmem:s10+$0x6460]  }
0x343: {  	v23 =	vld [tilespmem:s10+$0x6470]  }
0x344: {  	v24 =	vld [tilespmem:s10+$0x6800]  }
0x345: {  	v25 =	vld [tilespmem:s10+$0x6810]  }
0x346: {  	v26 =	vld [tilespmem:s10+$0x6820]  }
0x347: {  	v27 =	vld [tilespmem:s10+$0x6830]  }
0x348: {  	v28 =	vld [tilespmem:s10+$0x6840]  }
0x349: {  	v29 =	vld [tilespmem:s10+$0x6850]  }
0x34a: {  	v30 =	vld [tilespmem:s10+$0x6860]  }
0x34b: {  	v31 =	vld [tilespmem:s10+$0x6870]  }
0x34c: {  	v32 =	vld [tilespmem:s10+$0x6C00]  }
0x34d: {  	v33 =	vld [tilespmem:s10+$0x6C10]  }
0x34e: {  	v34 =	vld [tilespmem:s10+$0x6C20]  }
0x34f: {  	v37 =	vld [tilespmem:s10+$0x6C30]  }
0x350: {  	v38 =	vld [tilespmem:s10+$0x6C40]  }
0x351: {  	v39 =	vld [tilespmem:s10+$0x6C50]  }
0x352: {  	v40 =	vld [tilespmem:s10+$0x6C60]  }
0x353: {  	v41 =	vld [tilespmem:s10+$0x6C70]  }
0x354: {  	v42 =	vld [tilespmem:s10+$0x7000]  }
0x355: {  	v43 =	vld [tilespmem:s10+$0x7010]  }
0x356: {  	v44 =	vld [tilespmem:s10+$0x7020]  }
0x357: {  	v45 =	vld [tilespmem:s10+$0x7030]  }
0x358: {  	v46 =	vld [tilespmem:s10+$0x7040]  }
0x359: {  	v47 =	vld [tilespmem:s10+$0x7050]  }
0x35a: {  	v48 =	vld [tilespmem:s10+$0x7060]  }
0x35b: {  	v49 =	vld [tilespmem:s10+$0x7070]  }
0x35c: {  	v50 =	vld [tilespmem:s10+$0x7400]  }
0x35d: {  	v51 =	vld [tilespmem:s10+$0x7410]  }
0x35e: {  	v10 =	vld [tilespmem:s10+$0x12000]  }
.Ltmp1:
0x35f: {  	v15 =	vld [tilespmem:s10+$0x12010];
	(pc) =	sbr.rel @p0 .LBB2_4-.Ltmp1, $4  }
0x360: {  	v17 =	vld [tilespmem:s10+$0x12020]  }
0x361: {  	v19 =	vld [tilespmem:s10+$0x12030]  }
0x362: {  	v21 =	vld [tilespmem:s10+$0x12040]  }
0x363: {  	s30 =	sadd.s32 $0x1, s30;
	s11 =	sadd.s32 $0x1, s11;
	v52 =	vld [tilespmem:s10+$0x13420]  }
0x364: {  	v35 =	vld.msk [tilespmem:s11+$0x0], $0x1  }
0x365: {  	s0 =	sadd.s32 $0x1, s28;
	v54 =	vld [tilespmem:s10+$0x7430]  }
0x366: {  	v36 =	vld.msk [tilespmem:s0+$0x0], $0x1  }
0x367: {  	v55 =	vld [tilespmem:s10+$0x7420]  }
0x368: {  	v53 =	vld [tilespmem:s10+$0x13430]  }
0x369: {  	v56 =	vld [tilespmem:s10+$0x13410]  }
0x36a: {  	v57 =	vld [tilespmem:s10+$0x13400];
	v35 =	vperm.xlane v35, v3  }
0x36b: {  	v58 =	vld [tilespmem:s10+$0x13070];
	v36 =	vperm.xlane v36, v3  }
0x36c: {  	v60 =	vld [tilespmem:s10+$0x13050];
	v54 =	vmul.f32 v35, v54;
	v55 =	vmul.f32 v35, v55  }
0x36d: {  	v59 =	vld [tilespmem:s10+$0x13060];
	v51 =	vmul.f32 v35, v51;
	v53 =	vmul.f32 v36, v53  }
0x36e: {  	v50 =	vmul.f32 v35, v50;
	v52 =	vmul.f32 v36, v52  }
0x36f: {  	v61 =	vld [tilespmem:s10+$0x13040];
	v49 =	vmul.f32 v35, v49;
	v56 =	vmul.f32 v36, v56;
	v53 =	vadd.f32 v53, v54  }
0x370: {  	v62 =	vld [tilespmem:s10+$0x13020];
	v48 =	vmul.f32 v35, v48;
	v63 =	vmul.f32 v36, v57;
	v52 =	vadd.f32 v52, v55  }
0x371: {  	v47 =	vmul.f32 v35, v47;
	v60 =	vmul.f32 v36, v60;
	v57 =	vld [tilespmem:s10+$0x12C30];
	v51 =	vadd.f32 v56, v51;
	[tilespmem:s10+$0x7430] =	vst v53  }
0x372: {  	v54 =	vld [tilespmem:s10+$0x13030];
	v56 =	vmul.f32 v36, v58;
	v50 =	vadd.f32 v63, v50;
	v63 =	vmul.f32 v36, v59;
	[tilespmem:s10+$0x7420] =	vst v52  }
0x373: {  	v46 =	vmul.f32 v35, v46;
	v47 =	vadd.f32 v60, v47;
	v59 =	vld [tilespmem:s10+$0x12C20];
	[tilespmem:s10+$0x7410] =	vst v51  }
0x374: {  	v53 =	vld [tilespmem:s10+$0x13010];
	v49 =	vadd.f32 v56, v49;
	[tilespmem:s10+$0x7400] =	vst v50;
	v48 =	vadd.f32 v63, v48;
	v63 =	vmul.f32 v36, v61  }
0x375: {  	v44 =	vmul.f32 v35, v44;
	v58 =	vmul.f32 v36, v62;
	v52 =	vld [tilespmem:s10+$0x13000];
	[tilespmem:s10+$0x7050] =	vst v47  }
0x376: {  	v37 =	vmul.f32 v35, v37;
	v51 =	vld [tilespmem:s10+$0x12C70];
	v47 =	vmul.f32 v36, v57;
	[tilespmem:s10+$0x7070] =	vst v49;
	v46 =	vadd.f32 v63, v46  }
0x377: {  	v45 =	vmul.f32 v35, v45;
	v50 =	vld [tilespmem:s10+$0x12C60];
	v44 =	vadd.f32 v58, v44;
	[tilespmem:s10+$0x7060] =	vst v48;
	v54 =	vmul.f32 v36, v54  }
0x378: {  	v34 =	vmul.f32 v35, v34;
	v61 =	vld [tilespmem:s10+$0x12C00];
	v37 =	vadd.f32 v47, v37;
	[tilespmem:s10+$0x7040] =	vst v46;
	v46 =	vmul.f32 v36, v59  }
0x379: {  	v43 =	vmul.f32 v35, v43;
	v56 =	vld [tilespmem:s10+$0x12810];
	[tilespmem:s10+$0x7020] =	vst v44;
	v45 =	vadd.f32 v54, v45;
	v53 =	vmul.f32 v36, v53  }
0x37a: {  	v42 =	vmul.f32 v35, v42;
	v49 =	vld [tilespmem:s10+$0x12C50];
	v52 =	vmul.f32 v36, v52;
	[tilespmem:s10+$0x6C30] =	vst v37;
	v34 =	vadd.f32 v46, v34  }
0x37b: {  	v41 =	vmul.f32 v35, v41;
	v48 =	vld [tilespmem:s10+$0x12C40];
	v51 =	vmul.f32 v36, v51;
	[tilespmem:s10+$0x7030] =	vst v45;
	v43 =	vadd.f32 v53, v43  }
0x37c: {  	v40 =	vmul.f32 v35, v40;
	v60 =	vld [tilespmem:s10+$0x12C10];
	v50 =	vmul.f32 v36, v50;
	v42 =	vadd.f32 v52, v42;
	[tilespmem:s10+$0x6C20] =	vst v34  }
0x37d: {  	v32 =	vmul.f32 v35, v32;
	v57 =	vld [tilespmem:s10+$0x12800];
	v44 =	vmul.f32 v36, v61;
	v41 =	vadd.f32 v51, v41;
	[tilespmem:s10+$0x7010] =	vst v43  }
0x37e: {  	v25 =	vmul.f32 v35, v25;
	v62 =	vld [tilespmem:s10+$0x12870];
	v37 =	vmul.f32 v36, v56;
	v40 =	vadd.f32 v50, v40;
	[tilespmem:s10+$0x7000] =	vst v42  }
0x37f: {  	v39 =	vmul.f32 v35, v39;
	v63 =	vld [tilespmem:s10+$0x12860];
	v49 =	vmul.f32 v36, v49;
	v32 =	vadd.f32 v44, v32;
	[tilespmem:s10+$0x6C70] =	vst v41  }
0x380: {  	v38 =	vmul.f32 v35, v38;
	v52 =	vld [tilespmem:s10+$0x12850];
	v48 =	vmul.f32 v36, v48;
	v25 =	vadd.f32 v37, v25;
	[tilespmem:s10+$0x6C60] =	vst v40  }
0x381: {  	v33 =	vmul.f32 v35, v33;
	v54 =	vld [tilespmem:s10+$0x12830];
	v45 =	vmul.f32 v36, v60;
	v39 =	vadd.f32 v49, v39;
	[tilespmem:s10+$0x6C00] =	vst v32  }
0x382: {  	v24 =	vmul.f32 v35, v24;
	v53 =	vld [tilespmem:s10+$0x12840];
	v34 =	vmul.f32 v36, v57;
	v38 =	vadd.f32 v48, v38;
	[tilespmem:s10+$0x6810] =	vst v25  }
0x383: {  	v31 =	vmul.f32 v35, v31;
	v59 =	vld [tilespmem:s10+$0x12460];
	v33 =	vadd.f32 v45, v33;
	v43 =	vmul.f32 v36, v62;
	[tilespmem:s10+$0x6C50] =	vst v39  }
0x384: {  	v30 =	vmul.f32 v35, v30;
	v55 =	vld [tilespmem:s10+$0x12820];
	v42 =	vmul.f32 v36, v63;
	v24 =	vadd.f32 v34, v24;
	[tilespmem:s10+$0x6C40] =	vst v38  }
0x385: {  	v29 =	vmul.f32 v35, v29;
	v58 =	vld [tilespmem:s10+$0x12470];
	[tilespmem:s10+$0x6C10] =	vst v33;
	v31 =	vadd.f32 v43, v31;
	v41 =	vmul.f32 v36, v52  }
0x386: {  	v27 =	vmul.f32 v35, v27;
	v30 =	vadd.f32 v42, v30;
	v39 =	vmul.f32 v36, v54;
	[tilespmem:s10+$0x6800] =	vst v24;
	v24 =	vld [tilespmem:s10+$0x12060]  }
0x387: {  	v28 =	vmul.f32 v35, v28;
	v40 =	vmul.f32 v36, v53;
	[tilespmem:s10+$0x6870] =	vst v31;
	v31 =	vld [tilespmem:s10+$0x12450];
	v29 =	vadd.f32 v41, v29  }
0x388: {  	v22 =	vmul.f32 v35, v22;
	v32 =	vmul.f32 v36, v59;
	[tilespmem:s10+$0x6860] =	vst v30;
	v30 =	vld [tilespmem:s10+$0x12440];
	v27 =	vadd.f32 v39, v27  }
0x389: {  	v26 =	vmul.f32 v35, v26;
	v38 =	vmul.f32 v36, v55;
	v28 =	vadd.f32 v40, v28;
	[tilespmem:s10+$0x6850] =	vst v29;
	v29 =	vld [tilespmem:s10+$0x12430]  }
0x38a: {  	v23 =	vmul.f32 v35, v23;
	v33 =	vmul.f32 v36, v58;
	v22 =	vadd.f32 v32, v22;
	[tilespmem:s10+$0x6830] =	vst v27;
	v27 =	vld [tilespmem:s10+$0x12410]  }
0x38b: {  	v9 =	vmul.f32 v35, v9;
	v26 =	vadd.f32 v38, v26;
	[tilespmem:s10+$0x6840] =	vst v28;
	v28 =	vld [tilespmem:s10+$0x12420];
	v24 =	vmul.f32 v36, v24  }
0x38c: {  	v20 =	vmul.f32 v35, v20;
	v23 =	vadd.f32 v33, v23;
	[tilespmem:s10+$0x6460] =	vst v22;
	v31 =	vmul.f32 v36, v31  }
0x38d: {  	v18 =	vmul.f32 v35, v18;
	[tilespmem:s10+$0x6820] =	vst v26;
	v26 =	vld [tilespmem:s10+$0x12400];
	v30 =	vmul.f32 v36, v30;
	v9 =	vadd.f32 v24, v9  }
0x38e: {  	v16 =	vmul.f32 v35, v16;
	v25 =	vld [tilespmem:s10+$0x12070];
	[tilespmem:s10+$0x6470] =	vst v23;
	v20 =	vadd.f32 v31, v20;
	v29 =	vmul.f32 v36, v29  }
0x38f: {  	v13 =	vmul.f32 v35, v13;
	v22 =	vld [tilespmem:s10+$0x13440];
	v18 =	vadd.f32 v30, v18;
	v27 =	vmul.f32 v36, v27;
	[tilespmem:s10+$0x6060] =	vst v9  }
0x390: {  	v14 =	vmul.f32 v35, v14;
	v23 =	vld [tilespmem:s10+$0x12050];
	v28 =	vmul.f32 v36, v28;
	[tilespmem:s10+$0x6450] =	vst v20;
	v16 =	vadd.f32 v29, v16  }
0x391: {  	v12 =	vmul.f32 v35, v12;
	v11 =	vmul.f32 v35, v11;
	v9 =	vld [tilespmem:s10+$0x6000];
	[tilespmem:s10+$0x6440] =	vst v18;
	v13 =	vadd.f32 v27, v13  }
0x392: {  	v8 =	vmul.f32 v35, v8;
	v20 =	vld [tilespmem:s10+$0x13450];
	v14 =	vadd.f32 v28, v14;
	[tilespmem:s10+$0x6430] =	vst v16;
	v16 =	vmul.f32 v36, v26  }
0x393: {  	v7 =	vmul.f32 v35, v7;
	v21 =	vmul.f32 v36, v21;
	v18 =	vld [tilespmem:s10+$0x13460];
	[tilespmem:s10+$0x6410] =	vst v13  }
0x394: {  	v5 =	vmul.f32 v35, v5;
	v13 =	vld [tilespmem:s10+$0x7450];
	[tilespmem:s10+$0x6420] =	vst v14;
	v14 =	vmul.f32 v36, v25;
	v12 =	vadd.f32 v16, v12  }
0x395: {  	v4 =	vmul.f32 v35, v4;
	v15 =	vmul.f32 v36, v15;
	v7 =	vadd.f32 v21, v7;
	v26 =	vld [tilespmem:s10+$0x13470]  }
0x396: {  	v17 =	vmul.f32 v36, v17;
	v16 =	vld [tilespmem:s10+$0x7440];
	v11 =	vadd.f32 v14, v11;
	[tilespmem:s10+$0x6400] =	vst v12;
	v12 =	vmul.f32 v36, v23  }
0x397: {  	v6 =	vmul.f32 v35, v6;
	v4 =	vadd.f32 v15, v4;
	[tilespmem:s10+$0x6040] =	vst v7;
	v14 =	vld [tilespmem:s10+$0x7460]  }
0x398: {  	v5 =	vadd.f32 v17, v5;
	[tilespmem:s10+$0x6070] =	vst v11;
	v11 =	vmul.f32 v36, v19;
	v8 =	vadd.f32 v12, v8;
	v12 =	vld [tilespmem:s10+$0x7470]  }
0x399: {  	[tilespmem:s10+$0x6010] =	vst v4;
	v4 =	vmul.f32 v35, v9;
	v9 =	vmul.f32 v36, v10  }
0x39a: {  	[tilespmem:s10+$0x6020] =	vst v5;
	v7 =	vmul.f32 v35, v13;
	v13 =	vmul.f32 v36, v20;
	v6 =	vadd.f32 v11, v6  }
0x39b: {  	v4 =	vadd.f32 v9, v4;
	v11 =	vmul.f32 v36, v22;
	[tilespmem:s10+$0x6050] =	vst v8;
	v8 =	vmul.f32 v35, v16  }
0x39c: {  	v7 =	vadd.f32 v13, v7;
	[tilespmem:s10+$0x6030] =	vst v6;
	v6 =	vmul.f32 v35, v14;
	v14 =	vmul.f32 v36, v18  }
0x39d: {  	[tilespmem:s10+$0x6000] =	vst v4;
	v8 =	vadd.f32 v11, v8;
	v11 =	vmul.f32 v36, v26;
	v5 =	vmul.f32 v35, v12  }
0x39e: {  	[tilespmem:s10+$0x7450] =	vst v7;
	v6 =	vadd.f32 v14, v6  }
0x39f: {  	[tilespmem:s10+$0x7440] =	vst v8;
	v5 =	vadd.f32 v11, v5  }
0x3a0: {  	[tilespmem:s10+$0x7460] =	vst v6  }
0x3a1: {  	s5 =	simm.s32 $0x0;
	[tilespmem:s10+$0x7470] =	vst v5  }
0x3a2: {  	[hbm4b:s15+s5] =	stream.linear.scatter [tilespmem:s31], [sflag:$0x2], $0x6000, $0x38;
	[tilespmem:$0x18300] =	vst v63  }
0x3a3: {  	_ =	swait.ge [sflag:s29], $0x6000  }
0x3a4: {  	[sflag:s29] =	ssyncset.done $0x0  }
0x3a5: {  	s12 =	simm.s32 $0x18080;
	[sflag:s29] =	ssyncadd.s32 $0xFFFFA000  }
0x3a6: {  	[tilespmem:s12], [sflag:$0x2] =	stream.linear.gather [hbm4b:s16+s5], $0x20, $0x38;
	[tilespmem:$0x18300] =	vst v63  }
0x3a7: {  	_ =	swait.ge [sflag:s29], $0x20  }
0x3a8: {  	[sflag:s29] =	ssyncset.done $0x0  }
0x3a9: {  	s10 =	simm.s32 $0x18180;
	[sflag:s29] =	ssyncadd.s32 $0xFFFFFFE0  }
0x3aa: {  	[tilespmem:s10], [sflag:$0x2] =	stream.linear.gather [hbm4b:s23+s5], $0x20, $0x38;
	[tilespmem:$0x18300] =	vst v63  }
0x3ab: {  	_ =	swait.ge [sflag:s29], $0x20  }
0x3ac: {  	[sflag:s29] =	ssyncset.done $0x0  }
0x3ad: {  	[sflag:s29] =	ssyncadd.s32 $0xFFFFFFE0  }
0x3ae: {  	v4 =	vld [tilespmem:$0x18080];
	_ =	sdelay $0x4  }
0x3af: {  	v5 =	vshrl.u32 v4, $0x3  }
0x3b0: {  	v5 =	vmul.u32 $0x30, v5  }
0x3b1: {  	v4 =	vand.u32 $0x7, v4  }
0x3b2: {  	v4 =	vor.u32 v4, v5  }
0x3b3: {  	v5 =	vperm.xlane v4, v0;
	_ =	sdelay $0x1  }
0x3b4: {  	v5 =	vadd.s32 v1, v5;
	_ =	sdelay $0x3  }
0x3b5: {  	v4 =	vperm.xlane v4, v2  }
0x3b6: {  	[tilespmem:s31], [sflag:$0x1] =	stream.indirect_vreg.gather [hbm4b:s3+s5], $0x80, v5, vm0, $0xb8;
	[tilespmem:$0x18300] =	vst v63  }
0x3b7: {  	s11 =	simm.s32 $0x6800;
	v4 =	vadd.s32 v1, v4  }
0x3b8: {  	[tilespmem:s11], [sflag:$0x1] =	stream.indirect_vreg.gather [hbm4b:s24+s5], $0x80, v5, vm0, $0xb8;
	[tilespmem:$0x18300] =	vst v63  }
0x3b9: {  	s12 =	simm.s32 $0x7000  }
0x3ba: {  	[tilespmem:s12], [sflag:$0x1] =	stream.indirect_vreg.gather [hbm4b:s25+s5], $0x80, v5, vm0, $0xb8;
	[tilespmem:$0x18300] =	vst v63  }
0x3bb: {  	s10 =	simm.s32 $0x7800  }
0x3bc: {  	[tilespmem:s10], [sflag:$0x1] =	stream.indirect_vreg.gather [hbm4b:s3+s5], $0x80, v4, vm0, $0xb8;
	[tilespmem:$0x18300] =	vst v63  }
0x3bd: {  	s11 =	simm.s32 $0x8000  }
0x3be: {  	[tilespmem:s11], [sflag:$0x1] =	stream.indirect_vreg.gather [hbm4b:s24+s5], $0x80, v4, vm0, $0xb8;
	[tilespmem:$0x18300] =	vst v63  }
0x3bf: {  	s12 =	simm.s32 $0x8800  }
0x3c0: {  	[tilespmem:s12], [sflag:$0x1] =	stream.indirect_vreg.gather [hbm4b:s25+s5], $0x80, v4, vm0, $0xb8;
	[tilespmem:$0x18300] =	vst v63  }
0x3c1: {  	v4 =	vld [tilespmem:$0x18090];
	_ =	sdelay $0x4  }
0x3c2: {  	v5 =	vshrl.u32 v4, $0x3  }
0x3c3: {  	v5 =	vmul.u32 $0x30, v5  }
0x3c4: {  	v4 =	vand.u32 $0x7, v4  }
0x3c5: {  	v4 =	vor.u32 v4, v5  }
0x3c6: {  	v5 =	vperm.xlane v4, v0;
	_ =	sdelay $0x1  }
0x3c7: {  	v5 =	vadd.s32 v1, v5;
	_ =	sdelay $0x3  }
0x3c8: {  	s10 =	simm.s32 $0x9000;
	v4 =	vperm.xlane v4, v2  }
0x3c9: {  	[tilespmem:s10], [sflag:$0x1] =	stream.indirect_vreg.gather [hbm4b:s3+s5], $0x80, v5, vm0, $0xb8;
	[tilespmem:$0x18300] =	vst v63  }
0x3ca: {  	s11 =	simm.s32 $0x9800;
	v4 =	vadd.s32 v1, v4  }
0x3cb: {  	[tilespmem:s11], [sflag:$0x1] =	stream.indirect_vreg.gather [hbm4b:s24+s5], $0x80, v5, vm0, $0xb8;
	[tilespmem:$0x18300] =	vst v63  }
0x3cc: {  	s12 =	simm.s32 $0xA000  }
0x3cd: {  	[tilespmem:s12], [sflag:$0x1] =	stream.indirect_vreg.gather [hbm4b:s25+s5], $0x80, v5, vm0, $0xb8;
	[tilespmem:$0x18300] =	vst v63  }
0x3ce: {  	s10 =	simm.s32 $0xA800  }
0x3cf: {  	[tilespmem:s10], [sflag:$0x1] =	stream.indirect_vreg.gather [hbm4b:s3+s5], $0x80, v4, vm0, $0xb8;
	[tilespmem:$0x18300] =	vst v63  }
0x3d0: {  	s11 =	simm.s32 $0xB000  }
0x3d1: {  	[tilespmem:s11], [sflag:$0x1] =	stream.indirect_vreg.gather [hbm4b:s24+s5], $0x80, v4, vm0, $0xb8;
	[tilespmem:$0x18300] =	vst v63  }
0x3d2: {  	s12 =	simm.s32 $0xB800  }
0x3d3: {  	[tilespmem:s12], [sflag:$0x1] =	stream.indirect_vreg.gather [hbm4b:s25+s5], $0x80, v4, vm0, $0xb8;
	[tilespmem:$0x18300] =	vst v63  }
0x3d4: {  	v4 =	vld [tilespmem:$0x18180];
	_ =	sdelay $0x4  }
0x3d5: {  	v5 =	vshrl.u32 v4, $0x3  }
0x3d6: {  	v5 =	vmul.u32 $0x30, v5  }
0x3d7: {  	v4 =	vand.u32 $0x7, v4  }
0x3d8: {  	v4 =	vor.u32 v4, v5  }
0x3d9: {  	v5 =	vperm.xlane v4, v0;
	_ =	sdelay $0x1  }
0x3da: {  	v5 =	vadd.s32 v1, v5;
	_ =	sdelay $0x3  }
0x3db: {  	s10 =	simm.s32 $0x12000;
	v4 =	vperm.xlane v4, v2  }
0x3dc: {  	[tilespmem:s10], [sflag:$0x1] =	stream.indirect_vreg.gather [hbm4b:s3+s5], $0x80, v5, vm0, $0xb8;
	[tilespmem:$0x18300] =	vst v63  }
0x3dd: {  	s11 =	simm.s32 $0x12800;
	v4 =	vadd.s32 v1, v4  }
0x3de: {  	[tilespmem:s11], [sflag:$0x1] =	stream.indirect_vreg.gather [hbm4b:s24+s5], $0x80, v5, vm0, $0xb8;
	[tilespmem:$0x18300] =	vst v63  }
0x3df: {  	s12 =	simm.s32 $0x13000  }
0x3e0: {  	[tilespmem:s12], [sflag:$0x1] =	stream.indirect_vreg.gather [hbm4b:s25+s5], $0x80, v5, vm0, $0xb8;
	[tilespmem:$0x18300] =	vst v63  }
0x3e1: {  	s10 =	simm.s32 $0x13800  }
0x3e2: {  	[tilespmem:s10], [sflag:$0x1] =	stream.indirect_vreg.gather [hbm4b:s3+s5], $0x80, v4, vm0, $0xb8;
	[tilespmem:$0x18300] =	vst v63  }
0x3e3: {  	s11 =	simm.s32 $0x14000  }
0x3e4: {  	[tilespmem:s11], [sflag:$0x1] =	stream.indirect_vreg.gather [hbm4b:s24+s5], $0x80, v4, vm0, $0xb8;
	[tilespmem:$0x18300] =	vst v63  }
0x3e5: {  	s12 =	simm.s32 $0x14800  }
0x3e6: {  	[tilespmem:s12], [sflag:$0x1] =	stream.indirect_vreg.gather [hbm4b:s25+s5], $0x80, v4, vm0, $0xb8;
	[tilespmem:$0x18300] =	vst v63  }
0x3e7: {  	v4 =	vld [tilespmem:$0x18190];
	_ =	sdelay $0x4  }
0x3e8: {  	v5 =	vshrl.u32 v4, $0x3  }
0x3e9: {  	v5 =	vmul.u32 $0x30, v5  }
0x3ea: {  	v4 =	vand.u32 $0x7, v4  }
0x3eb: {  	v4 =	vor.u32 v4, v5  }
0x3ec: {  	v5 =	vperm.xlane v4, v0;
	_ =	sdelay $0x1  }
0x3ed: {  	v5 =	vadd.s32 v1, v5;
	_ =	sdelay $0x3  }
0x3ee: {  	s10 =	simm.s32 $0x15000;
	v4 =	vperm.xlane v4, v2  }
0x3ef: {  	[tilespmem:s10], [sflag:$0x1] =	stream.indirect_vreg.gather [hbm4b:s3+s5], $0x80, v5, vm0, $0xb8;
	[tilespmem:$0x18300] =	vst v63  }
0x3f0: {  	s11 =	simm.s32 $0x15800;
	v4 =	vadd.s32 v1, v4  }
0x3f1: {  	[tilespmem:s11], [sflag:$0x1] =	stream.indirect_vreg.gather [hbm4b:s24+s5], $0x80, v5, vm0, $0xb8;
	[tilespmem:$0x18300] =	vst v63  }
0x3f2: {  	_ = 	snop  }
0x3f3: {  	[tilespmem:s6], [sflag:$0x1] =	stream.indirect_vreg.gather [hbm4b:s25+s5], $0x80, v5, vm0, $0xb8;
	[tilespmem:$0x18300] =	vst v63  }
0x3f4: {  	_ = 	snop  }
0x3f5: {  	[tilespmem:s7], [sflag:$0x1] =	stream.indirect_vreg.gather [hbm4b:s3+s5], $0x80, v4, vm0, $0xb8;
	[tilespmem:$0x18300] =	vst v63  }
0x3f6: {  	_ = 	snop  }
0x3f7: {  	[tilespmem:s2], [sflag:$0x1] =	stream.indirect_vreg.gather [hbm4b:s24+s5], $0x80, v4, vm0, $0xb8;
	[tilespmem:$0x18300] =	vst v63  }
0x3f8: {  	_ = 	snop  }
0x3f9: {  	[tilespmem:s8], [sflag:$0x1] =	stream.indirect_vreg.gather [hbm4b:s25+s5], $0x80, v4, vm0, $0xb8;
	[tilespmem:$0x18300] =	vst v63  }
0x3fa: {  	s10 =	simm.s32 $0x18200  }
0x3fb: {  	[tilespmem:s10], [sflag:$0x2] =	stream.linear.gather [hbm4b:s19+s5], $0x20, $0x38;
	[tilespmem:$0x18300] =	vst v63  }
0x3fc: {  	_ =	swait.ge [sflag:s29], $0x20  }
0x3fd: {  	[sflag:s29] =	ssyncset.done $0x0  }
0x3fe: {  	s28 =	simm.s32 $0x18280;
	[sflag:s29] =	ssyncadd.s32 $0xFFFFFFE0  }
0x3ff: {  	[tilespmem:s28], [sflag:$0x2] =	stream.linear.gather [hbm4b:s20+s5], $0x20, $0x38;
	[tilespmem:$0x18300] =	vst v63  }
0x400: {  	_ =	swait.ge [sflag:s29], $0x20  }
0x401: {  	[sflag:s29] =	ssyncset.done $0x0  }
0x402: {  	[sflag:s29] =	ssyncadd.s32 $0xFFFFFFE0  }
0x403: {  	_ =	swait.ge [sflag:s4], $0x6000  }
0x404: {  	[sflag:s4] =	ssyncset.done $0x0  }
0x405: {  	s12 =	simm.s32 $0x0;
	[sflag:s4] =	ssyncadd.s32 $0xFFFFA000  }
0x406: {  	s0 =	smul.u32 $0x1800, s12;
	_ =	swait.ge [sflag:s4], $0x6000  }
0x407: {  	s5 =	sand.u32 $0x380, s5;
	[sflag:s4] =	ssyncset.done $0x0  }
0x408: {  	s11 =	sor.u32 s5, s0;
	[sflag:s4] =	ssyncadd.s32 $0xFFFFA000  }
0x409: {  	v14 =	vld [tilespmem:s11+$0x10]  }
0x40a: {  	v19 =	vld [tilespmem:s11+$0x20]  }
0x40b: {  	v20 =	vld [tilespmem:s11+$0x30]  }
0x40c: {  	v21 =	vld [tilespmem:s11+$0x40]  }
0x40d: {  	v18 =	vld [tilespmem:s11+$0x50]  }
0x40e: {  	v13 =	vld [tilespmem:s11+$0x60]  }
0x40f: {  	v4 =	vld [tilespmem:s11+$0x70]  }
0x410: {  	v7 =	vld [tilespmem:s11+$0x400]  }
0x411: {  	v12 =	vld [tilespmem:s11+$0x410]  }
0x412: {  	v6 =	vld [tilespmem:s11+$0x420]  }
0x413: {  	v5 =	vld [tilespmem:s11+$0x430]  }
0x414: {  	v11 =	vld [tilespmem:s11+$0x440]  }
0x415: {  	v8 =	vld [tilespmem:s11+$0x450]  }
0x416: {  	v9 =	vld [tilespmem:s11+$0x460]  }
0x417: {  	v10 =	vld [tilespmem:s11+$0x470]  }
0x418: {  	v22 =	vld [tilespmem:s11+$0x800]  }
0x419: {  	v24 =	vld [tilespmem:s11+$0x810]  }
0x41a: {  	v26 =	vld [tilespmem:s11+$0x820]  }
0x41b: {  	v28 =	vld [tilespmem:s11+$0x830]  }
0x41c: {  	v30 =	vld [tilespmem:s11+$0x840]  }
0x41d: {  	v31 =	vld [tilespmem:s11+$0x850]  }
0x41e: {  	v32 =	vld [tilespmem:s11+$0x860]  }
0x41f: {  	v33 =	vld [tilespmem:s11+$0x870]  }
0x420: {  	v34 =	vld [tilespmem:s11+$0xC00]  }
0x421: {  	v35 =	vld [tilespmem:s11+$0xC10]  }
0x422: {  	v36 =	vld [tilespmem:s11+$0xC20]  }
0x423: {  	v37 =	vld [tilespmem:s11+$0xC30]  }
0x424: {  	v38 =	vld [tilespmem:s11+$0xC40]  }
0x425: {  	v39 =	vld [tilespmem:s11+$0xC50]  }
0x426: {  	v40 =	vld [tilespmem:s11+$0xC60]  }
0x427: {  	v41 =	vld [tilespmem:s11+$0xC70]  }
0x428: {  	v42 =	vld [tilespmem:s11+$0x1000]  }
0x429: {  	v43 =	vld [tilespmem:s11+$0x1010]  }
0x42a: {  	v44 =	vld [tilespmem:s11+$0x1020]  }
0x42b: {  	v45 =	vld [tilespmem:s11+$0x1030]  }
0x42c: {  	v46 =	vld [tilespmem:s11+$0x1040]  }
0x42d: {  	v47 =	vld [tilespmem:s11+$0x1050]  }
0x42e: {  	v48 =	vld [tilespmem:s11+$0x1060]  }
0x42f: {  	v49 =	vld [tilespmem:s11+$0x1070]  }
0x430: {  	v50 =	vld [tilespmem:s11+$0x1400]  }
0x431: {  	v51 =	vld [tilespmem:s11+$0x1410]  }
0x432: {  	v15 =	vld [tilespmem:s11+$0xC000]  }
0x433: {  	v23 =	vld [tilespmem:s11+$0xC010]  }
0x434: {  	v25 =	vld [tilespmem:s11+$0xC020]  }
0x435: {  	v27 =	vld [tilespmem:s11+$0xC030]  }
0x436: {  	v29 =	vld [tilespmem:s11+$0xC040]  }
0x437: {  	v52 =	vld [tilespmem:s11+$0xD420]  }
0x438: {  	v16 =	vld.msk [tilespmem:s10+$0x0], $0x1  }
0x439: {  	v17 =	vld.msk [tilespmem:s28+$0x0], $0x1  }
0x43a: {  	v53 =	vld [tilespmem:s11+$0xD430]  }
0x43b: {  	v54 =	vld [tilespmem:s11+$0x1430]  }
0x43c: {  	v55 =	vld [tilespmem:s11+$0x1420]  }
0x43d: {  	v56 =	vld [tilespmem:s11+$0xD410]  }
0x43e: {  	v57 =	vld [tilespmem:s11+$0xD400];
	v16 =	vperm.xlane v16, v3  }
0x43f: {  	v58 =	vld [tilespmem:s11+$0xD070];
	v17 =	vperm.xlane v17, v3  }
0x440: {  	v60 =	vld [tilespmem:s11+$0xD050];
	v54 =	vmul.f32 v16, v54  }
0x441: {  	v61 =	vld [tilespmem:s11+$0xD040];
	v53 =	vmul.f32 v17, v53;
	v55 =	vmul.f32 v16, v55  }
0x442: {  	v59 =	vld [tilespmem:s11+$0xD060];
	v52 =	vmul.f32 v17, v52;
	v51 =	vmul.f32 v16, v51  }
0x443: {  	v62 =	vld [tilespmem:s11+$0xD030];
	v56 =	vmul.f32 v17, v56;
	v50 =	vmul.f32 v16, v50  }
0x444: {  	v63 =	vld [tilespmem:s11+$0xD020];
	v57 =	vmul.f32 v17, v57;
	v47 =	vmul.f32 v16, v47  }
0x445: {  	v60 =	vmul.f32 v17, v60;
	v46 =	vmul.f32 v16, v46;
	v53 =	vadd.f32 v53, v54;
	v54 =	vld [tilespmem:s11+$0xD010]  }
0x446: {  	v61 =	vmul.f32 v17, v61;
	v45 =	vmul.f32 v16, v45;
	v52 =	vadd.f32 v52, v55;
	v55 =	vld [tilespmem:s11+$0xD000]  }
0x447: {  	v51 =	vadd.f32 v56, v51;
	v50 =	vadd.f32 v57, v50;
	v57 =	vmul.f32 v17, v59;
	v59 =	vld [tilespmem:s11+$0xCC10];
	[tilespmem:s11+$0x1430] =	vst v53  }
0x448: {  	v62 =	vmul.f32 v17, v62;
	v44 =	vmul.f32 v16, v44;
	v47 =	vadd.f32 v60, v47;
	v60 =	vld [tilespmem:s11+$0xCC00];
	[tilespmem:s11+$0x1420] =	vst v52  }
0x449: {  	v63 =	vmul.f32 v17, v63;
	v21 =	vmul.f32 v16, v21;
	v46 =	vadd.f32 v61, v46;
	v61 =	vld [tilespmem:s11+$0xC870];
	[tilespmem:s11+$0x1410] =	vst v51  }
0x44a: {  	v29 =	vmul.f32 v17, v29;
	v20 =	vmul.f32 v16, v20;
	v45 =	vadd.f32 v62, v45;
	v62 =	vld [tilespmem:s11+$0xC860];
	[tilespmem:s11+$0x1400] =	vst v50  }
0x44b: {  	v27 =	vmul.f32 v17, v27;
	v14 =	vmul.f32 v16, v14;
	v44 =	vadd.f32 v63, v44;
	v63 =	vld [tilespmem:s11+$0xC850];
	[tilespmem:s11+$0x1050] =	vst v47  }
0x44c: {  	v23 =	vmul.f32 v17, v23;
	v56 =	vmul.f32 v17, v58;
	v58 =	vld [tilespmem:s11+$0xC460];
	[tilespmem:s11+$0x1040] =	vst v46  }
0x44d: {  	v19 =	vmul.f32 v16, v19;
	v25 =	vmul.f32 v17, v25;
	v21 =	vadd.f32 v29, v21;
	v29 =	vld [tilespmem:s11+$0x1460];
	[tilespmem:s11+$0x1030] =	vst v45  }
0x44e: {  	v20 =	vadd.f32 v27, v20;
	v14 =	vadd.f32 v23, v14;
	v23 =	vld [tilespmem:s11+$0x1470];
	[tilespmem:s11+$0x1020] =	vst v44  }
0x44f: {  	v49 =	vmul.f32 v16, v49;
	v19 =	vadd.f32 v25, v19;
	v53 =	vld [tilespmem:s11+$0xCC70];
	[tilespmem:s11+$0x40] =	vst v21  }
0x450: {  	v48 =	vmul.f32 v16, v48;
	v52 =	vld [tilespmem:s11+$0xCC60];
	[tilespmem:s11+$0x30] =	vst v20  }
0x451: {  	v43 =	vmul.f32 v16, v43;
	v49 =	vadd.f32 v56, v49;
	v51 =	vld [tilespmem:s11+$0xCC50];
	[tilespmem:s11+$0x20] =	vst v19;
	v54 =	vmul.f32 v17, v54  }
0x452: {  	v42 =	vmul.f32 v16, v42;
	v48 =	vadd.f32 v57, v48;
	v50 =	vld [tilespmem:s11+$0xCC40];
	[tilespmem:s11+$0x10] =	vst v14;
	v55 =	vmul.f32 v17, v55  }
0x453: {  	v35 =	vmul.f32 v16, v35;
	v56 =	vld [tilespmem:s11+$0xC810];
	[tilespmem:s11+$0x1070] =	vst v49;
	v47 =	vmul.f32 v17, v59;
	v43 =	vadd.f32 v54, v43  }
0x454: {  	v34 =	vmul.f32 v16, v34;
	v57 =	vld [tilespmem:s11+$0xC800];
	[tilespmem:s11+$0x1060] =	vst v48;
	v46 =	vmul.f32 v17, v60;
	v42 =	vadd.f32 v55, v42  }
0x455: {  	v33 =	vmul.f32 v16, v33;
	v21 =	vld [tilespmem:s11+$0xD470];
	v45 =	vmul.f32 v17, v61;
	v35 =	vadd.f32 v47, v35;
	[tilespmem:s11+$0x1010] =	vst v43  }
0x456: {  	v32 =	vmul.f32 v16, v32;
	v19 =	vld [tilespmem:s11+$0xC410];
	v44 =	vmul.f32 v17, v62;
	v34 =	vadd.f32 v46, v34;
	[tilespmem:s11+$0x1000] =	vst v42  }
0x457: {  	v41 =	vmul.f32 v16, v41;
	v49 =	vld [tilespmem:s11+$0xCC30];
	v53 =	vmul.f32 v17, v53;
	v33 =	vadd.f32 v45, v33;
	[tilespmem:s11+$0xC10] =	vst v35  }
0x458: {  	v39 =	vmul.f32 v16, v39;
	v51 =	vmul.f32 v17, v51;
	v54 =	vld [tilespmem:s11+$0xC830];
	v32 =	vadd.f32 v44, v32;
	[tilespmem:s11+$0xC00] =	vst v34  }
0x459: {  	v40 =	vmul.f32 v16, v40;
	v52 =	vmul.f32 v17, v52;
	v41 =	vadd.f32 v53, v41;
	v53 =	vld [tilespmem:s11+$0xC840];
	[tilespmem:s11+$0x870] =	vst v33  }
0x45a: {  	v38 =	vmul.f32 v16, v38;
	v50 =	vmul.f32 v17, v50;
	v55 =	vld [tilespmem:s11+$0xC820];
	v39 =	vadd.f32 v51, v39;
	[tilespmem:s11+$0x860] =	vst v32  }
0x45b: {  	v31 =	vmul.f32 v16, v31;
	v48 =	vld [tilespmem:s11+$0xCC20];
	v40 =	vadd.f32 v52, v40;
	v43 =	vmul.f32 v17, v63;
	[tilespmem:s11+$0xC70] =	vst v41  }
0x45c: {  	v24 =	vmul.f32 v16, v24;
	v59 =	vld [tilespmem:s11+$0xC440];
	v38 =	vadd.f32 v50, v38;
	[tilespmem:s11+$0xC50] =	vst v39;
	v39 =	vmul.f32 v17, v56  }
0x45d: {  	v28 =	vmul.f32 v16, v28;
	v62 =	vld [tilespmem:s11+$0xC070];
	[tilespmem:s11+$0xC60] =	vst v40;
	v31 =	vadd.f32 v43, v31;
	v41 =	vmul.f32 v17, v54  }
0x45e: {  	v30 =	vmul.f32 v16, v30;
	v63 =	vld [tilespmem:s11+$0xC060];
	[tilespmem:s11+$0xC40] =	vst v38;
	v24 =	vadd.f32 v39, v24;
	v42 =	vmul.f32 v17, v53  }
0x45f: {  	v26 =	vmul.f32 v16, v26;
	v40 =	vmul.f32 v17, v55;
	[tilespmem:s11+$0x850] =	vst v31;
	v31 =	vld [tilespmem:s11+$0xC050];
	v28 =	vadd.f32 v41, v28  }
0x460: {  	v22 =	vmul.f32 v16, v22;
	v38 =	vmul.f32 v17, v57;
	[tilespmem:s11+$0x810] =	vst v24;
	v24 =	vld [tilespmem:s11+$0x1450];
	v30 =	vadd.f32 v42, v30  }
0x461: {  	v12 =	vmul.f32 v16, v12;
	v19 =	vmul.f32 v17, v19;
	v26 =	vadd.f32 v40, v26;
	[tilespmem:s11+$0x830] =	vst v28;
	v28 =	vld [tilespmem:s11+$0x1440]  }
0x462: {  	v37 =	vmul.f32 v16, v37;
	v49 =	vmul.f32 v17, v49;
	v22 =	vadd.f32 v38, v22;
	[tilespmem:s11+$0x840] =	vst v30;
	v30 =	vld [tilespmem:s11+$0xD440]  }
0x463: {  	v36 =	vmul.f32 v16, v36;
	v48 =	vmul.f32 v17, v48;
	v12 =	vadd.f32 v19, v12;
	[tilespmem:s11+$0x820] =	vst v26;
	v26 =	vld [tilespmem:s11+$0xD450]  }
0x464: {  	v18 =	vmul.f32 v16, v18;
	v37 =	vadd.f32 v49, v37;
	[tilespmem:s11+$0x800] =	vst v22;
	v22 =	vld [tilespmem:s11+$0xD460];
	v27 =	vmul.f32 v17, v31  }
0x465: {  	v13 =	vmul.f32 v16, v13;
	v60 =	vld [tilespmem:s11+$0xC430];
	v36 =	vadd.f32 v48, v36;
	[tilespmem:s11+$0x410] =	vst v12;
	v20 =	vmul.f32 v17, v63  }
0x466: {  	s10 =	simm.s32 $0x0;
	v14 =	vmul.f32 v16, v4;
	v61 =	vld [tilespmem:s11+$0xC420];
	[tilespmem:s11+$0xC30] =	vst v37;
	v18 =	vadd.f32 v27, v18;
	v27 =	vmul.f32 v17, v62  }
0x467: {  	s5 =	simm.s32 $0x80;
	s0 =	smul.u32 $0x1800, s10;
	v19 =	vld [tilespmem:s11+$0x0];
	[tilespmem:s11+$0xC20] =	vst v36;
	v13 =	vadd.f32 v20, v13;
	v25 =	vmul.f32 v16, v28;
	v28 =	vmul.f32 v17, v30  }
0x468: {  	s12 =	sand.u32 $0x380, s5;
	v24 =	vmul.f32 v16, v24;
	v26 =	vmul.f32 v17, v26;
	[tilespmem:s11+$0x50] =	vst v18;
	v18 =	vld [tilespmem:s11+$0xC400];
	v14 =	vadd.f32 v27, v14  }
0x469: {  	s10 =	sor.u32 s12, s0;
	v20 =	vmul.f32 v16, v29;
	[tilespmem:s11+$0x60] =	vst v13;
	v13 =	vld [tilespmem:s11+$0xC450];
	v22 =	vmul.f32 v17, v22;
	v25 =	vadd.f32 v28, v25  }
0x46a: {  	v23 =	vmul.f32 v16, v23;
	v21 =	vmul.f32 v17, v21;
	v4 =	vld [tilespmem:s10+$0x10];
	v24 =	vadd.f32 v26, v24;
	[tilespmem:s11+$0x70] =	vst v14  }
0x46b: {  	v20 =	vadd.f32 v22, v20;
	v26 =	vmul.f32 v17, v60;
	v14 =	vld [tilespmem:s11+$0xC470];
	[tilespmem:s11+$0x1440] =	vst v25;
	v25 =	vmul.f32 v16, v5  }
0x46c: {  	v21 =	vadd.f32 v21, v23;
	v22 =	vmul.f32 v16, v6;
	v5 =	vld [tilespmem:s10+$0x20];
	[tilespmem:s11+$0x1450] =	vst v24;
	v24 =	vmul.f32 v17, v61  }
0x46d: {  	v18 =	vmul.f32 v17, v18;
	v25 =	vadd.f32 v26, v25;
	v6 =	vld [tilespmem:s10+$0x30];
	[tilespmem:s11+$0x1460] =	vst v20;
	v20 =	vmul.f32 v16, v7  }
0x46e: {  	v11 =	vmul.f32 v16, v11;
	v23 =	vmul.f32 v17, v59;
	v22 =	vadd.f32 v24, v22;
	v7 =	vld [tilespmem:s10+$0x40];
	[tilespmem:s11+$0x1470] =	vst v21  }
0x46f: {  	v13 =	vmul.f32 v17, v13;
	v21 =	vmul.f32 v16, v8;
	[tilespmem:s11+$0x430] =	vst v25;
	v18 =	vadd.f32 v18, v20;
	v8 =	vld [tilespmem:s10+$0x50]  }
0x470: {  	v23 =	vadd.f32 v23, v11;
	v20 =	vmul.f32 v16, v9;
	v9 =	vld [tilespmem:s10+$0x60];
	[tilespmem:s11+$0x420] =	vst v22;
	v22 =	vmul.f32 v17, v58  }
0x471: {  	v10 =	vmul.f32 v16, v10;
	v14 =	vmul.f32 v17, v14;
	v11 =	vld [tilespmem:s10+$0x70];
	v13 =	vadd.f32 v13, v21;
	[tilespmem:s11+$0x400] =	vst v18  }
0x472: {  	[tilespmem:s11+$0x440] =	vst v23;
	v18 =	vadd.f32 v22, v20;
	v12 =	vld [tilespmem:s10+$0x400]  }
0x473: {  	v10 =	vadd.f32 v14, v10;
	[tilespmem:s11+$0x450] =	vst v13;
	v13 =	vld [tilespmem:s10+$0x410]  }
0x474: {  	v14 =	vld [tilespmem:s10+$0x420];
	[tilespmem:s11+$0x460] =	vst v18  }
0x475: {  	[tilespmem:s11+$0x470] =	vst v10;
	v10 =	vmul.f32 v16, v19;
	v16 =	vld [tilespmem:s10+$0x430]  }
0x476: {  	v18 =	vld [tilespmem:s10+$0x440]  }
0x477: {  	v20 =	vld [tilespmem:s10+$0x450]  }
0x478: {  	v15 =	vmul.f32 v17, v15;
	v22 =	vld [tilespmem:s10+$0x460]  }
0x479: {  	v23 =	vld [tilespmem:s10+$0x470]  }
0x47a: {  	v10 =	vadd.f32 v15, v10;
	v28 =	vld [tilespmem:s10+$0x840]  }
0x47b: {  	v38 =	vld [tilespmem:s10+$0xC40]  }
0x47c: {  	[tilespmem:s11+$0x0] =	vst v10;
	v46 =	vld [tilespmem:s10+$0x1040]  }
0x47d: {  	v24 =	vld [tilespmem:s10+$0x800]  }
0x47e: {  	v25 =	vld [tilespmem:s10+$0x810]  }
0x47f: {  	v26 =	vld [tilespmem:s10+$0x820]  }
0x480: {  	v27 =	vld [tilespmem:s10+$0x830]  }
0x481: {  	v29 =	vld [tilespmem:s10+$0x850]  }
0x482: {  	v30 =	vld [tilespmem:s10+$0x860]  }
0x483: {  	v31 =	vld [tilespmem:s10+$0x870]  }
0x484: {  	v32 =	vld [tilespmem:s10+$0xC00]  }
0x485: {  	v33 =	vld [tilespmem:s10+$0xC10]  }
0x486: {  	v34 =	vld [tilespmem:s10+$0xC20]  }
0x487: {  	v37 =	vld [tilespmem:s10+$0xC30]  }
0x488: {  	v39 =	vld [tilespmem:s10+$0xC50]  }
0x489: {  	v40 =	vld [tilespmem:s10+$0xC60]  }
0x48a: {  	v41 =	vld [tilespmem:s10+$0xC70]  }
0x48b: {  	v42 =	vld [tilespmem:s10+$0x1000]  }
0x48c: {  	v43 =	vld [tilespmem:s10+$0x1010]  }
0x48d: {  	v44 =	vld [tilespmem:s10+$0x1020]  }
0x48e: {  	v45 =	vld [tilespmem:s10+$0x1030]  }
0x48f: {  	v47 =	vld [tilespmem:s10+$0x1050]  }
0x490: {  	v48 =	vld [tilespmem:s10+$0x1060]  }
0x491: {  	v49 =	vld [tilespmem:s10+$0x1070]  }
0x492: {  	v50 =	vld [tilespmem:s10+$0x1400]  }
0x493: {  	v51 =	vld [tilespmem:s10+$0x1410]  }
0x494: {  	v10 =	vld [tilespmem:s10+$0xC000]  }
0x495: {  	v15 =	vld [tilespmem:s10+$0xC010]  }
0x496: {  	v17 =	vld [tilespmem:s10+$0xC020]  }
0x497: {  	v19 =	vld [tilespmem:s10+$0xC030]  }
0x498: {  	v21 =	vld [tilespmem:s10+$0xC040]  }
0x499: {  	s30 =	simm.s32 $0x2;
	s11 =	simm.s32 $0x18201;
	v52 =	vld [tilespmem:s10+$0xD420]  }
.LBB2_6:
0x49a: {  	p0 =	sne.s32 s30, $0x1F;
	v35 =	vld.msk [tilespmem:s11+$0x0], $0x1;
	s28 =	sadd.s32 $0x1, s28  }
0x49b: {  	v36 =	vld.msk [tilespmem:s28+$0x0], $0x1  }
0x49c: {  	v53 =	vld [tilespmem:s10+$0xD430]  }
0x49d: {  	v54 =	vld [tilespmem:s10+$0x1430]  }
0x49e: {  	v55 =	vld [tilespmem:s10+$0x1420]  }
0x49f: {  	v56 =	vld [tilespmem:s10+$0xD410]  }
0x4a0: {  	v35 =	vperm.xlane v35, v3;
	v57 =	vld [tilespmem:s10+$0xD400];
	v36 =	vperm.xlane v36, v3  }
0x4a1: {  	v58 =	vld [tilespmem:s10+$0xD070]  }
0x4a2: {  	v54 =	vmul.f32 v35, v54;
	v59 =	vld [tilespmem:s10+$0xD060];
	v53 =	vmul.f32 v36, v53  }
0x4a3: {  	v52 =	vmul.f32 v36, v52;
	v55 =	vmul.f32 v35, v55;
	v60 =	vld [tilespmem:s10+$0xD050]  }
0x4a4: {  	v51 =	vmul.f32 v35, v51;
	v61 =	vld [tilespmem:s10+$0xD040];
	v56 =	vmul.f32 v36, v56;
	v53 =	vadd.f32 v53, v54  }
0x4a5: {  	v50 =	vmul.f32 v35, v50;
	v54 =	vld [tilespmem:s10+$0xD030];
	v57 =	vmul.f32 v36, v57;
	v52 =	vadd.f32 v52, v55  }
0x4a6: {  	v49 =	vmul.f32 v35, v49;
	v55 =	vld [tilespmem:s10+$0xD020];
	v58 =	vmul.f32 v36, v58;
	v51 =	vadd.f32 v56, v51;
	[tilespmem:s10+$0x1430] =	vst v53  }
0x4a7: {  	v48 =	vmul.f32 v35, v48;
	v53 =	vld [tilespmem:s10+$0xD010];
	v56 =	vmul.f32 v36, v59;
	v50 =	vadd.f32 v57, v50;
	[tilespmem:s10+$0x1420] =	vst v52  }
0x4a8: {  	v47 =	vmul.f32 v35, v47;
	v52 =	vld [tilespmem:s10+$0xD000];
	v57 =	vmul.f32 v36, v60;
	v49 =	vadd.f32 v58, v49;
	[tilespmem:s10+$0x1410] =	vst v51  }
0x4a9: {  	v46 =	vmul.f32 v35, v46;
	v51 =	vld [tilespmem:s10+$0xCC70];
	v58 =	vmul.f32 v36, v61;
	v48 =	vadd.f32 v56, v48;
	[tilespmem:s10+$0x1400] =	vst v50  }
0x4aa: {  	v45 =	vmul.f32 v35, v45;
	v50 =	vld [tilespmem:s10+$0xCC60];
	v54 =	vmul.f32 v36, v54;
	v47 =	vadd.f32 v57, v47;
	[tilespmem:s10+$0x1070] =	vst v49  }
0x4ab: {  	v44 =	vmul.f32 v35, v44;
	v49 =	vld [tilespmem:s10+$0xCC50];
	v55 =	vmul.f32 v36, v55;
	v46 =	vadd.f32 v58, v46;
	[tilespmem:s10+$0x1060] =	vst v48  }
0x4ac: {  	v43 =	vmul.f32 v35, v43;
	v48 =	vld [tilespmem:s10+$0xCC40];
	v53 =	vmul.f32 v36, v53;
	v45 =	vadd.f32 v54, v45;
	[tilespmem:s10+$0x1050] =	vst v47  }
0x4ad: {  	v42 =	vmul.f32 v35, v42;
	v47 =	vld [tilespmem:s10+$0xCC30];
	v52 =	vmul.f32 v36, v52;
	v44 =	vadd.f32 v55, v44;
	[tilespmem:s10+$0x1040] =	vst v46  }
0x4ae: {  	v41 =	vmul.f32 v35, v41;
	v46 =	vld [tilespmem:s10+$0xCC20];
	v51 =	vmul.f32 v36, v51;
	v43 =	vadd.f32 v53, v43;
	[tilespmem:s10+$0x1030] =	vst v45  }
0x4af: {  	v40 =	vmul.f32 v35, v40;
	v45 =	vld [tilespmem:s10+$0xCC10];
	v50 =	vmul.f32 v36, v50;
	v42 =	vadd.f32 v52, v42;
	[tilespmem:s10+$0x1020] =	vst v44  }
0x4b0: {  	v39 =	vmul.f32 v35, v39;
	v44 =	vld [tilespmem:s10+$0xCC00];
	v49 =	vmul.f32 v36, v49;
	v41 =	vadd.f32 v51, v41;
	[tilespmem:s10+$0x1010] =	vst v43  }
0x4b1: {  	v38 =	vmul.f32 v35, v38;
	v43 =	vld [tilespmem:s10+$0xC870];
	v48 =	vmul.f32 v36, v48;
	v40 =	vadd.f32 v50, v40;
	[tilespmem:s10+$0x1000] =	vst v42  }
0x4b2: {  	v37 =	vmul.f32 v35, v37;
	v42 =	vld [tilespmem:s10+$0xC860];
	v47 =	vmul.f32 v36, v47;
	v39 =	vadd.f32 v49, v39;
	[tilespmem:s10+$0xC70] =	vst v41  }
0x4b3: {  	v34 =	vmul.f32 v35, v34;
	v41 =	vld [tilespmem:s10+$0xC850];
	v46 =	vmul.f32 v36, v46;
	v38 =	vadd.f32 v48, v38;
	[tilespmem:s10+$0xC60] =	vst v40  }
0x4b4: {  	v33 =	vmul.f32 v35, v33;
	v40 =	vld [tilespmem:s10+$0xC840];
	v45 =	vmul.f32 v36, v45;
	v37 =	vadd.f32 v47, v37;
	[tilespmem:s10+$0xC50] =	vst v39  }
0x4b5: {  	v32 =	vmul.f32 v35, v32;
	v39 =	vld [tilespmem:s10+$0xC830];
	v44 =	vmul.f32 v36, v44;
	v34 =	vadd.f32 v46, v34;
	[tilespmem:s10+$0xC40] =	vst v38  }
0x4b6: {  	v31 =	vmul.f32 v35, v31;
	v38 =	vld [tilespmem:s10+$0xC820];
	v43 =	vmul.f32 v36, v43;
	v33 =	vadd.f32 v45, v33;
	[tilespmem:s10+$0xC30] =	vst v37  }
0x4b7: {  	v30 =	vmul.f32 v35, v30;
	v37 =	vld [tilespmem:s10+$0xC810];
	v42 =	vmul.f32 v36, v42;
	v32 =	vadd.f32 v44, v32;
	[tilespmem:s10+$0xC20] =	vst v34  }
0x4b8: {  	v29 =	vmul.f32 v35, v29;
	v34 =	vld [tilespmem:s10+$0xC800];
	v41 =	vmul.f32 v36, v41;
	v31 =	vadd.f32 v43, v31;
	[tilespmem:s10+$0xC10] =	vst v33  }
0x4b9: {  	v28 =	vmul.f32 v35, v28;
	v33 =	vld [tilespmem:s10+$0xC470];
	v40 =	vmul.f32 v36, v40;
	v30 =	vadd.f32 v42, v30;
	[tilespmem:s10+$0xC00] =	vst v32  }
0x4ba: {  	v27 =	vmul.f32 v35, v27;
	v32 =	vld [tilespmem:s10+$0xC460];
	v39 =	vmul.f32 v36, v39;
	v29 =	vadd.f32 v41, v29;
	[tilespmem:s10+$0x870] =	vst v31  }
0x4bb: {  	v26 =	vmul.f32 v35, v26;
	v31 =	vld [tilespmem:s10+$0xC450];
	v38 =	vmul.f32 v36, v38;
	v28 =	vadd.f32 v40, v28;
	[tilespmem:s10+$0x860] =	vst v30  }
0x4bc: {  	v25 =	vmul.f32 v35, v25;
	v30 =	vld [tilespmem:s10+$0xC440];
	v37 =	vmul.f32 v36, v37;
	v27 =	vadd.f32 v39, v27;
	[tilespmem:s10+$0x850] =	vst v29  }
0x4bd: {  	v24 =	vmul.f32 v35, v24;
	v29 =	vld [tilespmem:s10+$0xC430];
	v34 =	vmul.f32 v36, v34;
	v26 =	vadd.f32 v38, v26;
	[tilespmem:s10+$0x840] =	vst v28  }
0x4be: {  	v23 =	vmul.f32 v35, v23;
	v28 =	vld [tilespmem:s10+$0xC420];
	v33 =	vmul.f32 v36, v33;
	v25 =	vadd.f32 v37, v25;
	[tilespmem:s10+$0x830] =	vst v27  }
0x4bf: {  	v22 =	vmul.f32 v35, v22;
	v27 =	vld [tilespmem:s10+$0xC410];
	v32 =	vmul.f32 v36, v32;
	v24 =	vadd.f32 v34, v24;
	[tilespmem:s10+$0x820] =	vst v26  }
0x4c0: {  	v20 =	vmul.f32 v35, v20;
	v26 =	vld [tilespmem:s10+$0xC400];
	v31 =	vmul.f32 v36, v31;
	v23 =	vadd.f32 v33, v23;
	[tilespmem:s10+$0x810] =	vst v25  }
0x4c1: {  	v18 =	vmul.f32 v35, v18;
	v25 =	vld [tilespmem:s10+$0xC070];
	v30 =	vmul.f32 v36, v30;
	v22 =	vadd.f32 v32, v22;
	[tilespmem:s10+$0x800] =	vst v24  }
0x4c2: {  	v16 =	vmul.f32 v35, v16;
	v24 =	vld [tilespmem:s10+$0xC060];
	v29 =	vmul.f32 v36, v29;
	v20 =	vadd.f32 v31, v20;
	[tilespmem:s10+$0x470] =	vst v23  }
0x4c3: {  	v14 =	vmul.f32 v35, v14;
	v23 =	vld [tilespmem:s10+$0xC050];
	v28 =	vmul.f32 v36, v28;
	v18 =	vadd.f32 v30, v18;
	[tilespmem:s10+$0x460] =	vst v22  }
0x4c4: {  	v13 =	vmul.f32 v35, v13;
	v22 =	vld [tilespmem:s10+$0xD440];
	v27 =	vmul.f32 v36, v27;
	v16 =	vadd.f32 v29, v16;
	[tilespmem:s10+$0x450] =	vst v20  }
0x4c5: {  	v12 =	vmul.f32 v35, v12;
	v20 =	vld [tilespmem:s10+$0xD450];
	v26 =	vmul.f32 v36, v26;
	v14 =	vadd.f32 v28, v14;
	[tilespmem:s10+$0x440] =	vst v18  }
0x4c6: {  	v11 =	vmul.f32 v35, v11;
	v18 =	vld [tilespmem:s10+$0xD460];
	v25 =	vmul.f32 v36, v25;
	v13 =	vadd.f32 v27, v13;
	[tilespmem:s10+$0x430] =	vst v16  }
0x4c7: {  	v9 =	vmul.f32 v35, v9;
	v16 =	vld [tilespmem:s10+$0xD470];
	v24 =	vmul.f32 v36, v24;
	v12 =	vadd.f32 v26, v12;
	[tilespmem:s10+$0x420] =	vst v14  }
0x4c8: {  	v8 =	vmul.f32 v35, v8;
	v14 =	vld [tilespmem:s10+$0x1440];
	v23 =	vmul.f32 v36, v23;
	v11 =	vadd.f32 v25, v11;
	[tilespmem:s10+$0x410] =	vst v13  }
0x4c9: {  	v7 =	vmul.f32 v35, v7;
	v21 =	vmul.f32 v36, v21;
	v13 =	vld [tilespmem:s10+$0x1450];
	v9 =	vadd.f32 v24, v9;
	[tilespmem:s10+$0x400] =	vst v12  }
0x4ca: {  	v6 =	vmul.f32 v35, v6;
	v19 =	vmul.f32 v36, v19;
	v12 =	vld [tilespmem:s10+$0x1460];
	v8 =	vadd.f32 v23, v8;
	[tilespmem:s10+$0x70] =	vst v11  }
0x4cb: {  	v5 =	vmul.f32 v35, v5;
	v17 =	vmul.f32 v36, v17;
	v7 =	vadd.f32 v21, v7;
	v11 =	vld [tilespmem:s10+$0x1470];
	[tilespmem:s10+$0x60] =	vst v9  }
0x4cc: {  	v4 =	vmul.f32 v35, v4;
	v15 =	vmul.f32 v36, v15;
	v6 =	vadd.f32 v19, v6;
	v9 =	vld [tilespmem:s10+$0x0];
	[tilespmem:s10+$0x50] =	vst v8  }
0x4cd: {  	s0 =	sshrl.u32 s30, $0x3;
	v5 =	vadd.f32 v17, v5;
	v8 =	vmul.f32 v35, v14;
	v14 =	vmul.f32 v36, v22;
	[tilespmem:s10+$0x40] =	vst v7  }
0x4ce: {  	s5 =	sadd.s32 $0x80, s5;
	s0 =	smul.u32 $0x1800, s0;
	v4 =	vadd.f32 v15, v4;
	v7 =	vmul.f32 v35, v13;
	v13 =	vmul.f32 v36, v20;
	[tilespmem:s10+$0x30] =	vst v6  }
0x4cf: {  	s12 =	sand.u32 $0x380, s5;
	v6 =	vmul.f32 v35, v12;
	v12 =	vmul.f32 v36, v18;
	v8 =	vadd.f32 v14, v8;
	[tilespmem:s10+$0x20] =	vst v5  }
0x4d0: {  	s0 =	sor.u32 s12, s0;
	v14 =	vmul.f32 v36, v16;
	v11 =	vmul.f32 v35, v11;
	v7 =	vadd.f32 v13, v7;
	[tilespmem:s10+$0x10] =	vst v4  }
0x4d1: {  	v10 =	vmul.f32 v36, v10;
	v4 =	vld [tilespmem:s0+$0x10];
	v9 =	vmul.f32 v35, v9;
	v12 =	vadd.f32 v12, v6;
	[tilespmem:s10+$0x1440] =	vst v8  }
0x4d2: {  	v5 =	vld [tilespmem:s0+$0x20];
	v8 =	vadd.f32 v14, v11;
	[tilespmem:s10+$0x1450] =	vst v7  }
0x4d3: {  	v6 =	vld [tilespmem:s0+$0x30];
	v9 =	vadd.f32 v10, v9;
	[tilespmem:s10+$0x1460] =	vst v12  }
0x4d4: {  	v7 =	vld [tilespmem:s0+$0x40];
	[tilespmem:s10+$0x1470] =	vst v8  }
0x4d5: {  	v8 =	vld [tilespmem:s0+$0x50];
	[tilespmem:s10+$0x0] =	vst v9;
	s10 =	smov.u32 s0  }
0x4d6: {  	v9 =	vld [tilespmem:s10+$0x60]  }
0x4d7: {  	v11 =	vld [tilespmem:s10+$0x70]  }
0x4d8: {  	v12 =	vld [tilespmem:s10+$0x400]  }
0x4d9: {  	v13 =	vld [tilespmem:s10+$0x410]  }
0x4da: {  	v14 =	vld [tilespmem:s10+$0x420]  }
0x4db: {  	v16 =	vld [tilespmem:s10+$0x430]  }
0x4dc: {  	v18 =	vld [tilespmem:s10+$0x440]  }
0x4dd: {  	v20 =	vld [tilespmem:s10+$0x450]  }
0x4de: {  	v22 =	vld [tilespmem:s10+$0x460]  }
0x4df: {  	v23 =	vld [tilespmem:s10+$0x470]  }
0x4e0: {  	v24 =	vld [tilespmem:s10+$0x800]  }
0x4e1: {  	v25 =	vld [tilespmem:s10+$0x810]  }
0x4e2: {  	v26 =	vld [tilespmem:s10+$0x820]  }
0x4e3: {  	v27 =	vld [tilespmem:s10+$0x830]  }
0x4e4: {  	v28 =	vld [tilespmem:s10+$0x840]  }
0x4e5: {  	v29 =	vld [tilespmem:s10+$0x850]  }
0x4e6: {  	v30 =	vld [tilespmem:s10+$0x860]  }
0x4e7: {  	v31 =	vld [tilespmem:s10+$0x870]  }
0x4e8: {  	v32 =	vld [tilespmem:s10+$0xC00]  }
0x4e9: {  	v33 =	vld [tilespmem:s10+$0xC10]  }
0x4ea: {  	v34 =	vld [tilespmem:s10+$0xC20]  }
0x4eb: {  	v37 =	vld [tilespmem:s10+$0xC30]  }
0x4ec: {  	v38 =	vld [tilespmem:s10+$0xC40]  }
0x4ed: {  	v39 =	vld [tilespmem:s10+$0xC50]  }
0x4ee: {  	v40 =	vld [tilespmem:s10+$0xC60]  }
0x4ef: {  	v41 =	vld [tilespmem:s10+$0xC70]  }
0x4f0: {  	v42 =	vld [tilespmem:s10+$0x1000]  }
0x4f1: {  	v43 =	vld [tilespmem:s10+$0x1010]  }
0x4f2: {  	v44 =	vld [tilespmem:s10+$0x1020]  }
0x4f3: {  	v45 =	vld [tilespmem:s10+$0x1030]  }
0x4f4: {  	v46 =	vld [tilespmem:s10+$0x1040]  }
0x4f5: {  	v47 =	vld [tilespmem:s10+$0x1050]  }
0x4f6: {  	v48 =	vld [tilespmem:s10+$0x1060]  }
0x4f7: {  	v49 =	vld [tilespmem:s10+$0x1070]  }
0x4f8: {  	v50 =	vld [tilespmem:s10+$0x1400]  }
0x4f9: {  	v51 =	vld [tilespmem:s10+$0x1410]  }
0x4fa: {  	v10 =	vld [tilespmem:s10+$0xC000]  }
.Ltmp2:
0x4fb: {  	v15 =	vld [tilespmem:s10+$0xC010];
	(pc) =	sbr.rel @p0 .LBB2_6-.Ltmp2, $4  }
0x4fc: {  	v17 =	vld [tilespmem:s10+$0xC020]  }
0x4fd: {  	v19 =	vld [tilespmem:s10+$0xC030]  }
0x4fe: {  	v21 =	vld [tilespmem:s10+$0xC040]  }
0x4ff: {  	s30 =	sadd.s32 $0x1, s30;
	s11 =	sadd.s32 $0x1, s11;
	v52 =	vld [tilespmem:s10+$0xD420]  }
0x500: {  	v35 =	vld.msk [tilespmem:s11+$0x0], $0x1  }
0x501: {  	s0 =	sadd.s32 $0x1, s28;
	v54 =	vld [tilespmem:s10+$0x1430]  }
0x502: {  	v36 =	vld.msk [tilespmem:s0+$0x0], $0x1  }
0x503: {  	v55 =	vld [tilespmem:s10+$0x1420]  }
0x504: {  	v53 =	vld [tilespmem:s10+$0xD430]  }
0x505: {  	v56 =	vld [tilespmem:s10+$0xD410]  }
0x506: {  	v57 =	vld [tilespmem:s10+$0xD400];
	v35 =	vperm.xlane v35, v3  }
0x507: {  	v58 =	vld [tilespmem:s10+$0xD070];
	v36 =	vperm.xlane v36, v3  }
0x508: {  	v60 =	vld [tilespmem:s10+$0xD050];
	v54 =	vmul.f32 v35, v54;
	v55 =	vmul.f32 v35, v55  }
0x509: {  	v59 =	vld [tilespmem:s10+$0xD060];
	v51 =	vmul.f32 v35, v51;
	v53 =	vmul.f32 v36, v53  }
0x50a: {  	v50 =	vmul.f32 v35, v50;
	v52 =	vmul.f32 v36, v52  }
0x50b: {  	v61 =	vld [tilespmem:s10+$0xD040];
	v49 =	vmul.f32 v35, v49;
	v56 =	vmul.f32 v36, v56;
	v53 =	vadd.f32 v53, v54  }
0x50c: {  	v62 =	vld [tilespmem:s10+$0xD020];
	v48 =	vmul.f32 v35, v48;
	v63 =	vmul.f32 v36, v57;
	v52 =	vadd.f32 v52, v55  }
0x50d: {  	v47 =	vmul.f32 v35, v47;
	v60 =	vmul.f32 v36, v60;
	v57 =	vld [tilespmem:s10+$0xCC30];
	v51 =	vadd.f32 v56, v51;
	[tilespmem:s10+$0x1430] =	vst v53  }
0x50e: {  	v54 =	vld [tilespmem:s10+$0xD030];
	v56 =	vmul.f32 v36, v58;
	v50 =	vadd.f32 v63, v50;
	v63 =	vmul.f32 v36, v59;
	[tilespmem:s10+$0x1420] =	vst v52  }
0x50f: {  	v46 =	vmul.f32 v35, v46;
	v47 =	vadd.f32 v60, v47;
	v59 =	vld [tilespmem:s10+$0xCC20];
	[tilespmem:s10+$0x1410] =	vst v51  }
0x510: {  	v53 =	vld [tilespmem:s10+$0xD010];
	v49 =	vadd.f32 v56, v49;
	[tilespmem:s10+$0x1400] =	vst v50;
	v48 =	vadd.f32 v63, v48;
	v63 =	vmul.f32 v36, v61  }
0x511: {  	v44 =	vmul.f32 v35, v44;
	v58 =	vmul.f32 v36, v62;
	v52 =	vld [tilespmem:s10+$0xD000];
	[tilespmem:s10+$0x1050] =	vst v47  }
0x512: {  	v37 =	vmul.f32 v35, v37;
	v51 =	vld [tilespmem:s10+$0xCC70];
	v47 =	vmul.f32 v36, v57;
	[tilespmem:s10+$0x1070] =	vst v49;
	v46 =	vadd.f32 v63, v46  }
0x513: {  	v45 =	vmul.f32 v35, v45;
	v50 =	vld [tilespmem:s10+$0xCC60];
	v44 =	vadd.f32 v58, v44;
	[tilespmem:s10+$0x1060] =	vst v48;
	v54 =	vmul.f32 v36, v54  }
0x514: {  	v34 =	vmul.f32 v35, v34;
	v61 =	vld [tilespmem:s10+$0xCC00];
	v37 =	vadd.f32 v47, v37;
	[tilespmem:s10+$0x1040] =	vst v46;
	v46 =	vmul.f32 v36, v59  }
0x515: {  	v43 =	vmul.f32 v35, v43;
	v56 =	vld [tilespmem:s10+$0xC810];
	[tilespmem:s10+$0x1020] =	vst v44;
	v45 =	vadd.f32 v54, v45;
	v53 =	vmul.f32 v36, v53  }
0x516: {  	v42 =	vmul.f32 v35, v42;
	v49 =	vld [tilespmem:s10+$0xCC50];
	v52 =	vmul.f32 v36, v52;
	[tilespmem:s10+$0xC30] =	vst v37;
	v34 =	vadd.f32 v46, v34  }
0x517: {  	v41 =	vmul.f32 v35, v41;
	v48 =	vld [tilespmem:s10+$0xCC40];
	v51 =	vmul.f32 v36, v51;
	[tilespmem:s10+$0x1030] =	vst v45;
	v43 =	vadd.f32 v53, v43  }
0x518: {  	v40 =	vmul.f32 v35, v40;
	v60 =	vld [tilespmem:s10+$0xCC10];
	v50 =	vmul.f32 v36, v50;
	v42 =	vadd.f32 v52, v42;
	[tilespmem:s10+$0xC20] =	vst v34  }
0x519: {  	v32 =	vmul.f32 v35, v32;
	v57 =	vld [tilespmem:s10+$0xC800];
	v44 =	vmul.f32 v36, v61;
	v41 =	vadd.f32 v51, v41;
	[tilespmem:s10+$0x1010] =	vst v43  }
0x51a: {  	v25 =	vmul.f32 v35, v25;
	v62 =	vld [tilespmem:s10+$0xC870];
	v37 =	vmul.f32 v36, v56;
	v40 =	vadd.f32 v50, v40;
	[tilespmem:s10+$0x1000] =	vst v42  }
0x51b: {  	v39 =	vmul.f32 v35, v39;
	v63 =	vld [tilespmem:s10+$0xC860];
	v49 =	vmul.f32 v36, v49;
	v32 =	vadd.f32 v44, v32;
	[tilespmem:s10+$0xC70] =	vst v41  }
0x51c: {  	v38 =	vmul.f32 v35, v38;
	v52 =	vld [tilespmem:s10+$0xC850];
	v48 =	vmul.f32 v36, v48;
	v25 =	vadd.f32 v37, v25;
	[tilespmem:s10+$0xC60] =	vst v40  }
0x51d: {  	v33 =	vmul.f32 v35, v33;
	v54 =	vld [tilespmem:s10+$0xC830];
	v45 =	vmul.f32 v36, v60;
	v39 =	vadd.f32 v49, v39;
	[tilespmem:s10+$0xC00] =	vst v32  }
0x51e: {  	v24 =	vmul.f32 v35, v24;
	v53 =	vld [tilespmem:s10+$0xC840];
	v34 =	vmul.f32 v36, v57;
	v38 =	vadd.f32 v48, v38;
	[tilespmem:s10+$0x810] =	vst v25  }
0x51f: {  	v31 =	vmul.f32 v35, v31;
	v59 =	vld [tilespmem:s10+$0xC460];
	v33 =	vadd.f32 v45, v33;
	v43 =	vmul.f32 v36, v62;
	[tilespmem:s10+$0xC50] =	vst v39  }
0x520: {  	v30 =	vmul.f32 v35, v30;
	v55 =	vld [tilespmem:s10+$0xC820];
	v42 =	vmul.f32 v36, v63;
	v24 =	vadd.f32 v34, v24;
	[tilespmem:s10+$0xC40] =	vst v38  }
0x521: {  	v29 =	vmul.f32 v35, v29;
	v58 =	vld [tilespmem:s10+$0xC470];
	[tilespmem:s10+$0xC10] =	vst v33;
	v31 =	vadd.f32 v43, v31;
	v41 =	vmul.f32 v36, v52  }
0x522: {  	v27 =	vmul.f32 v35, v27;
	v30 =	vadd.f32 v42, v30;
	v39 =	vmul.f32 v36, v54;
	[tilespmem:s10+$0x800] =	vst v24;
	v24 =	vld [tilespmem:s10+$0xC060]  }
0x523: {  	v28 =	vmul.f32 v35, v28;
	v40 =	vmul.f32 v36, v53;
	[tilespmem:s10+$0x870] =	vst v31;
	v31 =	vld [tilespmem:s10+$0xC450];
	v29 =	vadd.f32 v41, v29  }
0x524: {  	v22 =	vmul.f32 v35, v22;
	v32 =	vmul.f32 v36, v59;
	[tilespmem:s10+$0x860] =	vst v30;
	v30 =	vld [tilespmem:s10+$0xC440];
	v27 =	vadd.f32 v39, v27  }
0x525: {  	v26 =	vmul.f32 v35, v26;
	v38 =	vmul.f32 v36, v55;
	v28 =	vadd.f32 v40, v28;
	[tilespmem:s10+$0x850] =	vst v29;
	v29 =	vld [tilespmem:s10+$0xC430]  }
0x526: {  	v23 =	vmul.f32 v35, v23;
	v33 =	vmul.f32 v36, v58;
	v22 =	vadd.f32 v32, v22;
	[tilespmem:s10+$0x830] =	vst v27;
	v27 =	vld [tilespmem:s10+$0xC410]  }
0x527: {  	v9 =	vmul.f32 v35, v9;
	v26 =	vadd.f32 v38, v26;
	[tilespmem:s10+$0x840] =	vst v28;
	v28 =	vld [tilespmem:s10+$0xC420];
	v24 =	vmul.f32 v36, v24  }
0x528: {  	v20 =	vmul.f32 v35, v20;
	v23 =	vadd.f32 v33, v23;
	[tilespmem:s10+$0x460] =	vst v22;
	v31 =	vmul.f32 v36, v31  }
0x529: {  	v18 =	vmul.f32 v35, v18;
	[tilespmem:s10+$0x820] =	vst v26;
	v26 =	vld [tilespmem:s10+$0xC400];
	v30 =	vmul.f32 v36, v30;
	v9 =	vadd.f32 v24, v9  }
0x52a: {  	v16 =	vmul.f32 v35, v16;
	v25 =	vld [tilespmem:s10+$0xC070];
	[tilespmem:s10+$0x470] =	vst v23;
	v20 =	vadd.f32 v31, v20;
	v29 =	vmul.f32 v36, v29  }
0x52b: {  	v13 =	vmul.f32 v35, v13;
	v22 =	vld [tilespmem:s10+$0xD440];
	v18 =	vadd.f32 v30, v18;
	v27 =	vmul.f32 v36, v27;
	[tilespmem:s10+$0x60] =	vst v9  }
0x52c: {  	v14 =	vmul.f32 v35, v14;
	v23 =	vld [tilespmem:s10+$0xC050];
	v28 =	vmul.f32 v36, v28;
	[tilespmem:s10+$0x450] =	vst v20;
	v16 =	vadd.f32 v29, v16  }
0x52d: {  	v12 =	vmul.f32 v35, v12;
	v11 =	vmul.f32 v35, v11;
	v9 =	vld [tilespmem:s10+$0x0];
	[tilespmem:s10+$0x440] =	vst v18;
	v13 =	vadd.f32 v27, v13  }
0x52e: {  	v8 =	vmul.f32 v35, v8;
	v20 =	vld [tilespmem:s10+$0xD450];
	v14 =	vadd.f32 v28, v14;
	[tilespmem:s10+$0x430] =	vst v16;
	v16 =	vmul.f32 v36, v26  }
0x52f: {  	v7 =	vmul.f32 v35, v7;
	v21 =	vmul.f32 v36, v21;
	v18 =	vld [tilespmem:s10+$0xD460];
	[tilespmem:s10+$0x410] =	vst v13  }
0x530: {  	v5 =	vmul.f32 v35, v5;
	v13 =	vld [tilespmem:s10+$0x1450];
	[tilespmem:s10+$0x420] =	vst v14;
	v14 =	vmul.f32 v36, v25;
	v12 =	vadd.f32 v16, v12  }
0x531: {  	v4 =	vmul.f32 v35, v4;
	v15 =	vmul.f32 v36, v15;
	v7 =	vadd.f32 v21, v7;
	v26 =	vld [tilespmem:s10+$0xD470]  }
0x532: {  	v17 =	vmul.f32 v36, v17;
	v16 =	vld [tilespmem:s10+$0x1440];
	v11 =	vadd.f32 v14, v11;
	[tilespmem:s10+$0x400] =	vst v12;
	v12 =	vmul.f32 v36, v23  }
0x533: {  	v6 =	vmul.f32 v35, v6;
	v4 =	vadd.f32 v15, v4;
	[tilespmem:s10+$0x40] =	vst v7;
	v14 =	vld [tilespmem:s10+$0x1460]  }
0x534: {  	v5 =	vadd.f32 v17, v5;
	[tilespmem:s10+$0x70] =	vst v11;
	v11 =	vmul.f32 v36, v19;
	v8 =	vadd.f32 v12, v8;
	v12 =	vld [tilespmem:s10+$0x1470]  }
0x535: {  	[tilespmem:s10+$0x10] =	vst v4;
	v4 =	vmul.f32 v35, v9;
	v9 =	vmul.f32 v36, v10  }
0x536: {  	[tilespmem:s10+$0x20] =	vst v5;
	v7 =	vmul.f32 v35, v13;
	v13 =	vmul.f32 v36, v20;
	v6 =	vadd.f32 v11, v6  }
0x537: {  	v4 =	vadd.f32 v9, v4;
	v11 =	vmul.f32 v36, v22;
	[tilespmem:s10+$0x50] =	vst v8;
	v8 =	vmul.f32 v35, v16  }
0x538: {  	v7 =	vadd.f32 v13, v7;
	[tilespmem:s10+$0x30] =	vst v6;
	v6 =	vmul.f32 v35, v14;
	v14 =	vmul.f32 v36, v18  }
0x539: {  	[tilespmem:s10+$0x0] =	vst v4;
	v8 =	vadd.f32 v11, v8;
	v11 =	vmul.f32 v36, v26;
	v5 =	vmul.f32 v35, v12  }
0x53a: {  	[tilespmem:s10+$0x1450] =	vst v7;
	v6 =	vadd.f32 v14, v6  }
0x53b: {  	[tilespmem:s10+$0x1440] =	vst v8;
	v5 =	vadd.f32 v11, v5  }
0x53c: {  	[tilespmem:s10+$0x1460] =	vst v6  }
0x53d: {  	s11 =	simm.s32 $0x0;
	[tilespmem:s10+$0x1470] =	vst v5  }
0x53e: {  	[hbm4b:s17+s11] =	stream.linear.scatter [tilespmem:s11], [sflag:$0x2], $0x6000, $0x38;
	[tilespmem:$0x18300] =	vst v63  }
0x53f: {  	_ =	swait.ge [sflag:s29], $0x6000  }
0x540: {  	[sflag:s29] =	ssyncset.done $0x0  }
0x541: {  	s5 =	simm.s32 $0x18200;
	[sflag:s29] =	ssyncadd.s32 $0xFFFFA000  }
0x542: {  	[tilespmem:s5], [sflag:$0x2] =	stream.linear.gather [hbm4b:s21+s11], $0x20, $0x38;
	[tilespmem:$0x18300] =	vst v63  }
0x543: {  	_ =	swait.ge [sflag:s29], $0x20  }
0x544: {  	[sflag:s29] =	ssyncset.done $0x0  }
0x545: {  	s28 =	simm.s32 $0x18280;
	[sflag:s29] =	ssyncadd.s32 $0xFFFFFFE0  }
0x546: {  	[tilespmem:s28], [sflag:$0x2] =	stream.linear.gather [hbm4b:s22+s11], $0x20, $0x38;
	[tilespmem:$0x18300] =	vst v63  }
0x547: {  	_ =	swait.ge [sflag:s29], $0x20  }
0x548: {  	[sflag:s29] =	ssyncset.done $0x0  }
0x549: {  	[sflag:s29] =	ssyncadd.s32 $0xFFFFFFE0  }
0x54a: {  	_ =	swait.ge [sflag:s4], $0x6000  }
0x54b: {  	[sflag:s4] =	ssyncset.done $0x0  }
0x54c: {  	s12 =	simm.s32 $0x0;
	[sflag:s4] =	ssyncadd.s32 $0xFFFFA000  }
0x54d: {  	s10 =	smul.u32 $0x1800, s12;
	_ =	swait.ge [sflag:s4], $0x6000  }
0x54e: {  	s0 =	sand.u32 $0x380, s11;
	[sflag:s4] =	ssyncset.done $0x0  }
0x54f: {  	s11 =	sor.u32 s0, s10;
	[sflag:s4] =	ssyncadd.s32 $0xFFFFA000  }
0x550: {  	v14 =	vld [tilespmem:s11+$0x6010]  }
0x551: {  	v19 =	vld [tilespmem:s11+$0x6020]  }
0x552: {  	v20 =	vld [tilespmem:s11+$0x6030]  }
0x553: {  	v21 =	vld [tilespmem:s11+$0x6040]  }
0x554: {  	v18 =	vld [tilespmem:s11+$0x6050]  }
0x555: {  	v13 =	vld [tilespmem:s11+$0x6060]  }
0x556: {  	v4 =	vld [tilespmem:s11+$0x6070]  }
0x557: {  	v7 =	vld [tilespmem:s11+$0x6400]  }
0x558: {  	v12 =	vld [tilespmem:s11+$0x6410]  }
0x559: {  	v6 =	vld [tilespmem:s11+$0x6420]  }
0x55a: {  	v5 =	vld [tilespmem:s11+$0x6430]  }
0x55b: {  	v11 =	vld [tilespmem:s11+$0x6440]  }
0x55c: {  	v8 =	vld [tilespmem:s11+$0x6450]  }
0x55d: {  	v9 =	vld [tilespmem:s11+$0x6460]  }
0x55e: {  	v10 =	vld [tilespmem:s11+$0x6470]  }
0x55f: {  	v22 =	vld [tilespmem:s11+$0x6800]  }
0x560: {  	v24 =	vld [tilespmem:s11+$0x6810]  }
0x561: {  	v26 =	vld [tilespmem:s11+$0x6820]  }
0x562: {  	v28 =	vld [tilespmem:s11+$0x6830]  }
0x563: {  	v30 =	vld [tilespmem:s11+$0x6840]  }
0x564: {  	v31 =	vld [tilespmem:s11+$0x6850]  }
0x565: {  	v32 =	vld [tilespmem:s11+$0x6860]  }
0x566: {  	v33 =	vld [tilespmem:s11+$0x6870]  }
0x567: {  	v34 =	vld [tilespmem:s11+$0x6C00]  }
0x568: {  	v35 =	vld [tilespmem:s11+$0x6C10]  }
0x569: {  	v36 =	vld [tilespmem:s11+$0x6C20]  }
0x56a: {  	v37 =	vld [tilespmem:s11+$0x6C30]  }
0x56b: {  	v38 =	vld [tilespmem:s11+$0x6C40]  }
0x56c: {  	v39 =	vld [tilespmem:s11+$0x6C50]  }
0x56d: {  	v40 =	vld [tilespmem:s11+$0x6C60]  }
0x56e: {  	v41 =	vld [tilespmem:s11+$0x6C70]  }
0x56f: {  	v42 =	vld [tilespmem:s11+$0x7000]  }
0x570: {  	v43 =	vld [tilespmem:s11+$0x7010]  }
0x571: {  	v44 =	vld [tilespmem:s11+$0x7020]  }
0x572: {  	v45 =	vld [tilespmem:s11+$0x7030]  }
0x573: {  	v46 =	vld [tilespmem:s11+$0x7040]  }
0x574: {  	v47 =	vld [tilespmem:s11+$0x7050]  }
0x575: {  	v48 =	vld [tilespmem:s11+$0x7060]  }
0x576: {  	v49 =	vld [tilespmem:s11+$0x7070]  }
0x577: {  	v50 =	vld [tilespmem:s11+$0x7400]  }
0x578: {  	v51 =	vld [tilespmem:s11+$0x7410]  }
0x579: {  	v15 =	vld [tilespmem:s11+$0x12000]  }
0x57a: {  	v23 =	vld [tilespmem:s11+$0x12010]  }
0x57b: {  	v25 =	vld [tilespmem:s11+$0x12020]  }
0x57c: {  	v27 =	vld [tilespmem:s11+$0x12030]  }
0x57d: {  	v29 =	vld [tilespmem:s11+$0x12040]  }
0x57e: {  	v52 =	vld [tilespmem:s11+$0x13420]  }
0x57f: {  	v16 =	vld.msk [tilespmem:s5+$0x0], $0x1  }
0x580: {  	v17 =	vld.msk [tilespmem:s28+$0x0], $0x1  }
0x581: {  	v53 =	vld [tilespmem:s11+$0x13430]  }
0x582: {  	v54 =	vld [tilespmem:s11+$0x7430]  }
0x583: {  	v55 =	vld [tilespmem:s11+$0x7420]  }
0x584: {  	v56 =	vld [tilespmem:s11+$0x13410]  }
0x585: {  	v57 =	vld [tilespmem:s11+$0x13400];
	v16 =	vperm.xlane v16, v3  }
0x586: {  	v58 =	vld [tilespmem:s11+$0x13070];
	v17 =	vperm.xlane v17, v3  }
0x587: {  	v60 =	vld [tilespmem:s11+$0x13050];
	v54 =	vmul.f32 v16, v54  }
0x588: {  	v61 =	vld [tilespmem:s11+$0x13040];
	v53 =	vmul.f32 v17, v53;
	v55 =	vmul.f32 v16, v55  }
0x589: {  	v59 =	vld [tilespmem:s11+$0x13060];
	v52 =	vmul.f32 v17, v52;
	v51 =	vmul.f32 v16, v51  }
0x58a: {  	v62 =	vld [tilespmem:s11+$0x13030];
	v56 =	vmul.f32 v17, v56;
	v50 =	vmul.f32 v16, v50  }
0x58b: {  	v63 =	vld [tilespmem:s11+$0x13020];
	v57 =	vmul.f32 v17, v57;
	v47 =	vmul.f32 v16, v47  }
0x58c: {  	v60 =	vmul.f32 v17, v60;
	v46 =	vmul.f32 v16, v46;
	v53 =	vadd.f32 v53, v54;
	v54 =	vld [tilespmem:s11+$0x13010]  }
0x58d: {  	v61 =	vmul.f32 v17, v61;
	v45 =	vmul.f32 v16, v45;
	v52 =	vadd.f32 v52, v55;
	v55 =	vld [tilespmem:s11+$0x13000]  }
0x58e: {  	v51 =	vadd.f32 v56, v51;
	v50 =	vadd.f32 v57, v50;
	v57 =	vmul.f32 v17, v59;
	v59 =	vld [tilespmem:s11+$0x12C10];
	[tilespmem:s11+$0x7430] =	vst v53  }
0x58f: {  	v62 =	vmul.f32 v17, v62;
	v44 =	vmul.f32 v16, v44;
	v47 =	vadd.f32 v60, v47;
	v60 =	vld [tilespmem:s11+$0x12C00];
	[tilespmem:s11+$0x7420] =	vst v52  }
0x590: {  	v63 =	vmul.f32 v17, v63;
	v21 =	vmul.f32 v16, v21;
	v46 =	vadd.f32 v61, v46;
	v61 =	vld [tilespmem:s11+$0x12870];
	[tilespmem:s11+$0x7410] =	vst v51  }
0x591: {  	v29 =	vmul.f32 v17, v29;
	v20 =	vmul.f32 v16, v20;
	v45 =	vadd.f32 v62, v45;
	v62 =	vld [tilespmem:s11+$0x12860];
	[tilespmem:s11+$0x7400] =	vst v50  }
0x592: {  	v27 =	vmul.f32 v17, v27;
	v14 =	vmul.f32 v16, v14;
	v44 =	vadd.f32 v63, v44;
	v63 =	vld [tilespmem:s11+$0x12850];
	[tilespmem:s11+$0x7050] =	vst v47  }
0x593: {  	v23 =	vmul.f32 v17, v23;
	v56 =	vmul.f32 v17, v58;
	v58 =	vld [tilespmem:s11+$0x12460];
	[tilespmem:s11+$0x7040] =	vst v46  }
0x594: {  	v19 =	vmul.f32 v16, v19;
	v25 =	vmul.f32 v17, v25;
	v21 =	vadd.f32 v29, v21;
	v29 =	vld [tilespmem:s11+$0x7460];
	[tilespmem:s11+$0x7030] =	vst v45  }
0x595: {  	v20 =	vadd.f32 v27, v20;
	v14 =	vadd.f32 v23, v14;
	v23 =	vld [tilespmem:s11+$0x7470];
	[tilespmem:s11+$0x7020] =	vst v44  }
0x596: {  	v49 =	vmul.f32 v16, v49;
	v19 =	vadd.f32 v25, v19;
	v53 =	vld [tilespmem:s11+$0x12C70];
	[tilespmem:s11+$0x6040] =	vst v21  }
0x597: {  	v48 =	vmul.f32 v16, v48;
	v52 =	vld [tilespmem:s11+$0x12C60];
	[tilespmem:s11+$0x6030] =	vst v20  }
0x598: {  	v43 =	vmul.f32 v16, v43;
	v49 =	vadd.f32 v56, v49;
	v51 =	vld [tilespmem:s11+$0x12C50];
	[tilespmem:s11+$0x6020] =	vst v19;
	v54 =	vmul.f32 v17, v54  }
0x599: {  	v42 =	vmul.f32 v16, v42;
	v48 =	vadd.f32 v57, v48;
	v50 =	vld [tilespmem:s11+$0x12C40];
	[tilespmem:s11+$0x6010] =	vst v14;
	v55 =	vmul.f32 v17, v55  }
0x59a: {  	v35 =	vmul.f32 v16, v35;
	v56 =	vld [tilespmem:s11+$0x12810];
	[tilespmem:s11+$0x7070] =	vst v49;
	v47 =	vmul.f32 v17, v59;
	v43 =	vadd.f32 v54, v43  }
0x59b: {  	v34 =	vmul.f32 v16, v34;
	v57 =	vld [tilespmem:s11+$0x12800];
	[tilespmem:s11+$0x7060] =	vst v48;
	v46 =	vmul.f32 v17, v60;
	v42 =	vadd.f32 v55, v42  }
0x59c: {  	v33 =	vmul.f32 v16, v33;
	v21 =	vld [tilespmem:s11+$0x13470];
	v45 =	vmul.f32 v17, v61;
	v35 =	vadd.f32 v47, v35;
	[tilespmem:s11+$0x7010] =	vst v43  }
0x59d: {  	v32 =	vmul.f32 v16, v32;
	v19 =	vld [tilespmem:s11+$0x12410];
	v44 =	vmul.f32 v17, v62;
	v34 =	vadd.f32 v46, v34;
	[tilespmem:s11+$0x7000] =	vst v42  }
0x59e: {  	v41 =	vmul.f32 v16, v41;
	v49 =	vld [tilespmem:s11+$0x12C30];
	v53 =	vmul.f32 v17, v53;
	v33 =	vadd.f32 v45, v33;
	[tilespmem:s11+$0x6C10] =	vst v35  }
0x59f: {  	v39 =	vmul.f32 v16, v39;
	v51 =	vmul.f32 v17, v51;
	v54 =	vld [tilespmem:s11+$0x12830];
	v32 =	vadd.f32 v44, v32;
	[tilespmem:s11+$0x6C00] =	vst v34  }
0x5a0: {  	v40 =	vmul.f32 v16, v40;
	v52 =	vmul.f32 v17, v52;
	v41 =	vadd.f32 v53, v41;
	v53 =	vld [tilespmem:s11+$0x12840];
	[tilespmem:s11+$0x6870] =	vst v33  }
0x5a1: {  	v38 =	vmul.f32 v16, v38;
	v50 =	vmul.f32 v17, v50;
	v55 =	vld [tilespmem:s11+$0x12820];
	v39 =	vadd.f32 v51, v39;
	[tilespmem:s11+$0x6860] =	vst v32  }
0x5a2: {  	v31 =	vmul.f32 v16, v31;
	v48 =	vld [tilespmem:s11+$0x12C20];
	v40 =	vadd.f32 v52, v40;
	v43 =	vmul.f32 v17, v63;
	[tilespmem:s11+$0x6C70] =	vst v41  }
0x5a3: {  	v24 =	vmul.f32 v16, v24;
	v59 =	vld [tilespmem:s11+$0x12440];
	v38 =	vadd.f32 v50, v38;
	[tilespmem:s11+$0x6C50] =	vst v39;
	v39 =	vmul.f32 v17, v56  }
0x5a4: {  	v28 =	vmul.f32 v16, v28;
	v62 =	vld [tilespmem:s11+$0x12070];
	[tilespmem:s11+$0x6C60] =	vst v40;
	v31 =	vadd.f32 v43, v31;
	v41 =	vmul.f32 v17, v54  }
0x5a5: {  	v30 =	vmul.f32 v16, v30;
	v63 =	vld [tilespmem:s11+$0x12060];
	[tilespmem:s11+$0x6C40] =	vst v38;
	v24 =	vadd.f32 v39, v24;
	v42 =	vmul.f32 v17, v53  }
0x5a6: {  	v26 =	vmul.f32 v16, v26;
	v40 =	vmul.f32 v17, v55;
	[tilespmem:s11+$0x6850] =	vst v31;
	v31 =	vld [tilespmem:s11+$0x12050];
	v28 =	vadd.f32 v41, v28  }
0x5a7: {  	v22 =	vmul.f32 v16, v22;
	v38 =	vmul.f32 v17, v57;
	[tilespmem:s11+$0x6810] =	vst v24;
	v24 =	vld [tilespmem:s11+$0x7450];
	v30 =	vadd.f32 v42, v30  }
0x5a8: {  	v12 =	vmul.f32 v16, v12;
	v19 =	vmul.f32 v17, v19;
	v26 =	vadd.f32 v40, v26;
	[tilespmem:s11+$0x6830] =	vst v28;
	v28 =	vld [tilespmem:s11+$0x7440]  }
0x5a9: {  	v37 =	vmul.f32 v16, v37;
	v49 =	vmul.f32 v17, v49;
	v22 =	vadd.f32 v38, v22;
	[tilespmem:s11+$0x6840] =	vst v30;
	v30 =	vld [tilespmem:s11+$0x13440]  }
0x5aa: {  	v36 =	vmul.f32 v16, v36;
	v48 =	vmul.f32 v17, v48;
	v12 =	vadd.f32 v19, v12;
	[tilespmem:s11+$0x6820] =	vst v26;
	v26 =	vld [tilespmem:s11+$0x13450]  }
0x5ab: {  	v18 =	vmul.f32 v16, v18;
	v37 =	vadd.f32 v49, v37;
	[tilespmem:s11+$0x6800] =	vst v22;
	v22 =	vld [tilespmem:s11+$0x13460];
	v27 =	vmul.f32 v17, v31  }
0x5ac: {  	v13 =	vmul.f32 v16, v13;
	v60 =	vld [tilespmem:s11+$0x12430];
	v36 =	vadd.f32 v48, v36;
	[tilespmem:s11+$0x6410] =	vst v12;
	v20 =	vmul.f32 v17, v63  }
0x5ad: {  	s10 =	simm.s32 $0x0;
	v14 =	vmul.f32 v16, v4;
	v61 =	vld [tilespmem:s11+$0x12420];
	[tilespmem:s11+$0x6C30] =	vst v37;
	v18 =	vadd.f32 v27, v18;
	v27 =	vmul.f32 v17, v62  }
0x5ae: {  	s0 =	smul.u32 $0x1800, s10;
	s5 =	simm.s32 $0x80;
	v19 =	vld [tilespmem:s11+$0x6000];
	[tilespmem:s11+$0x6C20] =	vst v36;
	v13 =	vadd.f32 v20, v13;
	v25 =	vmul.f32 v16, v28;
	v28 =	vmul.f32 v17, v30  }
0x5af: {  	s12 =	sand.u32 $0x380, s5;
	v24 =	vmul.f32 v16, v24;
	v26 =	vmul.f32 v17, v26;
	[tilespmem:s11+$0x6050] =	vst v18;
	v18 =	vld [tilespmem:s11+$0x12400];
	v14 =	vadd.f32 v27, v14  }
0x5b0: {  	s10 =	sor.u32 s12, s0;
	v20 =	vmul.f32 v16, v29;
	[tilespmem:s11+$0x6060] =	vst v13;
	v13 =	vld [tilespmem:s11+$0x12450];
	v22 =	vmul.f32 v17, v22;
	v25 =	vadd.f32 v28, v25  }
0x5b1: {  	v23 =	vmul.f32 v16, v23;
	v21 =	vmul.f32 v17, v21;
	v4 =	vld [tilespmem:s10+$0x6010];
	v24 =	vadd.f32 v26, v24;
	[tilespmem:s11+$0x6070] =	vst v14  }
0x5b2: {  	v20 =	vadd.f32 v22, v20;
	v26 =	vmul.f32 v17, v60;
	v14 =	vld [tilespmem:s11+$0x12470];
	[tilespmem:s11+$0x7440] =	vst v25;
	v25 =	vmul.f32 v16, v5  }
0x5b3: {  	v21 =	vadd.f32 v21, v23;
	v22 =	vmul.f32 v16, v6;
	v5 =	vld [tilespmem:s10+$0x6020];
	[tilespmem:s11+$0x7450] =	vst v24;
	v24 =	vmul.f32 v17, v61  }
0x5b4: {  	v18 =	vmul.f32 v17, v18;
	v25 =	vadd.f32 v26, v25;
	v6 =	vld [tilespmem:s10+$0x6030];
	[tilespmem:s11+$0x7460] =	vst v20;
	v20 =	vmul.f32 v16, v7  }
0x5b5: {  	v11 =	vmul.f32 v16, v11;
	v23 =	vmul.f32 v17, v59;
	v22 =	vadd.f32 v24, v22;
	v7 =	vld [tilespmem:s10+$0x6040];
	[tilespmem:s11+$0x7470] =	vst v21  }
0x5b6: {  	v13 =	vmul.f32 v17, v13;
	v21 =	vmul.f32 v16, v8;
	[tilespmem:s11+$0x6430] =	vst v25;
	v18 =	vadd.f32 v18, v20;
	v8 =	vld [tilespmem:s10+$0x6050]  }
0x5b7: {  	v23 =	vadd.f32 v23, v11;
	v20 =	vmul.f32 v16, v9;
	v9 =	vld [tilespmem:s10+$0x6060];
	[tilespmem:s11+$0x6420] =	vst v22;
	v22 =	vmul.f32 v17, v58  }
0x5b8: {  	v10 =	vmul.f32 v16, v10;
	v14 =	vmul.f32 v17, v14;
	v11 =	vld [tilespmem:s10+$0x6070];
	v13 =	vadd.f32 v13, v21;
	[tilespmem:s11+$0x6400] =	vst v18  }
0x5b9: {  	[tilespmem:s11+$0x6440] =	vst v23;
	v18 =	vadd.f32 v22, v20;
	v12 =	vld [tilespmem:s10+$0x6400]  }
0x5ba: {  	v10 =	vadd.f32 v14, v10;
	[tilespmem:s11+$0x6450] =	vst v13;
	v13 =	vld [tilespmem:s10+$0x6410]  }
0x5bb: {  	v14 =	vld [tilespmem:s10+$0x6420];
	[tilespmem:s11+$0x6460] =	vst v18  }
0x5bc: {  	[tilespmem:s11+$0x6470] =	vst v10;
	v10 =	vmul.f32 v16, v19;
	v16 =	vld [tilespmem:s10+$0x6430]  }
0x5bd: {  	v18 =	vld [tilespmem:s10+$0x6440]  }
0x5be: {  	v20 =	vld [tilespmem:s10+$0x6450]  }
0x5bf: {  	v15 =	vmul.f32 v17, v15;
	v22 =	vld [tilespmem:s10+$0x6460]  }
0x5c0: {  	v23 =	vld [tilespmem:s10+$0x6470]  }
0x5c1: {  	v10 =	vadd.f32 v15, v10;
	v28 =	vld [tilespmem:s10+$0x6840]  }
0x5c2: {  	v38 =	vld [tilespmem:s10+$0x6C40]  }
0x5c3: {  	[tilespmem:s11+$0x6000] =	vst v10;
	v46 =	vld [tilespmem:s10+$0x7040]  }
0x5c4: {  	v24 =	vld [tilespmem:s10+$0x6800]  }
0x5c5: {  	v25 =	vld [tilespmem:s10+$0x6810]  }
0x5c6: {  	v26 =	vld [tilespmem:s10+$0x6820]  }
0x5c7: {  	v27 =	vld [tilespmem:s10+$0x6830]  }
0x5c8: {  	v29 =	vld [tilespmem:s10+$0x6850]  }
0x5c9: {  	v30 =	vld [tilespmem:s10+$0x6860]  }
0x5ca: {  	v31 =	vld [tilespmem:s10+$0x6870]  }
0x5cb: {  	v32 =	vld [tilespmem:s10+$0x6C00]  }
0x5cc: {  	v33 =	vld [tilespmem:s10+$0x6C10]  }
0x5cd: {  	v34 =	vld [tilespmem:s10+$0x6C20]  }
0x5ce: {  	v37 =	vld [tilespmem:s10+$0x6C30]  }
0x5cf: {  	v39 =	vld [tilespmem:s10+$0x6C50]  }
0x5d0: {  	v40 =	vld [tilespmem:s10+$0x6C60]  }
0x5d1: {  	v41 =	vld [tilespmem:s10+$0x6C70]  }
0x5d2: {  	v42 =	vld [tilespmem:s10+$0x7000]  }
0x5d3: {  	v43 =	vld [tilespmem:s10+$0x7010]  }
0x5d4: {  	v44 =	vld [tilespmem:s10+$0x7020]  }
0x5d5: {  	v45 =	vld [tilespmem:s10+$0x7030]  }
0x5d6: {  	v47 =	vld [tilespmem:s10+$0x7050]  }
0x5d7: {  	v48 =	vld [tilespmem:s10+$0x7060]  }
0x5d8: {  	v49 =	vld [tilespmem:s10+$0x7070]  }
0x5d9: {  	v50 =	vld [tilespmem:s10+$0x7400]  }
0x5da: {  	v51 =	vld [tilespmem:s10+$0x7410]  }
0x5db: {  	v10 =	vld [tilespmem:s10+$0x12000]  }
0x5dc: {  	v15 =	vld [tilespmem:s10+$0x12010]  }
0x5dd: {  	v17 =	vld [tilespmem:s10+$0x12020]  }
0x5de: {  	v19 =	vld [tilespmem:s10+$0x12030]  }
0x5df: {  	v21 =	vld [tilespmem:s10+$0x12040]  }
0x5e0: {  	s30 =	simm.s32 $0x2;
	s11 =	simm.s32 $0x18201;
	v52 =	vld [tilespmem:s10+$0x13420]  }
.LBB2_8:
0x5e1: {  	p0 =	sne.s32 s30, $0x1F;
	v35 =	vld.msk [tilespmem:s11+$0x0], $0x1;
	s28 =	sadd.s32 $0x1, s28  }
0x5e2: {  	v36 =	vld.msk [tilespmem:s28+$0x0], $0x1  }
0x5e3: {  	v53 =	vld [tilespmem:s10+$0x13430]  }
0x5e4: {  	v54 =	vld [tilespmem:s10+$0x7430]  }
0x5e5: {  	v55 =	vld [tilespmem:s10+$0x7420]  }
0x5e6: {  	v56 =	vld [tilespmem:s10+$0x13410]  }
0x5e7: {  	v35 =	vperm.xlane v35, v3;
	v57 =	vld [tilespmem:s10+$0x13400];
	v36 =	vperm.xlane v36, v3  }
0x5e8: {  	v58 =	vld [tilespmem:s10+$0x13070]  }
0x5e9: {  	v54 =	vmul.f32 v35, v54;
	v59 =	vld [tilespmem:s10+$0x13060];
	v53 =	vmul.f32 v36, v53  }
0x5ea: {  	v52 =	vmul.f32 v36, v52;
	v55 =	vmul.f32 v35, v55;
	v60 =	vld [tilespmem:s10+$0x13050]  }
0x5eb: {  	v51 =	vmul.f32 v35, v51;
	v61 =	vld [tilespmem:s10+$0x13040];
	v56 =	vmul.f32 v36, v56;
	v53 =	vadd.f32 v53, v54  }
0x5ec: {  	v50 =	vmul.f32 v35, v50;
	v54 =	vld [tilespmem:s10+$0x13030];
	v57 =	vmul.f32 v36, v57;
	v52 =	vadd.f32 v52, v55  }
0x5ed: {  	v49 =	vmul.f32 v35, v49;
	v55 =	vld [tilespmem:s10+$0x13020];
	v58 =	vmul.f32 v36, v58;
	v51 =	vadd.f32 v56, v51;
	[tilespmem:s10+$0x7430] =	vst v53  }
0x5ee: {  	v48 =	vmul.f32 v35, v48;
	v53 =	vld [tilespmem:s10+$0x13010];
	v56 =	vmul.f32 v36, v59;
	v50 =	vadd.f32 v57, v50;
	[tilespmem:s10+$0x7420] =	vst v52  }
0x5ef: {  	v47 =	vmul.f32 v35, v47;
	v52 =	vld [tilespmem:s10+$0x13000];
	v57 =	vmul.f32 v36, v60;
	v49 =	vadd.f32 v58, v49;
	[tilespmem:s10+$0x7410] =	vst v51  }
0x5f0: {  	v46 =	vmul.f32 v35, v46;
	v51 =	vld [tilespmem:s10+$0x12C70];
	v58 =	vmul.f32 v36, v61;
	v48 =	vadd.f32 v56, v48;
	[tilespmem:s10+$0x7400] =	vst v50  }
0x5f1: {  	v45 =	vmul.f32 v35, v45;
	v50 =	vld [tilespmem:s10+$0x12C60];
	v54 =	vmul.f32 v36, v54;
	v47 =	vadd.f32 v57, v47;
	[tilespmem:s10+$0x7070] =	vst v49  }
0x5f2: {  	v44 =	vmul.f32 v35, v44;
	v49 =	vld [tilespmem:s10+$0x12C50];
	v55 =	vmul.f32 v36, v55;
	v46 =	vadd.f32 v58, v46;
	[tilespmem:s10+$0x7060] =	vst v48  }
0x5f3: {  	v43 =	vmul.f32 v35, v43;
	v48 =	vld [tilespmem:s10+$0x12C40];
	v53 =	vmul.f32 v36, v53;
	v45 =	vadd.f32 v54, v45;
	[tilespmem:s10+$0x7050] =	vst v47  }
0x5f4: {  	v42 =	vmul.f32 v35, v42;
	v47 =	vld [tilespmem:s10+$0x12C30];
	v52 =	vmul.f32 v36, v52;
	v44 =	vadd.f32 v55, v44;
	[tilespmem:s10+$0x7040] =	vst v46  }
0x5f5: {  	v41 =	vmul.f32 v35, v41;
	v46 =	vld [tilespmem:s10+$0x12C20];
	v51 =	vmul.f32 v36, v51;
	v43 =	vadd.f32 v53, v43;
	[tilespmem:s10+$0x7030] =	vst v45  }
0x5f6: {  	v40 =	vmul.f32 v35, v40;
	v45 =	vld [tilespmem:s10+$0x12C10];
	v50 =	vmul.f32 v36, v50;
	v42 =	vadd.f32 v52, v42;
	[tilespmem:s10+$0x7020] =	vst v44  }
0x5f7: {  	v39 =	vmul.f32 v35, v39;
	v44 =	vld [tilespmem:s10+$0x12C00];
	v49 =	vmul.f32 v36, v49;
	v41 =	vadd.f32 v51, v41;
	[tilespmem:s10+$0x7010] =	vst v43  }
0x5f8: {  	v38 =	vmul.f32 v35, v38;
	v43 =	vld [tilespmem:s10+$0x12870];
	v48 =	vmul.f32 v36, v48;
	v40 =	vadd.f32 v50, v40;
	[tilespmem:s10+$0x7000] =	vst v42  }
0x5f9: {  	v37 =	vmul.f32 v35, v37;
	v42 =	vld [tilespmem:s10+$0x12860];
	v47 =	vmul.f32 v36, v47;
	v39 =	vadd.f32 v49, v39;
	[tilespmem:s10+$0x6C70] =	vst v41  }
0x5fa: {  	v34 =	vmul.f32 v35, v34;
	v41 =	vld [tilespmem:s10+$0x12850];
	v46 =	vmul.f32 v36, v46;
	v38 =	vadd.f32 v48, v38;
	[tilespmem:s10+$0x6C60] =	vst v40  }
0x5fb: {  	v33 =	vmul.f32 v35, v33;
	v40 =	vld [tilespmem:s10+$0x12840];
	v45 =	vmul.f32 v36, v45;
	v37 =	vadd.f32 v47, v37;
	[tilespmem:s10+$0x6C50] =	vst v39  }
0x5fc: {  	v32 =	vmul.f32 v35, v32;
	v39 =	vld [tilespmem:s10+$0x12830];
	v44 =	vmul.f32 v36, v44;
	v34 =	vadd.f32 v46, v34;
	[tilespmem:s10+$0x6C40] =	vst v38  }
0x5fd: {  	v31 =	vmul.f32 v35, v31;
	v38 =	vld [tilespmem:s10+$0x12820];
	v43 =	vmul.f32 v36, v43;
	v33 =	vadd.f32 v45, v33;
	[tilespmem:s10+$0x6C30] =	vst v37  }
0x5fe: {  	v30 =	vmul.f32 v35, v30;
	v37 =	vld [tilespmem:s10+$0x12810];
	v42 =	vmul.f32 v36, v42;
	v32 =	vadd.f32 v44, v32;
	[tilespmem:s10+$0x6C20] =	vst v34  }
0x5ff: {  	v29 =	vmul.f32 v35, v29;
	v34 =	vld [tilespmem:s10+$0x12800];
	v41 =	vmul.f32 v36, v41;
	v31 =	vadd.f32 v43, v31;
	[tilespmem:s10+$0x6C10] =	vst v33  }
0x600: {  	v28 =	vmul.f32 v35, v28;
	v33 =	vld [tilespmem:s10+$0x12470];
	v40 =	vmul.f32 v36, v40;
	v30 =	vadd.f32 v42, v30;
	[tilespmem:s10+$0x6C00] =	vst v32  }
0x601: {  	v27 =	vmul.f32 v35, v27;
	v32 =	vld [tilespmem:s10+$0x12460];
	v39 =	vmul.f32 v36, v39;
	v29 =	vadd.f32 v41, v29;
	[tilespmem:s10+$0x6870] =	vst v31  }
0x602: {  	v26 =	vmul.f32 v35, v26;
	v31 =	vld [tilespmem:s10+$0x12450];
	v38 =	vmul.f32 v36, v38;
	v28 =	vadd.f32 v40, v28;
	[tilespmem:s10+$0x6860] =	vst v30  }
0x603: {  	v25 =	vmul.f32 v35, v25;
	v30 =	vld [tilespmem:s10+$0x12440];
	v37 =	vmul.f32 v36, v37;
	v27 =	vadd.f32 v39, v27;
	[tilespmem:s10+$0x6850] =	vst v29  }
0x604: {  	v24 =	vmul.f32 v35, v24;
	v29 =	vld [tilespmem:s10+$0x12430];
	v34 =	vmul.f32 v36, v34;
	v26 =	vadd.f32 v38, v26;
	[tilespmem:s10+$0x6840] =	vst v28  }
0x605: {  	v23 =	vmul.f32 v35, v23;
	v28 =	vld [tilespmem:s10+$0x12420];
	v33 =	vmul.f32 v36, v33;
	v25 =	vadd.f32 v37, v25;
	[tilespmem:s10+$0x6830] =	vst v27  }
0x606: {  	v22 =	vmul.f32 v35, v22;
	v27 =	vld [tilespmem:s10+$0x12410];
	v32 =	vmul.f32 v36, v32;
	v24 =	vadd.f32 v34, v24;
	[tilespmem:s10+$0x6820] =	vst v26  }
0x607: {  	v20 =	vmul.f32 v35, v20;
	v26 =	vld [tilespmem:s10+$0x12400];
	v31 =	vmul.f32 v36, v31;
	v23 =	vadd.f32 v33, v23;
	[tilespmem:s10+$0x6810] =	vst v25  }
0x608: {  	v18 =	vmul.f32 v35, v18;
	v25 =	vld [tilespmem:s10+$0x12070];
	v30 =	vmul.f32 v36, v30;
	v22 =	vadd.f32 v32, v22;
	[tilespmem:s10+$0x6800] =	vst v24  }
0x609: {  	v16 =	vmul.f32 v35, v16;
	v24 =	vld [tilespmem:s10+$0x12060];
	v29 =	vmul.f32 v36, v29;
	v20 =	vadd.f32 v31, v20;
	[tilespmem:s10+$0x6470] =	vst v23  }
0x60a: {  	v14 =	vmul.f32 v35, v14;
	v23 =	vld [tilespmem:s10+$0x12050];
	v28 =	vmul.f32 v36, v28;
	v18 =	vadd.f32 v30, v18;
	[tilespmem:s10+$0x6460] =	vst v22  }
0x60b: {  	v13 =	vmul.f32 v35, v13;
	v22 =	vld [tilespmem:s10+$0x13440];
	v27 =	vmul.f32 v36, v27;
	v16 =	vadd.f32 v29, v16;
	[tilespmem:s10+$0x6450] =	vst v20  }
0x60c: {  	v12 =	vmul.f32 v35, v12;
	v20 =	vld [tilespmem:s10+$0x13450];
	v26 =	vmul.f32 v36, v26;
	v14 =	vadd.f32 v28, v14;
	[tilespmem:s10+$0x6440] =	vst v18  }
0x60d: {  	v11 =	vmul.f32 v35, v11;
	v18 =	vld [tilespmem:s10+$0x13460];
	v25 =	vmul.f32 v36, v25;
	v13 =	vadd.f32 v27, v13;
	[tilespmem:s10+$0x6430] =	vst v16  }
0x60e: {  	v9 =	vmul.f32 v35, v9;
	v16 =	vld [tilespmem:s10+$0x13470];
	v24 =	vmul.f32 v36, v24;
	v12 =	vadd.f32 v26, v12;
	[tilespmem:s10+$0x6420] =	vst v14  }
0x60f: {  	v8 =	vmul.f32 v35, v8;
	v14 =	vld [tilespmem:s10+$0x7440];
	v23 =	vmul.f32 v36, v23;
	v11 =	vadd.f32 v25, v11;
	[tilespmem:s10+$0x6410] =	vst v13  }
0x610: {  	v7 =	vmul.f32 v35, v7;
	v21 =	vmul.f32 v36, v21;
	v13 =	vld [tilespmem:s10+$0x7450];
	v9 =	vadd.f32 v24, v9;
	[tilespmem:s10+$0x6400] =	vst v12  }
0x611: {  	v6 =	vmul.f32 v35, v6;
	v19 =	vmul.f32 v36, v19;
	v12 =	vld [tilespmem:s10+$0x7460];
	v8 =	vadd.f32 v23, v8;
	[tilespmem:s10+$0x6070] =	vst v11  }
0x612: {  	v5 =	vmul.f32 v35, v5;
	v17 =	vmul.f32 v36, v17;
	v7 =	vadd.f32 v21, v7;
	v11 =	vld [tilespmem:s10+$0x7470];
	[tilespmem:s10+$0x6060] =	vst v9  }
0x613: {  	v4 =	vmul.f32 v35, v4;
	v15 =	vmul.f32 v36, v15;
	v6 =	vadd.f32 v19, v6;
	v9 =	vld [tilespmem:s10+$0x6000];
	[tilespmem:s10+$0x6050] =	vst v8  }
0x614: {  	s0 =	sshrl.u32 s30, $0x3;
	v5 =	vadd.f32 v17, v5;
	v8 =	vmul.f32 v35, v14;
	v14 =	vmul.f32 v36, v22;
	[tilespmem:s10+$0x6040] =	vst v7  }
0x615: {  	s5 =	sadd.s32 $0x80, s5;
	s0 =	smul.u32 $0x1800, s0;
	v4 =	vadd.f32 v15, v4;
	v7 =	vmul.f32 v35, v13;
	v13 =	vmul.f32 v36, v20;
	[tilespmem:s10+$0x6030] =	vst v6  }
0x616: {  	s12 =	sand.u32 $0x380, s5;
	v6 =	vmul.f32 v35, v12;
	v12 =	vmul.f32 v36, v18;
	v8 =	vadd.f32 v14, v8;
	[tilespmem:s10+$0x6020] =	vst v5  }
0x617: {  	s0 =	sor.u32 s12, s0;
	v14 =	vmul.f32 v36, v16;
	v11 =	vmul.f32 v35, v11;
	v7 =	vadd.f32 v13, v7;
	[tilespmem:s10+$0x6010] =	vst v4  }
0x618: {  	v10 =	vmul.f32 v36, v10;
	v4 =	vld [tilespmem:s0+$0x6010];
	v9 =	vmul.f32 v35, v9;
	v12 =	vadd.f32 v12, v6;
	[tilespmem:s10+$0x7440] =	vst v8  }
0x619: {  	v5 =	vld [tilespmem:s0+$0x6020];
	v8 =	vadd.f32 v14, v11;
	[tilespmem:s10+$0x7450] =	vst v7  }
0x61a: {  	v6 =	vld [tilespmem:s0+$0x6030];
	v9 =	vadd.f32 v10, v9;
	[tilespmem:s10+$0x7460] =	vst v12  }
0x61b: {  	v7 =	vld [tilespmem:s0+$0x6040];
	[tilespmem:s10+$0x7470] =	vst v8  }
0x61c: {  	v8 =	vld [tilespmem:s0+$0x6050];
	[tilespmem:s10+$0x6000] =	vst v9;
	s10 =	smov.u32 s0  }
0x61d: {  	v9 =	vld [tilespmem:s10+$0x6060]  }
0x61e: {  	v11 =	vld [tilespmem:s10+$0x6070]  }
0x61f: {  	v12 =	vld [tilespmem:s10+$0x6400]  }
0x620: {  	v13 =	vld [tilespmem:s10+$0x6410]  }
0x621: {  	v14 =	vld [tilespmem:s10+$0x6420]  }
0x622: {  	v16 =	vld [tilespmem:s10+$0x6430]  }
0x623: {  	v18 =	vld [tilespmem:s10+$0x6440]  }
0x624: {  	v20 =	vld [tilespmem:s10+$0x6450]  }
0x625: {  	v22 =	vld [tilespmem:s10+$0x6460]  }
0x626: {  	v23 =	vld [tilespmem:s10+$0x6470]  }
0x627: {  	v24 =	vld [tilespmem:s10+$0x6800]  }
0x628: {  	v25 =	vld [tilespmem:s10+$0x6810]  }
0x629: {  	v26 =	vld [tilespmem:s10+$0x6820]  }
0x62a: {  	v27 =	vld [tilespmem:s10+$0x6830]  }
0x62b: {  	v28 =	vld [tilespmem:s10+$0x6840]  }
0x62c: {  	v29 =	vld [tilespmem:s10+$0x6850]  }
0x62d: {  	v30 =	vld [tilespmem:s10+$0x6860]  }
0x62e: {  	v31 =	vld [tilespmem:s10+$0x6870]  }
0x62f: {  	v32 =	vld [tilespmem:s10+$0x6C00]  }
0x630: {  	v33 =	vld [tilespmem:s10+$0x6C10]  }
0x631: {  	v34 =	vld [tilespmem:s10+$0x6C20]  }
0x632: {  	v37 =	vld [tilespmem:s10+$0x6C30]  }
0x633: {  	v38 =	vld [tilespmem:s10+$0x6C40]  }
0x634: {  	v39 =	vld [tilespmem:s10+$0x6C50]  }
0x635: {  	v40 =	vld [tilespmem:s10+$0x6C60]  }
0x636: {  	v41 =	vld [tilespmem:s10+$0x6C70]  }
0x637: {  	v42 =	vld [tilespmem:s10+$0x7000]  }
0x638: {  	v43 =	vld [tilespmem:s10+$0x7010]  }
0x639: {  	v44 =	vld [tilespmem:s10+$0x7020]  }
0x63a: {  	v45 =	vld [tilespmem:s10+$0x7030]  }
0x63b: {  	v46 =	vld [tilespmem:s10+$0x7040]  }
0x63c: {  	v47 =	vld [tilespmem:s10+$0x7050]  }
0x63d: {  	v48 =	vld [tilespmem:s10+$0x7060]  }
0x63e: {  	v49 =	vld [tilespmem:s10+$0x7070]  }
0x63f: {  	v50 =	vld [tilespmem:s10+$0x7400]  }
0x640: {  	v51 =	vld [tilespmem:s10+$0x7410]  }
0x641: {  	v10 =	vld [tilespmem:s10+$0x12000]  }
.Ltmp3:
0x642: {  	v15 =	vld [tilespmem:s10+$0x12010];
	(pc) =	sbr.rel @p0 .LBB2_8-.Ltmp3, $4  }
0x643: {  	v17 =	vld [tilespmem:s10+$0x12020]  }
0x644: {  	v19 =	vld [tilespmem:s10+$0x12030]  }
0x645: {  	v21 =	vld [tilespmem:s10+$0x12040]  }
0x646: {  	s30 =	sadd.s32 $0x1, s30;
	s11 =	sadd.s32 $0x1, s11;
	v52 =	vld [tilespmem:s10+$0x13420]  }
0x647: {  	v35 =	vld.msk [tilespmem:s11+$0x0], $0x1  }
0x648: {  	s0 =	sadd.s32 $0x1, s28;
	v53 =	vld [tilespmem:s10+$0x13430]  }
0x649: {  	v36 =	vld.msk [tilespmem:s0+$0x0], $0x1  }
0x64a: {  	v54 =	vld [tilespmem:s10+$0x7430]  }
0x64b: {  	v55 =	vld [tilespmem:s10+$0x7420];
	_ =	sdelay $0x1  }
0x64c: {  	v57 =	vld [tilespmem:s10+$0x13400];
	v35 =	vperm.xlane v35, v3  }
0x64d: {  	v60 =	vld [tilespmem:s10+$0x13050];
	v36 =	vperm.xlane v36, v3  }
0x64e: {  	v56 =	vld [tilespmem:s10+$0x13410];
	v54 =	vmul.f32 v35, v54  }
0x64f: {  	v58 =	vld [tilespmem:s10+$0x13070];
	v55 =	vmul.f32 v35, v55;
	v53 =	vmul.f32 v36, v53  }
0x650: {  	v59 =	vld [tilespmem:s10+$0x13060];
	v50 =	vmul.f32 v35, v50;
	v52 =	vmul.f32 v36, v52  }
0x651: {  	v61 =	vld [tilespmem:s10+$0x13040];
	v47 =	vmul.f32 v35, v47;
	v63 =	vmul.f32 v36, v57;
	v53 =	vadd.f32 v53, v54  }
0x652: {  	v62 =	vld [tilespmem:s10+$0x13020];
	v7 =	vmul.f32 v35, v7;
	v60 =	vmul.f32 v36, v60;
	v52 =	vadd.f32 v52, v55  }
0x653: {  	v5 =	vmul.f32 v35, v5;
	v57 =	vld [tilespmem:s10+$0x12C30];
	v21 =	vmul.f32 v36, v21;
	v50 =	vadd.f32 v63, v50;
	[tilespmem:s10+$0x7430] =	vst v53  }
0x654: {  	v4 =	vmul.f32 v35, v4;
	v17 =	vmul.f32 v36, v17;
	v54 =	vld [tilespmem:s10+$0x13030];
	v47 =	vadd.f32 v60, v47;
	[tilespmem:s10+$0x7420] =	vst v52  }
0x655: {  	v15 =	vmul.f32 v36, v15;
	v63 =	vmul.f32 v36, v59;
	v59 =	vld [tilespmem:s10+$0x12C20];
	v7 =	vadd.f32 v21, v7;
	[tilespmem:s10+$0x7400] =	vst v50  }
0x656: {  	v51 =	vmul.f32 v35, v51;
	v55 =	vmul.f32 v36, v56;
	v60 =	vld [tilespmem:s10+$0x12C10];
	v5 =	vadd.f32 v17, v5;
	[tilespmem:s10+$0x7050] =	vst v47  }
0x657: {  	v48 =	vmul.f32 v35, v48;
	v56 =	vld [tilespmem:s10+$0x12810];
	v4 =	vadd.f32 v15, v4;
	[tilespmem:s10+$0x6040] =	vst v7  }
0x658: {  	v49 =	vmul.f32 v35, v49;
	v53 =	vld [tilespmem:s10+$0x13010];
	v51 =	vadd.f32 v55, v51;
	v55 =	vmul.f32 v36, v58;
	[tilespmem:s10+$0x6020] =	vst v5  }
0x659: {  	v46 =	vmul.f32 v35, v46;
	v52 =	vld [tilespmem:s10+$0x13000];
	v48 =	vadd.f32 v63, v48;
	v63 =	vmul.f32 v36, v61;
	[tilespmem:s10+$0x6010] =	vst v4  }
0x65a: {  	v44 =	vmul.f32 v35, v44;
	v50 =	vld [tilespmem:s10+$0x12C60];
	v58 =	vmul.f32 v36, v62;
	[tilespmem:s10+$0x7410] =	vst v51;
	v49 =	vadd.f32 v55, v49  }
0x65b: {  	v37 =	vmul.f32 v35, v37;
	v61 =	vld [tilespmem:s10+$0x12C00];
	v47 =	vmul.f32 v36, v57;
	[tilespmem:s10+$0x7060] =	vst v48;
	v46 =	vadd.f32 v63, v46  }
0x65c: {  	v45 =	vmul.f32 v35, v45;
	v62 =	vld [tilespmem:s10+$0x12870];
	v44 =	vadd.f32 v58, v44;
	v54 =	vmul.f32 v36, v54;
	[tilespmem:s10+$0x7070] =	vst v49  }
0x65d: {  	v34 =	vmul.f32 v35, v34;
	v57 =	vld [tilespmem:s10+$0x12800];
	v37 =	vadd.f32 v47, v37;
	[tilespmem:s10+$0x7040] =	vst v46;
	v46 =	vmul.f32 v36, v59  }
0x65e: {  	v43 =	vmul.f32 v35, v43;
	v51 =	vld [tilespmem:s10+$0x12C70];
	[tilespmem:s10+$0x7020] =	vst v44;
	v45 =	vadd.f32 v54, v45;
	v53 =	vmul.f32 v36, v53  }
0x65f: {  	v42 =	vmul.f32 v35, v42;
	v48 =	vld [tilespmem:s10+$0x12C40];
	v52 =	vmul.f32 v36, v52;
	[tilespmem:s10+$0x6C30] =	vst v37;
	v34 =	vadd.f32 v46, v34  }
0x660: {  	v40 =	vmul.f32 v35, v40;
	v63 =	vld [tilespmem:s10+$0x12860];
	v50 =	vmul.f32 v36, v50;
	[tilespmem:s10+$0x7030] =	vst v45;
	v43 =	vadd.f32 v53, v43  }
0x661: {  	v32 =	vmul.f32 v35, v32;
	v55 =	vld [tilespmem:s10+$0x12820];
	v44 =	vmul.f32 v36, v61;
	v42 =	vadd.f32 v52, v42;
	[tilespmem:s10+$0x6C20] =	vst v34  }
0x662: {  	v25 =	vmul.f32 v35, v25;
	v49 =	vld [tilespmem:s10+$0x12C50];
	v37 =	vmul.f32 v36, v56;
	v40 =	vadd.f32 v50, v40;
	[tilespmem:s10+$0x7010] =	vst v43  }
0x663: {  	v41 =	vmul.f32 v35, v41;
	v58 =	vld [tilespmem:s10+$0x12470];
	v51 =	vmul.f32 v36, v51;
	v32 =	vadd.f32 v44, v32;
	[tilespmem:s10+$0x7000] =	vst v42  }
0x664: {  	v38 =	vmul.f32 v35, v38;
	v47 =	vld [tilespmem:s10+$0x13470];
	v48 =	vmul.f32 v36, v48;
	v25 =	vadd.f32 v37, v25;
	[tilespmem:s10+$0x6C60] =	vst v40  }
0x665: {  	v33 =	vmul.f32 v35, v33;
	v59 =	vld [tilespmem:s10+$0x12460];
	v45 =	vmul.f32 v36, v60;
	v41 =	vadd.f32 v51, v41;
	[tilespmem:s10+$0x6C00] =	vst v32  }
0x666: {  	v24 =	vmul.f32 v35, v24;
	v54 =	vld [tilespmem:s10+$0x12830];
	v34 =	vmul.f32 v36, v57;
	v38 =	vadd.f32 v48, v38;
	[tilespmem:s10+$0x6810] =	vst v25  }
0x667: {  	v39 =	vmul.f32 v35, v39;
	v61 =	vld [tilespmem:s10+$0x12440];
	v49 =	vmul.f32 v36, v49;
	v33 =	vadd.f32 v45, v33;
	[tilespmem:s10+$0x6C70] =	vst v41  }
0x668: {  	v31 =	vmul.f32 v35, v31;
	v52 =	vld [tilespmem:s10+$0x12850];
	v43 =	vmul.f32 v36, v62;
	v24 =	vadd.f32 v34, v24;
	[tilespmem:s10+$0x6C40] =	vst v38  }
0x669: {  	v30 =	vmul.f32 v35, v30;
	v53 =	vld [tilespmem:s10+$0x12840];
	v42 =	vmul.f32 v36, v63;
	v39 =	vadd.f32 v49, v39;
	[tilespmem:s10+$0x6C10] =	vst v33  }
0x66a: {  	v22 =	vmul.f32 v35, v22;
	v44 =	vld [tilespmem:s10+$0x13450];
	v32 =	vmul.f32 v36, v59;
	v31 =	vadd.f32 v43, v31;
	[tilespmem:s10+$0x6800] =	vst v24  }
0x66b: {  	v26 =	vmul.f32 v35, v26;
	v50 =	vld [tilespmem:s10+$0x7450];
	v30 =	vadd.f32 v42, v30;
	v38 =	vmul.f32 v36, v55;
	[tilespmem:s10+$0x6C50] =	vst v39  }
0x66c: {  	v23 =	vmul.f32 v35, v23;
	v60 =	vld [tilespmem:s10+$0x12450];
	v33 =	vmul.f32 v36, v58;
	v22 =	vadd.f32 v32, v22;
	[tilespmem:s10+$0x6870] =	vst v31  }
0x66d: {  	v29 =	vmul.f32 v35, v29;
	v62 =	vld [tilespmem:s10+$0x12430];
	v41 =	vmul.f32 v36, v52;
	[tilespmem:s10+$0x6860] =	vst v30;
	v26 =	vadd.f32 v38, v26  }
0x66e: {  	v28 =	vmul.f32 v35, v28;
	v63 =	vld [tilespmem:s10+$0x12420];
	v40 =	vmul.f32 v36, v53;
	v23 =	vadd.f32 v33, v23;
	[tilespmem:s10+$0x6460] =	vst v22  }
0x66f: {  	v6 =	vmul.f32 v35, v6;
	v45 =	vld [tilespmem:s10+$0x13460];
	v53 =	vmul.f32 v36, v19;
	v29 =	vadd.f32 v41, v29;
	[tilespmem:s10+$0x6820] =	vst v26  }
0x670: {  	v42 =	vld [tilespmem:s10+$0x12050];
	v58 =	vmul.f32 v35, v50;
	v59 =	vmul.f32 v36, v44;
	v28 =	vadd.f32 v40, v28;
	[tilespmem:s10+$0x6470] =	vst v23  }
0x671: {  	v27 =	vmul.f32 v35, v27;
	v43 =	vld [tilespmem:s10+$0x13440];
	v39 =	vmul.f32 v36, v54;
	v6 =	vadd.f32 v53, v6;
	[tilespmem:s10+$0x6850] =	vst v29  }
0x672: {  	v20 =	vmul.f32 v35, v20;
	v55 =	vld [tilespmem:s10+$0x6000];
	v31 =	vmul.f32 v36, v60;
	v7 =	vadd.f32 v59, v58;
	[tilespmem:s10+$0x6840] =	vst v28  }
0x673: {  	v18 =	vmul.f32 v35, v18;
	v52 =	vld [tilespmem:s10+$0x7460];
	v30 =	vmul.f32 v36, v61;
	v27 =	vadd.f32 v39, v27;
	[tilespmem:s10+$0x6030] =	vst v6  }
0x674: {  	v16 =	vmul.f32 v35, v16;
	v38 =	vld [tilespmem:s10+$0x12410];
	v20 =	vadd.f32 v31, v20;
	v29 =	vmul.f32 v36, v62;
	[tilespmem:s10+$0x7450] =	vst v7  }
0x675: {  	v14 =	vmul.f32 v35, v14;
	v49 =	vld [tilespmem:s10+$0x7440];
	v18 =	vadd.f32 v30, v18;
	v28 =	vmul.f32 v36, v63;
	[tilespmem:s10+$0x6830] =	vst v27  }
0x676: {  	v8 =	vmul.f32 v35, v8;
	v54 =	vld [tilespmem:s10+$0x7470];
	v51 =	vmul.f32 v36, v42;
	[tilespmem:s10+$0x6450] =	vst v20;
	v16 =	vadd.f32 v29, v16  }
0x677: {  	v40 =	vld [tilespmem:s10+$0x12070];
	v4 =	vmul.f32 v35, v55;
	v63 =	vmul.f32 v36, v10;
	[tilespmem:s10+$0x6440] =	vst v18;
	v14 =	vadd.f32 v28, v14  }
0x678: {  	v41 =	vld [tilespmem:s10+$0x12060];
	v61 =	vmul.f32 v36, v45;
	v60 =	vmul.f32 v35, v52;
	v8 =	vadd.f32 v51, v8;
	[tilespmem:s10+$0x6430] =	vst v16  }
0x679: {  	v13 =	vmul.f32 v35, v13;
	v39 =	vld [tilespmem:s10+$0x12400];
	v27 =	vmul.f32 v36, v38;
	v4 =	vadd.f32 v63, v4;
	[tilespmem:s10+$0x6420] =	vst v14  }
0x67a: {  	v56 =	vmul.f32 v35, v49;
	v57 =	vmul.f32 v36, v43;
	v6 =	vadd.f32 v61, v60;
	[tilespmem:s10+$0x6050] =	vst v8  }
0x67b: {  	v62 =	vmul.f32 v36, v47;
	v5 =	vmul.f32 v35, v54;
	v13 =	vadd.f32 v27, v13;
	[tilespmem:s10+$0x6000] =	vst v4  }
0x67c: {  	v11 =	vmul.f32 v35, v11;
	v48 =	vmul.f32 v36, v40;
	v8 =	vadd.f32 v57, v56;
	[tilespmem:s10+$0x7460] =	vst v6  }
0x67d: {  	v9 =	vmul.f32 v35, v9;
	v24 =	vmul.f32 v36, v41;
	v5 =	vadd.f32 v62, v5;
	[tilespmem:s10+$0x6410] =	vst v13  }
0x67e: {  	v12 =	vmul.f32 v35, v12;
	v46 =	vmul.f32 v36, v39;
	v11 =	vadd.f32 v48, v11;
	[tilespmem:s10+$0x7440] =	vst v8  }
0x67f: {  	v9 =	vadd.f32 v24, v9;
	[tilespmem:s10+$0x7470] =	vst v5  }
0x680: {  	s9 =	sadd.s32 $0x1, s9;
	v12 =	vadd.f32 v46, v12;
	[tilespmem:s10+$0x6070] =	vst v11  }
0x681: {  	p0 =	sne.s32 s9, s26;
	[tilespmem:s10+$0x6060] =	vst v9  }
.Ltmp4:
0x682: {  	[tilespmem:s10+$0x6400] =	vst v12;
	(pc) =	sbr.rel @p0 .LBB2_1-.Ltmp4, $4  }
0x683: {  	[hbm4b:s18+s1] =	stream.linear.scatter [tilespmem:s31], [sflag:$0x2], $0x6000, $0x38;
	[tilespmem:$0x18300] =	vst v63  }
0x684: {  	_ =	swait.ge [sflag:s29], $0x6000  }
0x685: {  	[sflag:s29] =	ssyncset.done $0x0  }
0x686: {  	[sflag:s29] =	ssyncadd.s32 $0xFFFFA000  }
0x687: {  	_ =	sfence.sel $0x180000  }
0x688: {  	[bflag:$0x0] =	sbarrier.arrive $0xFFFF  }
0x689: {  	_ =	strace $0x9000004A  }
0x68a: {  	s0 =	stileid.u32;
	[bflag:$0x2] =	sbarrier.arrive $0xFFFF  }
0x68b: {  	p0 =	sne.s32 s0, $0x0;
	s0 =	rddreg [dreg:$0x2]  }
0x68c: {  	s0 =	sadd.s32 @!p0 $0x100000, s0  }
0x68d: {  	[sflag:s0] =	ssyncadd.tile.s32 @!p0 $0x1;
	_ =	shalt  }
.Lfunc_end2:
_tile_overlayer_lowered:
.L_overlay_start_2:
0x68e: {  	(tag) =	ssettag $0x2  }
0x68f: {  	s0 =	rddreg [dreg:$0x0];
	s2 =	stileid.u32  }
0x690: {  	s1 =	rddreg [dreg:$0x1];
	p0 =	sne.s32 s2, $0x0  }
0x691: {  	s3 =	rddreg [dreg:$0x2];
	[bflag:$0x3] =	sbarrier.arrive $0xFFFF;
	s2 =	simm.s32 @!p0 $0x1C02  }
0x692: {  	[timem:s3], [sflag:s2] =	dma.local @!p0 [hbm:s0], s1  }
0x693: {  	s0 =	simm.s32 @!p0 $0x2  }
0x694: {  	_ =	swait.ge @!p0 [sflag:s0], s1  }
0x695: {  	s1 =	ssub.s32 @!p0 $0x0, s1;
	[sflag:s0] =	ssyncset.done @!p0 $0x0  }
0x696: {  	[sflag:s0] =	ssyncadd.s32 @!p0 s1  }
0x697: {  	[bflag:$0x3] =	sbarrier.arrive $0xFFFF  }
0x698: {  	_ =	shalt  }

</sc_bundles>
